<compile_context>
chip_gen: v7x
topology: tpu7x:2x2x1
jax: 0.10.2.dev20260603
libtpu: 0.0.44.dev20260713+nightly
codegen_flags: <defaults>
</compile_context>

<pallas_src>
import functools

import jax
import jax.numpy as jnp
from jax import lax
from jax.experimental import pallas as pl
from jax.experimental.pallas import tpu as pltpu
from jax.experimental.pallas import tpu_sc as plsc
import numpy as np

B = 64
V = 100000
INH_INC = 3000.0
INH_REST = 500.0
INH_TAU = 0.005
NOISE_REST = 1000.0
NOISE_TAU = 0.005
NOISE_SIGMA = 50.0
DT = 0.001
INH_DECAY = float(np.exp(-DT / INH_TAU))
NOISE_DECAY = float(np.exp(-DT / NOISE_TAU))
LOG_DT = float(np.log(DT))
INH1 = INH_REST * (1.0 - INH_DECAY)

BLKV = 2048
NBLK = (V + BLKV - 1) // BLKV
LANES = 128
CPB = BLKV // LANES
NCHUNK = (V + LANES - 1) // LANES
SCANW = 1024
BIG = 2**30

ZBLKS = NBLK - 1
NSLABS = 8 * ZBLKS
NWORK = 32
SPW = NSLABS // NWORK
TAILW = 1792
TAIL0 = ZBLKS * BLKV


def _prefix_sum_lanes(c, width):
    k = 1
    rows = c.shape[0]
    while k < width:
        shifted = jnp.concatenate(
            [jnp.zeros((rows, k), dtype=c.dtype), c[:, :-k]], axis=1)
        c = c + shifted
        k *= 2
    return c


def _make_sc_fill():
    mesh = plsc.VectorSubcoreMesh(core_axis_name="c", subcore_axis_name="s")

    @functools.partial(
        pl.kernel, mesh=mesh,
        out_type=jax.ShapeDtypeStruct((B, V), jnp.float32),
        scratch_types=[pltpu.VMEM((8, BLKV), jnp.float32),
                       pltpu.SemaphoreType.DMA],
    )
    def fill(out_hbm, zslab, sem):
        cid = lax.axis_index("c")
        sid = lax.axis_index("s")
        wid = sid * 2 + cid
        def zbody(i, carry):
            for r in range(8):
                zslab[r, pl.ds(i * 16, 16)] = jnp.zeros((16,), jnp.float32)
            return carry

        lax.fori_loop(0, BLKV // 16, zbody, 0)
        copies = []
        for i in range(SPW):
            sidx = wid * SPW + i
            g = sidx // ZBLKS
            cb = sidx % ZBLKS
            cp = pltpu.make_async_copy(
                zslab,
                out_hbm.at[pl.ds(g * 8, 8), pl.ds(cb * BLKV, BLKV)], sem)
            cp.start()
            copies.append(cp)
        for cp in copies:
            cp.wait()

    return fill


_sc_fill = _make_sc_fill()


def _k1_sums(x_ref, rnd_ref, of_ref, oi_ref, s1_ref, s2c_ref):
    j = pl.program_id(0)
    x = x_ref[...]
    col = j * BLKV + lax.broadcasted_iota(jnp.int32, (B, BLKV), 1)
    valid = col < V
    e = jnp.where(valid, jnp.exp(x * (1.0 / 50.0)), 0.0)
    e2 = e * e
    e4 = e2 * e2
    e8 = e4 * e4
    e16 = e8 * e8
    e32 = e16 * e16
    e50 = e32 * e16 * e2
    s1 = jnp.sum(jnp.where(valid, e50, 0.0), axis=1, keepdims=True)
    lane128 = lax.broadcasted_iota(jnp.int32, (B, LANES), 1)
    lanec = lax.broadcasted_iota(jnp.int32, (B, SCANW), 1)

    @pl.when(j == 0)
    def _():
        s1_ref[...] = jnp.zeros_like(s1_ref)
        s2c_ref[...] = jnp.zeros_like(s2c_ref)

    s1_ref[...] += jnp.where(lane128 == 0, s1, 0.0)
    acc = s2c_ref[...]
    for ci in range(CPB):
        part = jnp.sum(e[:, ci * LANES:(ci + 1) * LANES],
                       axis=1, keepdims=True)
        acc = acc + jnp.where(lanec == j * CPB + ci, part, 0.0)
    s2c_ref[...] = acc

    @pl.when(j == NBLK - 1)
    def _():
        total1 = jnp.sum(s1_ref[...], axis=1, keepdims=True)
        lse = jnp.log(total1)
        u = rnd_ref[:, 0:1]
        rand_val = rnd_ref[:, 1:2]
        n1 = rnd_ref[:, 2:3]
        n4 = rnd_ref[:, 3:4]
        noise1 = NOISE_REST + NOISE_SIGMA * n1
        log_total_rate = lse + noise1 - INH1
        spike = (jnp.log(rand_val) < log_total_rate + LOG_DT).astype(jnp.float32)
        t = u * jnp.exp(lse * (1.0 / 50.0))
        cs = _prefix_sum_lanes(s2c_ref[...], SCANW)
        cand = jnp.where(cs >= t, lanec, BIG)
        ckidx = jnp.min(cand, axis=1, keepdims=True)
        crossed = (ckidx < BIG).astype(jnp.float32)
        cumbefore = jnp.max(jnp.where(lanec < ckidx, cs, 0.0),
                            axis=1, keepdims=True)
        trem = t - cumbefore
        ck = jnp.where(ckidx < BIG, ckidx, 0)
        inh2 = INH_REST + (INH1 - INH_REST) * INH_DECAY + spike * INH_INC
        noise2 = (NOISE_REST + (noise1 - NOISE_REST) * NOISE_DECAY
                  + NOISE_SIGMA * n4)
        of_ref[...] = jnp.where(lane128 == 0, trem,
                      jnp.where(lane128 == 1, spike,
                      jnp.where(lane128 == 2, inh2,
                      jnp.where(lane128 == 3, noise2,
                      jnp.where(lane128 == 4, crossed,
                                ck.astype(jnp.float32))))))
        oi_ref[...] = jnp.where(lane128 == 0, ck, 0)


def _k2_pick(ck_sref, f_ref, x_ref, z_ref, out_ref, buf_ref, tail_ref,
             sem, wsem):
    copies = []
    for b in range(B):
        start = ck_sref[b] * LANES
        cp = pltpu.make_async_copy(
            x_ref.at[pl.ds((b // 8) * 8, 8), pl.ds(start, LANES)],
            buf_ref.at[b], sem)
        cp.start()
        copies.append(cp)
    for cp in copies:
        cp.wait()

    slabrow = lax.broadcasted_iota(jnp.int32, (B, 8, 1), 0)
    plane = lax.broadcasted_iota(jnp.int32, (B, 8, 1), 1)
    sel = (slabrow % 8) == plane
    x = jnp.sum(jnp.where(sel, buf_ref[...], 0.0), axis=1)

    trem = f_ref[:, 0:1]
    spike = f_ref[:, 1:2]
    crossed = f_ref[:, 4:5]
    ckv = f_ref[:, 5:6].astype(jnp.int32)
    lane = lax.broadcasted_iota(jnp.int32, (B, LANES), 1)
    startv = ckv * LANES
    colv = startv + lane
    e = jnp.where(colv < V, jnp.exp(x * (1.0 / 50.0)), 0.0)
    c = _prefix_sum_lanes(e, LANES)
    cand = jnp.where(c >= trem, lane, BIG)
    idx = jnp.min(cand, axis=1, keepdims=True)
    idx = jnp.minimum(idx, LANES - 1)
    loc = jnp.where(crossed > 0.5, startv + idx, 0)
    loc = jnp.minimum(loc, V - 1)

    row64 = lax.broadcasted_iota(jnp.int32, (B, B), 0)
    col64 = lax.broadcasted_iota(jnp.int32, (B, B), 1)
    q = ((row64 // 8) == (col64 // 8)).astype(jnp.float32)
    row8 = lax.broadcasted_iota(jnp.int32, (B, 8), 0)
    col8 = lax.broadcasted_iota(jnp.int32, (B, 8), 1)
    m2 = ((row8 % 8) == col8).astype(jnp.float32)
    locmat = loc.astype(jnp.float32) * m2
    spkmat = spike * m2
    vall = jax.lax.dot_general(q, locmat, (((1,), (0,)), ((), ())),
                               precision=jax.lax.Precision.HIGHEST)
    sall = jax.lax.dot_general(q, spkmat, (((1,), (0,)), ((), ())),
                               precision=jax.lax.Precision.HIGHEST)
    vall = vall.astype(jnp.int32)

    colw = startv + lane
    for r in range(8):
        buf_ref[:, r, :] = jnp.where(colw == vall[:, r:r + 1],
                                     sall[:, r:r + 1], 0.0)

    lanet = lax.broadcasted_iota(jnp.int32, (B, TAILW), 1)
    tcol = TAIL0 + lanet
    tail_ref[...] = jnp.where(tcol == loc, spike, 0.0)
    t0 = jnp.minimum(ck_sref[0] * 0 + TAIL0, TAIL0)

    copies = []
    for b in range(B):
        start = ck_sref[b] * LANES
        cp = pltpu.make_async_copy(
            buf_ref.at[b],
            out_ref.at[pl.ds((b // 8) * 8, 8), pl.ds(start, LANES)], wsem)
        cp.start()
        copies.append(cp)
    for g in range(8):
        cp = pltpu.make_async_copy(
            tail_ref.at[pl.ds(g * 8, 8)],
            out_ref.at[pl.ds(g * 8, 8), pl.ds(t0, TAILW)], wsem)
        cp.start()
        copies.append(cp)
    for cp in copies:
        cp.wait()


@jax.jit
def kernel(inputs):
    f32 = jnp.float32
    k = jax.random.key(42)
    k1, k2, k3, k4 = jax.random.split(k, 4)
    n1 = jax.random.normal(k1, (B, 1), dtype=f32)
    rand_val = jax.random.uniform(k2, (B, 1), dtype=f32)
    u = jax.random.uniform(k3, (B,), dtype=f32)
    n4 = jax.random.normal(k4, (B, 1), dtype=f32)
    rnd = jnp.concatenate([u[:, None], rand_val, n1, n4], axis=1)
    rnd = jnp.pad(rnd, ((0, 0), (0, LANES - 4)))

    zeros = _sc_fill()

    of, oi = pl.pallas_call(
        _k1_sums,
        grid=(NBLK,),
        in_specs=[pl.BlockSpec((B, BLKV), lambda j: (0, j)),
                  pl.BlockSpec((B, LANES), lambda j: (0, 0))],
        out_specs=[pl.BlockSpec((B, LANES), lambda j: (0, 0)),
                   pl.BlockSpec((B, LANES), lambda j: (0, 0))],
        out_shape=[jax.ShapeDtypeStruct((B, LANES), f32),
                   jax.ShapeDtypeStruct((B, LANES), jnp.int32)],
        scratch_shapes=[pltpu.VMEM((B, LANES), f32),
                        pltpu.VMEM((B, SCANW), f32)],
    )(inputs, rnd)

    ck = oi[:, 0]

    out = pl.pallas_call(
        _k2_pick,
        in_specs=[pl.BlockSpec(memory_space=pltpu.SMEM),
                  pl.BlockSpec((B, LANES), lambda: (0, 0)),
                  pl.BlockSpec(memory_space=pltpu.HBM),
                  pl.BlockSpec(memory_space=pltpu.HBM)],
        out_specs=pl.BlockSpec(memory_space=pltpu.HBM),
        out_shape=jax.ShapeDtypeStruct((B, V), f32),
        scratch_shapes=[pltpu.VMEM((B, 8, LANES), f32),
                        pltpu.VMEM((B, TAILW), f32),
                        pltpu.SemaphoreType.DMA,
                        pltpu.SemaphoreType.DMA],
        input_output_aliases={3: 0},
    )(ck, of, inputs, zeros)

    inhibition2 = of[:, 2:3]
    noise2 = of[:, 3:4]
    return (out, inhibition2, noise2)

# --- scband reference (transcript-rebuilt; emitter-appended) ---
"""Pipeline reference for scband-stochastic-output-neuron-cell-60206851555332 (READ-ONLY COPY).

The authoritative reference and input builder live on the scoring server;
editing this copy changes nothing except your own understanding.
"""

import jax, jax.numpy as jnp
import numpy as np

B = 64
V = 100000
INH_INC = 3000.0
INH_REST = 500.0
INH_TAU = 0.005
NOISE_REST = 1000.0
NOISE_TAU = 0.005
NOISE_SIGMA = 50.0
DT = 0.001
INH_DECAY = float(np.exp(-DT / INH_TAU))
NOISE_DECAY = float(np.exp(-DT / NOISE_TAU))
LOG_DT = float(np.log(DT))


def setup_inputs(seed: int = 0) -> dict:
    key = jax.random.key(seed)
    inputs = jax.random.normal(key, (B, V), dtype=jnp.float32)
    return {"inputs": inputs}


def efficient_multinomial(r, u):
    # (r.cumsum(-1) >= rand[..., None]).byte().argmax(-1)
    return jnp.argmax((jnp.cumsum(r, axis=-1) >= u[..., None]).astype(jnp.uint8), axis=-1)


def reference(inputs):
    k = jax.random.key(42)
    k1, k2, k3, k4 = jax.random.split(k, 4)
    # inhibition_state is None -> initial OU step with zero spike occurrences
    no_spike = jnp.zeros(inputs.shape[:-1] + (1,), dtype=inputs.dtype)
    inhibition = jnp.zeros_like(no_spike)  # zeros_like(spike) * inhibition_rest
    noise = jnp.ones_like(no_spike) * NOISE_REST
    inhibition = INH_REST + (inhibition - INH_REST) * INH_DECAY + no_spike * INH_INC
    noise = NOISE_REST + (noise - NOISE_REST) * NOISE_DECAY + NOISE_SIGMA * jax.random.normal(k1, noise.shape, dtype=inputs.dtype)
    # rate calc
    log_rates = inputs - inhibition + noise
    relative_input_rates = jnp.exp((inputs - jax.nn.logsumexp(inputs, axis=-1, keepdims=True)) / 50.0)
    log_total_rate = jax.nn.logsumexp(log_rates, axis=-1, keepdims=True)
    # spike generation
    rand_val = jax.random.uniform(k2, log_total_rate.shape, dtype=inputs.dtype)
    spike_occurred = jnp.log(rand_val) < (log_total_rate + LOG_DT)
    u = jax.random.uniform(k3, relative_input_rates.shape[:-1], dtype=inputs.dtype)
    spike_location = efficient_multinomial(relative_input_rates, u)
    out_spike_locations = jax.nn.one_hot(spike_location, relative_input_rates.shape[-1], dtype=inputs.dtype)
    out_spikes = (out_spike_locations * spike_occurred.astype(inputs.dtype)).astype(inputs.dtype)
    # second OU step with actual spike occurrences
    spike_f = spike_occurred.astype(inputs.dtype)
    inhibition2 = INH_REST + (inhibition - INH_REST) * INH_DECAY + spike_f * INH_INC
    noise2 = NOISE_REST + (noise - NOISE_REST) * NOISE_DECAY + NOISE_SIGMA * jax.random.normal(k4, noise.shape, dtype=inputs.dtype)
    return (out_spikes, inhibition2, noise2)

if __name__ == "__main__":
    import jax
    _d = setup_inputs()
    print(jax.jit(kernel)(*tuple(_d.values())))

</pallas_src>

<mosaic_0001>
#map = affine_map<(d0, d1) -> (0, 0)>
module attributes {stable_mosaic.version = 14 : i64} {
  func.func @fill(%arg0: i32, %arg1: i32, %arg2: memref<64x100000xf32, #tpu.memory_space<hbm>>, %arg3: memref<8x2048xf32, #tpu.memory_space<vmem>>, %arg4: memref<!tpu.dma_semaphore, #tpu.memory_space<semaphore_mem>>) attributes {dimension_semantics = [#tpu.dimension_semantics<core_parallel>, #tpu.dimension_semantics<subcore_parallel>], iteration_bounds = array<i64: 2, 16>, scalar_prefetch = 0 : i64, scratch_operands = 2 : i64, tpu.core_type = #tpu.core_type<sc_vector_subcore>, window_params = [{transform_indices = #map}]} {
    %mul3A = arith.constant 2 : i32
    %mul3A_0 = arith.muli %arg1, %mul3A : i32
    %add3A = arith.addi %mul3A_0, %arg0 : i32
    %scan3A = arith.constant 0 : i32
    %scan3A_1 = arith.constant 0 : i32
    %scan3A_2 = arith.constant 128 : i32
    %scan3A_3 = arith.addi %scan3A_1, %scan3A_2 : i32
    %scan3A_4 = arith.constant 1 : i32
    scf.for %scan3A_618 = %scan3A_1 to %scan3A_3 step %scan3A_4  : i32 {
      %broadcast_in_dim3A = arith.constant 0.000000e+00 : f32
      %broadcast_in_dim3A_619 = vector.broadcast %broadcast_in_dim3A : f32 to vector<16xf32>
      %mul3A_620 = arith.constant 16 : i32
      %mul3A_621 = arith.muli %scan3A_618, %mul3A_620 : i32
      %swap3A = arith.constant 0 : i32
      %swap3A_622 = arith.index_cast %swap3A : i32 to index
      %swap3A_623 = arith.index_cast %mul3A_621 : i32 to index
      %swap3A_624 = tpu.vector_load %arg3[%swap3A_622, %swap3A_623] {strides = array<i32>} : memref<8x2048xf32, #tpu.memory_space<vmem>>, vector<1x16xf32>,
      %swap3A_625 = vector.shape_cast %swap3A_624 : vector<1x16xf32> to vector<16xf32>
      %swap3A_626 = vector.shape_cast %broadcast_in_dim3A_619 : vector<16xf32> to vector<1x16xf32>
      tpu.vector_store %arg3[%swap3A_622, %swap3A_623], %swap3A_626 {strides = array<i32>} : memref<8x2048xf32, #tpu.memory_space<vmem>>, vector<1x16xf32>,
      %broadcast_in_dim3A_627 = arith.constant 0.000000e+00 : f32
      %broadcast_in_dim3A_628 = vector.broadcast %broadcast_in_dim3A_627 : f32 to vector<16xf32>
      %mul3A_629 = arith.constant 16 : i32
      %mul3A_630 = arith.muli %scan3A_618, %mul3A_629 : i32
      %swap3A_631 = arith.constant 1 : i32
      %swap3A_632 = arith.index_cast %swap3A_631 : i32 to index
      %swap3A_633 = arith.index_cast %mul3A_630 : i32 to index
      %swap3A_634 = tpu.vector_load %arg3[%swap3A_632, %swap3A_633] {strides = array<i32>} : memref<8x2048xf32, #tpu.memory_space<vmem>>, vector<1x16xf32>,
      %swap3A_635 = vector.shape_cast %swap3A_634 : vector<1x16xf32> to vector<16xf32>
      %swap3A_636 = vector.shape_cast %broadcast_in_dim3A_628 : vector<16xf32> to vector<1x16xf32>
      tpu.vector_store %arg3[%swap3A_632, %swap3A_633], %swap3A_636 {strides = array<i32>} : memref<8x2048xf32, #tpu.memory_space<vmem>>, vector<1x16xf32>,
      %broadcast_in_dim3A_637 = arith.constant 0.000000e+00 : f32
      %broadcast_in_dim3A_638 = vector.broadcast %broadcast_in_dim3A_637 : f32 to vector<16xf32>
      %mul3A_639 = arith.constant 16 : i32
      %mul3A_640 = arith.muli %scan3A_618, %mul3A_639 : i32
      %swap3A_641 = arith.constant 2 : i32
      %swap3A_642 = arith.index_cast %swap3A_641 : i32 to index
      %swap3A_643 = arith.index_cast %mul3A_640 : i32 to index
      %swap3A_644 = tpu.vector_load %arg3[%swap3A_642, %swap3A_643] {strides = array<i32>} : memref<8x2048xf32, #tpu.memory_space<vmem>>, vector<1x16xf32>,
      %swap3A_645 = vector.shape_cast %swap3A_644 : vector<1x16xf32> to vector<16xf32>
      %swap3A_646 = vector.shape_cast %broadcast_in_dim3A_638 : vector<16xf32> to vector<1x16xf32>
      tpu.vector_store %arg3[%swap3A_642, %swap3A_643], %swap3A_646 {strides = array<i32>} : memref<8x2048xf32, #tpu.memory_space<vmem>>, vector<1x16xf32>,
      %broadcast_in_dim3A_647 = arith.constant 0.000000e+00 : f32
      %broadcast_in_dim3A_648 = vector.broadcast %broadcast_in_dim3A_647 : f32 to vector<16xf32>
      %mul3A_649 = arith.constant 16 : i32
      %mul3A_650 = arith.muli %scan3A_618, %mul3A_649 : i32
      %swap3A_651 = arith.constant 3 : i32
      %swap3A_652 = arith.index_cast %swap3A_651 : i32 to index
      %swap3A_653 = arith.index_cast %mul3A_650 : i32 to index
      %swap3A_654 = tpu.vector_load %arg3[%swap3A_652, %swap3A_653] {strides = array<i32>} : memref<8x2048xf32, #tpu.memory_space<vmem>>, vector<1x16xf32>,
      %swap3A_655 = vector.shape_cast %swap3A_654 : vector<1x16xf32> to vector<16xf32>
      %swap3A_656 = vector.shape_cast %broadcast_in_dim3A_648 : vector<16xf32> to vector<1x16xf32>
      tpu.vector_store %arg3[%swap3A_652, %swap3A_653], %swap3A_656 {strides = array<i32>} : memref<8x2048xf32, #tpu.memory_space<vmem>>, vector<1x16xf32>,
      %broadcast_in_dim3A_657 = arith.constant 0.000000e+00 : f32
      %broadcast_in_dim3A_658 = vector.broadcast %broadcast_in_dim3A_657 : f32 to vector<16xf32>
      %mul3A_659 = arith.constant 16 : i32
      %mul3A_660 = arith.muli %scan3A_618, %mul3A_659 : i32
      %swap3A_661 = arith.constant 4 : i32
      %swap3A_662 = arith.index_cast %swap3A_661 : i32 to index
      %swap3A_663 = arith.index_cast %mul3A_660 : i32 to index
      %swap3A_664 = tpu.vector_load %arg3[%swap3A_662, %swap3A_663] {strides = array<i32>} : memref<8x2048xf32, #tpu.memory_space<vmem>>, vector<1x16xf32>,
      %swap3A_665 = vector.shape_cast %swap3A_664 : vector<1x16xf32> to vector<16xf32>
      %swap3A_666 = vector.shape_cast %broadcast_in_dim3A_658 : vector<16xf32> to vector<1x16xf32>
      tpu.vector_store %arg3[%swap3A_662, %swap3A_663], %swap3A_666 {strides = array<i32>} : memref<8x2048xf32, #tpu.memory_space<vmem>>, vector<1x16xf32>,
      %broadcast_in_dim3A_667 = arith.constant 0.000000e+00 : f32
      %broadcast_in_dim3A_668 = vector.broadcast %broadcast_in_dim3A_667 : f32 to vector<16xf32>
      %mul3A_669 = arith.constant 16 : i32
      %mul3A_670 = arith.muli %scan3A_618, %mul3A_669 : i32
      %swap3A_671 = arith.constant 5 : i32
      %swap3A_672 = arith.index_cast %swap3A_671 : i32 to index
      %swap3A_673 = arith.index_cast %mul3A_670 : i32 to index
      %swap3A_674 = tpu.vector_load %arg3[%swap3A_672, %swap3A_673] {strides = array<i32>} : memref<8x2048xf32, #tpu.memory_space<vmem>>, vector<1x16xf32>,
      %swap3A_675 = vector.shape_cast %swap3A_674 : vector<1x16xf32> to vector<16xf32>
      %swap3A_676 = vector.shape_cast %broadcast_in_dim3A_668 : vector<16xf32> to vector<1x16xf32>
      tpu.vector_store %arg3[%swap3A_672, %swap3A_673], %swap3A_676 {strides = array<i32>} : memref<8x2048xf32, #tpu.memory_space<vmem>>, vector<1x16xf32>,
      %broadcast_in_dim3A_677 = arith.constant 0.000000e+00 : f32
      %broadcast_in_dim3A_678 = vector.broadcast %broadcast_in_dim3A_677 : f32 to vector<16xf32>
      %mul3A_679 = arith.constant 16 : i32
      %mul3A_680 = arith.muli %scan3A_618, %mul3A_679 : i32
      %swap3A_681 = arith.constant 6 : i32
      %swap3A_682 = arith.index_cast %swap3A_681 : i32 to index
      %swap3A_683 = arith.index_cast %mul3A_680 : i32 to index
      %swap3A_684 = tpu.vector_load %arg3[%swap3A_682, %swap3A_683] {strides = array<i32>} : memref<8x2048xf32, #tpu.memory_space<vmem>>, vector<1x16xf32>,
      %swap3A_685 = vector.shape_cast %swap3A_684 : vector<1x16xf32> to vector<16xf32>
      %swap3A_686 = vector.shape_cast %broadcast_in_dim3A_678 : vector<16xf32> to vector<1x16xf32>
      tpu.vector_store %arg3[%swap3A_682, %swap3A_683], %swap3A_686 {strides = array<i32>} : memref<8x2048xf32, #tpu.memory_space<vmem>>, vector<1x16xf32>,
      %broadcast_in_dim3A_687 = arith.constant 0.000000e+00 : f32
      %broadcast_in_dim3A_688 = vector.broadcast %broadcast_in_dim3A_687 : f32 to vector<16xf32>
      %mul3A_689 = arith.constant 16 : i32
      %mul3A_690 = arith.muli %scan3A_618, %mul3A_689 : i32
      %swap3A_691 = arith.constant 7 : i32
      %swap3A_692 = arith.index_cast %swap3A_691 : i32 to index
      %swap3A_693 = arith.index_cast %mul3A_690 : i32 to index
      %swap3A_694 = tpu.vector_load %arg3[%swap3A_692, %swap3A_693] {strides = array<i32>} : memref<8x2048xf32, #tpu.memory_space<vmem>>, vector<1x16xf32>,
      %swap3A_695 = vector.shape_cast %swap3A_694 : vector<1x16xf32> to vector<16xf32>
      %swap3A_696 = vector.shape_cast %broadcast_in_dim3A_688 : vector<16xf32> to vector<1x16xf32>
      tpu.vector_store %arg3[%swap3A_692, %swap3A_693], %swap3A_696 {strides = array<i32>} : memref<8x2048xf32, #tpu.memory_space<vmem>>, vector<1x16xf32>,
    }
    %scan3A_5 = arith.constant 128 : i32
    %mul3A_6 = arith.constant 12 : i32
    %mul3A_7 = arith.muli %add3A, %mul3A_6 : i32
    %add3A_8 = arith.constant 0 : i32
    %add3A_9 = arith.addi %mul3A_7, %add3A_8 : i32
    %jit3A = arith.constant 48 : i32
    %div3A = arith.divsi %add3A_9, %jit3A : i32
    %sign3A = arith.constant 0 : i32
    %sign3A_10 = arith.cmpi sgt, %add3A_9, %sign3A : i32
    %sign3A_11 = arith.extui %sign3A_10 : i1 to i32
    %sign3A_12 = arith.constant 0 : i32
    %sign3A_13 = arith.cmpi slt, %add3A_9, %sign3A_12 : i32
    %sign3A_14 = arith.extui %sign3A_13 : i1 to i32
    %sign3A_15 = arith.subi %sign3A_11, %sign3A_14 : i32
    %sign3A_16 = arith.constant 0 : i32
    %sign3A_17 = arith.cmpi sgt, %jit3A, %sign3A_16 : i32
    %sign3A_18 = arith.extui %sign3A_17 : i1 to i32
    %sign3A_19 = arith.constant 0 : i32
    %sign3A_20 = arith.cmpi slt, %jit3A, %sign3A_19 : i32
    %sign3A_21 = arith.extui %sign3A_20 : i1 to i32
    %sign3A_22 = arith.subi %sign3A_18, %sign3A_21 : i32
    %ne3A = arith.cmpi ne, %sign3A_15, %sign3A_22 : i32
    %rem3A = arith.remsi %add3A_9, %jit3A : i32
    %ne3A_23 = arith.constant 0 : i32
    %ne3A_24 = arith.cmpi ne, %rem3A, %ne3A_23 : i32
    %and3A = arith.andi %ne3A, %ne3A_24 : i1
    %sub3A = arith.constant 1 : i32
    %sub3A_25 = arith.subi %div3A, %sub3A : i32
    %select_n3A = arith.select %and3A, %sub3A_25, %div3A : i32
    %jit3A_26 = arith.constant 48 : i32
    %eq3A = arith.constant 0 : i32
    %eq3A_27 = arith.cmpi eq, %jit3A_26, %eq3A : i32
    %jit3A_28 = arith.constant 1 : i32
    %select_n3A_29 = arith.select %eq3A_27, %jit3A_28, %jit3A_26 : i32
    %rem3A_30 = arith.remsi %add3A_9, %select_n3A_29 : i32
    %ne3A_31 = arith.constant 0 : i32
    %ne3A_32 = arith.cmpi ne, %rem3A_30, %ne3A_31 : i32
    %lt3A = arith.constant 0 : i32
    %lt3A_33 = arith.cmpi slt, %rem3A_30, %lt3A : i32
    %lt3A_34 = arith.constant 0 : i32
    %lt3A_35 = arith.cmpi slt, %select_n3A_29, %lt3A_34 : i32
    %ne3A_36 = arith.xori %lt3A_33, %lt3A_35 : i1
    %and3A_37 = arith.andi %ne3A_36, %ne3A_32 : i1
    %add3A_38 = arith.addi %rem3A_30, %select_n3A_29 : i32
    %select_n3A_39 = arith.select %and3A_37, %add3A_38, %rem3A_30 : i32
    %mul3A_40 = arith.constant 8 : i32
    %mul3A_41 = arith.muli %select_n3A, %mul3A_40 : i32
    %mul3A_42 = arith.constant 2048 : i32
    %mul3A_43 = arith.muli %select_n3A_39, %mul3A_42 : i32
    %dma_start3A = tpu.memref_slice %arg2[%mul3A_41, %mul3A_43] : memref<64x100000xf32, #tpu.memory_space<hbm>> -> memref<8x2048xf32, #tpu.memory_space<hbm>>
    %dma_start3A_44 = tpu.memref_slice %arg2[%mul3A_41, %mul3A_43] : memref<64x100000xf32, #tpu.memory_space<hbm>> -> memref<8x2048xf32, #tpu.memory_space<hbm>>
    tpu.enqueue_dma source(%arg3 : memref<8x2048xf32, #tpu.memory_space<vmem>>) target(%dma_start3A_44 : memref<8x2048xf32, #tpu.memory_space<hbm>>) target_semaphore(%arg4 : memref<!tpu.dma_semaphore, #tpu.memory_space<semaphore_mem>>)
    %mul3A_45 = arith.constant 12 : i32
    %mul3A_46 = arith.muli %add3A, %mul3A_45 : i32
    %add3A_47 = arith.constant 1 : i32
    %add3A_48 = arith.addi %mul3A_46, %add3A_47 : i32
    %jit3A_49 = arith.constant 48 : i32
    %div3A_50 = arith.divsi %add3A_48, %jit3A_49 : i32
    %sign3A_51 = arith.constant 0 : i32
    %sign3A_52 = arith.cmpi sgt, %add3A_48, %sign3A_51 : i32
    %sign3A_53 = arith.extui %sign3A_52 : i1 to i32
    %sign3A_54 = arith.constant 0 : i32
    %sign3A_55 = arith.cmpi slt, %add3A_48, %sign3A_54 : i32
    %sign3A_56 = arith.extui %sign3A_55 : i1 to i32
    %sign3A_57 = arith.subi %sign3A_53, %sign3A_56 : i32
    %sign3A_58 = arith.constant 0 : i32
    %sign3A_59 = arith.cmpi sgt, %jit3A_49, %sign3A_58 : i32
    %sign3A_60 = arith.extui %sign3A_59 : i1 to i32
    %sign3A_61 = arith.constant 0 : i32
    %sign3A_62 = arith.cmpi slt, %jit3A_49, %sign3A_61 : i32
    %sign3A_63 = arith.extui %sign3A_62 : i1 to i32
    %sign3A_64 = arith.subi %sign3A_60, %sign3A_63 : i32
    %ne3A_65 = arith.cmpi ne, %sign3A_57, %sign3A_64 : i32
    %rem3A_66 = arith.remsi %add3A_48, %jit3A_49 : i32
    %ne3A_67 = arith.constant 0 : i32
    %ne3A_68 = arith.cmpi ne, %rem3A_66, %ne3A_67 : i32
    %and3A_69 = arith.andi %ne3A_65, %ne3A_68 : i1
    %sub3A_70 = arith.constant 1 : i32
    %sub3A_71 = arith.subi %div3A_50, %sub3A_70 : i32
    %select_n3A_72 = arith.select %and3A_69, %sub3A_71, %div3A_50 : i32
    %jit3A_73 = arith.constant 48 : i32
    %eq3A_74 = arith.constant 0 : i32
    %eq3A_75 = arith.cmpi eq, %jit3A_73, %eq3A_74 : i32
    %jit3A_76 = arith.constant 1 : i32
    %select_n3A_77 = arith.select %eq3A_75, %jit3A_76, %jit3A_73 : i32
    %rem3A_78 = arith.remsi %add3A_48, %select_n3A_77 : i32
    %ne3A_79 = arith.constant 0 : i32
    %ne3A_80 = arith.cmpi ne, %rem3A_78, %ne3A_79 : i32
    %lt3A_81 = arith.constant 0 : i32
    %lt3A_82 = arith.cmpi slt, %rem3A_78, %lt3A_81 : i32
    %lt3A_83 = arith.constant 0 : i32
    %lt3A_84 = arith.cmpi slt, %select_n3A_77, %lt3A_83 : i32
    %ne3A_85 = arith.xori %lt3A_82, %lt3A_84 : i1
    %and3A_86 = arith.andi %ne3A_85, %ne3A_80 : i1
    %add3A_87 = arith.addi %rem3A_78, %select_n3A_77 : i32
    %select_n3A_88 = arith.select %and3A_86, %add3A_87, %rem3A_78 : i32
    %mul3A_89 = arith.constant 8 : i32
    %mul3A_90 = arith.muli %select_n3A_72, %mul3A_89 : i32
    %mul3A_91 = arith.constant 2048 : i32
    %mul3A_92 = arith.muli %select_n3A_88, %mul3A_91 : i32
    %dma_start3A_93 = tpu.memref_slice %arg2[%mul3A_90, %mul3A_92] : memref<64x100000xf32, #tpu.memory_space<hbm>> -> memref<8x2048xf32, #tpu.memory_space<hbm>>
    %dma_start3A_94 = tpu.memref_slice %arg2[%mul3A_90, %mul3A_92] : memref<64x100000xf32, #tpu.memory_space<hbm>> -> memref<8x2048xf32, #tpu.memory_space<hbm>>
    tpu.enqueue_dma source(%arg3 : memref<8x2048xf32, #tpu.memory_space<vmem>>) target(%dma_start3A_94 : memref<8x2048xf32, #tpu.memory_space<hbm>>) target_semaphore(%arg4 : memref<!tpu.dma_semaphore, #tpu.memory_space<semaphore_mem>>)
    %mul3A_95 = arith.constant 12 : i32
    %mul3A_96 = arith.muli %add3A, %mul3A_95 : i32
    %add3A_97 = arith.constant 2 : i32
    %add3A_98 = arith.addi %mul3A_96, %add3A_97 : i32
    %jit3A_99 = arith.constant 48 : i32
    %div3A_100 = arith.divsi %add3A_98, %jit3A_99 : i32
    %sign3A_101 = arith.constant 0 : i32
    %sign3A_102 = arith.cmpi sgt, %add3A_98, %sign3A_101 : i32
    %sign3A_103 = arith.extui %sign3A_102 : i1 to i32
    %sign3A_104 = arith.constant 0 : i32
    %sign3A_105 = arith.cmpi slt, %add3A_98, %sign3A_104 : i32
    %sign3A_106 = arith.extui %sign3A_105 : i1 to i32
    %sign3A_107 = arith.subi %sign3A_103, %sign3A_106 : i32
    %sign3A_108 = arith.constant 0 : i32
    %sign3A_109 = arith.cmpi sgt, %jit3A_99, %sign3A_108 : i32
    %sign3A_110 = arith.extui %sign3A_109 : i1 to i32
    %sign3A_111 = arith.constant 0 : i32
    %sign3A_112 = arith.cmpi slt, %jit3A_99, %sign3A_111 : i32
    %sign3A_113 = arith.extui %sign3A_112 : i1 to i32
    %sign3A_114 = arith.subi %sign3A_110, %sign3A_113 : i32
    %ne3A_115 = arith.cmpi ne, %sign3A_107, %sign3A_114 : i32
    %rem3A_116 = arith.remsi %add3A_98, %jit3A_99 : i32
    %ne3A_117 = arith.constant 0 : i32
    %ne3A_118 = arith.cmpi ne, %rem3A_116, %ne3A_117 : i32
    %and3A_119 = arith.andi %ne3A_115, %ne3A_118 : i1
    %sub3A_120 = arith.constant 1 : i32
    %sub3A_121 = arith.subi %div3A_100, %sub3A_120 : i32
    %select_n3A_122 = arith.select %and3A_119, %sub3A_121, %div3A_100 : i32
    %jit3A_123 = arith.constant 48 : i32
    %eq3A_124 = arith.constant 0 : i32
    %eq3A_125 = arith.cmpi eq, %jit3A_123, %eq3A_124 : i32
    %jit3A_126 = arith.constant 1 : i32
    %select_n3A_127 = arith.select %eq3A_125, %jit3A_126, %jit3A_123 : i32
    %rem3A_128 = arith.remsi %add3A_98, %select_n3A_127 : i32
    %ne3A_129 = arith.constant 0 : i32
    %ne3A_130 = arith.cmpi ne, %rem3A_128, %ne3A_129 : i32
    %lt3A_131 = arith.constant 0 : i32
    %lt3A_132 = arith.cmpi slt, %rem3A_128, %lt3A_131 : i32
    %lt3A_133 = arith.constant 0 : i32
    %lt3A_134 = arith.cmpi slt, %select_n3A_127, %lt3A_133 : i32
    %ne3A_135 = arith.xori %lt3A_132, %lt3A_134 : i1
    %and3A_136 = arith.andi %ne3A_135, %ne3A_130 : i1
    %add3A_137 = arith.addi %rem3A_128, %select_n3A_127 : i32
    %select_n3A_138 = arith.select %and3A_136, %add3A_137, %rem3A_128 : i32
    %mul3A_139 = arith.constant 8 : i32
    %mul3A_140 = arith.muli %select_n3A_122, %mul3A_139 : i32
    %mul3A_141 = arith.constant 2048 : i32
    %mul3A_142 = arith.muli %select_n3A_138, %mul3A_141 : i32
    %dma_start3A_143 = tpu.memref_slice %arg2[%mul3A_140, %mul3A_142] : memref<64x100000xf32, #tpu.memory_space<hbm>> -> memref<8x2048xf32, #tpu.memory_space<hbm>>
    %dma_start3A_144 = tpu.memref_slice %arg2[%mul3A_140, %mul3A_142] : memref<64x100000xf32, #tpu.memory_space<hbm>> -> memref<8x2048xf32, #tpu.memory_space<hbm>>
    tpu.enqueue_dma source(%arg3 : memref<8x2048xf32, #tpu.memory_space<vmem>>) target(%dma_start3A_144 : memref<8x2048xf32, #tpu.memory_space<hbm>>) target_semaphore(%arg4 : memref<!tpu.dma_semaphore, #tpu.memory_space<semaphore_mem>>)
    %mul3A_145 = arith.constant 12 : i32
    %mul3A_146 = arith.muli %add3A, %mul3A_145 : i32
    %add3A_147 = arith.constant 3 : i32
    %add3A_148 = arith.addi %mul3A_146, %add3A_147 : i32
    %jit3A_149 = arith.constant 48 : i32
    %div3A_150 = arith.divsi %add3A_148, %jit3A_149 : i32
    %sign3A_151 = arith.constant 0 : i32
    %sign3A_152 = arith.cmpi sgt, %add3A_148, %sign3A_151 : i32
    %sign3A_153 = arith.extui %sign3A_152 : i1 to i32
    %sign3A_154 = arith.constant 0 : i32
    %sign3A_155 = arith.cmpi slt, %add3A_148, %sign3A_154 : i32
    %sign3A_156 = arith.extui %sign3A_155 : i1 to i32
    %sign3A_157 = arith.subi %sign3A_153, %sign3A_156 : i32
    %sign3A_158 = arith.constant 0 : i32
    %sign3A_159 = arith.cmpi sgt, %jit3A_149, %sign3A_158 : i32
    %sign3A_160 = arith.extui %sign3A_159 : i1 to i32
    %sign3A_161 = arith.constant 0 : i32
    %sign3A_162 = arith.cmpi slt, %jit3A_149, %sign3A_161 : i32
    %sign3A_163 = arith.extui %sign3A_162 : i1 to i32
    %sign3A_164 = arith.subi %sign3A_160, %sign3A_163 : i32
    %ne3A_165 = arith.cmpi ne, %sign3A_157, %sign3A_164 : i32
    %rem3A_166 = arith.remsi %add3A_148, %jit3A_149 : i32
    %ne3A_167 = arith.constant 0 : i32
    %ne3A_168 = arith.cmpi ne, %rem3A_166, %ne3A_167 : i32
    %and3A_169 = arith.andi %ne3A_165, %ne3A_168 : i1
    %sub3A_170 = arith.constant 1 : i32
    %sub3A_171 = arith.subi %div3A_150, %sub3A_170 : i32
    %select_n3A_172 = arith.select %and3A_169, %sub3A_171, %div3A_150 : i32
    %jit3A_173 = arith.constant 48 : i32
    %eq3A_174 = arith.constant 0 : i32
    %eq3A_175 = arith.cmpi eq, %jit3A_173, %eq3A_174 : i32
    %jit3A_176 = arith.constant 1 : i32
    %select_n3A_177 = arith.select %eq3A_175, %jit3A_176, %jit3A_173 : i32
    %rem3A_178 = arith.remsi %add3A_148, %select_n3A_177 : i32
    %ne3A_179 = arith.constant 0 : i32
    %ne3A_180 = arith.cmpi ne, %rem3A_178, %ne3A_179 : i32
    %lt3A_181 = arith.constant 0 : i32
    %lt3A_182 = arith.cmpi slt, %rem3A_178, %lt3A_181 : i32
    %lt3A_183 = arith.constant 0 : i32
    %lt3A_184 = arith.cmpi slt, %select_n3A_177, %lt3A_183 : i32
    %ne3A_185 = arith.xori %lt3A_182, %lt3A_184 : i1
    %and3A_186 = arith.andi %ne3A_185, %ne3A_180 : i1
    %add3A_187 = arith.addi %rem3A_178, %select_n3A_177 : i32
    %select_n3A_188 = arith.select %and3A_186, %add3A_187, %rem3A_178 : i32
    %mul3A_189 = arith.constant 8 : i32
    %mul3A_190 = arith.muli %select_n3A_172, %mul3A_189 : i32
    %mul3A_191 = arith.constant 2048 : i32
    %mul3A_192 = arith.muli %select_n3A_188, %mul3A_191 : i32
    %dma_start3A_193 = tpu.memref_slice %arg2[%mul3A_190, %mul3A_192] : memref<64x100000xf32, #tpu.memory_space<hbm>> -> memref<8x2048xf32, #tpu.memory_space<hbm>>
    %dma_start3A_194 = tpu.memref_slice %arg2[%mul3A_190, %mul3A_192] : memref<64x100000xf32, #tpu.memory_space<hbm>> -> memref<8x2048xf32, #tpu.memory_space<hbm>>
    tpu.enqueue_dma source(%arg3 : memref<8x2048xf32, #tpu.memory_space<vmem>>) target(%dma_start3A_194 : memref<8x2048xf32, #tpu.memory_space<hbm>>) target_semaphore(%arg4 : memref<!tpu.dma_semaphore, #tpu.memory_space<semaphore_mem>>)
    %mul3A_195 = arith.constant 12 : i32
    %mul3A_196 = arith.muli %add3A, %mul3A_195 : i32
    %add3A_197 = arith.constant 4 : i32
    %add3A_198 = arith.addi %mul3A_196, %add3A_197 : i32
    %jit3A_199 = arith.constant 48 : i32
    %div3A_200 = arith.divsi %add3A_198, %jit3A_199 : i32
    %sign3A_201 = arith.constant 0 : i32
    %sign3A_202 = arith.cmpi sgt, %add3A_198, %sign3A_201 : i32
    %sign3A_203 = arith.extui %sign3A_202 : i1 to i32
    %sign3A_204 = arith.constant 0 : i32
    %sign3A_205 = arith.cmpi slt, %add3A_198, %sign3A_204 : i32
    %sign3A_206 = arith.extui %sign3A_205 : i1 to i32
    %sign3A_207 = arith.subi %sign3A_203, %sign3A_206 : i32
    %sign3A_208 = arith.constant 0 : i32
    %sign3A_209 = arith.cmpi sgt, %jit3A_199, %sign3A_208 : i32
    %sign3A_210 = arith.extui %sign3A_209 : i1 to i32
    %sign3A_211 = arith.constant 0 : i32
    %sign3A_212 = arith.cmpi slt, %jit3A_199, %sign3A_211 : i32
    %sign3A_213 = arith.extui %sign3A_212 : i1 to i32
    %sign3A_214 = arith.subi %sign3A_210, %sign3A_213 : i32
    %ne3A_215 = arith.cmpi ne, %sign3A_207, %sign3A_214 : i32
    %rem3A_216 = arith.remsi %add3A_198, %jit3A_199 : i32
    %ne3A_217 = arith.constant 0 : i32
    %ne3A_218 = arith.cmpi ne, %rem3A_216, %ne3A_217 : i32
    %and3A_219 = arith.andi %ne3A_215, %ne3A_218 : i1
    %sub3A_220 = arith.constant 1 : i32
    %sub3A_221 = arith.subi %div3A_200, %sub3A_220 : i32
    %select_n3A_222 = arith.select %and3A_219, %sub3A_221, %div3A_200 : i32
    %jit3A_223 = arith.constant 48 : i32
    %eq3A_224 = arith.constant 0 : i32
    %eq3A_225 = arith.cmpi eq, %jit3A_223, %eq3A_224 : i32
    %jit3A_226 = arith.constant 1 : i32
    %select_n3A_227 = arith.select %eq3A_225, %jit3A_226, %jit3A_223 : i32
    %rem3A_228 = arith.remsi %add3A_198, %select_n3A_227 : i32
    %ne3A_229 = arith.constant 0 : i32
    %ne3A_230 = arith.cmpi ne, %rem3A_228, %ne3A_229 : i32
    %lt3A_231 = arith.constant 0 : i32
    %lt3A_232 = arith.cmpi slt, %rem3A_228, %lt3A_231 : i32
    %lt3A_233 = arith.constant 0 : i32
    %lt3A_234 = arith.cmpi slt, %select_n3A_227, %lt3A_233 : i32
    %ne3A_235 = arith.xori %lt3A_232, %lt3A_234 : i1
    %and3A_236 = arith.andi %ne3A_235, %ne3A_230 : i1
    %add3A_237 = arith.addi %rem3A_228, %select_n3A_227 : i32
    %select_n3A_238 = arith.select %and3A_236, %add3A_237, %rem3A_228 : i32
    %mul3A_239 = arith.constant 8 : i32
    %mul3A_240 = arith.muli %select_n3A_222, %mul3A_239 : i32
    %mul3A_241 = arith.constant 2048 : i32
    %mul3A_242 = arith.muli %select_n3A_238, %mul3A_241 : i32
    %dma_start3A_243 = tpu.memref_slice %arg2[%mul3A_240, %mul3A_242] : memref<64x100000xf32, #tpu.memory_space<hbm>> -> memref<8x2048xf32, #tpu.memory_space<hbm>>
    %dma_start3A_244 = tpu.memref_slice %arg2[%mul3A_240, %mul3A_242] : memref<64x100000xf32, #tpu.memory_space<hbm>> -> memref<8x2048xf32, #tpu.memory_space<hbm>>
    tpu.enqueue_dma source(%arg3 : memref<8x2048xf32, #tpu.memory_space<vmem>>) target(%dma_start3A_244 : memref<8x2048xf32, #tpu.memory_space<hbm>>) target_semaphore(%arg4 : memref<!tpu.dma_semaphore, #tpu.memory_space<semaphore_mem>>)
    %mul3A_245 = arith.constant 12 : i32
    %mul3A_246 = arith.muli %add3A, %mul3A_245 : i32
    %add3A_247 = arith.constant 5 : i32
    %add3A_248 = arith.addi %mul3A_246, %add3A_247 : i32
    %jit3A_249 = arith.constant 48 : i32
    %div3A_250 = arith.divsi %add3A_248, %jit3A_249 : i32
    %sign3A_251 = arith.constant 0 : i32
    %sign3A_252 = arith.cmpi sgt, %add3A_248, %sign3A_251 : i32
    %sign3A_253 = arith.extui %sign3A_252 : i1 to i32
    %sign3A_254 = arith.constant 0 : i32
    %sign3A_255 = arith.cmpi slt, %add3A_248, %sign3A_254 : i32
    %sign3A_256 = arith.extui %sign3A_255 : i1 to i32
    %sign3A_257 = arith.subi %sign3A_253, %sign3A_256 : i32
    %sign3A_258 = arith.constant 0 : i32
    %sign3A_259 = arith.cmpi sgt, %jit3A_249, %sign3A_258 : i32
    %sign3A_260 = arith.extui %sign3A_259 : i1 to i32
    %sign3A_261 = arith.constant 0 : i32
    %sign3A_262 = arith.cmpi slt, %jit3A_249, %sign3A_261 : i32
    %sign3A_263 = arith.extui %sign3A_262 : i1 to i32
    %sign3A_264 = arith.subi %sign3A_260, %sign3A_263 : i32
    %ne3A_265 = arith.cmpi ne, %sign3A_257, %sign3A_264 : i32
    %rem3A_266 = arith.remsi %add3A_248, %jit3A_249 : i32
    %ne3A_267 = arith.constant 0 : i32
    %ne3A_268 = arith.cmpi ne, %rem3A_266, %ne3A_267 : i32
    %and3A_269 = arith.andi %ne3A_265, %ne3A_268 : i1
    %sub3A_270 = arith.constant 1 : i32
    %sub3A_271 = arith.subi %div3A_250, %sub3A_270 : i32
    %select_n3A_272 = arith.select %and3A_269, %sub3A_271, %div3A_250 : i32
    %jit3A_273 = arith.constant 48 : i32
    %eq3A_274 = arith.constant 0 : i32
    %eq3A_275 = arith.cmpi eq, %jit3A_273, %eq3A_274 : i32
    %jit3A_276 = arith.constant 1 : i32
    %select_n3A_277 = arith.select %eq3A_275, %jit3A_276, %jit3A_273 : i32
    %rem3A_278 = arith.remsi %add3A_248, %select_n3A_277 : i32
    %ne3A_279 = arith.constant 0 : i32
    %ne3A_280 = arith.cmpi ne, %rem3A_278, %ne3A_279 : i32
    %lt3A_281 = arith.constant 0 : i32
    %lt3A_282 = arith.cmpi slt, %rem3A_278, %lt3A_281 : i32
    %lt3A_283 = arith.constant 0 : i32
    %lt3A_284 = arith.cmpi slt, %select_n3A_277, %lt3A_283 : i32
    %ne3A_285 = arith.xori %lt3A_282, %lt3A_284 : i1
    %and3A_286 = arith.andi %ne3A_285, %ne3A_280 : i1
    %add3A_287 = arith.addi %rem3A_278, %select_n3A_277 : i32
    %select_n3A_288 = arith.select %and3A_286, %add3A_287, %rem3A_278 : i32
    %mul3A_289 = arith.constant 8 : i32
    %mul3A_290 = arith.muli %select_n3A_272, %mul3A_289 : i32
    %mul3A_291 = arith.constant 2048 : i32
    %mul3A_292 = arith.muli %select_n3A_288, %mul3A_291 : i32
    %dma_start3A_293 = tpu.memref_slice %arg2[%mul3A_290, %mul3A_292] : memref<64x100000xf32, #tpu.memory_space<hbm>> -> memref<8x2048xf32, #tpu.memory_space<hbm>>
    %dma_start3A_294 = tpu.memref_slice %arg2[%mul3A_290, %mul3A_292] : memref<64x100000xf32, #tpu.memory_space<hbm>> -> memref<8x2048xf32, #tpu.memory_space<hbm>>
    tpu.enqueue_dma source(%arg3 : memref<8x2048xf32, #tpu.memory_space<vmem>>) target(%dma_start3A_294 : memref<8x2048xf32, #tpu.memory_space<hbm>>) target_semaphore(%arg4 : memref<!tpu.dma_semaphore, #tpu.memory_space<semaphore_mem>>)
    %mul3A_295 = arith.constant 12 : i32
    %mul3A_296 = arith.muli %add3A, %mul3A_295 : i32
    %add3A_297 = arith.constant 6 : i32
    %add3A_298 = arith.addi %mul3A_296, %add3A_297 : i32
    %jit3A_299 = arith.constant 48 : i32
    %div3A_300 = arith.divsi %add3A_298, %jit3A_299 : i32
    %sign3A_301 = arith.constant 0 : i32
    %sign3A_302 = arith.cmpi sgt, %add3A_298, %sign3A_301 : i32
    %sign3A_303 = arith.extui %sign3A_302 : i1 to i32
    %sign3A_304 = arith.constant 0 : i32
    %sign3A_305 = arith.cmpi slt, %add3A_298, %sign3A_304 : i32
    %sign3A_306 = arith.extui %sign3A_305 : i1 to i32
    %sign3A_307 = arith.subi %sign3A_303, %sign3A_306 : i32
    %sign3A_308 = arith.constant 0 : i32
    %sign3A_309 = arith.cmpi sgt, %jit3A_299, %sign3A_308 : i32
    %sign3A_310 = arith.extui %sign3A_309 : i1 to i32
    %sign3A_311 = arith.constant 0 : i32
    %sign3A_312 = arith.cmpi slt, %jit3A_299, %sign3A_311 : i32
    %sign3A_313 = arith.extui %sign3A_312 : i1 to i32
    %sign3A_314 = arith.subi %sign3A_310, %sign3A_313 : i32
    %ne3A_315 = arith.cmpi ne, %sign3A_307, %sign3A_314 : i32
    %rem3A_316 = arith.remsi %add3A_298, %jit3A_299 : i32
    %ne3A_317 = arith.constant 0 : i32
    %ne3A_318 = arith.cmpi ne, %rem3A_316, %ne3A_317 : i32
    %and3A_319 = arith.andi %ne3A_315, %ne3A_318 : i1
    %sub3A_320 = arith.constant 1 : i32
    %sub3A_321 = arith.subi %div3A_300, %sub3A_320 : i32
    %select_n3A_322 = arith.select %and3A_319, %sub3A_321, %div3A_300 : i32
    %jit3A_323 = arith.constant 48 : i32
    %eq3A_324 = arith.constant 0 : i32
    %eq3A_325 = arith.cmpi eq, %jit3A_323, %eq3A_324 : i32
    %jit3A_326 = arith.constant 1 : i32
    %select_n3A_327 = arith.select %eq3A_325, %jit3A_326, %jit3A_323 : i32
    %rem3A_328 = arith.remsi %add3A_298, %select_n3A_327 : i32
    %ne3A_329 = arith.constant 0 : i32
    %ne3A_330 = arith.cmpi ne, %rem3A_328, %ne3A_329 : i32
    %lt3A_331 = arith.constant 0 : i32
    %lt3A_332 = arith.cmpi slt, %rem3A_328, %lt3A_331 : i32
    %lt3A_333 = arith.constant 0 : i32
    %lt3A_334 = arith.cmpi slt, %select_n3A_327, %lt3A_333 : i32
    %ne3A_335 = arith.xori %lt3A_332, %lt3A_334 : i1
    %and3A_336 = arith.andi %ne3A_335, %ne3A_330 : i1
    %add3A_337 = arith.addi %rem3A_328, %select_n3A_327 : i32
    %select_n3A_338 = arith.select %and3A_336, %add3A_337, %rem3A_328 : i32
    %mul3A_339 = arith.constant 8 : i32
    %mul3A_340 = arith.muli %select_n3A_322, %mul3A_339 : i32
    %mul3A_341 = arith.constant 2048 : i32
    %mul3A_342 = arith.muli %select_n3A_338, %mul3A_341 : i32
    %dma_start3A_343 = tpu.memref_slice %arg2[%mul3A_340, %mul3A_342] : memref<64x100000xf32, #tpu.memory_space<hbm>> -> memref<8x2048xf32, #tpu.memory_space<hbm>>
    %dma_start3A_344 = tpu.memref_slice %arg2[%mul3A_340, %mul3A_342] : memref<64x100000xf32, #tpu.memory_space<hbm>> -> memref<8x2048xf32, #tpu.memory_space<hbm>>
    tpu.enqueue_dma source(%arg3 : memref<8x2048xf32, #tpu.memory_space<vmem>>) target(%dma_start3A_344 : memref<8x2048xf32, #tpu.memory_space<hbm>>) target_semaphore(%arg4 : memref<!tpu.dma_semaphore, #tpu.memory_space<semaphore_mem>>)
    %mul3A_345 = arith.constant 12 : i32
    %mul3A_346 = arith.muli %add3A, %mul3A_345 : i32
    %add3A_347 = arith.constant 7 : i32
    %add3A_348 = arith.addi %mul3A_346, %add3A_347 : i32
    %jit3A_349 = arith.constant 48 : i32
    %div3A_350 = arith.divsi %add3A_348, %jit3A_349 : i32
    %sign3A_351 = arith.constant 0 : i32
    %sign3A_352 = arith.cmpi sgt, %add3A_348, %sign3A_351 : i32
    %sign3A_353 = arith.extui %sign3A_352 : i1 to i32
    %sign3A_354 = arith.constant 0 : i32
    %sign3A_355 = arith.cmpi slt, %add3A_348, %sign3A_354 : i32
    %sign3A_356 = arith.extui %sign3A_355 : i1 to i32
    %sign3A_357 = arith.subi %sign3A_353, %sign3A_356 : i32
    %sign3A_358 = arith.constant 0 : i32
    %sign3A_359 = arith.cmpi sgt, %jit3A_349, %sign3A_358 : i32
    %sign3A_360 = arith.extui %sign3A_359 : i1 to i32
    %sign3A_361 = arith.constant 0 : i32
    %sign3A_362 = arith.cmpi slt, %jit3A_349, %sign3A_361 : i32
    %sign3A_363 = arith.extui %sign3A_362 : i1 to i32
    %sign3A_364 = arith.subi %sign3A_360, %sign3A_363 : i32
    %ne3A_365 = arith.cmpi ne, %sign3A_357, %sign3A_364 : i32
    %rem3A_366 = arith.remsi %add3A_348, %jit3A_349 : i32
    %ne3A_367 = arith.constant 0 : i32
    %ne3A_368 = arith.cmpi ne, %rem3A_366, %ne3A_367 : i32
    %and3A_369 = arith.andi %ne3A_365, %ne3A_368 : i1
    %sub3A_370 = arith.constant 1 : i32
    %sub3A_371 = arith.subi %div3A_350, %sub3A_370 : i32
    %select_n3A_372 = arith.select %and3A_369, %sub3A_371, %div3A_350 : i32
    %jit3A_373 = arith.constant 48 : i32
    %eq3A_374 = arith.constant 0 : i32
    %eq3A_375 = arith.cmpi eq, %jit3A_373, %eq3A_374 : i32
    %jit3A_376 = arith.constant 1 : i32
    %select_n3A_377 = arith.select %eq3A_375, %jit3A_376, %jit3A_373 : i32
    %rem3A_378 = arith.remsi %add3A_348, %select_n3A_377 : i32
    %ne3A_379 = arith.constant 0 : i32
    %ne3A_380 = arith.cmpi ne, %rem3A_378, %ne3A_379 : i32
    %lt3A_381 = arith.constant 0 : i32
    %lt3A_382 = arith.cmpi slt, %rem3A_378, %lt3A_381 : i32
    %lt3A_383 = arith.constant 0 : i32
    %lt3A_384 = arith.cmpi slt, %select_n3A_377, %lt3A_383 : i32
    %ne3A_385 = arith.xori %lt3A_382, %lt3A_384 : i1
    %and3A_386 = arith.andi %ne3A_385, %ne3A_380 : i1
    %add3A_387 = arith.addi %rem3A_378, %select_n3A_377 : i32
    %select_n3A_388 = arith.select %and3A_386, %add3A_387, %rem3A_378 : i32
    %mul3A_389 = arith.constant 8 : i32
    %mul3A_390 = arith.muli %select_n3A_372, %mul3A_389 : i32
    %mul3A_391 = arith.constant 2048 : i32
    %mul3A_392 = arith.muli %select_n3A_388, %mul3A_391 : i32
    %dma_start3A_393 = tpu.memref_slice %arg2[%mul3A_390, %mul3A_392] : memref<64x100000xf32, #tpu.memory_space<hbm>> -> memref<8x2048xf32, #tpu.memory_space<hbm>>
    %dma_start3A_394 = tpu.memref_slice %arg2[%mul3A_390, %mul3A_392] : memref<64x100000xf32, #tpu.memory_space<hbm>> -> memref<8x2048xf32, #tpu.memory_space<hbm>>
    tpu.enqueue_dma source(%arg3 : memref<8x2048xf32, #tpu.memory_space<vmem>>) target(%dma_start3A_394 : memref<8x2048xf32, #tpu.memory_space<hbm>>) target_semaphore(%arg4 : memref<!tpu.dma_semaphore, #tpu.memory_space<semaphore_mem>>)
    %mul3A_395 = arith.constant 12 : i32
    %mul3A_396 = arith.muli %add3A, %mul3A_395 : i32
    %add3A_397 = arith.constant 8 : i32
    %add3A_398 = arith.addi %mul3A_396, %add3A_397 : i32
    %jit3A_399 = arith.constant 48 : i32
    %div3A_400 = arith.divsi %add3A_398, %jit3A_399 : i32
    %sign3A_401 = arith.constant 0 : i32
    %sign3A_402 = arith.cmpi sgt, %add3A_398, %sign3A_401 : i32
    %sign3A_403 = arith.extui %sign3A_402 : i1 to i32
    %sign3A_404 = arith.constant 0 : i32
    %sign3A_405 = arith.cmpi slt, %add3A_398, %sign3A_404 : i32
    %sign3A_406 = arith.extui %sign3A_405 : i1 to i32
    %sign3A_407 = arith.subi %sign3A_403, %sign3A_406 : i32
    %sign3A_408 = arith.constant 0 : i32
    %sign3A_409 = arith.cmpi sgt, %jit3A_399, %sign3A_408 : i32
    %sign3A_410 = arith.extui %sign3A_409 : i1 to i32
    %sign3A_411 = arith.constant 0 : i32
    %sign3A_412 = arith.cmpi slt, %jit3A_399, %sign3A_411 : i32
    %sign3A_413 = arith.extui %sign3A_412 : i1 to i32
    %sign3A_414 = arith.subi %sign3A_410, %sign3A_413 : i32
    %ne3A_415 = arith.cmpi ne, %sign3A_407, %sign3A_414 : i32
    %rem3A_416 = arith.remsi %add3A_398, %jit3A_399 : i32
    %ne3A_417 = arith.constant 0 : i32
    %ne3A_418 = arith.cmpi ne, %rem3A_416, %ne3A_417 : i32
    %and3A_419 = arith.andi %ne3A_415, %ne3A_418 : i1
    %sub3A_420 = arith.constant 1 : i32
    %sub3A_421 = arith.subi %div3A_400, %sub3A_420 : i32
    %select_n3A_422 = arith.select %and3A_419, %sub3A_421, %div3A_400 : i32
    %jit3A_423 = arith.constant 48 : i32
    %eq3A_424 = arith.constant 0 : i32
    %eq3A_425 = arith.cmpi eq, %jit3A_423, %eq3A_424 : i32
    %jit3A_426 = arith.constant 1 : i32
    %select_n3A_427 = arith.select %eq3A_425, %jit3A_426, %jit3A_423 : i32
    %rem3A_428 = arith.remsi %add3A_398, %select_n3A_427 : i32
    %ne3A_429 = arith.constant 0 : i32
    %ne3A_430 = arith.cmpi ne, %rem3A_428, %ne3A_429 : i32
    %lt3A_431 = arith.constant 0 : i32
    %lt3A_432 = arith.cmpi slt, %rem3A_428, %lt3A_431 : i32
    %lt3A_433 = arith.constant 0 : i32
    %lt3A_434 = arith.cmpi slt, %select_n3A_427, %lt3A_433 : i32
    %ne3A_435 = arith.xori %lt3A_432, %lt3A_434 : i1
    %and3A_436 = arith.andi %ne3A_435, %ne3A_430 : i1
    %add3A_437 = arith.addi %rem3A_428, %select_n3A_427 : i32
    %select_n3A_438 = arith.select %and3A_436, %add3A_437, %rem3A_428 : i32
    %mul3A_439 = arith.constant 8 : i32
    %mul3A_440 = arith.muli %select_n3A_422, %mul3A_439 : i32
    %mul3A_441 = arith.constant 2048 : i32
    %mul3A_442 = arith.muli %select_n3A_438, %mul3A_441 : i32
    %dma_start3A_443 = tpu.memref_slice %arg2[%mul3A_440, %mul3A_442] : memref<64x100000xf32, #tpu.memory_space<hbm>> -> memref<8x2048xf32, #tpu.memory_space<hbm>>
    %dma_start3A_444 = tpu.memref_slice %arg2[%mul3A_440, %mul3A_442] : memref<64x100000xf32, #tpu.memory_space<hbm>> -> memref<8x2048xf32, #tpu.memory_space<hbm>>
    tpu.enqueue_dma source(%arg3 : memref<8x2048xf32, #tpu.memory_space<vmem>>) target(%dma_start3A_444 : memref<8x2048xf32, #tpu.memory_space<hbm>>) target_semaphore(%arg4 : memref<!tpu.dma_semaphore, #tpu.memory_space<semaphore_mem>>)
    %mul3A_445 = arith.constant 12 : i32
    %mul3A_446 = arith.muli %add3A, %mul3A_445 : i32
    %add3A_447 = arith.constant 9 : i32
    %add3A_448 = arith.addi %mul3A_446, %add3A_447 : i32
    %jit3A_449 = arith.constant 48 : i32
    %div3A_450 = arith.divsi %add3A_448, %jit3A_449 : i32
    %sign3A_451 = arith.constant 0 : i32
    %sign3A_452 = arith.cmpi sgt, %add3A_448, %sign3A_451 : i32
    %sign3A_453 = arith.extui %sign3A_452 : i1 to i32
    %sign3A_454 = arith.constant 0 : i32
    %sign3A_455 = arith.cmpi slt, %add3A_448, %sign3A_454 : i32
    %sign3A_456 = arith.extui %sign3A_455 : i1 to i32
    %sign3A_457 = arith.subi %sign3A_453, %sign3A_456 : i32
    %sign3A_458 = arith.constant 0 : i32
    %sign3A_459 = arith.cmpi sgt, %jit3A_449, %sign3A_458 : i32
    %sign3A_460 = arith.extui %sign3A_459 : i1 to i32
    %sign3A_461 = arith.constant 0 : i32
    %sign3A_462 = arith.cmpi slt, %jit3A_449, %sign3A_461 : i32
    %sign3A_463 = arith.extui %sign3A_462 : i1 to i32
    %sign3A_464 = arith.subi %sign3A_460, %sign3A_463 : i32
    %ne3A_465 = arith.cmpi ne, %sign3A_457, %sign3A_464 : i32
    %rem3A_466 = arith.remsi %add3A_448, %jit3A_449 : i32
    %ne3A_467 = arith.constant 0 : i32
    %ne3A_468 = arith.cmpi ne, %rem3A_466, %ne3A_467 : i32
    %and3A_469 = arith.andi %ne3A_465, %ne3A_468 : i1
    %sub3A_470 = arith.constant 1 : i32
    %sub3A_471 = arith.subi %div3A_450, %sub3A_470 : i32
    %select_n3A_472 = arith.select %and3A_469, %sub3A_471, %div3A_450 : i32
    %jit3A_473 = arith.constant 48 : i32
    %eq3A_474 = arith.constant 0 : i32
    %eq3A_475 = arith.cmpi eq, %jit3A_473, %eq3A_474 : i32
    %jit3A_476 = arith.constant 1 : i32
    %select_n3A_477 = arith.select %eq3A_475, %jit3A_476, %jit3A_473 : i32
    %rem3A_478 = arith.remsi %add3A_448, %select_n3A_477 : i32
    %ne3A_479 = arith.constant 0 : i32
    %ne3A_480 = arith.cmpi ne, %rem3A_478, %ne3A_479 : i32
    %lt3A_481 = arith.constant 0 : i32
    %lt3A_482 = arith.cmpi slt, %rem3A_478, %lt3A_481 : i32
    %lt3A_483 = arith.constant 0 : i32
    %lt3A_484 = arith.cmpi slt, %select_n3A_477, %lt3A_483 : i32
    %ne3A_485 = arith.xori %lt3A_482, %lt3A_484 : i1
    %and3A_486 = arith.andi %ne3A_485, %ne3A_480 : i1
    %add3A_487 = arith.addi %rem3A_478, %select_n3A_477 : i32
    %select_n3A_488 = arith.select %and3A_486, %add3A_487, %rem3A_478 : i32
    %mul3A_489 = arith.constant 8 : i32
    %mul3A_490 = arith.muli %select_n3A_472, %mul3A_489 : i32
    %mul3A_491 = arith.constant 2048 : i32
    %mul3A_492 = arith.muli %select_n3A_488, %mul3A_491 : i32
    %dma_start3A_493 = tpu.memref_slice %arg2[%mul3A_490, %mul3A_492] : memref<64x100000xf32, #tpu.memory_space<hbm>> -> memref<8x2048xf32, #tpu.memory_space<hbm>>
    %dma_start3A_494 = tpu.memref_slice %arg2[%mul3A_490, %mul3A_492] : memref<64x100000xf32, #tpu.memory_space<hbm>> -> memref<8x2048xf32, #tpu.memory_space<hbm>>
    tpu.enqueue_dma source(%arg3 : memref<8x2048xf32, #tpu.memory_space<vmem>>) target(%dma_start3A_494 : memref<8x2048xf32, #tpu.memory_space<hbm>>) target_semaphore(%arg4 : memref<!tpu.dma_semaphore, #tpu.memory_space<semaphore_mem>>)
    %mul3A_495 = arith.constant 12 : i32
    %mul3A_496 = arith.muli %add3A, %mul3A_495 : i32
    %add3A_497 = arith.constant 10 : i32
    %add3A_498 = arith.addi %mul3A_496, %add3A_497 : i32
    %jit3A_499 = arith.constant 48 : i32
    %div3A_500 = arith.divsi %add3A_498, %jit3A_499 : i32
    %sign3A_501 = arith.constant 0 : i32
    %sign3A_502 = arith.cmpi sgt, %add3A_498, %sign3A_501 : i32
    %sign3A_503 = arith.extui %sign3A_502 : i1 to i32
    %sign3A_504 = arith.constant 0 : i32
    %sign3A_505 = arith.cmpi slt, %add3A_498, %sign3A_504 : i32
    %sign3A_506 = arith.extui %sign3A_505 : i1 to i32
    %sign3A_507 = arith.subi %sign3A_503, %sign3A_506 : i32
    %sign3A_508 = arith.constant 0 : i32
    %sign3A_509 = arith.cmpi sgt, %jit3A_499, %sign3A_508 : i32
    %sign3A_510 = arith.extui %sign3A_509 : i1 to i32
    %sign3A_511 = arith.constant 0 : i32
    %sign3A_512 = arith.cmpi slt, %jit3A_499, %sign3A_511 : i32
    %sign3A_513 = arith.extui %sign3A_512 : i1 to i32
    %sign3A_514 = arith.subi %sign3A_510, %sign3A_513 : i32
    %ne3A_515 = arith.cmpi ne, %sign3A_507, %sign3A_514 : i32
    %rem3A_516 = arith.remsi %add3A_498, %jit3A_499 : i32
    %ne3A_517 = arith.constant 0 : i32
    %ne3A_518 = arith.cmpi ne, %rem3A_516, %ne3A_517 : i32
    %and3A_519 = arith.andi %ne3A_515, %ne3A_518 : i1
    %sub3A_520 = arith.constant 1 : i32
    %sub3A_521 = arith.subi %div3A_500, %sub3A_520 : i32
    %select_n3A_522 = arith.select %and3A_519, %sub3A_521, %div3A_500 : i32
    %jit3A_523 = arith.constant 48 : i32
    %eq3A_524 = arith.constant 0 : i32
    %eq3A_525 = arith.cmpi eq, %jit3A_523, %eq3A_524 : i32
    %jit3A_526 = arith.constant 1 : i32
    %select_n3A_527 = arith.select %eq3A_525, %jit3A_526, %jit3A_523 : i32
    %rem3A_528 = arith.remsi %add3A_498, %select_n3A_527 : i32
    %ne3A_529 = arith.constant 0 : i32
    %ne3A_530 = arith.cmpi ne, %rem3A_528, %ne3A_529 : i32
    %lt3A_531 = arith.constant 0 : i32
    %lt3A_532 = arith.cmpi slt, %rem3A_528, %lt3A_531 : i32
    %lt3A_533 = arith.constant 0 : i32
    %lt3A_534 = arith.cmpi slt, %select_n3A_527, %lt3A_533 : i32
    %ne3A_535 = arith.xori %lt3A_532, %lt3A_534 : i1
    %and3A_536 = arith.andi %ne3A_535, %ne3A_530 : i1
    %add3A_537 = arith.addi %rem3A_528, %select_n3A_527 : i32
    %select_n3A_538 = arith.select %and3A_536, %add3A_537, %rem3A_528 : i32
    %mul3A_539 = arith.constant 8 : i32
    %mul3A_540 = arith.muli %select_n3A_522, %mul3A_539 : i32
    %mul3A_541 = arith.constant 2048 : i32
    %mul3A_542 = arith.muli %select_n3A_538, %mul3A_541 : i32
    %dma_start3A_543 = tpu.memref_slice %arg2[%mul3A_540, %mul3A_542] : memref<64x100000xf32, #tpu.memory_space<hbm>> -> memref<8x2048xf32, #tpu.memory_space<hbm>>
    %dma_start3A_544 = tpu.memref_slice %arg2[%mul3A_540, %mul3A_542] : memref<64x100000xf32, #tpu.memory_space<hbm>> -> memref<8x2048xf32, #tpu.memory_space<hbm>>
    tpu.enqueue_dma source(%arg3 : memref<8x2048xf32, #tpu.memory_space<vmem>>) target(%dma_start3A_544 : memref<8x2048xf32, #tpu.memory_space<hbm>>) target_semaphore(%arg4 : memref<!tpu.dma_semaphore, #tpu.memory_space<semaphore_mem>>)
    %mul3A_545 = arith.constant 12 : i32
    %mul3A_546 = arith.muli %add3A, %mul3A_545 : i32
    %add3A_547 = arith.constant 11 : i32
    %add3A_548 = arith.addi %mul3A_546, %add3A_547 : i32
    %jit3A_549 = arith.constant 48 : i32
    %div3A_550 = arith.divsi %add3A_548, %jit3A_549 : i32
    %sign3A_551 = arith.constant 0 : i32
    %sign3A_552 = arith.cmpi sgt, %add3A_548, %sign3A_551 : i32
    %sign3A_553 = arith.extui %sign3A_552 : i1 to i32
    %sign3A_554 = arith.constant 0 : i32
    %sign3A_555 = arith.cmpi slt, %add3A_548, %sign3A_554 : i32
    %sign3A_556 = arith.extui %sign3A_555 : i1 to i32
    %sign3A_557 = arith.subi %sign3A_553, %sign3A_556 : i32
    %sign3A_558 = arith.constant 0 : i32
    %sign3A_559 = arith.cmpi sgt, %jit3A_549, %sign3A_558 : i32
    %sign3A_560 = arith.extui %sign3A_559 : i1 to i32
    %sign3A_561 = arith.constant 0 : i32
    %sign3A_562 = arith.cmpi slt, %jit3A_549, %sign3A_561 : i32
    %sign3A_563 = arith.extui %sign3A_562 : i1 to i32
    %sign3A_564 = arith.subi %sign3A_560, %sign3A_563 : i32
    %ne3A_565 = arith.cmpi ne, %sign3A_557, %sign3A_564 : i32
    %rem3A_566 = arith.remsi %add3A_548, %jit3A_549 : i32
    %ne3A_567 = arith.constant 0 : i32
    %ne3A_568 = arith.cmpi ne, %rem3A_566, %ne3A_567 : i32
    %and3A_569 = arith.andi %ne3A_565, %ne3A_568 : i1
    %sub3A_570 = arith.constant 1 : i32
    %sub3A_571 = arith.subi %div3A_550, %sub3A_570 : i32
    %select_n3A_572 = arith.select %and3A_569, %sub3A_571, %div3A_550 : i32
    %jit3A_573 = arith.constant 48 : i32
    %eq3A_574 = arith.constant 0 : i32
    %eq3A_575 = arith.cmpi eq, %jit3A_573, %eq3A_574 : i32
    %jit3A_576 = arith.constant 1 : i32
    %select_n3A_577 = arith.select %eq3A_575, %jit3A_576, %jit3A_573 : i32
    %rem3A_578 = arith.remsi %add3A_548, %select_n3A_577 : i32
    %ne3A_579 = arith.constant 0 : i32
    %ne3A_580 = arith.cmpi ne, %rem3A_578, %ne3A_579 : i32
    %lt3A_581 = arith.constant 0 : i32
    %lt3A_582 = arith.cmpi slt, %rem3A_578, %lt3A_581 : i32
    %lt3A_583 = arith.constant 0 : i32
    %lt3A_584 = arith.cmpi slt, %select_n3A_577, %lt3A_583 : i32
    %ne3A_585 = arith.xori %lt3A_582, %lt3A_584 : i1
    %and3A_586 = arith.andi %ne3A_585, %ne3A_580 : i1
    %add3A_587 = arith.addi %rem3A_578, %select_n3A_577 : i32
    %select_n3A_588 = arith.select %and3A_586, %add3A_587, %rem3A_578 : i32
    %mul3A_589 = arith.constant 8 : i32
    %mul3A_590 = arith.muli %select_n3A_572, %mul3A_589 : i32
    %mul3A_591 = arith.constant 2048 : i32
    %mul3A_592 = arith.muli %select_n3A_588, %mul3A_591 : i32
    %dma_start3A_593 = tpu.memref_slice %arg2[%mul3A_590, %mul3A_592] : memref<64x100000xf32, #tpu.memory_space<hbm>> -> memref<8x2048xf32, #tpu.memory_space<hbm>>
    %dma_start3A_594 = tpu.memref_slice %arg2[%mul3A_590, %mul3A_592] : memref<64x100000xf32, #tpu.memory_space<hbm>> -> memref<8x2048xf32, #tpu.memory_space<hbm>>
    tpu.enqueue_dma source(%arg3 : memref<8x2048xf32, #tpu.memory_space<vmem>>) target(%dma_start3A_594 : memref<8x2048xf32, #tpu.memory_space<hbm>>) target_semaphore(%arg4 : memref<!tpu.dma_semaphore, #tpu.memory_space<semaphore_mem>>)
    %dma_wait3A = tpu.memref_slice %arg2[%mul3A_41, %mul3A_43] : memref<64x100000xf32, #tpu.memory_space<hbm>> -> memref<8x2048xf32, #tpu.memory_space<hbm>>
    %dma_wait3A_595 = tpu.memref_slice %arg2[%mul3A_41, %mul3A_43] : memref<64x100000xf32, #tpu.memory_space<hbm>> -> memref<8x2048xf32, #tpu.memory_space<hbm>>
    tpu.wait_dma2 semaphore(%arg4 : memref<!tpu.dma_semaphore, #tpu.memory_space<semaphore_mem>>) src(%arg3 : memref<8x2048xf32, #tpu.memory_space<vmem>>) dst(%dma_wait3A_595 : memref<8x2048xf32, #tpu.memory_space<hbm>>)
    %dma_wait3A_596 = tpu.memref_slice %arg2[%mul3A_90, %mul3A_92] : memref<64x100000xf32, #tpu.memory_space<hbm>> -> memref<8x2048xf32, #tpu.memory_space<hbm>>
    %dma_wait3A_597 = tpu.memref_slice %arg2[%mul3A_90, %mul3A_92] : memref<64x100000xf32, #tpu.memory_space<hbm>> -> memref<8x2048xf32, #tpu.memory_space<hbm>>
    tpu.wait_dma2 semaphore(%arg4 : memref<!tpu.dma_semaphore, #tpu.memory_space<semaphore_mem>>) src(%arg3 : memref<8x2048xf32, #tpu.memory_space<vmem>>) dst(%dma_wait3A_597 : memref<8x2048xf32, #tpu.memory_space<hbm>>)
    %dma_wait3A_598 = tpu.memref_slice %arg2[%mul3A_140, %mul3A_142] : memref<64x100000xf32, #tpu.memory_space<hbm>> -> memref<8x2048xf32, #tpu.memory_space<hbm>>
    %dma_wait3A_599 = tpu.memref_slice %arg2[%mul3A_140, %mul3A_142] : memref<64x100000xf32, #tpu.memory_space<hbm>> -> memref<8x2048xf32, #tpu.memory_space<hbm>>
    tpu.wait_dma2 semaphore(%arg4 : memref<!tpu.dma_semaphore, #tpu.memory_space<semaphore_mem>>) src(%arg3 : memref<8x2048xf32, #tpu.memory_space<vmem>>) dst(%dma_wait3A_599 : memref<8x2048xf32, #tpu.memory_space<hbm>>)
    %dma_wait3A_600 = tpu.memref_slice %arg2[%mul3A_190, %mul3A_192] : memref<64x100000xf32, #tpu.memory_space<hbm>> -> memref<8x2048xf32, #tpu.memory_space<hbm>>
    %dma_wait3A_601 = tpu.memref_slice %arg2[%mul3A_190, %mul3A_192] : memref<64x100000xf32, #tpu.memory_space<hbm>> -> memref<8x2048xf32, #tpu.memory_space<hbm>>
    tpu.wait_dma2 semaphore(%arg4 : memref<!tpu.dma_semaphore, #tpu.memory_space<semaphore_mem>>) src(%arg3 : memref<8x2048xf32, #tpu.memory_space<vmem>>) dst(%dma_wait3A_601 : memref<8x2048xf32, #tpu.memory_space<hbm>>)
    %dma_wait3A_602 = tpu.memref_slice %arg2[%mul3A_240, %mul3A_242] : memref<64x100000xf32, #tpu.memory_space<hbm>> -> memref<8x2048xf32, #tpu.memory_space<hbm>>
    %dma_wait3A_603 = tpu.memref_slice %arg2[%mul3A_240, %mul3A_242] : memref<64x100000xf32, #tpu.memory_space<hbm>> -> memref<8x2048xf32, #tpu.memory_space<hbm>>
    tpu.wait_dma2 semaphore(%arg4 : memref<!tpu.dma_semaphore, #tpu.memory_space<semaphore_mem>>) src(%arg3 : memref<8x2048xf32, #tpu.memory_space<vmem>>) dst(%dma_wait3A_603 : memref<8x2048xf32, #tpu.memory_space<hbm>>)
    %dma_wait3A_604 = tpu.memref_slice %arg2[%mul3A_290, %mul3A_292] : memref<64x100000xf32, #tpu.memory_space<hbm>> -> memref<8x2048xf32, #tpu.memory_space<hbm>>
    %dma_wait3A_605 = tpu.memref_slice %arg2[%mul3A_290, %mul3A_292] : memref<64x100000xf32, #tpu.memory_space<hbm>> -> memref<8x2048xf32, #tpu.memory_space<hbm>>
    tpu.wait_dma2 semaphore(%arg4 : memref<!tpu.dma_semaphore, #tpu.memory_space<semaphore_mem>>) src(%arg3 : memref<8x2048xf32, #tpu.memory_space<vmem>>) dst(%dma_wait3A_605 : memref<8x2048xf32, #tpu.memory_space<hbm>>)
    %dma_wait3A_606 = tpu.memref_slice %arg2[%mul3A_340, %mul3A_342] : memref<64x100000xf32, #tpu.memory_space<hbm>> -> memref<8x2048xf32, #tpu.memory_space<hbm>>
    %dma_wait3A_607 = tpu.memref_slice %arg2[%mul3A_340, %mul3A_342] : memref<64x100000xf32, #tpu.memory_space<hbm>> -> memref<8x2048xf32, #tpu.memory_space<hbm>>
    tpu.wait_dma2 semaphore(%arg4 : memref<!tpu.dma_semaphore, #tpu.memory_space<semaphore_mem>>) src(%arg3 : memref<8x2048xf32, #tpu.memory_space<vmem>>) dst(%dma_wait3A_607 : memref<8x2048xf32, #tpu.memory_space<hbm>>)
    %dma_wait3A_608 = tpu.memref_slice %arg2[%mul3A_390, %mul3A_392] : memref<64x100000xf32, #tpu.memory_space<hbm>> -> memref<8x2048xf32, #tpu.memory_space<hbm>>
    %dma_wait3A_609 = tpu.memref_slice %arg2[%mul3A_390, %mul3A_392] : memref<64x100000xf32, #tpu.memory_space<hbm>> -> memref<8x2048xf32, #tpu.memory_space<hbm>>
    tpu.wait_dma2 semaphore(%arg4 : memref<!tpu.dma_semaphore, #tpu.memory_space<semaphore_mem>>) src(%arg3 : memref<8x2048xf32, #tpu.memory_space<vmem>>) dst(%dma_wait3A_609 : memref<8x2048xf32, #tpu.memory_space<hbm>>)
    %dma_wait3A_610 = tpu.memref_slice %arg2[%mul3A_440, %mul3A_442] : memref<64x100000xf32, #tpu.memory_space<hbm>> -> memref<8x2048xf32, #tpu.memory_space<hbm>>
    %dma_wait3A_611 = tpu.memref_slice %arg2[%mul3A_440, %mul3A_442] : memref<64x100000xf32, #tpu.memory_space<hbm>> -> memref<8x2048xf32, #tpu.memory_space<hbm>>
    tpu.wait_dma2 semaphore(%arg4 : memref<!tpu.dma_semaphore, #tpu.memory_space<semaphore_mem>>) src(%arg3 : memref<8x2048xf32, #tpu.memory_space<vmem>>) dst(%dma_wait3A_611 : memref<8x2048xf32, #tpu.memory_space<hbm>>)
    %dma_wait3A_612 = tpu.memref_slice %arg2[%mul3A_490, %mul3A_492] : memref<64x100000xf32, #tpu.memory_space<hbm>> -> memref<8x2048xf32, #tpu.memory_space<hbm>>
    %dma_wait3A_613 = tpu.memref_slice %arg2[%mul3A_490, %mul3A_492] : memref<64x100000xf32, #tpu.memory_space<hbm>> -> memref<8x2048xf32, #tpu.memory_space<hbm>>
    tpu.wait_dma2 semaphore(%arg4 : memref<!tpu.dma_semaphore, #tpu.memory_space<semaphore_mem>>) src(%arg3 : memref<8x2048xf32, #tpu.memory_space<vmem>>) dst(%dma_wait3A_613 : memref<8x2048xf32, #tpu.memory_space<hbm>>)
    %dma_wait3A_614 = tpu.memref_slice %arg2[%mul3A_540, %mul3A_542] : memref<64x100000xf32, #tpu.memory_space<hbm>> -> memref<8x2048xf32, #tpu.memory_space<hbm>>
    %dma_wait3A_615 = tpu.memref_slice %arg2[%mul3A_540, %mul3A_542] : memref<64x100000xf32, #tpu.memory_space<hbm>> -> memref<8x2048xf32, #tpu.memory_space<hbm>>
    tpu.wait_dma2 semaphore(%arg4 : memref<!tpu.dma_semaphore, #tpu.memory_space<semaphore_mem>>) src(%arg3 : memref<8x2048xf32, #tpu.memory_space<vmem>>) dst(%dma_wait3A_615 : memref<8x2048xf32, #tpu.memory_space<hbm>>)
    %dma_wait3A_616 = tpu.memref_slice %arg2[%mul3A_590, %mul3A_592] : memref<64x100000xf32, #tpu.memory_space<hbm>> -> memref<8x2048xf32, #tpu.memory_space<hbm>>
    %dma_wait3A_617 = tpu.memref_slice %arg2[%mul3A_590, %mul3A_592] : memref<64x100000xf32, #tpu.memory_space<hbm>> -> memref<8x2048xf32, #tpu.memory_space<hbm>>
    tpu.wait_dma2 semaphore(%arg4 : memref<!tpu.dma_semaphore, #tpu.memory_space<semaphore_mem>>) src(%arg3 : memref<8x2048xf32, #tpu.memory_space<vmem>>) dst(%dma_wait3A_617 : memref<8x2048xf32, #tpu.memory_space<hbm>>)
    return
  }
}

module attributes {stable_mosaic.version = 14 : i64} {
  func.func @_k1_sums(%arg0: i32, %arg1: memref<64x2048xf32, #tpu.memory_space<vmem>>, %arg2: memref<64x128xf32, #tpu.memory_space<vmem>>, %arg3: memref<64x128xf32, #tpu.memory_space<vmem>>, %arg4: memref<64x128xi32, #tpu.memory_space<vmem>>, %arg5: memref<64x128xf32, #tpu.memory_space<vmem>>, %arg6: memref<64x1024xf32, #tpu.memory_space<vmem>>) attributes {dimension_semantics = [#tpu.dimension_semantics<arbitrary>], iteration_bounds = array<i64: 49>, scalar_prefetch = 0 : i64, scratch_operands = 2 : i64, tpu.core_type = #tpu.core_type<tc>, window_params = [{transform_indices = @transform_0, window_bounds = array<i64: 64, 2048>}, {pipeline_mode = #tpu.pipeline_mode<synchronous>, transform_indices = @transform_1, window_bounds = array<i64: 64, 128>}, {pipeline_mode = #tpu.pipeline_mode<synchronous>, transform_indices = @transform_2, window_bounds = array<i64: 64, 128>}, {pipeline_mode = #tpu.pipeline_mode<synchronous>, transform_indices = @transform_3, window_bounds = array<i64: 64, 128>}]} {
    %get3A = arith.constant 0 : index
    %get3A_0 = arith.constant 0 : index
    %get3A_1 = vector.load %arg1[%get3A, %get3A_0] : memref<64x2048xf32, #tpu.memory_space<vmem>>, vector<64x2048xf32>
    %mul3A = arith.constant 2048 : i32
    %mul3A_2 = arith.muli %arg0, %mul3A : i32
    %iota3A = tpu.iota {dimensions = array<i32: 1>} : vector<64x2048xi32>
    %add3A = vector.broadcast %mul3A_2 : i32 to vector<64x2048xi32>
    %add3A_3 = arith.addi %add3A, %iota3A : vector<64x2048xi32>
    %lt3A = arith.constant 100000 : i32
    %lt3A_4 = vector.broadcast %lt3A : i32 to vector<64x2048xi32>
    %lt3A_5 = arith.cmpi slt, %add3A_3, %lt3A_4 : vector<64x2048xi32>
    %mul3A_6 = arith.constant 2.000000e-02 : f32
    %mul3A_7 = vector.broadcast %mul3A_6 : f32 to vector<64x2048xf32>
    %mul3A_8 = arith.mulf %get3A_1, %mul3A_7 : vector<64x2048xf32>
    %exp3A = math.exp %mul3A_8 : vector<64x2048xf32>
    %jit3A = arith.constant 0.000000e+00 : f32
    %broadcast_in_dim3A = vector.broadcast %jit3A : f32 to vector<64x2048xf32>
    %select_n3A = arith.select %lt3A_5, %exp3A, %broadcast_in_dim3A : vector<64x2048xi1>, vector<64x2048xf32>
    %mul3A_9 = arith.mulf %select_n3A, %select_n3A : vector<64x2048xf32>
    %mul3A_10 = arith.mulf %mul3A_9, %mul3A_9 : vector<64x2048xf32>
    %mul3A_11 = arith.mulf %mul3A_10, %mul3A_10 : vector<64x2048xf32>
    %mul3A_12 = arith.mulf %mul3A_11, %mul3A_11 : vector<64x2048xf32>
    %mul3A_13 = arith.mulf %mul3A_12, %mul3A_12 : vector<64x2048xf32>
    %mul3A_14 = arith.mulf %mul3A_13, %mul3A_12 : vector<64x2048xf32>
    %mul3A_15 = arith.mulf %mul3A_14, %mul3A_9 : vector<64x2048xf32>
    %jit3A_16 = arith.constant 0.000000e+00 : f32
    %broadcast_in_dim3A_17 = vector.broadcast %jit3A_16 : f32 to vector<64x2048xf32>
    %select_n3A_18 = arith.select %lt3A_5, %mul3A_15, %broadcast_in_dim3A_17 : vector<64x2048xi1>, vector<64x2048xf32>
    %reduce_sum3A = arith.constant dense<0.000000e+00> : vector<64xf32>
    %reduce_sum3A_19 = vector.multi_reduction <add>, %select_n3A_18, %reduce_sum3A [1] : vector<64x2048xf32> to vector<64xf32>
    %broadcast_in_dim3A_20 = vector.shape_cast %reduce_sum3A_19 : vector<64xf32> to vector<64x1xf32>
    %iota3A_21 = tpu.iota {dimensions = array<i32: 1>} : vector<64x128xi32>
    %iota3A_22 = tpu.iota {dimensions = array<i32: 1>} : vector<64x1024xi32>
    %eq3A = arith.constant 0 : i32
    %eq3A_23 = arith.cmpi eq, %arg0, %eq3A : i32
    %convert_element_type3A = arith.extui %eq3A_23 : i1 to i32
    %cond3A = arith.constant 0 : i32
    %cond3A_24 = arith.cmpi ne, %convert_element_type3A, %cond3A : i32
    scf.if %cond3A_24 {
      %broadcast_in_dim3A_305 = arith.constant 0.000000e+00 : f32
      %broadcast_in_dim3A_306 = vector.broadcast %broadcast_in_dim3A_305 : f32 to vector<64x128xf32>
      %swap3A_307 = arith.constant 0 : index
      %swap3A_308 = arith.constant 0 : index
      %swap3A_309 = vector.load %arg5[%swap3A_307, %swap3A_308] : memref<64x128xf32, #tpu.memory_space<vmem>>, vector<64x128xf32>
      tpu.vector_store %arg5[%swap3A_307, %swap3A_308], %broadcast_in_dim3A_306 {strides = array<i32>} : memref<64x128xf32, #tpu.memory_space<vmem>>, vector<64x128xf32>,
      %broadcast_in_dim3A_310 = arith.constant 0.000000e+00 : f32
      %broadcast_in_dim3A_311 = vector.broadcast %broadcast_in_dim3A_310 : f32 to vector<64x1024xf32>
      %swap3A_312 = arith.constant 0 : index
      %swap3A_313 = arith.constant 0 : index
      %swap3A_314 = vector.load %arg6[%swap3A_312, %swap3A_313] : memref<64x1024xf32, #tpu.memory_space<vmem>>, vector<64x1024xf32>
      tpu.vector_store %arg6[%swap3A_312, %swap3A_313], %broadcast_in_dim3A_311 {strides = array<i32>} : memref<64x1024xf32, #tpu.memory_space<vmem>>, vector<64x1024xf32>,
    } else {
    }
    %get3A_25 = arith.constant 0 : index
    %get3A_26 = arith.constant 0 : index
    %get3A_27 = vector.load %arg5[%get3A_25, %get3A_26] : memref<64x128xf32, #tpu.memory_space<vmem>>, vector<64x128xf32>
    %eq3A_28 = arith.constant 0 : i32
    %eq3A_29 = vector.broadcast %eq3A_28 : i32 to vector<64x128xi32>
    %eq3A_30 = arith.cmpi eq, %iota3A_21, %eq3A_29 : vector<64x128xi32>
    %jit3A_31 = arith.constant 0.000000e+00 : f32
    %broadcast_in_dim3A_32 = vector.shape_cast %broadcast_in_dim3A_20 : vector<64x1xf32> to vector<64x1xf32>
    %broadcast_in_dim3A_33 = vector.broadcast %broadcast_in_dim3A_32 : vector<64x1xf32> to vector<64x128xf32>
    %broadcast_in_dim3A_34 = vector.broadcast %jit3A_31 : f32 to vector<64x128xf32>
    %select_n3A_35 = arith.select %eq3A_30, %broadcast_in_dim3A_33, %broadcast_in_dim3A_34 : vector<64x128xi1>, vector<64x128xf32>
    %add3A_36 = arith.addf %get3A_27, %select_n3A_35 : vector<64x128xf32>
    %swap3A = arith.constant 0 : index
    %swap3A_37 = arith.constant 0 : index
    %swap3A_38 = vector.load %arg5[%swap3A, %swap3A_37] : memref<64x128xf32, #tpu.memory_space<vmem>>, vector<64x128xf32>
    tpu.vector_store %arg5[%swap3A, %swap3A_37], %add3A_36 {strides = array<i32>} : memref<64x128xf32, #tpu.memory_space<vmem>>, vector<64x128xf32>,
    %get3A_39 = arith.constant 0 : index
    %get3A_40 = arith.constant 0 : index
    %get3A_41 = vector.load %arg6[%get3A_39, %get3A_40] : memref<64x1024xf32, #tpu.memory_space<vmem>>, vector<64x1024xf32>
    %slice3A = vector.extract_strided_slice %select_n3A {offsets = [0, 0], sizes = [64, 128], strides = [1, 1]} : vector<64x2048xf32> to vector<64x128xf32>
    %reduce_sum3A_42 = arith.constant dense<0.000000e+00> : vector<64xf32>
    %reduce_sum3A_43 = vector.multi_reduction <add>, %slice3A, %reduce_sum3A_42 [1] : vector<64x128xf32> to vector<64xf32>
    %broadcast_in_dim3A_44 = vector.shape_cast %reduce_sum3A_43 : vector<64xf32> to vector<64x1xf32>
    %mul3A_45 = arith.constant 16 : i32
    %mul3A_46 = arith.muli %arg0, %mul3A_45 : i32
    %add3A_47 = arith.constant 0 : i32
    %add3A_48 = arith.addi %mul3A_46, %add3A_47 : i32
    %eq3A_49 = vector.broadcast %add3A_48 : i32 to vector<64x1024xi32>
    %eq3A_50 = arith.cmpi eq, %iota3A_22, %eq3A_49 : vector<64x1024xi32>
    %jit3A_51 = arith.constant 0.000000e+00 : f32
    %broadcast_in_dim3A_52 = vector.shape_cast %broadcast_in_dim3A_44 : vector<64x1xf32> to vector<64x1xf32>
    %broadcast_in_dim3A_53 = vector.broadcast %broadcast_in_dim3A_52 : vector<64x1xf32> to vector<64x1024xf32>
    %broadcast_in_dim3A_54 = vector.broadcast %jit3A_51 : f32 to vector<64x1024xf32>
    %select_n3A_55 = arith.select %eq3A_50, %broadcast_in_dim3A_53, %broadcast_in_dim3A_54 : vector<64x1024xi1>, vector<64x1024xf32>
    %add3A_56 = arith.addf %get3A_41, %select_n3A_55 : vector<64x1024xf32>
    %slice3A_57 = vector.extract_strided_slice %select_n3A {offsets = [0, 128], sizes = [64, 128], strides = [1, 1]} : vector<64x2048xf32> to vector<64x128xf32>
    %reduce_sum3A_58 = arith.constant dense<0.000000e+00> : vector<64xf32>
    %reduce_sum3A_59 = vector.multi_reduction <add>, %slice3A_57, %reduce_sum3A_58 [1] : vector<64x128xf32> to vector<64xf32>
    %broadcast_in_dim3A_60 = vector.shape_cast %reduce_sum3A_59 : vector<64xf32> to vector<64x1xf32>
    %mul3A_61 = arith.constant 16 : i32
    %mul3A_62 = arith.muli %arg0, %mul3A_61 : i32
    %add3A_63 = arith.constant 1 : i32
    %add3A_64 = arith.addi %mul3A_62, %add3A_63 : i32
    %eq3A_65 = vector.broadcast %add3A_64 : i32 to vector<64x1024xi32>
    %eq3A_66 = arith.cmpi eq, %iota3A_22, %eq3A_65 : vector<64x1024xi32>
    %jit3A_67 = arith.constant 0.000000e+00 : f32
    %broadcast_in_dim3A_68 = vector.shape_cast %broadcast_in_dim3A_60 : vector<64x1xf32> to vector<64x1xf32>
    %broadcast_in_dim3A_69 = vector.broadcast %broadcast_in_dim3A_68 : vector<64x1xf32> to vector<64x1024xf32>
    %broadcast_in_dim3A_70 = vector.broadcast %jit3A_67 : f32 to vector<64x1024xf32>
    %select_n3A_71 = arith.select %eq3A_66, %broadcast_in_dim3A_69, %broadcast_in_dim3A_70 : vector<64x1024xi1>, vector<64x1024xf32>
    %add3A_72 = arith.addf %add3A_56, %select_n3A_71 : vector<64x1024xf32>
    %slice3A_73 = vector.extract_strided_slice %select_n3A {offsets = [0, 256], sizes = [64, 128], strides = [1, 1]} : vector<64x2048xf32> to vector<64x128xf32>
    %reduce_sum3A_74 = arith.constant dense<0.000000e+00> : vector<64xf32>
    %reduce_sum3A_75 = vector.multi_reduction <add>, %slice3A_73, %reduce_sum3A_74 [1] : vector<64x128xf32> to vector<64xf32>
    %broadcast_in_dim3A_76 = vector.shape_cast %reduce_sum3A_75 : vector<64xf32> to vector<64x1xf32>
    %mul3A_77 = arith.constant 16 : i32
    %mul3A_78 = arith.muli %arg0, %mul3A_77 : i32
    %add3A_79 = arith.constant 2 : i32
    %add3A_80 = arith.addi %mul3A_78, %add3A_79 : i32
    %eq3A_81 = vector.broadcast %add3A_80 : i32 to vector<64x1024xi32>
    %eq3A_82 = arith.cmpi eq, %iota3A_22, %eq3A_81 : vector<64x1024xi32>
    %jit3A_83 = arith.constant 0.000000e+00 : f32
    %broadcast_in_dim3A_84 = vector.shape_cast %broadcast_in_dim3A_76 : vector<64x1xf32> to vector<64x1xf32>
    %broadcast_in_dim3A_85 = vector.broadcast %broadcast_in_dim3A_84 : vector<64x1xf32> to vector<64x1024xf32>
    %broadcast_in_dim3A_86 = vector.broadcast %jit3A_83 : f32 to vector<64x1024xf32>
    %select_n3A_87 = arith.select %eq3A_82, %broadcast_in_dim3A_85, %broadcast_in_dim3A_86 : vector<64x1024xi1>, vector<64x1024xf32>
    %add3A_88 = arith.addf %add3A_72, %select_n3A_87 : vector<64x1024xf32>
    %slice3A_89 = vector.extract_strided_slice %select_n3A {offsets = [0, 384], sizes = [64, 128], strides = [1, 1]} : vector<64x2048xf32> to vector<64x128xf32>
    %reduce_sum3A_90 = arith.constant dense<0.000000e+00> : vector<64xf32>
    %reduce_sum3A_91 = vector.multi_reduction <add>, %slice3A_89, %reduce_sum3A_90 [1] : vector<64x128xf32> to vector<64xf32>
    %broadcast_in_dim3A_92 = vector.shape_cast %reduce_sum3A_91 : vector<64xf32> to vector<64x1xf32>
    %mul3A_93 = arith.constant 16 : i32
    %mul3A_94 = arith.muli %arg0, %mul3A_93 : i32
    %add3A_95 = arith.constant 3 : i32
    %add3A_96 = arith.addi %mul3A_94, %add3A_95 : i32
    %eq3A_97 = vector.broadcast %add3A_96 : i32 to vector<64x1024xi32>
    %eq3A_98 = arith.cmpi eq, %iota3A_22, %eq3A_97 : vector<64x1024xi32>
    %jit3A_99 = arith.constant 0.000000e+00 : f32
    %broadcast_in_dim3A_100 = vector.shape_cast %broadcast_in_dim3A_92 : vector<64x1xf32> to vector<64x1xf32>
    %broadcast_in_dim3A_101 = vector.broadcast %broadcast_in_dim3A_100 : vector<64x1xf32> to vector<64x1024xf32>
    %broadcast_in_dim3A_102 = vector.broadcast %jit3A_99 : f32 to vector<64x1024xf32>
    %select_n3A_103 = arith.select %eq3A_98, %broadcast_in_dim3A_101, %broadcast_in_dim3A_102 : vector<64x1024xi1>, vector<64x1024xf32>
    %add3A_104 = arith.addf %add3A_88, %select_n3A_103 : vector<64x1024xf32>
    %slice3A_105 = vector.extract_strided_slice %select_n3A {offsets = [0, 512], sizes = [64, 128], strides = [1, 1]} : vector<64x2048xf32> to vector<64x128xf32>
    %reduce_sum3A_106 = arith.constant dense<0.000000e+00> : vector<64xf32>
    %reduce_sum3A_107 = vector.multi_reduction <add>, %slice3A_105, %reduce_sum3A_106 [1] : vector<64x128xf32> to vector<64xf32>
    %broadcast_in_dim3A_108 = vector.shape_cast %reduce_sum3A_107 : vector<64xf32> to vector<64x1xf32>
    %mul3A_109 = arith.constant 16 : i32
    %mul3A_110 = arith.muli %arg0, %mul3A_109 : i32
    %add3A_111 = arith.constant 4 : i32
    %add3A_112 = arith.addi %mul3A_110, %add3A_111 : i32
    %eq3A_113 = vector.broadcast %add3A_112 : i32 to vector<64x1024xi32>
    %eq3A_114 = arith.cmpi eq, %iota3A_22, %eq3A_113 : vector<64x1024xi32>
    %jit3A_115 = arith.constant 0.000000e+00 : f32
    %broadcast_in_dim3A_116 = vector.shape_cast %broadcast_in_dim3A_108 : vector<64x1xf32> to vector<64x1xf32>
    %broadcast_in_dim3A_117 = vector.broadcast %broadcast_in_dim3A_116 : vector<64x1xf32> to vector<64x1024xf32>
    %broadcast_in_dim3A_118 = vector.broadcast %jit3A_115 : f32 to vector<64x1024xf32>
    %select_n3A_119 = arith.select %eq3A_114, %broadcast_in_dim3A_117, %broadcast_in_dim3A_118 : vector<64x1024xi1>, vector<64x1024xf32>
    %add3A_120 = arith.addf %add3A_104, %select_n3A_119 : vector<64x1024xf32>
    %slice3A_121 = vector.extract_strided_slice %select_n3A {offsets = [0, 640], sizes = [64, 128], strides = [1, 1]} : vector<64x2048xf32> to vector<64x128xf32>
    %reduce_sum3A_122 = arith.constant dense<0.000000e+00> : vector<64xf32>
    %reduce_sum3A_123 = vector.multi_reduction <add>, %slice3A_121, %reduce_sum3A_122 [1] : vector<64x128xf32> to vector<64xf32>
    %broadcast_in_dim3A_124 = vector.shape_cast %reduce_sum3A_123 : vector<64xf32> to vector<64x1xf32>
    %mul3A_125 = arith.constant 16 : i32
    %mul3A_126 = arith.muli %arg0, %mul3A_125 : i32
    %add3A_127 = arith.constant 5 : i32
    %add3A_128 = arith.addi %mul3A_126, %add3A_127 : i32
    %eq3A_129 = vector.broadcast %add3A_128 : i32 to vector<64x1024xi32>
    %eq3A_130 = arith.cmpi eq, %iota3A_22, %eq3A_129 : vector<64x1024xi32>
    %jit3A_131 = arith.constant 0.000000e+00 : f32
    %broadcast_in_dim3A_132 = vector.shape_cast %broadcast_in_dim3A_124 : vector<64x1xf32> to vector<64x1xf32>
    %broadcast_in_dim3A_133 = vector.broadcast %broadcast_in_dim3A_132 : vector<64x1xf32> to vector<64x1024xf32>
    %broadcast_in_dim3A_134 = vector.broadcast %jit3A_131 : f32 to vector<64x1024xf32>
    %select_n3A_135 = arith.select %eq3A_130, %broadcast_in_dim3A_133, %broadcast_in_dim3A_134 : vector<64x1024xi1>, vector<64x1024xf32>
    %add3A_136 = arith.addf %add3A_120, %select_n3A_135 : vector<64x1024xf32>
    %slice3A_137 = vector.extract_strided_slice %select_n3A {offsets = [0, 768], sizes = [64, 128], strides = [1, 1]} : vector<64x2048xf32> to vector<64x128xf32>
    %reduce_sum3A_138 = arith.constant dense<0.000000e+00> : vector<64xf32>
    %reduce_sum3A_139 = vector.multi_reduction <add>, %slice3A_137, %reduce_sum3A_138 [1] : vector<64x128xf32> to vector<64xf32>
    %broadcast_in_dim3A_140 = vector.shape_cast %reduce_sum3A_139 : vector<64xf32> to vector<64x1xf32>
    %mul3A_141 = arith.constant 16 : i32
    %mul3A_142 = arith.muli %arg0, %mul3A_141 : i32
    %add3A_143 = arith.constant 6 : i32
    %add3A_144 = arith.addi %mul3A_142, %add3A_143 : i32
    %eq3A_145 = vector.broadcast %add3A_144 : i32 to vector<64x1024xi32>
    %eq3A_146 = arith.cmpi eq, %iota3A_22, %eq3A_145 : vector<64x1024xi32>
    %jit3A_147 = arith.constant 0.000000e+00 : f32
    %broadcast_in_dim3A_148 = vector.shape_cast %broadcast_in_dim3A_140 : vector<64x1xf32> to vector<64x1xf32>
    %broadcast_in_dim3A_149 = vector.broadcast %broadcast_in_dim3A_148 : vector<64x1xf32> to vector<64x1024xf32>
    %broadcast_in_dim3A_150 = vector.broadcast %jit3A_147 : f32 to vector<64x1024xf32>
    %select_n3A_151 = arith.select %eq3A_146, %broadcast_in_dim3A_149, %broadcast_in_dim3A_150 : vector<64x1024xi1>, vector<64x1024xf32>
    %add3A_152 = arith.addf %add3A_136, %select_n3A_151 : vector<64x1024xf32>
    %slice3A_153 = vector.extract_strided_slice %select_n3A {offsets = [0, 896], sizes = [64, 128], strides = [1, 1]} : vector<64x2048xf32> to vector<64x128xf32>
    %reduce_sum3A_154 = arith.constant dense<0.000000e+00> : vector<64xf32>
    %reduce_sum3A_155 = vector.multi_reduction <add>, %slice3A_153, %reduce_sum3A_154 [1] : vector<64x128xf32> to vector<64xf32>
    %broadcast_in_dim3A_156 = vector.shape_cast %reduce_sum3A_155 : vector<64xf32> to vector<64x1xf32>
    %mul3A_157 = arith.constant 16 : i32
    %mul3A_158 = arith.muli %arg0, %mul3A_157 : i32
    %add3A_159 = arith.constant 7 : i32
    %add3A_160 = arith.addi %mul3A_158, %add3A_159 : i32
    %eq3A_161 = vector.broadcast %add3A_160 : i32 to vector<64x1024xi32>
    %eq3A_162 = arith.cmpi eq, %iota3A_22, %eq3A_161 : vector<64x1024xi32>
    %jit3A_163 = arith.constant 0.000000e+00 : f32
    %broadcast_in_dim3A_164 = vector.shape_cast %broadcast_in_dim3A_156 : vector<64x1xf32> to vector<64x1xf32>
    %broadcast_in_dim3A_165 = vector.broadcast %broadcast_in_dim3A_164 : vector<64x1xf32> to vector<64x1024xf32>
    %broadcast_in_dim3A_166 = vector.broadcast %jit3A_163 : f32 to vector<64x1024xf32>
    %select_n3A_167 = arith.select %eq3A_162, %broadcast_in_dim3A_165, %broadcast_in_dim3A_166 : vector<64x1024xi1>, vector<64x1024xf32>
    %add3A_168 = arith.addf %add3A_152, %select_n3A_167 : vector<64x1024xf32>
    %slice3A_169 = vector.extract_strided_slice %select_n3A {offsets = [0, 1024], sizes = [64, 128], strides = [1, 1]} : vector<64x2048xf32> to vector<64x128xf32>
    %reduce_sum3A_170 = arith.constant dense<0.000000e+00> : vector<64xf32>
    %reduce_sum3A_171 = vector.multi_reduction <add>, %slice3A_169, %reduce_sum3A_170 [1] : vector<64x128xf32> to vector<64xf32>
    %broadcast_in_dim3A_172 = vector.shape_cast %reduce_sum3A_171 : vector<64xf32> to vector<64x1xf32>
    %mul3A_173 = arith.constant 16 : i32
    %mul3A_174 = arith.muli %arg0, %mul3A_173 : i32
    %add3A_175 = arith.constant 8 : i32
    %add3A_176 = arith.addi %mul3A_174, %add3A_175 : i32
    %eq3A_177 = vector.broadcast %add3A_176 : i32 to vector<64x1024xi32>
    %eq3A_178 = arith.cmpi eq, %iota3A_22, %eq3A_177 : vector<64x1024xi32>
    %jit3A_179 = arith.constant 0.000000e+00 : f32
    %broadcast_in_dim3A_180 = vector.shape_cast %broadcast_in_dim3A_172 : vector<64x1xf32> to vector<64x1xf32>
    %broadcast_in_dim3A_181 = vector.broadcast %broadcast_in_dim3A_180 : vector<64x1xf32> to vector<64x1024xf32>
    %broadcast_in_dim3A_182 = vector.broadcast %jit3A_179 : f32 to vector<64x1024xf32>
    %select_n3A_183 = arith.select %eq3A_178, %broadcast_in_dim3A_181, %broadcast_in_dim3A_182 : vector<64x1024xi1>, vector<64x1024xf32>
    %add3A_184 = arith.addf %add3A_168, %select_n3A_183 : vector<64x1024xf32>
    %slice3A_185 = vector.extract_strided_slice %select_n3A {offsets = [0, 1152], sizes = [64, 128], strides = [1, 1]} : vector<64x2048xf32> to vector<64x128xf32>
    %reduce_sum3A_186 = arith.constant dense<0.000000e+00> : vector<64xf32>
    %reduce_sum3A_187 = vector.multi_reduction <add>, %slice3A_185, %reduce_sum3A_186 [1] : vector<64x128xf32> to vector<64xf32>
    %broadcast_in_dim3A_188 = vector.shape_cast %reduce_sum3A_187 : vector<64xf32> to vector<64x1xf32>
    %mul3A_189 = arith.constant 16 : i32
    %mul3A_190 = arith.muli %arg0, %mul3A_189 : i32
    %add3A_191 = arith.constant 9 : i32
    %add3A_192 = arith.addi %mul3A_190, %add3A_191 : i32
    %eq3A_193 = vector.broadcast %add3A_192 : i32 to vector<64x1024xi32>
    %eq3A_194 = arith.cmpi eq, %iota3A_22, %eq3A_193 : vector<64x1024xi32>
    %jit3A_195 = arith.constant 0.000000e+00 : f32
    %broadcast_in_dim3A_196 = vector.shape_cast %broadcast_in_dim3A_188 : vector<64x1xf32> to vector<64x1xf32>
    %broadcast_in_dim3A_197 = vector.broadcast %broadcast_in_dim3A_196 : vector<64x1xf32> to vector<64x1024xf32>
    %broadcast_in_dim3A_198 = vector.broadcast %jit3A_195 : f32 to vector<64x1024xf32>
    %select_n3A_199 = arith.select %eq3A_194, %broadcast_in_dim3A_197, %broadcast_in_dim3A_198 : vector<64x1024xi1>, vector<64x1024xf32>
    %add3A_200 = arith.addf %add3A_184, %select_n3A_199 : vector<64x1024xf32>
    %slice3A_201 = vector.extract_strided_slice %select_n3A {offsets = [0, 1280], sizes = [64, 128], strides = [1, 1]} : vector<64x2048xf32> to vector<64x128xf32>
    %reduce_sum3A_202 = arith.constant dense<0.000000e+00> : vector<64xf32>
    %reduce_sum3A_203 = vector.multi_reduction <add>, %slice3A_201, %reduce_sum3A_202 [1] : vector<64x128xf32> to vector<64xf32>
    %broadcast_in_dim3A_204 = vector.shape_cast %reduce_sum3A_203 : vector<64xf32> to vector<64x1xf32>
    %mul3A_205 = arith.constant 16 : i32
    %mul3A_206 = arith.muli %arg0, %mul3A_205 : i32
    %add3A_207 = arith.constant 10 : i32
    %add3A_208 = arith.addi %mul3A_206, %add3A_207 : i32
    %eq3A_209 = vector.broadcast %add3A_208 : i32 to vector<64x1024xi32>
    %eq3A_210 = arith.cmpi eq, %iota3A_22, %eq3A_209 : vector<64x1024xi32>
    %jit3A_211 = arith.constant 0.000000e+00 : f32
    %broadcast_in_dim3A_212 = vector.shape_cast %broadcast_in_dim3A_204 : vector<64x1xf32> to vector<64x1xf32>
    %broadcast_in_dim3A_213 = vector.broadcast %broadcast_in_dim3A_212 : vector<64x1xf32> to vector<64x1024xf32>
    %broadcast_in_dim3A_214 = vector.broadcast %jit3A_211 : f32 to vector<64x1024xf32>
    %select_n3A_215 = arith.select %eq3A_210, %broadcast_in_dim3A_213, %broadcast_in_dim3A_214 : vector<64x1024xi1>, vector<64x1024xf32>
    %add3A_216 = arith.addf %add3A_200, %select_n3A_215 : vector<64x1024xf32>
    %slice3A_217 = vector.extract_strided_slice %select_n3A {offsets = [0, 1408], sizes = [64, 128], strides = [1, 1]} : vector<64x2048xf32> to vector<64x128xf32>
    %reduce_sum3A_218 = arith.constant dense<0.000000e+00> : vector<64xf32>
    %reduce_sum3A_219 = vector.multi_reduction <add>, %slice3A_217, %reduce_sum3A_218 [1] : vector<64x128xf32> to vector<64xf32>
    %broadcast_in_dim3A_220 = vector.shape_cast %reduce_sum3A_219 : vector<64xf32> to vector<64x1xf32>
    %mul3A_221 = arith.constant 16 : i32
    %mul3A_222 = arith.muli %arg0, %mul3A_221 : i32
    %add3A_223 = arith.constant 11 : i32
    %add3A_224 = arith.addi %mul3A_222, %add3A_223 : i32
    %eq3A_225 = vector.broadcast %add3A_224 : i32 to vector<64x1024xi32>
    %eq3A_226 = arith.cmpi eq, %iota3A_22, %eq3A_225 : vector<64x1024xi32>
    %jit3A_227 = arith.constant 0.000000e+00 : f32
    %broadcast_in_dim3A_228 = vector.shape_cast %broadcast_in_dim3A_220 : vector<64x1xf32> to vector<64x1xf32>
    %broadcast_in_dim3A_229 = vector.broadcast %broadcast_in_dim3A_228 : vector<64x1xf32> to vector<64x1024xf32>
    %broadcast_in_dim3A_230 = vector.broadcast %jit3A_227 : f32 to vector<64x1024xf32>
    %select_n3A_231 = arith.select %eq3A_226, %broadcast_in_dim3A_229, %broadcast_in_dim3A_230 : vector<64x1024xi1>, vector<64x1024xf32>
    %add3A_232 = arith.addf %add3A_216, %select_n3A_231 : vector<64x1024xf32>
    %slice3A_233 = vector.extract_strided_slice %select_n3A {offsets = [0, 1536], sizes = [64, 128], strides = [1, 1]} : vector<64x2048xf32> to vector<64x128xf32>
    %reduce_sum3A_234 = arith.constant dense<0.000000e+00> : vector<64xf32>
    %reduce_sum3A_235 = vector.multi_reduction <add>, %slice3A_233, %reduce_sum3A_234 [1] : vector<64x128xf32> to vector<64xf32>
    %broadcast_in_dim3A_236 = vector.shape_cast %reduce_sum3A_235 : vector<64xf32> to vector<64x1xf32>
    %mul3A_237 = arith.constant 16 : i32
    %mul3A_238 = arith.muli %arg0, %mul3A_237 : i32
    %add3A_239 = arith.constant 12 : i32
    %add3A_240 = arith.addi %mul3A_238, %add3A_239 : i32
    %eq3A_241 = vector.broadcast %add3A_240 : i32 to vector<64x1024xi32>
    %eq3A_242 = arith.cmpi eq, %iota3A_22, %eq3A_241 : vector<64x1024xi32>
    %jit3A_243 = arith.constant 0.000000e+00 : f32
    %broadcast_in_dim3A_244 = vector.shape_cast %broadcast_in_dim3A_236 : vector<64x1xf32> to vector<64x1xf32>
    %broadcast_in_dim3A_245 = vector.broadcast %broadcast_in_dim3A_244 : vector<64x1xf32> to vector<64x1024xf32>
    %broadcast_in_dim3A_246 = vector.broadcast %jit3A_243 : f32 to vector<64x1024xf32>
    %select_n3A_247 = arith.select %eq3A_242, %broadcast_in_dim3A_245, %broadcast_in_dim3A_246 : vector<64x1024xi1>, vector<64x1024xf32>
    %add3A_248 = arith.addf %add3A_232, %select_n3A_247 : vector<64x1024xf32>
    %slice3A_249 = vector.extract_strided_slice %select_n3A {offsets = [0, 1664], sizes = [64, 128], strides = [1, 1]} : vector<64x2048xf32> to vector<64x128xf32>
    %reduce_sum3A_250 = arith.constant dense<0.000000e+00> : vector<64xf32>
    %reduce_sum3A_251 = vector.multi_reduction <add>, %slice3A_249, %reduce_sum3A_250 [1] : vector<64x128xf32> to vector<64xf32>
    %broadcast_in_dim3A_252 = vector.shape_cast %reduce_sum3A_251 : vector<64xf32> to vector<64x1xf32>
    %mul3A_253 = arith.constant 16 : i32
    %mul3A_254 = arith.muli %arg0, %mul3A_253 : i32
    %add3A_255 = arith.constant 13 : i32
    %add3A_256 = arith.addi %mul3A_254, %add3A_255 : i32
    %eq3A_257 = vector.broadcast %add3A_256 : i32 to vector<64x1024xi32>
    %eq3A_258 = arith.cmpi eq, %iota3A_22, %eq3A_257 : vector<64x1024xi32>
    %jit3A_259 = arith.constant 0.000000e+00 : f32
    %broadcast_in_dim3A_260 = vector.shape_cast %broadcast_in_dim3A_252 : vector<64x1xf32> to vector<64x1xf32>
    %broadcast_in_dim3A_261 = vector.broadcast %broadcast_in_dim3A_260 : vector<64x1xf32> to vector<64x1024xf32>
    %broadcast_in_dim3A_262 = vector.broadcast %jit3A_259 : f32 to vector<64x1024xf32>
    %select_n3A_263 = arith.select %eq3A_258, %broadcast_in_dim3A_261, %broadcast_in_dim3A_262 : vector<64x1024xi1>, vector<64x1024xf32>
    %add3A_264 = arith.addf %add3A_248, %select_n3A_263 : vector<64x1024xf32>
    %slice3A_265 = vector.extract_strided_slice %select_n3A {offsets = [0, 1792], sizes = [64, 128], strides = [1, 1]} : vector<64x2048xf32> to vector<64x128xf32>
    %reduce_sum3A_266 = arith.constant dense<0.000000e+00> : vector<64xf32>
    %reduce_sum3A_267 = vector.multi_reduction <add>, %slice3A_265, %reduce_sum3A_266 [1] : vector<64x128xf32> to vector<64xf32>
    %broadcast_in_dim3A_268 = vector.shape_cast %reduce_sum3A_267 : vector<64xf32> to vector<64x1xf32>
    %mul3A_269 = arith.constant 16 : i32
    %mul3A_270 = arith.muli %arg0, %mul3A_269 : i32
    %add3A_271 = arith.constant 14 : i32
    %add3A_272 = arith.addi %mul3A_270, %add3A_271 : i32
    %eq3A_273 = vector.broadcast %add3A_272 : i32 to vector<64x1024xi32>
    %eq3A_274 = arith.cmpi eq, %iota3A_22, %eq3A_273 : vector<64x1024xi32>
    %jit3A_275 = arith.constant 0.000000e+00 : f32
    %broadcast_in_dim3A_276 = vector.shape_cast %broadcast_in_dim3A_268 : vector<64x1xf32> to vector<64x1xf32>
    %broadcast_in_dim3A_277 = vector.broadcast %broadcast_in_dim3A_276 : vector<64x1xf32> to vector<64x1024xf32>
    %broadcast_in_dim3A_278 = vector.broadcast %jit3A_275 : f32 to vector<64x1024xf32>
    %select_n3A_279 = arith.select %eq3A_274, %broadcast_in_dim3A_277, %broadcast_in_dim3A_278 : vector<64x1024xi1>, vector<64x1024xf32>
    %add3A_280 = arith.addf %add3A_264, %select_n3A_279 : vector<64x1024xf32>
    %slice3A_281 = vector.extract_strided_slice %select_n3A {offsets = [0, 1920], sizes = [64, 128], strides = [1, 1]} : vector<64x2048xf32> to vector<64x128xf32>
    %reduce_sum3A_282 = arith.constant dense<0.000000e+00> : vector<64xf32>
    %reduce_sum3A_283 = vector.multi_reduction <add>, %slice3A_281, %reduce_sum3A_282 [1] : vector<64x128xf32> to vector<64xf32>
    %broadcast_in_dim3A_284 = vector.shape_cast %reduce_sum3A_283 : vector<64xf32> to vector<64x1xf32>
    %mul3A_285 = arith.constant 16 : i32
    %mul3A_286 = arith.muli %arg0, %mul3A_285 : i32
    %add3A_287 = arith.constant 15 : i32
    %add3A_288 = arith.addi %mul3A_286, %add3A_287 : i32
    %eq3A_289 = vector.broadcast %add3A_288 : i32 to vector<64x1024xi32>
    %eq3A_290 = arith.cmpi eq, %iota3A_22, %eq3A_289 : vector<64x1024xi32>
    %jit3A_291 = arith.constant 0.000000e+00 : f32
    %broadcast_in_dim3A_292 = vector.shape_cast %broadcast_in_dim3A_284 : vector<64x1xf32> to vector<64x1xf32>
    %broadcast_in_dim3A_293 = vector.broadcast %broadcast_in_dim3A_292 : vector<64x1xf32> to vector<64x1024xf32>
    %broadcast_in_dim3A_294 = vector.broadcast %jit3A_291 : f32 to vector<64x1024xf32>
    %select_n3A_295 = arith.select %eq3A_290, %broadcast_in_dim3A_293, %broadcast_in_dim3A_294 : vector<64x1024xi1>, vector<64x1024xf32>
    %add3A_296 = arith.addf %add3A_280, %select_n3A_295 : vector<64x1024xf32>
    %swap3A_297 = arith.constant 0 : index
    %swap3A_298 = arith.constant 0 : index
    %swap3A_299 = vector.load %arg6[%swap3A_297, %swap3A_298] : memref<64x1024xf32, #tpu.memory_space<vmem>>, vector<64x1024xf32>
    tpu.vector_store %arg6[%swap3A_297, %swap3A_298], %add3A_296 {strides = array<i32>} : memref<64x1024xf32, #tpu.memory_space<vmem>>, vector<64x1024xf32>,
    %eq3A_300 = arith.constant 48 : i32
    %eq3A_301 = arith.cmpi eq, %arg0, %eq3A_300 : i32
    %convert_element_type3A_302 = arith.extui %eq3A_301 : i1 to i32
    %cond3A_303 = arith.constant 0 : i32
    %cond3A_304 = arith.cmpi ne, %convert_element_type3A_302, %cond3A_303 : i32
    scf.if %cond3A_304 {
      %get3A_305 = arith.constant 0 : index
      %get3A_306 = arith.constant 0 : index
      %get3A_307 = vector.load %arg5[%get3A_305, %get3A_306] : memref<64x128xf32, #tpu.memory_space<vmem>>, vector<64x128xf32>
      %reduce_sum3A_308 = arith.constant dense<0.000000e+00> : vector<64xf32>
      %reduce_sum3A_309 = vector.multi_reduction <add>, %get3A_307, %reduce_sum3A_308 [1] : vector<64x128xf32> to vector<64xf32>
      %broadcast_in_dim3A_310 = vector.shape_cast %reduce_sum3A_309 : vector<64xf32> to vector<64x1xf32>
      %log3A = math.log %broadcast_in_dim3A_310 : vector<64x1xf32>
      %get3A_311 = arith.constant 0 : index
      %get3A_312 = arith.constant 0 : index
      %get3A_313 = vector.load %arg2[%get3A_311, %get3A_312] : memref<64x128xf32, #tpu.memory_space<vmem>>, vector<64x1xf32>
      %get3A_314 = arith.constant 0 : index
      %get3A_315 = arith.constant 1 : index
      %get3A_316 = vector.load %arg2[%get3A_314, %get3A_315] : memref<64x128xf32, #tpu.memory_space<vmem>>, vector<64x1xf32>
      %get3A_317 = arith.constant 0 : index
      %get3A_318 = arith.constant 2 : index
      %get3A_319 = vector.load %arg2[%get3A_317, %get3A_318] : memref<64x128xf32, #tpu.memory_space<vmem>>, vector<64x1xf32>
      %get3A_320 = arith.constant 0 : index
      %get3A_321 = arith.constant 3 : index
      %get3A_322 = vector.load %arg2[%get3A_320, %get3A_321] : memref<64x128xf32, #tpu.memory_space<vmem>>, vector<64x1xf32>
      %mul3A_323 = arith.constant 5.000000e+01 : f32
      %mul3A_324 = vector.broadcast %mul3A_323 : f32 to vector<64x1xf32>
      %mul3A_325 = arith.mulf %mul3A_324, %get3A_319 : vector<64x1xf32>
      %add3A_326 = arith.constant 1.000000e+03 : f32
      %add3A_327 = vector.broadcast %add3A_326 : f32 to vector<64x1xf32>
      %add3A_328 = arith.addf %add3A_327, %mul3A_325 : vector<64x1xf32>
      %add3A_329 = arith.addf %log3A, %add3A_328 : vector<64x1xf32>
      %sub3A = arith.constant 90.6346207 : f32
      %sub3A_330 = vector.broadcast %sub3A : f32 to vector<64x1xf32>
      %sub3A_331 = arith.subf %add3A_329, %sub3A_330 : vector<64x1xf32>
      %log3A_332 = math.log %get3A_316 : vector<64x1xf32>
      %add3A_333 = arith.constant -6.90775537 : f32
      %add3A_334 = vector.broadcast %add3A_333 : f32 to vector<64x1xf32>
      %add3A_335 = arith.addf %sub3A_331, %add3A_334 : vector<64x1xf32>
      %lt3A_336 = arith.cmpf olt, %log3A_332, %add3A_335 : vector<64x1xf32>
      %convert_element_type3A_337 = arith.extui %lt3A_336 : vector<64x1xi1> to vector<64x1xi32>
      %convert_element_type3A_338 = arith.sitofp %convert_element_type3A_337 : vector<64x1xi32> to vector<64x1xf32>
      %mul3A_339 = arith.constant 2.000000e-02 : f32
      %mul3A_340 = vector.broadcast %mul3A_339 : f32 to vector<64x1xf32>
      %mul3A_341 = arith.mulf %log3A, %mul3A_340 : vector<64x1xf32>
      %exp3A_342 = math.exp %mul3A_341 : vector<64x1xf32>
      %mul3A_343 = arith.mulf %get3A_313, %exp3A_342 : vector<64x1xf32>
      %get3A_344 = arith.constant 0 : index
      %get3A_345 = arith.constant 0 : index
      %get3A_346 = vector.load %arg6[%get3A_344, %get3A_345] : memref<64x1024xf32, #tpu.memory_space<vmem>>, vector<64x1024xf32>
      %broadcast_in_dim3A_347 = arith.constant 0.000000e+00 : f32
      %broadcast_in_dim3A_348 = vector.broadcast %broadcast_in_dim3A_347 : f32 to vector<64x1xf32>
      %slice3A_349 = vector.extract_strided_slice %get3A_346 {offsets = [0, 0], sizes = [64, 1023], strides = [1, 1]} : vector<64x1024xf32> to vector<64x1023xf32>
      %concatenate3A = tpu.concatenate %broadcast_in_dim3A_348, %slice3A_349 in 1 : vector<64x1xf32>, vector<64x1023xf32> -> vector<64x1024xf32>
      %add3A_350 = arith.addf %get3A_346, %concatenate3A : vector<64x1024xf32>
      %broadcast_in_dim3A_351 = arith.constant 0.000000e+00 : f32
      %broadcast_in_dim3A_352 = vector.broadcast %broadcast_in_dim3A_351 : f32 to vector<64x2xf32>
      %slice3A_353 = vector.extract_strided_slice %add3A_350 {offsets = [0, 0], sizes = [64, 1022], strides = [1, 1]} : vector<64x1024xf32> to vector<64x1022xf32>
      %concatenate3A_354 = tpu.concatenate %broadcast_in_dim3A_352, %slice3A_353 in 1 : vector<64x2xf32>, vector<64x1022xf32> -> vector<64x1024xf32>
      %add3A_355 = arith.addf %add3A_350, %concatenate3A_354 : vector<64x1024xf32>
      %broadcast_in_dim3A_356 = arith.constant 0.000000e+00 : f32
      %broadcast_in_dim3A_357 = vector.broadcast %broadcast_in_dim3A_356 : f32 to vector<64x4xf32>
      %slice3A_358 = vector.extract_strided_slice %add3A_355 {offsets = [0, 0], sizes = [64, 1020], strides = [1, 1]} : vector<64x1024xf32> to vector<64x1020xf32>
      %concatenate3A_359 = tpu.concatenate %broadcast_in_dim3A_357, %slice3A_358 in 1 : vector<64x4xf32>, vector<64x1020xf32> -> vector<64x1024xf32>
      %add3A_360 = arith.addf %add3A_355, %concatenate3A_359 : vector<64x1024xf32>
      %broadcast_in_dim3A_361 = arith.constant 0.000000e+00 : f32
      %broadcast_in_dim3A_362 = vector.broadcast %broadcast_in_dim3A_361 : f32 to vector<64x8xf32>
      %slice3A_363 = vector.extract_strided_slice %add3A_360 {offsets = [0, 0], sizes = [64, 1016], strides = [1, 1]} : vector<64x1024xf32> to vector<64x1016xf32>
      %concatenate3A_364 = tpu.concatenate %broadcast_in_dim3A_362, %slice3A_363 in 1 : vector<64x8xf32>, vector<64x1016xf32> -> vector<64x1024xf32>
      %add3A_365 = arith.addf %add3A_360, %concatenate3A_364 : vector<64x1024xf32>
      %broadcast_in_dim3A_366 = arith.constant 0.000000e+00 : f32
      %broadcast_in_dim3A_367 = vector.broadcast %broadcast_in_dim3A_366 : f32 to vector<64x16xf32>
      %slice3A_368 = vector.extract_strided_slice %add3A_365 {offsets = [0, 0], sizes = [64, 1008], strides = [1, 1]} : vector<64x1024xf32> to vector<64x1008xf32>
      %concatenate3A_369 = tpu.concatenate %broadcast_in_dim3A_367, %slice3A_368 in 1 : vector<64x16xf32>, vector<64x1008xf32> -> vector<64x1024xf32>
      %add3A_370 = arith.addf %add3A_365, %concatenate3A_369 : vector<64x1024xf32>
      %broadcast_in_dim3A_371 = arith.constant 0.000000e+00 : f32
      %broadcast_in_dim3A_372 = vector.broadcast %broadcast_in_dim3A_371 : f32 to vector<64x32xf32>
      %slice3A_373 = vector.extract_strided_slice %add3A_370 {offsets = [0, 0], sizes = [64, 992], strides = [1, 1]} : vector<64x1024xf32> to vector<64x992xf32>
      %concatenate3A_374 = tpu.concatenate %broadcast_in_dim3A_372, %slice3A_373 in 1 : vector<64x32xf32>, vector<64x992xf32> -> vector<64x1024xf32>
      %add3A_375 = arith.addf %add3A_370, %concatenate3A_374 : vector<64x1024xf32>
      %broadcast_in_dim3A_376 = arith.constant 0.000000e+00 : f32
      %broadcast_in_dim3A_377 = vector.broadcast %broadcast_in_dim3A_376 : f32 to vector<64x64xf32>
      %slice3A_378 = vector.extract_strided_slice %add3A_375 {offsets = [0, 0], sizes = [64, 960], strides = [1, 1]} : vector<64x1024xf32> to vector<64x960xf32>
      %concatenate3A_379 = tpu.concatenate %broadcast_in_dim3A_377, %slice3A_378 in 1 : vector<64x64xf32>, vector<64x960xf32> -> vector<64x1024xf32>
      %add3A_380 = arith.addf %add3A_375, %concatenate3A_379 : vector<64x1024xf32>
      %broadcast_in_dim3A_381 = arith.constant 0.000000e+00 : f32
      %broadcast_in_dim3A_382 = vector.broadcast %broadcast_in_dim3A_381 : f32 to vector<64x128xf32>
      %slice3A_383 = vector.extract_strided_slice %add3A_380 {offsets = [0, 0], sizes = [64, 896], strides = [1, 1]} : vector<64x1024xf32> to vector<64x896xf32>
      %concatenate3A_384 = tpu.concatenate %broadcast_in_dim3A_382, %slice3A_383 in 1 : vector<64x128xf32>, vector<64x896xf32> -> vector<64x1024xf32>
      %add3A_385 = arith.addf %add3A_380, %concatenate3A_384 : vector<64x1024xf32>
      %broadcast_in_dim3A_386 = arith.constant 0.000000e+00 : f32
      %broadcast_in_dim3A_387 = vector.broadcast %broadcast_in_dim3A_386 : f32 to vector<64x256xf32>
      %slice3A_388 = vector.extract_strided_slice %add3A_385 {offsets = [0, 0], sizes = [64, 768], strides = [1, 1]} : vector<64x1024xf32> to vector<64x768xf32>
      %concatenate3A_389 = tpu.concatenate %broadcast_in_dim3A_387, %slice3A_388 in 1 : vector<64x256xf32>, vector<64x768xf32> -> vector<64x1024xf32>
      %add3A_390 = arith.addf %add3A_385, %concatenate3A_389 : vector<64x1024xf32>
      %broadcast_in_dim3A_391 = arith.constant 0.000000e+00 : f32
      %broadcast_in_dim3A_392 = vector.broadcast %broadcast_in_dim3A_391 : f32 to vector<64x512xf32>
      %slice3A_393 = vector.extract_strided_slice %add3A_390 {offsets = [0, 0], sizes = [64, 512], strides = [1, 1]} : vector<64x1024xf32> to vector<64x512xf32>
      %concatenate3A_394 = tpu.concatenate %broadcast_in_dim3A_392, %slice3A_393 in 1 : vector<64x512xf32>, vector<64x512xf32> -> vector<64x1024xf32>
      %add3A_395 = arith.addf %add3A_390, %concatenate3A_394 : vector<64x1024xf32>
      %ge3A = vector.broadcast %mul3A_343 : vector<64x1xf32> to vector<64x1024xf32>
      %ge3A_396 = arith.cmpf oge, %add3A_395, %ge3A : vector<64x1024xf32>
      %jit3A_397 = arith.constant 1073741824 : i32
      %broadcast_in_dim3A_398 = vector.broadcast %jit3A_397 : i32 to vector<64x1024xi32>
      %select_n3A_399 = arith.select %ge3A_396, %iota3A_22, %broadcast_in_dim3A_398 : vector<64x1024xi1>, vector<64x1024xi32>
      %reduce_min3A = arith.constant dense<2147483647> : vector<64xi32>
      %reduce_min3A_400 = vector.multi_reduction <minsi>, %select_n3A_399, %reduce_min3A [1] : vector<64x1024xi32> to vector<64xi32>
      %broadcast_in_dim3A_401 = vector.shape_cast %reduce_min3A_400 : vector<64xi32> to vector<64x1xi32>
      %lt3A_402 = arith.constant 1073741824 : i32
      %lt3A_403 = vector.broadcast %lt3A_402 : i32 to vector<64x1xi32>
      %lt3A_404 = arith.cmpi slt, %broadcast_in_dim3A_401, %lt3A_403 : vector<64x1xi32>
      %convert_element_type3A_405 = arith.extui %lt3A_404 : vector<64x1xi1> to vector<64x1xi32>
      %convert_element_type3A_406 = arith.sitofp %convert_element_type3A_405 : vector<64x1xi32> to vector<64x1xf32>
      %lt3A_407 = vector.broadcast %broadcast_in_dim3A_401 : vector<64x1xi32> to vector<64x1024xi32>
      %lt3A_408 = arith.cmpi slt, %iota3A_22, %lt3A_407 : vector<64x1024xi32>
      %jit3A_409 = arith.constant 0.000000e+00 : f32
      %broadcast_in_dim3A_410 = vector.broadcast %jit3A_409 : f32 to vector<64x1024xf32>
      %select_n3A_411 = arith.select %lt3A_408, %add3A_395, %broadcast_in_dim3A_410 : vector<64x1024xi1>, vector<64x1024xf32>
      %reduce_max3A = arith.constant dense<0xFF800000> : vector<64xf32>
      %reduce_max3A_412 = vector.multi_reduction <maximumf>, %select_n3A_411, %reduce_max3A [1] : vector<64x1024xf32> to vector<64xf32>
      %broadcast_in_dim3A_413 = vector.shape_cast %reduce_max3A_412 : vector<64xf32> to vector<64x1xf32>
      %sub3A_414 = arith.subf %mul3A_343, %broadcast_in_dim3A_413 : vector<64x1xf32>
      %lt3A_415 = arith.constant 1073741824 : i32
      %lt3A_416 = vector.broadcast %lt3A_415 : i32 to vector<64x1xi32>
      %lt3A_417 = arith.cmpi slt, %broadcast_in_dim3A_401, %lt3A_416 : vector<64x1xi32>
      %jit3A_418 = arith.constant 0 : i32
      %broadcast_in_dim3A_419 = vector.broadcast %jit3A_418 : i32 to vector<64x1xi32>
      %select_n3A_420 = arith.select %lt3A_417, %broadcast_in_dim3A_401, %broadcast_in_dim3A_419 : vector<64x1xi1>, vector<64x1xi32>
      %mul3A_421 = arith.constant 3.000000e+03 : f32
      %mul3A_422 = vector.broadcast %mul3A_421 : f32 to vector<64x1xf32>
      %mul3A_423 = arith.mulf %convert_element_type3A_338, %mul3A_422 : vector<64x1xf32>
      %add3A_424 = arith.constant 164.839981 : f32
      %add3A_425 = vector.broadcast %add3A_424 : f32 to vector<64x1xf32>
      %add3A_426 = arith.addf %add3A_425, %mul3A_423 : vector<64x1xf32>
      %sub3A_427 = arith.constant 1.000000e+03 : f32
      %sub3A_428 = vector.broadcast %sub3A_427 : f32 to vector<64x1xf32>
      %sub3A_429 = arith.subf %add3A_328, %sub3A_428 : vector<64x1xf32>
      %mul3A_430 = arith.constant 0.818730771 : f32
      %mul3A_431 = vector.broadcast %mul3A_430 : f32 to vector<64x1xf32>
      %mul3A_432 = arith.mulf %sub3A_429, %mul3A_431 : vector<64x1xf32>
      %add3A_433 = arith.constant 1.000000e+03 : f32
      %add3A_434 = vector.broadcast %add3A_433 : f32 to vector<64x1xf32>
      %add3A_435 = arith.addf %add3A_434, %mul3A_432 : vector<64x1xf32>
      %mul3A_436 = arith.constant 5.000000e+01 : f32
      %mul3A_437 = vector.broadcast %mul3A_436 : f32 to vector<64x1xf32>
      %mul3A_438 = arith.mulf %mul3A_437, %get3A_322 : vector<64x1xf32>
      %add3A_439 = arith.addf %add3A_435, %mul3A_438 : vector<64x1xf32>
      %eq3A_440 = arith.constant 0 : i32
      %eq3A_441 = vector.broadcast %eq3A_440 : i32 to vector<64x128xi32>
      %eq3A_442 = arith.cmpi eq, %iota3A_21, %eq3A_441 : vector<64x128xi32>
      %eq3A_443 = arith.constant 1 : i32
      %eq3A_444 = vector.broadcast %eq3A_443 : i32 to vector<64x128xi32>
      %eq3A_445 = arith.cmpi eq, %iota3A_21, %eq3A_444 : vector<64x128xi32>
      %eq3A_446 = arith.constant 2 : i32
      %eq3A_447 = vector.broadcast %eq3A_446 : i32 to vector<64x128xi32>
      %eq3A_448 = arith.cmpi eq, %iota3A_21, %eq3A_447 : vector<64x128xi32>
      %eq3A_449 = arith.constant 3 : i32
      %eq3A_450 = vector.broadcast %eq3A_449 : i32 to vector<64x128xi32>
      %eq3A_451 = arith.cmpi eq, %iota3A_21, %eq3A_450 : vector<64x128xi32>
      %eq3A_452 = arith.constant 4 : i32
      %eq3A_453 = vector.broadcast %eq3A_452 : i32 to vector<64x128xi32>
      %eq3A_454 = arith.cmpi eq, %iota3A_21, %eq3A_453 : vector<64x128xi32>
      %convert_element_type3A_455 = arith.sitofp %select_n3A_420 : vector<64x1xi32> to vector<64x1xf32>
      %broadcast_in_dim3A_456 = vector.shape_cast %convert_element_type3A_406 : vector<64x1xf32> to vector<64x1xf32>
      %broadcast_in_dim3A_457 = vector.broadcast %broadcast_in_dim3A_456 : vector<64x1xf32> to vector<64x128xf32>
      %broadcast_in_dim3A_458 = vector.shape_cast %convert_element_type3A_455 : vector<64x1xf32> to vector<64x1xf32>
      %broadcast_in_dim3A_459 = vector.broadcast %broadcast_in_dim3A_458 : vector<64x1xf32> to vector<64x128xf32>
      %select_n3A_460 = arith.select %eq3A_454, %broadcast_in_dim3A_457, %broadcast_in_dim3A_459 : vector<64x128xi1>, vector<64x128xf32>
      %broadcast_in_dim3A_461 = vector.shape_cast %add3A_439 : vector<64x1xf32> to vector<64x1xf32>
      %broadcast_in_dim3A_462 = vector.broadcast %broadcast_in_dim3A_461 : vector<64x1xf32> to vector<64x128xf32>
      %select_n3A_463 = arith.select %eq3A_451, %broadcast_in_dim3A_462, %select_n3A_460 : vector<64x128xi1>, vector<64x128xf32>
      %broadcast_in_dim3A_464 = vector.shape_cast %add3A_426 : vector<64x1xf32> to vector<64x1xf32>
      %broadcast_in_dim3A_465 = vector.broadcast %broadcast_in_dim3A_464 : vector<64x1xf32> to vector<64x128xf32>
      %select_n3A_466 = arith.select %eq3A_448, %broadcast_in_dim3A_465, %select_n3A_463 : vector<64x128xi1>, vector<64x128xf32>
      %broadcast_in_dim3A_467 = vector.shape_cast %convert_element_type3A_338 : vector<64x1xf32> to vector<64x1xf32>
      %broadcast_in_dim3A_468 = vector.broadcast %broadcast_in_dim3A_467 : vector<64x1xf32> to vector<64x128xf32>
      %select_n3A_469 = arith.select %eq3A_445, %broadcast_in_dim3A_468, %select_n3A_466 : vector<64x128xi1>, vector<64x128xf32>
      %broadcast_in_dim3A_470 = vector.shape_cast %sub3A_414 : vector<64x1xf32> to vector<64x1xf32>
      %broadcast_in_dim3A_471 = vector.broadcast %broadcast_in_dim3A_470 : vector<64x1xf32> to vector<64x128xf32>
      %select_n3A_472 = arith.select %eq3A_442, %broadcast_in_dim3A_471, %select_n3A_469 : vector<64x128xi1>, vector<64x128xf32>
      %swap3A_473 = arith.constant 0 : index
      %swap3A_474 = arith.constant 0 : index
      %swap3A_475 = vector.load %arg3[%swap3A_473, %swap3A_474] : memref<64x128xf32, #tpu.memory_space<vmem>>, vector<64x128xf32>
      tpu.vector_store %arg3[%swap3A_473, %swap3A_474], %select_n3A_472 {strides = array<i32>} : memref<64x128xf32, #tpu.memory_space<vmem>>, vector<64x128xf32>,
      %eq3A_476 = arith.constant 0 : i32
      %eq3A_477 = vector.broadcast %eq3A_476 : i32 to vector<64x128xi32>
      %eq3A_478 = arith.cmpi eq, %iota3A_21, %eq3A_477 : vector<64x128xi32>
      %jit3A_479 = arith.constant 0 : i32
      %broadcast_in_dim3A_480 = vector.shape_cast %select_n3A_420 : vector<64x1xi32> to vector<64x1xi32>
      %broadcast_in_dim3A_481 = vector.broadcast %broadcast_in_dim3A_480 : vector<64x1xi32> to vector<64x128xi32>
      %broadcast_in_dim3A_482 = vector.broadcast %jit3A_479 : i32 to vector<64x128xi32>
      %select_n3A_483 = arith.select %eq3A_478, %broadcast_in_dim3A_481, %broadcast_in_dim3A_482 : vector<64x128xi1>, vector<64x128xi32>
      %swap3A_484 = arith.constant 0 : index
      %swap3A_485 = arith.constant 0 : index
      %swap3A_486 = vector.load %arg4[%swap3A_484, %swap3A_485] : memref<64x128xi32, #tpu.memory_space<vmem>>, vector<64x128xi32>
      tpu.vector_store %arg4[%swap3A_484, %swap3A_485], %select_n3A_483 {strides = array<i32>} : memref<64x128xi32, #tpu.memory_space<vmem>>, vector<64x128xi32>,
    } else {
    }
    return
  }
  func.func @transform_0(%arg0: i32) -> (i32, i32) {
    %c0_i32 = arith.constant 0 : i32
    %c0_i32_0 = arith.constant 0 : i32
    return %c0_i32, %arg0 : i32, i32
  }
  func.func @transform_1(%arg0: i32) -> (i32, i32) {
    %c0_i32 = arith.constant 0 : i32
    %c0_i32_0 = arith.constant 0 : i32
    %c0_i32_1 = arith.constant 0 : i32
    return %c0_i32, %c0_i32_0 : i32, i32
  }
  func.func @transform_2(%arg0: i32) -> (i32, i32) {
    %c0_i32 = arith.constant 0 : i32
    %c0_i32_0 = arith.constant 0 : i32
    %c0_i32_1 = arith.constant 0 : i32
    return %c0_i32, %c0_i32_0 : i32, i32
  }
  func.func @transform_3(%arg0: i32) -> (i32, i32) {
    %c0_i32 = arith.constant 0 : i32
    %c0_i32_0 = arith.constant 0 : i32
    %c0_i32_1 = arith.constant 0 : i32
    return %c0_i32, %c0_i32_0 : i32, i32
  }
}

module attributes {stable_mosaic.version = 14 : i64} {
  func.func @_k2_pick(%arg0: memref<64xi32, #tpu.memory_space<smem>>, %arg1: memref<64x128xf32, #tpu.memory_space<vmem>>, %arg2: memref<64x100000xf32, #tpu.memory_space<hbm>>, %arg3: memref<64x100000xf32, #tpu.memory_space<hbm>>, %arg4: memref<64x100000xf32, #tpu.memory_space<hbm>>, %arg5: memref<64x8x128xf32, #tpu.memory_space<vmem>>, %arg6: memref<64x1792xf32, #tpu.memory_space<vmem>>, %arg7: memref<!tpu.dma_semaphore, #tpu.memory_space<semaphore_mem>>, %arg8: memref<!tpu.dma_semaphore, #tpu.memory_space<semaphore_mem>>) attributes {dimension_semantics = [], scalar_prefetch = 0 : i64, scratch_operands = 4 : i64, tpu.core_type = #tpu.core_type<tc>} {
    %get3A = arith.constant 0 : index
    %get3A_0 = memref.load %arg0[%get3A] : memref<64xi32, #tpu.memory_space<smem>>
    %mul3A = arith.constant 128 : i32
    %mul3A_1 = arith.muli %get3A_0, %mul3A : i32
    %dma_start3A = arith.constant 0 : i32
    %dma_start3A_2 = arith.constant 0 : i32
    %dma_start3A_3 = arith.constant 0 : i32
    %dma_start3A_4 = tpu.memref_slice %arg5[%dma_start3A, %dma_start3A_2, %dma_start3A_3] : memref<64x8x128xf32, #tpu.memory_space<vmem>> -> memref<1x8x128xf32, #tpu.memory_space<vmem>>
    %dma_start3A_5 = tpu.memref_squeeze %dma_start3A_4 : memref<1x8x128xf32, #tpu.memory_space<vmem>> -> memref<8x128xf32, #tpu.memory_space<vmem>>
    %dma_start3A_6 = arith.constant 0 : i32
    %dma_start3A_7 = tpu.memref_slice %arg2[%dma_start3A_6, %mul3A_1] : memref<64x100000xf32, #tpu.memory_space<hbm>> -> memref<8x128xf32, #tpu.memory_space<hbm>>
    tpu.enqueue_dma source(%dma_start3A_7 : memref<8x128xf32, #tpu.memory_space<hbm>>) target(%dma_start3A_5 : memref<8x128xf32, #tpu.memory_space<vmem>>) target_semaphore(%arg7 : memref<!tpu.dma_semaphore, #tpu.memory_space<semaphore_mem>>)
    %get3A_8 = arith.constant 1 : index
    %get3A_9 = memref.load %arg0[%get3A_8] : memref<64xi32, #tpu.memory_space<smem>>
    %mul3A_10 = arith.constant 128 : i32
    %mul3A_11 = arith.muli %get3A_9, %mul3A_10 : i32
    %dma_start3A_12 = arith.constant 1 : i32
    %dma_start3A_13 = arith.constant 0 : i32
    %dma_start3A_14 = arith.constant 0 : i32
    %dma_start3A_15 = tpu.memref_slice %arg5[%dma_start3A_12, %dma_start3A_13, %dma_start3A_14] : memref<64x8x128xf32, #tpu.memory_space<vmem>> -> memref<1x8x128xf32, #tpu.memory_space<vmem>>
    %dma_start3A_16 = tpu.memref_squeeze %dma_start3A_15 : memref<1x8x128xf32, #tpu.memory_space<vmem>> -> memref<8x128xf32, #tpu.memory_space<vmem>>
    %dma_start3A_17 = arith.constant 0 : i32
    %dma_start3A_18 = tpu.memref_slice %arg2[%dma_start3A_17, %mul3A_11] : memref<64x100000xf32, #tpu.memory_space<hbm>> -> memref<8x128xf32, #tpu.memory_space<hbm>>
    tpu.enqueue_dma source(%dma_start3A_18 : memref<8x128xf32, #tpu.memory_space<hbm>>) target(%dma_start3A_16 : memref<8x128xf32, #tpu.memory_space<vmem>>) target_semaphore(%arg7 : memref<!tpu.dma_semaphore, #tpu.memory_space<semaphore_mem>>)
    %get3A_19 = arith.constant 2 : index
    %get3A_20 = memref.load %arg0[%get3A_19] : memref<64xi32, #tpu.memory_space<smem>>
    %mul3A_21 = arith.constant 128 : i32
    %mul3A_22 = arith.muli %get3A_20, %mul3A_21 : i32
    %dma_start3A_23 = arith.constant 2 : i32
    %dma_start3A_24 = arith.constant 0 : i32
    %dma_start3A_25 = arith.constant 0 : i32
    %dma_start3A_26 = tpu.memref_slice %arg5[%dma_start3A_23, %dma_start3A_24, %dma_start3A_25] : memref<64x8x128xf32, #tpu.memory_space<vmem>> -> memref<1x8x128xf32, #tpu.memory_space<vmem>>
    %dma_start3A_27 = tpu.memref_squeeze %dma_start3A_26 : memref<1x8x128xf32, #tpu.memory_space<vmem>> -> memref<8x128xf32, #tpu.memory_space<vmem>>
    %dma_start3A_28 = arith.constant 0 : i32
    %dma_start3A_29 = tpu.memref_slice %arg2[%dma_start3A_28, %mul3A_22] : memref<64x100000xf32, #tpu.memory_space<hbm>> -> memref<8x128xf32, #tpu.memory_space<hbm>>
    tpu.enqueue_dma source(%dma_start3A_29 : memref<8x128xf32, #tpu.memory_space<hbm>>) target(%dma_start3A_27 : memref<8x128xf32, #tpu.memory_space<vmem>>) target_semaphore(%arg7 : memref<!tpu.dma_semaphore, #tpu.memory_space<semaphore_mem>>)
    %get3A_30 = arith.constant 3 : index
    %get3A_31 = memref.load %arg0[%get3A_30] : memref<64xi32, #tpu.memory_space<smem>>
    %mul3A_32 = arith.constant 128 : i32
    %mul3A_33 = arith.muli %get3A_31, %mul3A_32 : i32
    %dma_start3A_34 = arith.constant 3 : i32
    %dma_start3A_35 = arith.constant 0 : i32
    %dma_start3A_36 = arith.constant 0 : i32
    %dma_start3A_37 = tpu.memref_slice %arg5[%dma_start3A_34, %dma_start3A_35, %dma_start3A_36] : memref<64x8x128xf32, #tpu.memory_space<vmem>> -> memref<1x8x128xf32, #tpu.memory_space<vmem>>
    %dma_start3A_38 = tpu.memref_squeeze %dma_start3A_37 : memref<1x8x128xf32, #tpu.memory_space<vmem>> -> memref<8x128xf32, #tpu.memory_space<vmem>>
    %dma_start3A_39 = arith.constant 0 : i32
    %dma_start3A_40 = tpu.memref_slice %arg2[%dma_start3A_39, %mul3A_33] : memref<64x100000xf32, #tpu.memory_space<hbm>> -> memref<8x128xf32, #tpu.memory_space<hbm>>
    tpu.enqueue_dma source(%dma_start3A_40 : memref<8x128xf32, #tpu.memory_space<hbm>>) target(%dma_start3A_38 : memref<8x128xf32, #tpu.memory_space<vmem>>) target_semaphore(%arg7 : memref<!tpu.dma_semaphore, #tpu.memory_space<semaphore_mem>>)
    %get3A_41 = arith.constant 4 : index
    %get3A_42 = memref.load %arg0[%get3A_41] : memref<64xi32, #tpu.memory_space<smem>>
    %mul3A_43 = arith.constant 128 : i32
    %mul3A_44 = arith.muli %get3A_42, %mul3A_43 : i32
    %dma_start3A_45 = arith.constant 4 : i32
    %dma_start3A_46 = arith.constant 0 : i32
    %dma_start3A_47 = arith.constant 0 : i32
    %dma_start3A_48 = tpu.memref_slice %arg5[%dma_start3A_45, %dma_start3A_46, %dma_start3A_47] : memref<64x8x128xf32, #tpu.memory_space<vmem>> -> memref<1x8x128xf32, #tpu.memory_space<vmem>>
    %dma_start3A_49 = tpu.memref_squeeze %dma_start3A_48 : memref<1x8x128xf32, #tpu.memory_space<vmem>> -> memref<8x128xf32, #tpu.memory_space<vmem>>
    %dma_start3A_50 = arith.constant 0 : i32
    %dma_start3A_51 = tpu.memref_slice %arg2[%dma_start3A_50, %mul3A_44] : memref<64x100000xf32, #tpu.memory_space<hbm>> -> memref<8x128xf32, #tpu.memory_space<hbm>>
    tpu.enqueue_dma source(%dma_start3A_51 : memref<8x128xf32, #tpu.memory_space<hbm>>) target(%dma_start3A_49 : memref<8x128xf32, #tpu.memory_space<vmem>>) target_semaphore(%arg7 : memref<!tpu.dma_semaphore, #tpu.memory_space<semaphore_mem>>)
    %get3A_52 = arith.constant 5 : index
    %get3A_53 = memref.load %arg0[%get3A_52] : memref<64xi32, #tpu.memory_space<smem>>
    %mul3A_54 = arith.constant 128 : i32
    %mul3A_55 = arith.muli %get3A_53, %mul3A_54 : i32
    %dma_start3A_56 = arith.constant 5 : i32
    %dma_start3A_57 = arith.constant 0 : i32
    %dma_start3A_58 = arith.constant 0 : i32
    %dma_start3A_59 = tpu.memref_slice %arg5[%dma_start3A_56, %dma_start3A_57, %dma_start3A_58] : memref<64x8x128xf32, #tpu.memory_space<vmem>> -> memref<1x8x128xf32, #tpu.memory_space<vmem>>
    %dma_start3A_60 = tpu.memref_squeeze %dma_start3A_59 : memref<1x8x128xf32, #tpu.memory_space<vmem>> -> memref<8x128xf32, #tpu.memory_space<vmem>>
    %dma_start3A_61 = arith.constant 0 : i32
    %dma_start3A_62 = tpu.memref_slice %arg2[%dma_start3A_61, %mul3A_55] : memref<64x100000xf32, #tpu.memory_space<hbm>> -> memref<8x128xf32, #tpu.memory_space<hbm>>
    tpu.enqueue_dma source(%dma_start3A_62 : memref<8x128xf32, #tpu.memory_space<hbm>>) target(%dma_start3A_60 : memref<8x128xf32, #tpu.memory_space<vmem>>) target_semaphore(%arg7 : memref<!tpu.dma_semaphore, #tpu.memory_space<semaphore_mem>>)
    %get3A_63 = arith.constant 6 : index
    %get3A_64 = memref.load %arg0[%get3A_63] : memref<64xi32, #tpu.memory_space<smem>>
    %mul3A_65 = arith.constant 128 : i32
    %mul3A_66 = arith.muli %get3A_64, %mul3A_65 : i32
    %dma_start3A_67 = arith.constant 6 : i32
    %dma_start3A_68 = arith.constant 0 : i32
    %dma_start3A_69 = arith.constant 0 : i32
    %dma_start3A_70 = tpu.memref_slice %arg5[%dma_start3A_67, %dma_start3A_68, %dma_start3A_69] : memref<64x8x128xf32, #tpu.memory_space<vmem>> -> memref<1x8x128xf32, #tpu.memory_space<vmem>>
    %dma_start3A_71 = tpu.memref_squeeze %dma_start3A_70 : memref<1x8x128xf32, #tpu.memory_space<vmem>> -> memref<8x128xf32, #tpu.memory_space<vmem>>
    %dma_start3A_72 = arith.constant 0 : i32
    %dma_start3A_73 = tpu.memref_slice %arg2[%dma_start3A_72, %mul3A_66] : memref<64x100000xf32, #tpu.memory_space<hbm>> -> memref<8x128xf32, #tpu.memory_space<hbm>>
    tpu.enqueue_dma source(%dma_start3A_73 : memref<8x128xf32, #tpu.memory_space<hbm>>) target(%dma_start3A_71 : memref<8x128xf32, #tpu.memory_space<vmem>>) target_semaphore(%arg7 : memref<!tpu.dma_semaphore, #tpu.memory_space<semaphore_mem>>)
    %get3A_74 = arith.constant 7 : index
    %get3A_75 = memref.load %arg0[%get3A_74] : memref<64xi32, #tpu.memory_space<smem>>
    %mul3A_76 = arith.constant 128 : i32
    %mul3A_77 = arith.muli %get3A_75, %mul3A_76 : i32
    %dma_start3A_78 = arith.constant 7 : i32
    %dma_start3A_79 = arith.constant 0 : i32
    %dma_start3A_80 = arith.constant 0 : i32
    %dma_start3A_81 = tpu.memref_slice %arg5[%dma_start3A_78, %dma_start3A_79, %dma_start3A_80] : memref<64x8x128xf32, #tpu.memory_space<vmem>> -> memref<1x8x128xf32, #tpu.memory_space<vmem>>
    %dma_start3A_82 = tpu.memref_squeeze %dma_start3A_81 : memref<1x8x128xf32, #tpu.memory_space<vmem>> -> memref<8x128xf32, #tpu.memory_space<vmem>>
    %dma_start3A_83 = arith.constant 0 : i32
    %dma_start3A_84 = tpu.memref_slice %arg2[%dma_start3A_83, %mul3A_77] : memref<64x100000xf32, #tpu.memory_space<hbm>> -> memref<8x128xf32, #tpu.memory_space<hbm>>
    tpu.enqueue_dma source(%dma_start3A_84 : memref<8x128xf32, #tpu.memory_space<hbm>>) target(%dma_start3A_82 : memref<8x128xf32, #tpu.memory_space<vmem>>) target_semaphore(%arg7 : memref<!tpu.dma_semaphore, #tpu.memory_space<semaphore_mem>>)
    %get3A_85 = arith.constant 8 : index
    %get3A_86 = memref.load %arg0[%get3A_85] : memref<64xi32, #tpu.memory_space<smem>>
    %mul3A_87 = arith.constant 128 : i32
    %mul3A_88 = arith.muli %get3A_86, %mul3A_87 : i32
    %dma_start3A_89 = arith.constant 8 : i32
    %dma_start3A_90 = arith.constant 0 : i32
    %dma_start3A_91 = arith.constant 0 : i32
    %dma_start3A_92 = tpu.memref_slice %arg5[%dma_start3A_89, %dma_start3A_90, %dma_start3A_91] : memref<64x8x128xf32, #tpu.memory_space<vmem>> -> memref<1x8x128xf32, #tpu.memory_space<vmem>>
    %dma_start3A_93 = tpu.memref_squeeze %dma_start3A_92 : memref<1x8x128xf32, #tpu.memory_space<vmem>> -> memref<8x128xf32, #tpu.memory_space<vmem>>
    %dma_start3A_94 = arith.constant 8 : i32
    %dma_start3A_95 = tpu.memref_slice %arg2[%dma_start3A_94, %mul3A_88] : memref<64x100000xf32, #tpu.memory_space<hbm>> -> memref<8x128xf32, #tpu.memory_space<hbm>>
    tpu.enqueue_dma source(%dma_start3A_95 : memref<8x128xf32, #tpu.memory_space<hbm>>) target(%dma_start3A_93 : memref<8x128xf32, #tpu.memory_space<vmem>>) target_semaphore(%arg7 : memref<!tpu.dma_semaphore, #tpu.memory_space<semaphore_mem>>)
    %get3A_96 = arith.constant 9 : index
    %get3A_97 = memref.load %arg0[%get3A_96] : memref<64xi32, #tpu.memory_space<smem>>
    %mul3A_98 = arith.constant 128 : i32
    %mul3A_99 = arith.muli %get3A_97, %mul3A_98 : i32
    %dma_start3A_100 = arith.constant 9 : i32
    %dma_start3A_101 = arith.constant 0 : i32
    %dma_start3A_102 = arith.constant 0 : i32
    %dma_start3A_103 = tpu.memref_slice %arg5[%dma_start3A_100, %dma_start3A_101, %dma_start3A_102] : memref<64x8x128xf32, #tpu.memory_space<vmem>> -> memref<1x8x128xf32, #tpu.memory_space<vmem>>
    %dma_start3A_104 = tpu.memref_squeeze %dma_start3A_103 : memref<1x8x128xf32, #tpu.memory_space<vmem>> -> memref<8x128xf32, #tpu.memory_space<vmem>>
    %dma_start3A_105 = arith.constant 8 : i32
    %dma_start3A_106 = tpu.memref_slice %arg2[%dma_start3A_105, %mul3A_99] : memref<64x100000xf32, #tpu.memory_space<hbm>> -> memref<8x128xf32, #tpu.memory_space<hbm>>
    tpu.enqueue_dma source(%dma_start3A_106 : memref<8x128xf32, #tpu.memory_space<hbm>>) target(%dma_start3A_104 : memref<8x128xf32, #tpu.memory_space<vmem>>) target_semaphore(%arg7 : memref<!tpu.dma_semaphore, #tpu.memory_space<semaphore_mem>>)
    %get3A_107 = arith.constant 10 : index
    %get3A_108 = memref.load %arg0[%get3A_107] : memref<64xi32, #tpu.memory_space<smem>>
    %mul3A_109 = arith.constant 128 : i32
    %mul3A_110 = arith.muli %get3A_108, %mul3A_109 : i32
    %dma_start3A_111 = arith.constant 10 : i32
    %dma_start3A_112 = arith.constant 0 : i32
    %dma_start3A_113 = arith.constant 0 : i32
    %dma_start3A_114 = tpu.memref_slice %arg5[%dma_start3A_111, %dma_start3A_112, %dma_start3A_113] : memref<64x8x128xf32, #tpu.memory_space<vmem>> -> memref<1x8x128xf32, #tpu.memory_space<vmem>>
    %dma_start3A_115 = tpu.memref_squeeze %dma_start3A_114 : memref<1x8x128xf32, #tpu.memory_space<vmem>> -> memref<8x128xf32, #tpu.memory_space<vmem>>
    %dma_start3A_116 = arith.constant 8 : i32
    %dma_start3A_117 = tpu.memref_slice %arg2[%dma_start3A_116, %mul3A_110] : memref<64x100000xf32, #tpu.memory_space<hbm>> -> memref<8x128xf32, #tpu.memory_space<hbm>>
    tpu.enqueue_dma source(%dma_start3A_117 : memref<8x128xf32, #tpu.memory_space<hbm>>) target(%dma_start3A_115 : memref<8x128xf32, #tpu.memory_space<vmem>>) target_semaphore(%arg7 : memref<!tpu.dma_semaphore, #tpu.memory_space<semaphore_mem>>)
    %get3A_118 = arith.constant 11 : index
    %get3A_119 = memref.load %arg0[%get3A_118] : memref<64xi32, #tpu.memory_space<smem>>
    %mul3A_120 = arith.constant 128 : i32
    %mul3A_121 = arith.muli %get3A_119, %mul3A_120 : i32
    %dma_start3A_122 = arith.constant 11 : i32
    %dma_start3A_123 = arith.constant 0 : i32
    %dma_start3A_124 = arith.constant 0 : i32
    %dma_start3A_125 = tpu.memref_slice %arg5[%dma_start3A_122, %dma_start3A_123, %dma_start3A_124] : memref<64x8x128xf32, #tpu.memory_space<vmem>> -> memref<1x8x128xf32, #tpu.memory_space<vmem>>
    %dma_start3A_126 = tpu.memref_squeeze %dma_start3A_125 : memref<1x8x128xf32, #tpu.memory_space<vmem>> -> memref<8x128xf32, #tpu.memory_space<vmem>>
    %dma_start3A_127 = arith.constant 8 : i32
    %dma_start3A_128 = tpu.memref_slice %arg2[%dma_start3A_127, %mul3A_121] : memref<64x100000xf32, #tpu.memory_space<hbm>> -> memref<8x128xf32, #tpu.memory_space<hbm>>
    tpu.enqueue_dma source(%dma_start3A_128 : memref<8x128xf32, #tpu.memory_space<hbm>>) target(%dma_start3A_126 : memref<8x128xf32, #tpu.memory_space<vmem>>) target_semaphore(%arg7 : memref<!tpu.dma_semaphore, #tpu.memory_space<semaphore_mem>>)
    %get3A_129 = arith.constant 12 : index
    %get3A_130 = memref.load %arg0[%get3A_129] : memref<64xi32, #tpu.memory_space<smem>>
    %mul3A_131 = arith.constant 128 : i32
    %mul3A_132 = arith.muli %get3A_130, %mul3A_131 : i32
    %dma_start3A_133 = arith.constant 12 : i32
    %dma_start3A_134 = arith.constant 0 : i32
    %dma_start3A_135 = arith.constant 0 : i32
    %dma_start3A_136 = tpu.memref_slice %arg5[%dma_start3A_133, %dma_start3A_134, %dma_start3A_135] : memref<64x8x128xf32, #tpu.memory_space<vmem>> -> memref<1x8x128xf32, #tpu.memory_space<vmem>>
    %dma_start3A_137 = tpu.memref_squeeze %dma_start3A_136 : memref<1x8x128xf32, #tpu.memory_space<vmem>> -> memref<8x128xf32, #tpu.memory_space<vmem>>
    %dma_start3A_138 = arith.constant 8 : i32
    %dma_start3A_139 = tpu.memref_slice %arg2[%dma_start3A_138, %mul3A_132] : memref<64x100000xf32, #tpu.memory_space<hbm>> -> memref<8x128xf32, #tpu.memory_space<hbm>>
    tpu.enqueue_dma source(%dma_start3A_139 : memref<8x128xf32, #tpu.memory_space<hbm>>) target(%dma_start3A_137 : memref<8x128xf32, #tpu.memory_space<vmem>>) target_semaphore(%arg7 : memref<!tpu.dma_semaphore, #tpu.memory_space<semaphore_mem>>)
    %get3A_140 = arith.constant 13 : index
    %get3A_141 = memref.load %arg0[%get3A_140] : memref<64xi32, #tpu.memory_space<smem>>
    %mul3A_142 = arith.constant 128 : i32
    %mul3A_143 = arith.muli %get3A_141, %mul3A_142 : i32
    %dma_start3A_144 = arith.constant 13 : i32
    %dma_start3A_145 = arith.constant 0 : i32
    %dma_start3A_146 = arith.constant 0 : i32
    %dma_start3A_147 = tpu.memref_slice %arg5[%dma_start3A_144, %dma_start3A_145, %dma_start3A_146] : memref<64x8x128xf32, #tpu.memory_space<vmem>> -> memref<1x8x128xf32, #tpu.memory_space<vmem>>
    %dma_start3A_148 = tpu.memref_squeeze %dma_start3A_147 : memref<1x8x128xf32, #tpu.memory_space<vmem>> -> memref<8x128xf32, #tpu.memory_space<vmem>>
    %dma_start3A_149 = arith.constant 8 : i32
    %dma_start3A_150 = tpu.memref_slice %arg2[%dma_start3A_149, %mul3A_143] : memref<64x100000xf32, #tpu.memory_space<hbm>> -> memref<8x128xf32, #tpu.memory_space<hbm>>
    tpu.enqueue_dma source(%dma_start3A_150 : memref<8x128xf32, #tpu.memory_space<hbm>>) target(%dma_start3A_148 : memref<8x128xf32, #tpu.memory_space<vmem>>) target_semaphore(%arg7 : memref<!tpu.dma_semaphore, #tpu.memory_space<semaphore_mem>>)
    %get3A_151 = arith.constant 14 : index
    %get3A_152 = memref.load %arg0[%get3A_151] : memref<64xi32, #tpu.memory_space<smem>>
    %mul3A_153 = arith.constant 128 : i32
    %mul3A_154 = arith.muli %get3A_152, %mul3A_153 : i32
    %dma_start3A_155 = arith.constant 14 : i32
    %dma_start3A_156 = arith.constant 0 : i32
    %dma_start3A_157 = arith.constant 0 : i32
    %dma_start3A_158 = tpu.memref_slice %arg5[%dma_start3A_155, %dma_start3A_156, %dma_start3A_157] : memref<64x8x128xf32, #tpu.memory_space<vmem>> -> memref<1x8x128xf32, #tpu.memory_space<vmem>>
    %dma_start3A_159 = tpu.memref_squeeze %dma_start3A_158 : memref<1x8x128xf32, #tpu.memory_space<vmem>> -> memref<8x128xf32, #tpu.memory_space<vmem>>
    %dma_start3A_160 = arith.constant 8 : i32
    %dma_start3A_161 = tpu.memref_slice %arg2[%dma_start3A_160, %mul3A_154] : memref<64x100000xf32, #tpu.memory_space<hbm>> -> memref<8x128xf32, #tpu.memory_space<hbm>>
    tpu.enqueue_dma source(%dma_start3A_161 : memref<8x128xf32, #tpu.memory_space<hbm>>) target(%dma_start3A_159 : memref<8x128xf32, #tpu.memory_space<vmem>>) target_semaphore(%arg7 : memref<!tpu.dma_semaphore, #tpu.memory_space<semaphore_mem>>)
    %get3A_162 = arith.constant 15 : index
    %get3A_163 = memref.load %arg0[%get3A_162] : memref<64xi32, #tpu.memory_space<smem>>
    %mul3A_164 = arith.constant 128 : i32
    %mul3A_165 = arith.muli %get3A_163, %mul3A_164 : i32
    %dma_start3A_166 = arith.constant 15 : i32
    %dma_start3A_167 = arith.constant 0 : i32
    %dma_start3A_168 = arith.constant 0 : i32
    %dma_start3A_169 = tpu.memref_slice %arg5[%dma_start3A_166, %dma_start3A_167, %dma_start3A_168] : memref<64x8x128xf32, #tpu.memory_space<vmem>> -> memref<1x8x128xf32, #tpu.memory_space<vmem>>
    %dma_start3A_170 = tpu.memref_squeeze %dma_start3A_169 : memref<1x8x128xf32, #tpu.memory_space<vmem>> -> memref<8x128xf32, #tpu.memory_space<vmem>>
    %dma_start3A_171 = arith.constant 8 : i32
    %dma_start3A_172 = tpu.memref_slice %arg2[%dma_start3A_171, %mul3A_165] : memref<64x100000xf32, #tpu.memory_space<hbm>> -> memref<8x128xf32, #tpu.memory_space<hbm>>
    tpu.enqueue_dma source(%dma_start3A_172 : memref<8x128xf32, #tpu.memory_space<hbm>>) target(%dma_start3A_170 : memref<8x128xf32, #tpu.memory_space<vmem>>) target_semaphore(%arg7 : memref<!tpu.dma_semaphore, #tpu.memory_space<semaphore_mem>>)
    %get3A_173 = arith.constant 16 : index
    %get3A_174 = memref.load %arg0[%get3A_173] : memref<64xi32, #tpu.memory_space<smem>>
    %mul3A_175 = arith.constant 128 : i32
    %mul3A_176 = arith.muli %get3A_174, %mul3A_175 : i32
    %dma_start3A_177 = arith.constant 16 : i32
    %dma_start3A_178 = arith.constant 0 : i32
    %dma_start3A_179 = arith.constant 0 : i32
    %dma_start3A_180 = tpu.memref_slice %arg5[%dma_start3A_177, %dma_start3A_178, %dma_start3A_179] : memref<64x8x128xf32, #tpu.memory_space<vmem>> -> memref<1x8x128xf32, #tpu.memory_space<vmem>>
    %dma_start3A_181 = tpu.memref_squeeze %dma_start3A_180 : memref<1x8x128xf32, #tpu.memory_space<vmem>> -> memref<8x128xf32, #tpu.memory_space<vmem>>
    %dma_start3A_182 = arith.constant 16 : i32
    %dma_start3A_183 = tpu.memref_slice %arg2[%dma_start3A_182, %mul3A_176] : memref<64x100000xf32, #tpu.memory_space<hbm>> -> memref<8x128xf32, #tpu.memory_space<hbm>>
    tpu.enqueue_dma source(%dma_start3A_183 : memref<8x128xf32, #tpu.memory_space<hbm>>) target(%dma_start3A_181 : memref<8x128xf32, #tpu.memory_space<vmem>>) target_semaphore(%arg7 : memref<!tpu.dma_semaphore, #tpu.memory_space<semaphore_mem>>)
    %get3A_184 = arith.constant 17 : index
    %get3A_185 = memref.load %arg0[%get3A_184] : memref<64xi32, #tpu.memory_space<smem>>
    %mul3A_186 = arith.constant 128 : i32
    %mul3A_187 = arith.muli %get3A_185, %mul3A_186 : i32
    %dma_start3A_188 = arith.constant 17 : i32
    %dma_start3A_189 = arith.constant 0 : i32
    %dma_start3A_190 = arith.constant 0 : i32
    %dma_start3A_191 = tpu.memref_slice %arg5[%dma_start3A_188, %dma_start3A_189, %dma_start3A_190] : memref<64x8x128xf32, #tpu.memory_space<vmem>> -> memref<1x8x128xf32, #tpu.memory_space<vmem>>
    %dma_start3A_192 = tpu.memref_squeeze %dma_start3A_191 : memref<1x8x128xf32, #tpu.memory_space<vmem>> -> memref<8x128xf32, #tpu.memory_space<vmem>>
    %dma_start3A_193 = arith.constant 16 : i32
    %dma_start3A_194 = tpu.memref_slice %arg2[%dma_start3A_193, %mul3A_187] : memref<64x100000xf32, #tpu.memory_space<hbm>> -> memref<8x128xf32, #tpu.memory_space<hbm>>
    tpu.enqueue_dma source(%dma_start3A_194 : memref<8x128xf32, #tpu.memory_space<hbm>>) target(%dma_start3A_192 : memref<8x128xf32, #tpu.memory_space<vmem>>) target_semaphore(%arg7 : memref<!tpu.dma_semaphore, #tpu.memory_space<semaphore_mem>>)
    %get3A_195 = arith.constant 18 : index
    %get3A_196 = memref.load %arg0[%get3A_195] : memref<64xi32, #tpu.memory_space<smem>>
    %mul3A_197 = arith.constant 128 : i32
    %mul3A_198 = arith.muli %get3A_196, %mul3A_197 : i32
    %dma_start3A_199 = arith.constant 18 : i32
    %dma_start3A_200 = arith.constant 0 : i32
    %dma_start3A_201 = arith.constant 0 : i32
    %dma_start3A_202 = tpu.memref_slice %arg5[%dma_start3A_199, %dma_start3A_200, %dma_start3A_201] : memref<64x8x128xf32, #tpu.memory_space<vmem>> -> memref<1x8x128xf32, #tpu.memory_space<vmem>>
    %dma_start3A_203 = tpu.memref_squeeze %dma_start3A_202 : memref<1x8x128xf32, #tpu.memory_space<vmem>> -> memref<8x128xf32, #tpu.memory_space<vmem>>
    %dma_start3A_204 = arith.constant 16 : i32
    %dma_start3A_205 = tpu.memref_slice %arg2[%dma_start3A_204, %mul3A_198] : memref<64x100000xf32, #tpu.memory_space<hbm>> -> memref<8x128xf32, #tpu.memory_space<hbm>>
    tpu.enqueue_dma source(%dma_start3A_205 : memref<8x128xf32, #tpu.memory_space<hbm>>) target(%dma_start3A_203 : memref<8x128xf32, #tpu.memory_space<vmem>>) target_semaphore(%arg7 : memref<!tpu.dma_semaphore, #tpu.memory_space<semaphore_mem>>)
    %get3A_206 = arith.constant 19 : index
    %get3A_207 = memref.load %arg0[%get3A_206] : memref<64xi32, #tpu.memory_space<smem>>
    %mul3A_208 = arith.constant 128 : i32
    %mul3A_209 = arith.muli %get3A_207, %mul3A_208 : i32
    %dma_start3A_210 = arith.constant 19 : i32
    %dma_start3A_211 = arith.constant 0 : i32
    %dma_start3A_212 = arith.constant 0 : i32
    %dma_start3A_213 = tpu.memref_slice %arg5[%dma_start3A_210, %dma_start3A_211, %dma_start3A_212] : memref<64x8x128xf32, #tpu.memory_space<vmem>> -> memref<1x8x128xf32, #tpu.memory_space<vmem>>
    %dma_start3A_214 = tpu.memref_squeeze %dma_start3A_213 : memref<1x8x128xf32, #tpu.memory_space<vmem>> -> memref<8x128xf32, #tpu.memory_space<vmem>>
    %dma_start3A_215 = arith.constant 16 : i32
    %dma_start3A_216 = tpu.memref_slice %arg2[%dma_start3A_215, %mul3A_209] : memref<64x100000xf32, #tpu.memory_space<hbm>> -> memref<8x128xf32, #tpu.memory_space<hbm>>
    tpu.enqueue_dma source(%dma_start3A_216 : memref<8x128xf32, #tpu.memory_space<hbm>>) target(%dma_start3A_214 : memref<8x128xf32, #tpu.memory_space<vmem>>) target_semaphore(%arg7 : memref<!tpu.dma_semaphore, #tpu.memory_space<semaphore_mem>>)
    %get3A_217 = arith.constant 20 : index
    %get3A_218 = memref.load %arg0[%get3A_217] : memref<64xi32, #tpu.memory_space<smem>>
    %mul3A_219 = arith.constant 128 : i32
    %mul3A_220 = arith.muli %get3A_218, %mul3A_219 : i32
    %dma_start3A_221 = arith.constant 20 : i32
    %dma_start3A_222 = arith.constant 0 : i32
    %dma_start3A_223 = arith.constant 0 : i32
    %dma_start3A_224 = tpu.memref_slice %arg5[%dma_start3A_221, %dma_start3A_222, %dma_start3A_223] : memref<64x8x128xf32, #tpu.memory_space<vmem>> -> memref<1x8x128xf32, #tpu.memory_space<vmem>>
    %dma_start3A_225 = tpu.memref_squeeze %dma_start3A_224 : memref<1x8x128xf32, #tpu.memory_space<vmem>> -> memref<8x128xf32, #tpu.memory_space<vmem>>
    %dma_start3A_226 = arith.constant 16 : i32
    %dma_start3A_227 = tpu.memref_slice %arg2[%dma_start3A_226, %mul3A_220] : memref<64x100000xf32, #tpu.memory_space<hbm>> -> memref<8x128xf32, #tpu.memory_space<hbm>>
    tpu.enqueue_dma source(%dma_start3A_227 : memref<8x128xf32, #tpu.memory_space<hbm>>) target(%dma_start3A_225 : memref<8x128xf32, #tpu.memory_space<vmem>>) target_semaphore(%arg7 : memref<!tpu.dma_semaphore, #tpu.memory_space<semaphore_mem>>)
    %get3A_228 = arith.constant 21 : index
    %get3A_229 = memref.load %arg0[%get3A_228] : memref<64xi32, #tpu.memory_space<smem>>
    %mul3A_230 = arith.constant 128 : i32
    %mul3A_231 = arith.muli %get3A_229, %mul3A_230 : i32
    %dma_start3A_232 = arith.constant 21 : i32
    %dma_start3A_233 = arith.constant 0 : i32
    %dma_start3A_234 = arith.constant 0 : i32
    %dma_start3A_235 = tpu.memref_slice %arg5[%dma_start3A_232, %dma_start3A_233, %dma_start3A_234] : memref<64x8x128xf32, #tpu.memory_space<vmem>> -> memref<1x8x128xf32, #tpu.memory_space<vmem>>
    %dma_start3A_236 = tpu.memref_squeeze %dma_start3A_235 : memref<1x8x128xf32, #tpu.memory_space<vmem>> -> memref<8x128xf32, #tpu.memory_space<vmem>>
    %dma_start3A_237 = arith.constant 16 : i32
    %dma_start3A_238 = tpu.memref_slice %arg2[%dma_start3A_237, %mul3A_231] : memref<64x100000xf32, #tpu.memory_space<hbm>> -> memref<8x128xf32, #tpu.memory_space<hbm>>
    tpu.enqueue_dma source(%dma_start3A_238 : memref<8x128xf32, #tpu.memory_space<hbm>>) target(%dma_start3A_236 : memref<8x128xf32, #tpu.memory_space<vmem>>) target_semaphore(%arg7 : memref<!tpu.dma_semaphore, #tpu.memory_space<semaphore_mem>>)
    %get3A_239 = arith.constant 22 : index
    %get3A_240 = memref.load %arg0[%get3A_239] : memref<64xi32, #tpu.memory_space<smem>>
    %mul3A_241 = arith.constant 128 : i32
    %mul3A_242 = arith.muli %get3A_240, %mul3A_241 : i32
    %dma_start3A_243 = arith.constant 22 : i32
    %dma_start3A_244 = arith.constant 0 : i32
    %dma_start3A_245 = arith.constant 0 : i32
    %dma_start3A_246 = tpu.memref_slice %arg5[%dma_start3A_243, %dma_start3A_244, %dma_start3A_245] : memref<64x8x128xf32, #tpu.memory_space<vmem>> -> memref<1x8x128xf32, #tpu.memory_space<vmem>>
    %dma_start3A_247 = tpu.memref_squeeze %dma_start3A_246 : memref<1x8x128xf32, #tpu.memory_space<vmem>> -> memref<8x128xf32, #tpu.memory_space<vmem>>
    %dma_start3A_248 = arith.constant 16 : i32
    %dma_start3A_249 = tpu.memref_slice %arg2[%dma_start3A_248, %mul3A_242] : memref<64x100000xf32, #tpu.memory_space<hbm>> -> memref<8x128xf32, #tpu.memory_space<hbm>>
    tpu.enqueue_dma source(%dma_start3A_249 : memref<8x128xf32, #tpu.memory_space<hbm>>) target(%dma_start3A_247 : memref<8x128xf32, #tpu.memory_space<vmem>>) target_semaphore(%arg7 : memref<!tpu.dma_semaphore, #tpu.memory_space<semaphore_mem>>)
    %get3A_250 = arith.constant 23 : index
    %get3A_251 = memref.load %arg0[%get3A_250] : memref<64xi32, #tpu.memory_space<smem>>
    %mul3A_252 = arith.constant 128 : i32
    %mul3A_253 = arith.muli %get3A_251, %mul3A_252 : i32
    %dma_start3A_254 = arith.constant 23 : i32
    %dma_start3A_255 = arith.constant 0 : i32
    %dma_start3A_256 = arith.constant 0 : i32
    %dma_start3A_257 = tpu.memref_slice %arg5[%dma_start3A_254, %dma_start3A_255, %dma_start3A_256] : memref<64x8x128xf32, #tpu.memory_space<vmem>> -> memref<1x8x128xf32, #tpu.memory_space<vmem>>
    %dma_start3A_258 = tpu.memref_squeeze %dma_start3A_257 : memref<1x8x128xf32, #tpu.memory_space<vmem>> -> memref<8x128xf32, #tpu.memory_space<vmem>>
    %dma_start3A_259 = arith.constant 16 : i32
    %dma_start3A_260 = tpu.memref_slice %arg2[%dma_start3A_259, %mul3A_253] : memref<64x100000xf32, #tpu.memory_space<hbm>> -> memref<8x128xf32, #tpu.memory_space<hbm>>
    tpu.enqueue_dma source(%dma_start3A_260 : memref<8x128xf32, #tpu.memory_space<hbm>>) target(%dma_start3A_258 : memref<8x128xf32, #tpu.memory_space<vmem>>) target_semaphore(%arg7 : memref<!tpu.dma_semaphore, #tpu.memory_space<semaphore_mem>>)
    %get3A_261 = arith.constant 24 : index
    %get3A_262 = memref.load %arg0[%get3A_261] : memref<64xi32, #tpu.memory_space<smem>>
    %mul3A_263 = arith.constant 128 : i32
    %mul3A_264 = arith.muli %get3A_262, %mul3A_263 : i32
    %dma_start3A_265 = arith.constant 24 : i32
    %dma_start3A_266 = arith.constant 0 : i32
    %dma_start3A_267 = arith.constant 0 : i32
    %dma_start3A_268 = tpu.memref_slice %arg5[%dma_start3A_265, %dma_start3A_266, %dma_start3A_267] : memref<64x8x128xf32, #tpu.memory_space<vmem>> -> memref<1x8x128xf32, #tpu.memory_space<vmem>>
    %dma_start3A_269 = tpu.memref_squeeze %dma_start3A_268 : memref<1x8x128xf32, #tpu.memory_space<vmem>> -> memref<8x128xf32, #tpu.memory_space<vmem>>
    %dma_start3A_270 = arith.constant 24 : i32
    %dma_start3A_271 = tpu.memref_slice %arg2[%dma_start3A_270, %mul3A_264] : memref<64x100000xf32, #tpu.memory_space<hbm>> -> memref<8x128xf32, #tpu.memory_space<hbm>>
    tpu.enqueue_dma source(%dma_start3A_271 : memref<8x128xf32, #tpu.memory_space<hbm>>) target(%dma_start3A_269 : memref<8x128xf32, #tpu.memory_space<vmem>>) target_semaphore(%arg7 : memref<!tpu.dma_semaphore, #tpu.memory_space<semaphore_mem>>)
    %get3A_272 = arith.constant 25 : index
    %get3A_273 = memref.load %arg0[%get3A_272] : memref<64xi32, #tpu.memory_space<smem>>
    %mul3A_274 = arith.constant 128 : i32
    %mul3A_275 = arith.muli %get3A_273, %mul3A_274 : i32
    %dma_start3A_276 = arith.constant 25 : i32
    %dma_start3A_277 = arith.constant 0 : i32
    %dma_start3A_278 = arith.constant 0 : i32
    %dma_start3A_279 = tpu.memref_slice %arg5[%dma_start3A_276, %dma_start3A_277, %dma_start3A_278] : memref<64x8x128xf32, #tpu.memory_space<vmem>> -> memref<1x8x128xf32, #tpu.memory_space<vmem>>
    %dma_start3A_280 = tpu.memref_squeeze %dma_start3A_279 : memref<1x8x128xf32, #tpu.memory_space<vmem>> -> memref<8x128xf32, #tpu.memory_space<vmem>>
    %dma_start3A_281 = arith.constant 24 : i32
    %dma_start3A_282 = tpu.memref_slice %arg2[%dma_start3A_281, %mul3A_275] : memref<64x100000xf32, #tpu.memory_space<hbm>> -> memref<8x128xf32, #tpu.memory_space<hbm>>
    tpu.enqueue_dma source(%dma_start3A_282 : memref<8x128xf32, #tpu.memory_space<hbm>>) target(%dma_start3A_280 : memref<8x128xf32, #tpu.memory_space<vmem>>) target_semaphore(%arg7 : memref<!tpu.dma_semaphore, #tpu.memory_space<semaphore_mem>>)
    %get3A_283 = arith.constant 26 : index
    %get3A_284 = memref.load %arg0[%get3A_283] : memref<64xi32, #tpu.memory_space<smem>>
    %mul3A_285 = arith.constant 128 : i32
    %mul3A_286 = arith.muli %get3A_284, %mul3A_285 : i32
    %dma_start3A_287 = arith.constant 26 : i32
    %dma_start3A_288 = arith.constant 0 : i32
    %dma_start3A_289 = arith.constant 0 : i32
    %dma_start3A_290 = tpu.memref_slice %arg5[%dma_start3A_287, %dma_start3A_288, %dma_start3A_289] : memref<64x8x128xf32, #tpu.memory_space<vmem>> -> memref<1x8x128xf32, #tpu.memory_space<vmem>>
    %dma_start3A_291 = tpu.memref_squeeze %dma_start3A_290 : memref<1x8x128xf32, #tpu.memory_space<vmem>> -> memref<8x128xf32, #tpu.memory_space<vmem>>
    %dma_start3A_292 = arith.constant 24 : i32
    %dma_start3A_293 = tpu.memref_slice %arg2[%dma_start3A_292, %mul3A_286] : memref<64x100000xf32, #tpu.memory_space<hbm>> -> memref<8x128xf32, #tpu.memory_space<hbm>>
    tpu.enqueue_dma source(%dma_start3A_293 : memref<8x128xf32, #tpu.memory_space<hbm>>) target(%dma_start3A_291 : memref<8x128xf32, #tpu.memory_space<vmem>>) target_semaphore(%arg7 : memref<!tpu.dma_semaphore, #tpu.memory_space<semaphore_mem>>)
    %get3A_294 = arith.constant 27 : index
    %get3A_295 = memref.load %arg0[%get3A_294] : memref<64xi32, #tpu.memory_space<smem>>
    %mul3A_296 = arith.constant 128 : i32
    %mul3A_297 = arith.muli %get3A_295, %mul3A_296 : i32
    %dma_start3A_298 = arith.constant 27 : i32
    %dma_start3A_299 = arith.constant 0 : i32
    %dma_start3A_300 = arith.constant 0 : i32
    %dma_start3A_301 = tpu.memref_slice %arg5[%dma_start3A_298, %dma_start3A_299, %dma_start3A_300] : memref<64x8x128xf32, #tpu.memory_space<vmem>> -> memref<1x8x128xf32, #tpu.memory_space<vmem>>
    %dma_start3A_302 = tpu.memref_squeeze %dma_start3A_301 : memref<1x8x128xf32, #tpu.memory_space<vmem>> -> memref<8x128xf32, #tpu.memory_space<vmem>>
    %dma_start3A_303 = arith.constant 24 : i32
    %dma_start3A_304 = tpu.memref_slice %arg2[%dma_start3A_303, %mul3A_297] : memref<64x100000xf32, #tpu.memory_space<hbm>> -> memref<8x128xf32, #tpu.memory_space<hbm>>
    tpu.enqueue_dma source(%dma_start3A_304 : memref<8x128xf32, #tpu.memory_space<hbm>>) target(%dma_start3A_302 : memref<8x128xf32, #tpu.memory_space<vmem>>) target_semaphore(%arg7 : memref<!tpu.dma_semaphore, #tpu.memory_space<semaphore_mem>>)
    %get3A_305 = arith.constant 28 : index
    %get3A_306 = memref.load %arg0[%get3A_305] : memref<64xi32, #tpu.memory_space<smem>>
    %mul3A_307 = arith.constant 128 : i32
    %mul3A_308 = arith.muli %get3A_306, %mul3A_307 : i32
    %dma_start3A_309 = arith.constant 28 : i32
    %dma_start3A_310 = arith.constant 0 : i32
    %dma_start3A_311 = arith.constant 0 : i32
    %dma_start3A_312 = tpu.memref_slice %arg5[%dma_start3A_309, %dma_start3A_310, %dma_start3A_311] : memref<64x8x128xf32, #tpu.memory_space<vmem>> -> memref<1x8x128xf32, #tpu.memory_space<vmem>>
    %dma_start3A_313 = tpu.memref_squeeze %dma_start3A_312 : memref<1x8x128xf32, #tpu.memory_space<vmem>> -> memref<8x128xf32, #tpu.memory_space<vmem>>
    %dma_start3A_314 = arith.constant 24 : i32
    %dma_start3A_315 = tpu.memref_slice %arg2[%dma_start3A_314, %mul3A_308] : memref<64x100000xf32, #tpu.memory_space<hbm>> -> memref<8x128xf32, #tpu.memory_space<hbm>>
    tpu.enqueue_dma source(%dma_start3A_315 : memref<8x128xf32, #tpu.memory_space<hbm>>) target(%dma_start3A_313 : memref<8x128xf32, #tpu.memory_space<vmem>>) target_semaphore(%arg7 : memref<!tpu.dma_semaphore, #tpu.memory_space<semaphore_mem>>)
    %get3A_316 = arith.constant 29 : index
    %get3A_317 = memref.load %arg0[%get3A_316] : memref<64xi32, #tpu.memory_space<smem>>
    %mul3A_318 = arith.constant 128 : i32
    %mul3A_319 = arith.muli %get3A_317, %mul3A_318 : i32
    %dma_start3A_320 = arith.constant 29 : i32
    %dma_start3A_321 = arith.constant 0 : i32
    %dma_start3A_322 = arith.constant 0 : i32
    %dma_start3A_323 = tpu.memref_slice %arg5[%dma_start3A_320, %dma_start3A_321, %dma_start3A_322] : memref<64x8x128xf32, #tpu.memory_space<vmem>> -> memref<1x8x128xf32, #tpu.memory_space<vmem>>
    %dma_start3A_324 = tpu.memref_squeeze %dma_start3A_323 : memref<1x8x128xf32, #tpu.memory_space<vmem>> -> memref<8x128xf32, #tpu.memory_space<vmem>>
    %dma_start3A_325 = arith.constant 24 : i32
    %dma_start3A_326 = tpu.memref_slice %arg2[%dma_start3A_325, %mul3A_319] : memref<64x100000xf32, #tpu.memory_space<hbm>> -> memref<8x128xf32, #tpu.memory_space<hbm>>
    tpu.enqueue_dma source(%dma_start3A_326 : memref<8x128xf32, #tpu.memory_space<hbm>>) target(%dma_start3A_324 : memref<8x128xf32, #tpu.memory_space<vmem>>) target_semaphore(%arg7 : memref<!tpu.dma_semaphore, #tpu.memory_space<semaphore_mem>>)
    %get3A_327 = arith.constant 30 : index
    %get3A_328 = memref.load %arg0[%get3A_327] : memref<64xi32, #tpu.memory_space<smem>>
    %mul3A_329 = arith.constant 128 : i32
    %mul3A_330 = arith.muli %get3A_328, %mul3A_329 : i32
    %dma_start3A_331 = arith.constant 30 : i32
    %dma_start3A_332 = arith.constant 0 : i32
    %dma_start3A_333 = arith.constant 0 : i32
    %dma_start3A_334 = tpu.memref_slice %arg5[%dma_start3A_331, %dma_start3A_332, %dma_start3A_333] : memref<64x8x128xf32, #tpu.memory_space<vmem>> -> memref<1x8x128xf32, #tpu.memory_space<vmem>>
    %dma_start3A_335 = tpu.memref_squeeze %dma_start3A_334 : memref<1x8x128xf32, #tpu.memory_space<vmem>> -> memref<8x128xf32, #tpu.memory_space<vmem>>
    %dma_start3A_336 = arith.constant 24 : i32
    %dma_start3A_337 = tpu.memref_slice %arg2[%dma_start3A_336, %mul3A_330] : memref<64x100000xf32, #tpu.memory_space<hbm>> -> memref<8x128xf32, #tpu.memory_space<hbm>>
    tpu.enqueue_dma source(%dma_start3A_337 : memref<8x128xf32, #tpu.memory_space<hbm>>) target(%dma_start3A_335 : memref<8x128xf32, #tpu.memory_space<vmem>>) target_semaphore(%arg7 : memref<!tpu.dma_semaphore, #tpu.memory_space<semaphore_mem>>)
    %get3A_338 = arith.constant 31 : index
    %get3A_339 = memref.load %arg0[%get3A_338] : memref<64xi32, #tpu.memory_space<smem>>
    %mul3A_340 = arith.constant 128 : i32
    %mul3A_341 = arith.muli %get3A_339, %mul3A_340 : i32
    %dma_start3A_342 = arith.constant 31 : i32
    %dma_start3A_343 = arith.constant 0 : i32
    %dma_start3A_344 = arith.constant 0 : i32
    %dma_start3A_345 = tpu.memref_slice %arg5[%dma_start3A_342, %dma_start3A_343, %dma_start3A_344] : memref<64x8x128xf32, #tpu.memory_space<vmem>> -> memref<1x8x128xf32, #tpu.memory_space<vmem>>
    %dma_start3A_346 = tpu.memref_squeeze %dma_start3A_345 : memref<1x8x128xf32, #tpu.memory_space<vmem>> -> memref<8x128xf32, #tpu.memory_space<vmem>>
    %dma_start3A_347 = arith.constant 24 : i32
    %dma_start3A_348 = tpu.memref_slice %arg2[%dma_start3A_347, %mul3A_341] : memref<64x100000xf32, #tpu.memory_space<hbm>> -> memref<8x128xf32, #tpu.memory_space<hbm>>
    tpu.enqueue_dma source(%dma_start3A_348 : memref<8x128xf32, #tpu.memory_space<hbm>>) target(%dma_start3A_346 : memref<8x128xf32, #tpu.memory_space<vmem>>) target_semaphore(%arg7 : memref<!tpu.dma_semaphore, #tpu.memory_space<semaphore_mem>>)
    %get3A_349 = arith.constant 32 : index
    %get3A_350 = memref.load %arg0[%get3A_349] : memref<64xi32, #tpu.memory_space<smem>>
    %mul3A_351 = arith.constant 128 : i32
    %mul3A_352 = arith.muli %get3A_350, %mul3A_351 : i32
    %dma_start3A_353 = arith.constant 32 : i32
    %dma_start3A_354 = arith.constant 0 : i32
    %dma_start3A_355 = arith.constant 0 : i32
    %dma_start3A_356 = tpu.memref_slice %arg5[%dma_start3A_353, %dma_start3A_354, %dma_start3A_355] : memref<64x8x128xf32, #tpu.memory_space<vmem>> -> memref<1x8x128xf32, #tpu.memory_space<vmem>>
    %dma_start3A_357 = tpu.memref_squeeze %dma_start3A_356 : memref<1x8x128xf32, #tpu.memory_space<vmem>> -> memref<8x128xf32, #tpu.memory_space<vmem>>
    %dma_start3A_358 = arith.constant 32 : i32
    %dma_start3A_359 = tpu.memref_slice %arg2[%dma_start3A_358, %mul3A_352] : memref<64x100000xf32, #tpu.memory_space<hbm>> -> memref<8x128xf32, #tpu.memory_space<hbm>>
    tpu.enqueue_dma source(%dma_start3A_359 : memref<8x128xf32, #tpu.memory_space<hbm>>) target(%dma_start3A_357 : memref<8x128xf32, #tpu.memory_space<vmem>>) target_semaphore(%arg7 : memref<!tpu.dma_semaphore, #tpu.memory_space<semaphore_mem>>)
    %get3A_360 = arith.constant 33 : index
    %get3A_361 = memref.load %arg0[%get3A_360] : memref<64xi32, #tpu.memory_space<smem>>
    %mul3A_362 = arith.constant 128 : i32
    %mul3A_363 = arith.muli %get3A_361, %mul3A_362 : i32
    %dma_start3A_364 = arith.constant 33 : i32
    %dma_start3A_365 = arith.constant 0 : i32
    %dma_start3A_366 = arith.constant 0 : i32
    %dma_start3A_367 = tpu.memref_slice %arg5[%dma_start3A_364, %dma_start3A_365, %dma_start3A_366] : memref<64x8x128xf32, #tpu.memory_space<vmem>> -> memref<1x8x128xf32, #tpu.memory_space<vmem>>
    %dma_start3A_368 = tpu.memref_squeeze %dma_start3A_367 : memref<1x8x128xf32, #tpu.memory_space<vmem>> -> memref<8x128xf32, #tpu.memory_space<vmem>>
    %dma_start3A_369 = arith.constant 32 : i32
    %dma_start3A_370 = tpu.memref_slice %arg2[%dma_start3A_369, %mul3A_363] : memref<64x100000xf32, #tpu.memory_space<hbm>> -> memref<8x128xf32, #tpu.memory_space<hbm>>
    tpu.enqueue_dma source(%dma_start3A_370 : memref<8x128xf32, #tpu.memory_space<hbm>>) target(%dma_start3A_368 : memref<8x128xf32, #tpu.memory_space<vmem>>) target_semaphore(%arg7 : memref<!tpu.dma_semaphore, #tpu.memory_space<semaphore_mem>>)
    %get3A_371 = arith.constant 34 : index
    %get3A_372 = memref.load %arg0[%get3A_371] : memref<64xi32, #tpu.memory_space<smem>>
    %mul3A_373 = arith.constant 128 : i32
    %mul3A_374 = arith.muli %get3A_372, %mul3A_373 : i32
    %dma_start3A_375 = arith.constant 34 : i32
    %dma_start3A_376 = arith.constant 0 : i32
    %dma_start3A_377 = arith.constant 0 : i32
    %dma_start3A_378 = tpu.memref_slice %arg5[%dma_start3A_375, %dma_start3A_376, %dma_start3A_377] : memref<64x8x128xf32, #tpu.memory_space<vmem>> -> memref<1x8x128xf32, #tpu.memory_space<vmem>>
    %dma_start3A_379 = tpu.memref_squeeze %dma_start3A_378 : memref<1x8x128xf32, #tpu.memory_space<vmem>> -> memref<8x128xf32, #tpu.memory_space<vmem>>
    %dma_start3A_380 = arith.constant 32 : i32
    %dma_start3A_381 = tpu.memref_slice %arg2[%dma_start3A_380, %mul3A_374] : memref<64x100000xf32, #tpu.memory_space<hbm>> -> memref<8x128xf32, #tpu.memory_space<hbm>>
    tpu.enqueue_dma source(%dma_start3A_381 : memref<8x128xf32, #tpu.memory_space<hbm>>) target(%dma_start3A_379 : memref<8x128xf32, #tpu.memory_space<vmem>>) target_semaphore(%arg7 : memref<!tpu.dma_semaphore, #tpu.memory_space<semaphore_mem>>)
    %get3A_382 = arith.constant 35 : index
    %get3A_383 = memref.load %arg0[%get3A_382] : memref<64xi32, #tpu.memory_space<smem>>
    %mul3A_384 = arith.constant 128 : i32
    %mul3A_385 = arith.muli %get3A_383, %mul3A_384 : i32
    %dma_start3A_386 = arith.constant 35 : i32
    %dma_start3A_387 = arith.constant 0 : i32
    %dma_start3A_388 = arith.constant 0 : i32
    %dma_start3A_389 = tpu.memref_slice %arg5[%dma_start3A_386, %dma_start3A_387, %dma_start3A_388] : memref<64x8x128xf32, #tpu.memory_space<vmem>> -> memref<1x8x128xf32, #tpu.memory_space<vmem>>
    %dma_start3A_390 = tpu.memref_squeeze %dma_start3A_389 : memref<1x8x128xf32, #tpu.memory_space<vmem>> -> memref<8x128xf32, #tpu.memory_space<vmem>>
    %dma_start3A_391 = arith.constant 32 : i32
    %dma_start3A_392 = tpu.memref_slice %arg2[%dma_start3A_391, %mul3A_385] : memref<64x100000xf32, #tpu.memory_space<hbm>> -> memref<8x128xf32, #tpu.memory_space<hbm>>
    tpu.enqueue_dma source(%dma_start3A_392 : memref<8x128xf32, #tpu.memory_space<hbm>>) target(%dma_start3A_390 : memref<8x128xf32, #tpu.memory_space<vmem>>) target_semaphore(%arg7 : memref<!tpu.dma_semaphore, #tpu.memory_space<semaphore_mem>>)
    %get3A_393 = arith.constant 36 : index
    %get3A_394 = memref.load %arg0[%get3A_393] : memref<64xi32, #tpu.memory_space<smem>>
    %mul3A_395 = arith.constant 128 : i32
    %mul3A_396 = arith.muli %get3A_394, %mul3A_395 : i32
    %dma_start3A_397 = arith.constant 36 : i32
    %dma_start3A_398 = arith.constant 0 : i32
    %dma_start3A_399 = arith.constant 0 : i32
    %dma_start3A_400 = tpu.memref_slice %arg5[%dma_start3A_397, %dma_start3A_398, %dma_start3A_399] : memref<64x8x128xf32, #tpu.memory_space<vmem>> -> memref<1x8x128xf32, #tpu.memory_space<vmem>>
    %dma_start3A_401 = tpu.memref_squeeze %dma_start3A_400 : memref<1x8x128xf32, #tpu.memory_space<vmem>> -> memref<8x128xf32, #tpu.memory_space<vmem>>
    %dma_start3A_402 = arith.constant 32 : i32
    %dma_start3A_403 = tpu.memref_slice %arg2[%dma_start3A_402, %mul3A_396] : memref<64x100000xf32, #tpu.memory_space<hbm>> -> memref<8x128xf32, #tpu.memory_space<hbm>>
    tpu.enqueue_dma source(%dma_start3A_403 : memref<8x128xf32, #tpu.memory_space<hbm>>) target(%dma_start3A_401 : memref<8x128xf32, #tpu.memory_space<vmem>>) target_semaphore(%arg7 : memref<!tpu.dma_semaphore, #tpu.memory_space<semaphore_mem>>)
    %get3A_404 = arith.constant 37 : index
    %get3A_405 = memref.load %arg0[%get3A_404] : memref<64xi32, #tpu.memory_space<smem>>
    %mul3A_406 = arith.constant 128 : i32
    %mul3A_407 = arith.muli %get3A_405, %mul3A_406 : i32
    %dma_start3A_408 = arith.constant 37 : i32
    %dma_start3A_409 = arith.constant 0 : i32
    %dma_start3A_410 = arith.constant 0 : i32
    %dma_start3A_411 = tpu.memref_slice %arg5[%dma_start3A_408, %dma_start3A_409, %dma_start3A_410] : memref<64x8x128xf32, #tpu.memory_space<vmem>> -> memref<1x8x128xf32, #tpu.memory_space<vmem>>
    %dma_start3A_412 = tpu.memref_squeeze %dma_start3A_411 : memref<1x8x128xf32, #tpu.memory_space<vmem>> -> memref<8x128xf32, #tpu.memory_space<vmem>>
    %dma_start3A_413 = arith.constant 32 : i32
    %dma_start3A_414 = tpu.memref_slice %arg2[%dma_start3A_413, %mul3A_407] : memref<64x100000xf32, #tpu.memory_space<hbm>> -> memref<8x128xf32, #tpu.memory_space<hbm>>
    tpu.enqueue_dma source(%dma_start3A_414 : memref<8x128xf32, #tpu.memory_space<hbm>>) target(%dma_start3A_412 : memref<8x128xf32, #tpu.memory_space<vmem>>) target_semaphore(%arg7 : memref<!tpu.dma_semaphore, #tpu.memory_space<semaphore_mem>>)
    %get3A_415 = arith.constant 38 : index
    %get3A_416 = memref.load %arg0[%get3A_415] : memref<64xi32, #tpu.memory_space<smem>>
    %mul3A_417 = arith.constant 128 : i32
    %mul3A_418 = arith.muli %get3A_416, %mul3A_417 : i32
    %dma_start3A_419 = arith.constant 38 : i32
    %dma_start3A_420 = arith.constant 0 : i32
    %dma_start3A_421 = arith.constant 0 : i32
    %dma_start3A_422 = tpu.memref_slice %arg5[%dma_start3A_419, %dma_start3A_420, %dma_start3A_421] : memref<64x8x128xf32, #tpu.memory_space<vmem>> -> memref<1x8x128xf32, #tpu.memory_space<vmem>>
    %dma_start3A_423 = tpu.memref_squeeze %dma_start3A_422 : memref<1x8x128xf32, #tpu.memory_space<vmem>> -> memref<8x128xf32, #tpu.memory_space<vmem>>
    %dma_start3A_424 = arith.constant 32 : i32
    %dma_start3A_425 = tpu.memref_slice %arg2[%dma_start3A_424, %mul3A_418] : memref<64x100000xf32, #tpu.memory_space<hbm>> -> memref<8x128xf32, #tpu.memory_space<hbm>>
    tpu.enqueue_dma source(%dma_start3A_425 : memref<8x128xf32, #tpu.memory_space<hbm>>) target(%dma_start3A_423 : memref<8x128xf32, #tpu.memory_space<vmem>>) target_semaphore(%arg7 : memref<!tpu.dma_semaphore, #tpu.memory_space<semaphore_mem>>)
    %get3A_426 = arith.constant 39 : index
    %get3A_427 = memref.load %arg0[%get3A_426] : memref<64xi32, #tpu.memory_space<smem>>
    %mul3A_428 = arith.constant 128 : i32
    %mul3A_429 = arith.muli %get3A_427, %mul3A_428 : i32
    %dma_start3A_430 = arith.constant 39 : i32
    %dma_start3A_431 = arith.constant 0 : i32
    %dma_start3A_432 = arith.constant 0 : i32
    %dma_start3A_433 = tpu.memref_slice %arg5[%dma_start3A_430, %dma_start3A_431, %dma_start3A_432] : memref<64x8x128xf32, #tpu.memory_space<vmem>> -> memref<1x8x128xf32, #tpu.memory_space<vmem>>
    %dma_start3A_434 = tpu.memref_squeeze %dma_start3A_433 : memref<1x8x128xf32, #tpu.memory_space<vmem>> -> memref<8x128xf32, #tpu.memory_space<vmem>>
    %dma_start3A_435 = arith.constant 32 : i32
    %dma_start3A_436 = tpu.memref_slice %arg2[%dma_start3A_435, %mul3A_429] : memref<64x100000xf32, #tpu.memory_space<hbm>> -> memref<8x128xf32, #tpu.memory_space<hbm>>
    tpu.enqueue_dma source(%dma_start3A_436 : memref<8x128xf32, #tpu.memory_space<hbm>>) target(%dma_start3A_434 : memref<8x128xf32, #tpu.memory_space<vmem>>) target_semaphore(%arg7 : memref<!tpu.dma_semaphore, #tpu.memory_space<semaphore_mem>>)
    %get3A_437 = arith.constant 40 : index
    %get3A_438 = memref.load %arg0[%get3A_437] : memref<64xi32, #tpu.memory_space<smem>>
    %mul3A_439 = arith.constant 128 : i32
    %mul3A_440 = arith.muli %get3A_438, %mul3A_439 : i32
    %dma_start3A_441 = arith.constant 40 : i32
    %dma_start3A_442 = arith.constant 0 : i32
    %dma_start3A_443 = arith.constant 0 : i32
    %dma_start3A_444 = tpu.memref_slice %arg5[%dma_start3A_441, %dma_start3A_442, %dma_start3A_443] : memref<64x8x128xf32, #tpu.memory_space<vmem>> -> memref<1x8x128xf32, #tpu.memory_space<vmem>>
    %dma_start3A_445 = tpu.memref_squeeze %dma_start3A_444 : memref<1x8x128xf32, #tpu.memory_space<vmem>> -> memref<8x128xf32, #tpu.memory_space<vmem>>
    %dma_start3A_446 = arith.constant 40 : i32
    %dma_start3A_447 = tpu.memref_slice %arg2[%dma_start3A_446, %mul3A_440] : memref<64x100000xf32, #tpu.memory_space<hbm>> -> memref<8x128xf32, #tpu.memory_space<hbm>>
    tpu.enqueue_dma source(%dma_start3A_447 : memref<8x128xf32, #tpu.memory_space<hbm>>) target(%dma_start3A_445 : memref<8x128xf32, #tpu.memory_space<vmem>>) target_semaphore(%arg7 : memref<!tpu.dma_semaphore, #tpu.memory_space<semaphore_mem>>)
    %get3A_448 = arith.constant 41 : index
    %get3A_449 = memref.load %arg0[%get3A_448] : memref<64xi32, #tpu.memory_space<smem>>
    %mul3A_450 = arith.constant 128 : i32
    %mul3A_451 = arith.muli %get3A_449, %mul3A_450 : i32
    %dma_start3A_452 = arith.constant 41 : i32
    %dma_start3A_453 = arith.constant 0 : i32
    %dma_start3A_454 = arith.constant 0 : i32
    %dma_start3A_455 = tpu.memref_slice %arg5[%dma_start3A_452, %dma_start3A_453, %dma_start3A_454] : memref<64x8x128xf32, #tpu.memory_space<vmem>> -> memref<1x8x128xf32, #tpu.memory_space<vmem>>
    %dma_start3A_456 = tpu.memref_squeeze %dma_start3A_455 : memref<1x8x128xf32, #tpu.memory_space<vmem>> -> memref<8x128xf32, #tpu.memory_space<vmem>>
    %dma_start3A_457 = arith.constant 40 : i32
    %dma_start3A_458 = tpu.memref_slice %arg2[%dma_start3A_457, %mul3A_451] : memref<64x100000xf32, #tpu.memory_space<hbm>> -> memref<8x128xf32, #tpu.memory_space<hbm>>
    tpu.enqueue_dma source(%dma_start3A_458 : memref<8x128xf32, #tpu.memory_space<hbm>>) target(%dma_start3A_456 : memref<8x128xf32, #tpu.memory_space<vmem>>) target_semaphore(%arg7 : memref<!tpu.dma_semaphore, #tpu.memory_space<semaphore_mem>>)
    %get3A_459 = arith.constant 42 : index
    %get3A_460 = memref.load %arg0[%get3A_459] : memref<64xi32, #tpu.memory_space<smem>>
    %mul3A_461 = arith.constant 128 : i32
    %mul3A_462 = arith.muli %get3A_460, %mul3A_461 : i32
    %dma_start3A_463 = arith.constant 42 : i32
    %dma_start3A_464 = arith.constant 0 : i32
    %dma_start3A_465 = arith.constant 0 : i32
    %dma_start3A_466 = tpu.memref_slice %arg5[%dma_start3A_463, %dma_start3A_464, %dma_start3A_465] : memref<64x8x128xf32, #tpu.memory_space<vmem>> -> memref<1x8x128xf32, #tpu.memory_space<vmem>>
    %dma_start3A_467 = tpu.memref_squeeze %dma_start3A_466 : memref<1x8x128xf32, #tpu.memory_space<vmem>> -> memref<8x128xf32, #tpu.memory_space<vmem>>
    %dma_start3A_468 = arith.constant 40 : i32
    %dma_start3A_469 = tpu.memref_slice %arg2[%dma_start3A_468, %mul3A_462] : memref<64x100000xf32, #tpu.memory_space<hbm>> -> memref<8x128xf32, #tpu.memory_space<hbm>>
    tpu.enqueue_dma source(%dma_start3A_469 : memref<8x128xf32, #tpu.memory_space<hbm>>) target(%dma_start3A_467 : memref<8x128xf32, #tpu.memory_space<vmem>>) target_semaphore(%arg7 : memref<!tpu.dma_semaphore, #tpu.memory_space<semaphore_mem>>)
    %get3A_470 = arith.constant 43 : index
    %get3A_471 = memref.load %arg0[%get3A_470] : memref<64xi32, #tpu.memory_space<smem>>
    %mul3A_472 = arith.constant 128 : i32
    %mul3A_473 = arith.muli %get3A_471, %mul3A_472 : i32
    %dma_start3A_474 = arith.constant 43 : i32
    %dma_start3A_475 = arith.constant 0 : i32
    %dma_start3A_476 = arith.constant 0 : i32
    %dma_start3A_477 = tpu.memref_slice %arg5[%dma_start3A_474, %dma_start3A_475, %dma_start3A_476] : memref<64x8x128xf32, #tpu.memory_space<vmem>> -> memref<1x8x128xf32, #tpu.memory_space<vmem>>
    %dma_start3A_478 = tpu.memref_squeeze %dma_start3A_477 : memref<1x8x128xf32, #tpu.memory_space<vmem>> -> memref<8x128xf32, #tpu.memory_space<vmem>>
    %dma_start3A_479 = arith.constant 40 : i32
    %dma_start3A_480 = tpu.memref_slice %arg2[%dma_start3A_479, %mul3A_473] : memref<64x100000xf32, #tpu.memory_space<hbm>> -> memref<8x128xf32, #tpu.memory_space<hbm>>
    tpu.enqueue_dma source(%dma_start3A_480 : memref<8x128xf32, #tpu.memory_space<hbm>>) target(%dma_start3A_478 : memref<8x128xf32, #tpu.memory_space<vmem>>) target_semaphore(%arg7 : memref<!tpu.dma_semaphore, #tpu.memory_space<semaphore_mem>>)
    %get3A_481 = arith.constant 44 : index
    %get3A_482 = memref.load %arg0[%get3A_481] : memref<64xi32, #tpu.memory_space<smem>>
    %mul3A_483 = arith.constant 128 : i32
    %mul3A_484 = arith.muli %get3A_482, %mul3A_483 : i32
    %dma_start3A_485 = arith.constant 44 : i32
    %dma_start3A_486 = arith.constant 0 : i32
    %dma_start3A_487 = arith.constant 0 : i32
    %dma_start3A_488 = tpu.memref_slice %arg5[%dma_start3A_485, %dma_start3A_486, %dma_start3A_487] : memref<64x8x128xf32, #tpu.memory_space<vmem>> -> memref<1x8x128xf32, #tpu.memory_space<vmem>>
    %dma_start3A_489 = tpu.memref_squeeze %dma_start3A_488 : memref<1x8x128xf32, #tpu.memory_space<vmem>> -> memref<8x128xf32, #tpu.memory_space<vmem>>
    %dma_start3A_490 = arith.constant 40 : i32
    %dma_start3A_491 = tpu.memref_slice %arg2[%dma_start3A_490, %mul3A_484] : memref<64x100000xf32, #tpu.memory_space<hbm>> -> memref<8x128xf32, #tpu.memory_space<hbm>>
    tpu.enqueue_dma source(%dma_start3A_491 : memref<8x128xf32, #tpu.memory_space<hbm>>) target(%dma_start3A_489 : memref<8x128xf32, #tpu.memory_space<vmem>>) target_semaphore(%arg7 : memref<!tpu.dma_semaphore, #tpu.memory_space<semaphore_mem>>)
    %get3A_492 = arith.constant 45 : index
    %get3A_493 = memref.load %arg0[%get3A_492] : memref<64xi32, #tpu.memory_space<smem>>
    %mul3A_494 = arith.constant 128 : i32
    %mul3A_495 = arith.muli %get3A_493, %mul3A_494 : i32
    %dma_start3A_496 = arith.constant 45 : i32
    %dma_start3A_497 = arith.constant 0 : i32
    %dma_start3A_498 = arith.constant 0 : i32
    %dma_start3A_499 = tpu.memref_slice %arg5[%dma_start3A_496, %dma_start3A_497, %dma_start3A_498] : memref<64x8x128xf32, #tpu.memory_space<vmem>> -> memref<1x8x128xf32, #tpu.memory_space<vmem>>
    %dma_start3A_500 = tpu.memref_squeeze %dma_start3A_499 : memref<1x8x128xf32, #tpu.memory_space<vmem>> -> memref<8x128xf32, #tpu.memory_space<vmem>>
    %dma_start3A_501 = arith.constant 40 : i32
    %dma_start3A_502 = tpu.memref_slice %arg2[%dma_start3A_501, %mul3A_495] : memref<64x100000xf32, #tpu.memory_space<hbm>> -> memref<8x128xf32, #tpu.memory_space<hbm>>
    tpu.enqueue_dma source(%dma_start3A_502 : memref<8x128xf32, #tpu.memory_space<hbm>>) target(%dma_start3A_500 : memref<8x128xf32, #tpu.memory_space<vmem>>) target_semaphore(%arg7 : memref<!tpu.dma_semaphore, #tpu.memory_space<semaphore_mem>>)
    %get3A_503 = arith.constant 46 : index
    %get3A_504 = memref.load %arg0[%get3A_503] : memref<64xi32, #tpu.memory_space<smem>>
    %mul3A_505 = arith.constant 128 : i32
    %mul3A_506 = arith.muli %get3A_504, %mul3A_505 : i32
    %dma_start3A_507 = arith.constant 46 : i32
    %dma_start3A_508 = arith.constant 0 : i32
    %dma_start3A_509 = arith.constant 0 : i32
    %dma_start3A_510 = tpu.memref_slice %arg5[%dma_start3A_507, %dma_start3A_508, %dma_start3A_509] : memref<64x8x128xf32, #tpu.memory_space<vmem>> -> memref<1x8x128xf32, #tpu.memory_space<vmem>>
    %dma_start3A_511 = tpu.memref_squeeze %dma_start3A_510 : memref<1x8x128xf32, #tpu.memory_space<vmem>> -> memref<8x128xf32, #tpu.memory_space<vmem>>
    %dma_start3A_512 = arith.constant 40 : i32
    %dma_start3A_513 = tpu.memref_slice %arg2[%dma_start3A_512, %mul3A_506] : memref<64x100000xf32, #tpu.memory_space<hbm>> -> memref<8x128xf32, #tpu.memory_space<hbm>>
    tpu.enqueue_dma source(%dma_start3A_513 : memref<8x128xf32, #tpu.memory_space<hbm>>) target(%dma_start3A_511 : memref<8x128xf32, #tpu.memory_space<vmem>>) target_semaphore(%arg7 : memref<!tpu.dma_semaphore, #tpu.memory_space<semaphore_mem>>)
    %get3A_514 = arith.constant 47 : index
    %get3A_515 = memref.load %arg0[%get3A_514] : memref<64xi32, #tpu.memory_space<smem>>
    %mul3A_516 = arith.constant 128 : i32
    %mul3A_517 = arith.muli %get3A_515, %mul3A_516 : i32
    %dma_start3A_518 = arith.constant 47 : i32
    %dma_start3A_519 = arith.constant 0 : i32
    %dma_start3A_520 = arith.constant 0 : i32
    %dma_start3A_521 = tpu.memref_slice %arg5[%dma_start3A_518, %dma_start3A_519, %dma_start3A_520] : memref<64x8x128xf32, #tpu.memory_space<vmem>> -> memref<1x8x128xf32, #tpu.memory_space<vmem>>
    %dma_start3A_522 = tpu.memref_squeeze %dma_start3A_521 : memref<1x8x128xf32, #tpu.memory_space<vmem>> -> memref<8x128xf32, #tpu.memory_space<vmem>>
    %dma_start3A_523 = arith.constant 40 : i32
    %dma_start3A_524 = tpu.memref_slice %arg2[%dma_start3A_523, %mul3A_517] : memref<64x100000xf32, #tpu.memory_space<hbm>> -> memref<8x128xf32, #tpu.memory_space<hbm>>
    tpu.enqueue_dma source(%dma_start3A_524 : memref<8x128xf32, #tpu.memory_space<hbm>>) target(%dma_start3A_522 : memref<8x128xf32, #tpu.memory_space<vmem>>) target_semaphore(%arg7 : memref<!tpu.dma_semaphore, #tpu.memory_space<semaphore_mem>>)
    %get3A_525 = arith.constant 48 : index
    %get3A_526 = memref.load %arg0[%get3A_525] : memref<64xi32, #tpu.memory_space<smem>>
    %mul3A_527 = arith.constant 128 : i32
    %mul3A_528 = arith.muli %get3A_526, %mul3A_527 : i32
    %dma_start3A_529 = arith.constant 48 : i32
    %dma_start3A_530 = arith.constant 0 : i32
    %dma_start3A_531 = arith.constant 0 : i32
    %dma_start3A_532 = tpu.memref_slice %arg5[%dma_start3A_529, %dma_start3A_530, %dma_start3A_531] : memref<64x8x128xf32, #tpu.memory_space<vmem>> -> memref<1x8x128xf32, #tpu.memory_space<vmem>>
    %dma_start3A_533 = tpu.memref_squeeze %dma_start3A_532 : memref<1x8x128xf32, #tpu.memory_space<vmem>> -> memref<8x128xf32, #tpu.memory_space<vmem>>
    %dma_start3A_534 = arith.constant 48 : i32
    %dma_start3A_535 = tpu.memref_slice %arg2[%dma_start3A_534, %mul3A_528] : memref<64x100000xf32, #tpu.memory_space<hbm>> -> memref<8x128xf32, #tpu.memory_space<hbm>>
    tpu.enqueue_dma source(%dma_start3A_535 : memref<8x128xf32, #tpu.memory_space<hbm>>) target(%dma_start3A_533 : memref<8x128xf32, #tpu.memory_space<vmem>>) target_semaphore(%arg7 : memref<!tpu.dma_semaphore, #tpu.memory_space<semaphore_mem>>)
    %get3A_536 = arith.constant 49 : index
    %get3A_537 = memref.load %arg0[%get3A_536] : memref<64xi32, #tpu.memory_space<smem>>
    %mul3A_538 = arith.constant 128 : i32
    %mul3A_539 = arith.muli %get3A_537, %mul3A_538 : i32
    %dma_start3A_540 = arith.constant 49 : i32
    %dma_start3A_541 = arith.constant 0 : i32
    %dma_start3A_542 = arith.constant 0 : i32
    %dma_start3A_543 = tpu.memref_slice %arg5[%dma_start3A_540, %dma_start3A_541, %dma_start3A_542] : memref<64x8x128xf32, #tpu.memory_space<vmem>> -> memref<1x8x128xf32, #tpu.memory_space<vmem>>
    %dma_start3A_544 = tpu.memref_squeeze %dma_start3A_543 : memref<1x8x128xf32, #tpu.memory_space<vmem>> -> memref<8x128xf32, #tpu.memory_space<vmem>>
    %dma_start3A_545 = arith.constant 48 : i32
    %dma_start3A_546 = tpu.memref_slice %arg2[%dma_start3A_545, %mul3A_539] : memref<64x100000xf32, #tpu.memory_space<hbm>> -> memref<8x128xf32, #tpu.memory_space<hbm>>
    tpu.enqueue_dma source(%dma_start3A_546 : memref<8x128xf32, #tpu.memory_space<hbm>>) target(%dma_start3A_544 : memref<8x128xf32, #tpu.memory_space<vmem>>) target_semaphore(%arg7 : memref<!tpu.dma_semaphore, #tpu.memory_space<semaphore_mem>>)
    %get3A_547 = arith.constant 50 : index
    %get3A_548 = memref.load %arg0[%get3A_547] : memref<64xi32, #tpu.memory_space<smem>>
    %mul3A_549 = arith.constant 128 : i32
    %mul3A_550 = arith.muli %get3A_548, %mul3A_549 : i32
    %dma_start3A_551 = arith.constant 50 : i32
    %dma_start3A_552 = arith.constant 0 : i32
    %dma_start3A_553 = arith.constant 0 : i32
    %dma_start3A_554 = tpu.memref_slice %arg5[%dma_start3A_551, %dma_start3A_552, %dma_start3A_553] : memref<64x8x128xf32, #tpu.memory_space<vmem>> -> memref<1x8x128xf32, #tpu.memory_space<vmem>>
    %dma_start3A_555 = tpu.memref_squeeze %dma_start3A_554 : memref<1x8x128xf32, #tpu.memory_space<vmem>> -> memref<8x128xf32, #tpu.memory_space<vmem>>
    %dma_start3A_556 = arith.constant 48 : i32
    %dma_start3A_557 = tpu.memref_slice %arg2[%dma_start3A_556, %mul3A_550] : memref<64x100000xf32, #tpu.memory_space<hbm>> -> memref<8x128xf32, #tpu.memory_space<hbm>>
    tpu.enqueue_dma source(%dma_start3A_557 : memref<8x128xf32, #tpu.memory_space<hbm>>) target(%dma_start3A_555 : memref<8x128xf32, #tpu.memory_space<vmem>>) target_semaphore(%arg7 : memref<!tpu.dma_semaphore, #tpu.memory_space<semaphore_mem>>)
    %get3A_558 = arith.constant 51 : index
    %get3A_559 = memref.load %arg0[%get3A_558] : memref<64xi32, #tpu.memory_space<smem>>
    %mul3A_560 = arith.constant 128 : i32
    %mul3A_561 = arith.muli %get3A_559, %mul3A_560 : i32
    %dma_start3A_562 = arith.constant 51 : i32
    %dma_start3A_563 = arith.constant 0 : i32
    %dma_start3A_564 = arith.constant 0 : i32
    %dma_start3A_565 = tpu.memref_slice %arg5[%dma_start3A_562, %dma_start3A_563, %dma_start3A_564] : memref<64x8x128xf32, #tpu.memory_space<vmem>> -> memref<1x8x128xf32, #tpu.memory_space<vmem>>
    %dma_start3A_566 = tpu.memref_squeeze %dma_start3A_565 : memref<1x8x128xf32, #tpu.memory_space<vmem>> -> memref<8x128xf32, #tpu.memory_space<vmem>>
    %dma_start3A_567 = arith.constant 48 : i32
    %dma_start3A_568 = tpu.memref_slice %arg2[%dma_start3A_567, %mul3A_561] : memref<64x100000xf32, #tpu.memory_space<hbm>> -> memref<8x128xf32, #tpu.memory_space<hbm>>
    tpu.enqueue_dma source(%dma_start3A_568 : memref<8x128xf32, #tpu.memory_space<hbm>>) target(%dma_start3A_566 : memref<8x128xf32, #tpu.memory_space<vmem>>) target_semaphore(%arg7 : memref<!tpu.dma_semaphore, #tpu.memory_space<semaphore_mem>>)
    %get3A_569 = arith.constant 52 : index
    %get3A_570 = memref.load %arg0[%get3A_569] : memref<64xi32, #tpu.memory_space<smem>>
    %mul3A_571 = arith.constant 128 : i32
    %mul3A_572 = arith.muli %get3A_570, %mul3A_571 : i32
    %dma_start3A_573 = arith.constant 52 : i32
    %dma_start3A_574 = arith.constant 0 : i32
    %dma_start3A_575 = arith.constant 0 : i32
    %dma_start3A_576 = tpu.memref_slice %arg5[%dma_start3A_573, %dma_start3A_574, %dma_start3A_575] : memref<64x8x128xf32, #tpu.memory_space<vmem>> -> memref<1x8x128xf32, #tpu.memory_space<vmem>>
    %dma_start3A_577 = tpu.memref_squeeze %dma_start3A_576 : memref<1x8x128xf32, #tpu.memory_space<vmem>> -> memref<8x128xf32, #tpu.memory_space<vmem>>
    %dma_start3A_578 = arith.constant 48 : i32
    %dma_start3A_579 = tpu.memref_slice %arg2[%dma_start3A_578, %mul3A_572] : memref<64x100000xf32, #tpu.memory_space<hbm>> -> memref<8x128xf32, #tpu.memory_space<hbm>>
    tpu.enqueue_dma source(%dma_start3A_579 : memref<8x128xf32, #tpu.memory_space<hbm>>) target(%dma_start3A_577 : memref<8x128xf32, #tpu.memory_space<vmem>>) target_semaphore(%arg7 : memref<!tpu.dma_semaphore, #tpu.memory_space<semaphore_mem>>)
    %get3A_580 = arith.constant 53 : index
    %get3A_581 = memref.load %arg0[%get3A_580] : memref<64xi32, #tpu.memory_space<smem>>
    %mul3A_582 = arith.constant 128 : i32
    %mul3A_583 = arith.muli %get3A_581, %mul3A_582 : i32
    %dma_start3A_584 = arith.constant 53 : i32
    %dma_start3A_585 = arith.constant 0 : i32
    %dma_start3A_586 = arith.constant 0 : i32
    %dma_start3A_587 = tpu.memref_slice %arg5[%dma_start3A_584, %dma_start3A_585, %dma_start3A_586] : memref<64x8x128xf32, #tpu.memory_space<vmem>> -> memref<1x8x128xf32, #tpu.memory_space<vmem>>
    %dma_start3A_588 = tpu.memref_squeeze %dma_start3A_587 : memref<1x8x128xf32, #tpu.memory_space<vmem>> -> memref<8x128xf32, #tpu.memory_space<vmem>>
    %dma_start3A_589 = arith.constant 48 : i32
    %dma_start3A_590 = tpu.memref_slice %arg2[%dma_start3A_589, %mul3A_583] : memref<64x100000xf32, #tpu.memory_space<hbm>> -> memref<8x128xf32, #tpu.memory_space<hbm>>
    tpu.enqueue_dma source(%dma_start3A_590 : memref<8x128xf32, #tpu.memory_space<hbm>>) target(%dma_start3A_588 : memref<8x128xf32, #tpu.memory_space<vmem>>) target_semaphore(%arg7 : memref<!tpu.dma_semaphore, #tpu.memory_space<semaphore_mem>>)
    %get3A_591 = arith.constant 54 : index
    %get3A_592 = memref.load %arg0[%get3A_591] : memref<64xi32, #tpu.memory_space<smem>>
    %mul3A_593 = arith.constant 128 : i32
    %mul3A_594 = arith.muli %get3A_592, %mul3A_593 : i32
    %dma_start3A_595 = arith.constant 54 : i32
    %dma_start3A_596 = arith.constant 0 : i32
    %dma_start3A_597 = arith.constant 0 : i32
    %dma_start3A_598 = tpu.memref_slice %arg5[%dma_start3A_595, %dma_start3A_596, %dma_start3A_597] : memref<64x8x128xf32, #tpu.memory_space<vmem>> -> memref<1x8x128xf32, #tpu.memory_space<vmem>>
    %dma_start3A_599 = tpu.memref_squeeze %dma_start3A_598 : memref<1x8x128xf32, #tpu.memory_space<vmem>> -> memref<8x128xf32, #tpu.memory_space<vmem>>
    %dma_start3A_600 = arith.constant 48 : i32
    %dma_start3A_601 = tpu.memref_slice %arg2[%dma_start3A_600, %mul3A_594] : memref<64x100000xf32, #tpu.memory_space<hbm>> -> memref<8x128xf32, #tpu.memory_space<hbm>>
    tpu.enqueue_dma source(%dma_start3A_601 : memref<8x128xf32, #tpu.memory_space<hbm>>) target(%dma_start3A_599 : memref<8x128xf32, #tpu.memory_space<vmem>>) target_semaphore(%arg7 : memref<!tpu.dma_semaphore, #tpu.memory_space<semaphore_mem>>)
    %get3A_602 = arith.constant 55 : index
    %get3A_603 = memref.load %arg0[%get3A_602] : memref<64xi32, #tpu.memory_space<smem>>
    %mul3A_604 = arith.constant 128 : i32
    %mul3A_605 = arith.muli %get3A_603, %mul3A_604 : i32
    %dma_start3A_606 = arith.constant 55 : i32
    %dma_start3A_607 = arith.constant 0 : i32
    %dma_start3A_608 = arith.constant 0 : i32
    %dma_start3A_609 = tpu.memref_slice %arg5[%dma_start3A_606, %dma_start3A_607, %dma_start3A_608] : memref<64x8x128xf32, #tpu.memory_space<vmem>> -> memref<1x8x128xf32, #tpu.memory_space<vmem>>
    %dma_start3A_610 = tpu.memref_squeeze %dma_start3A_609 : memref<1x8x128xf32, #tpu.memory_space<vmem>> -> memref<8x128xf32, #tpu.memory_space<vmem>>
    %dma_start3A_611 = arith.constant 48 : i32
    %dma_start3A_612 = tpu.memref_slice %arg2[%dma_start3A_611, %mul3A_605] : memref<64x100000xf32, #tpu.memory_space<hbm>> -> memref<8x128xf32, #tpu.memory_space<hbm>>
    tpu.enqueue_dma source(%dma_start3A_612 : memref<8x128xf32, #tpu.memory_space<hbm>>) target(%dma_start3A_610 : memref<8x128xf32, #tpu.memory_space<vmem>>) target_semaphore(%arg7 : memref<!tpu.dma_semaphore, #tpu.memory_space<semaphore_mem>>)
    %get3A_613 = arith.constant 56 : index
    %get3A_614 = memref.load %arg0[%get3A_613] : memref<64xi32, #tpu.memory_space<smem>>
    %mul3A_615 = arith.constant 128 : i32
    %mul3A_616 = arith.muli %get3A_614, %mul3A_615 : i32
    %dma_start3A_617 = arith.constant 56 : i32
    %dma_start3A_618 = arith.constant 0 : i32
    %dma_start3A_619 = arith.constant 0 : i32
    %dma_start3A_620 = tpu.memref_slice %arg5[%dma_start3A_617, %dma_start3A_618, %dma_start3A_619] : memref<64x8x128xf32, #tpu.memory_space<vmem>> -> memref<1x8x128xf32, #tpu.memory_space<vmem>>
    %dma_start3A_621 = tpu.memref_squeeze %dma_start3A_620 : memref<1x8x128xf32, #tpu.memory_space<vmem>> -> memref<8x128xf32, #tpu.memory_space<vmem>>
    %dma_start3A_622 = arith.constant 56 : i32
    %dma_start3A_623 = tpu.memref_slice %arg2[%dma_start3A_622, %mul3A_616] : memref<64x100000xf32, #tpu.memory_space<hbm>> -> memref<8x128xf32, #tpu.memory_space<hbm>>
    tpu.enqueue_dma source(%dma_start3A_623 : memref<8x128xf32, #tpu.memory_space<hbm>>) target(%dma_start3A_621 : memref<8x128xf32, #tpu.memory_space<vmem>>) target_semaphore(%arg7 : memref<!tpu.dma_semaphore, #tpu.memory_space<semaphore_mem>>)
    %get3A_624 = arith.constant 57 : index
    %get3A_625 = memref.load %arg0[%get3A_624] : memref<64xi32, #tpu.memory_space<smem>>
    %mul3A_626 = arith.constant 128 : i32
    %mul3A_627 = arith.muli %get3A_625, %mul3A_626 : i32
    %dma_start3A_628 = arith.constant 57 : i32
    %dma_start3A_629 = arith.constant 0 : i32
    %dma_start3A_630 = arith.constant 0 : i32
    %dma_start3A_631 = tpu.memref_slice %arg5[%dma_start3A_628, %dma_start3A_629, %dma_start3A_630] : memref<64x8x128xf32, #tpu.memory_space<vmem>> -> memref<1x8x128xf32, #tpu.memory_space<vmem>>
    %dma_start3A_632 = tpu.memref_squeeze %dma_start3A_631 : memref<1x8x128xf32, #tpu.memory_space<vmem>> -> memref<8x128xf32, #tpu.memory_space<vmem>>
    %dma_start3A_633 = arith.constant 56 : i32
    %dma_start3A_634 = tpu.memref_slice %arg2[%dma_start3A_633, %mul3A_627] : memref<64x100000xf32, #tpu.memory_space<hbm>> -> memref<8x128xf32, #tpu.memory_space<hbm>>
    tpu.enqueue_dma source(%dma_start3A_634 : memref<8x128xf32, #tpu.memory_space<hbm>>) target(%dma_start3A_632 : memref<8x128xf32, #tpu.memory_space<vmem>>) target_semaphore(%arg7 : memref<!tpu.dma_semaphore, #tpu.memory_space<semaphore_mem>>)
    %get3A_635 = arith.constant 58 : index
    %get3A_636 = memref.load %arg0[%get3A_635] : memref<64xi32, #tpu.memory_space<smem>>
    %mul3A_637 = arith.constant 128 : i32
    %mul3A_638 = arith.muli %get3A_636, %mul3A_637 : i32
    %dma_start3A_639 = arith.constant 58 : i32
    %dma_start3A_640 = arith.constant 0 : i32
    %dma_start3A_641 = arith.constant 0 : i32
    %dma_start3A_642 = tpu.memref_slice %arg5[%dma_start3A_639, %dma_start3A_640, %dma_start3A_641] : memref<64x8x128xf32, #tpu.memory_space<vmem>> -> memref<1x8x128xf32, #tpu.memory_space<vmem>>
    %dma_start3A_643 = tpu.memref_squeeze %dma_start3A_642 : memref<1x8x128xf32, #tpu.memory_space<vmem>> -> memref<8x128xf32, #tpu.memory_space<vmem>>
    %dma_start3A_644 = arith.constant 56 : i32
    %dma_start3A_645 = tpu.memref_slice %arg2[%dma_start3A_644, %mul3A_638] : memref<64x100000xf32, #tpu.memory_space<hbm>> -> memref<8x128xf32, #tpu.memory_space<hbm>>
    tpu.enqueue_dma source(%dma_start3A_645 : memref<8x128xf32, #tpu.memory_space<hbm>>) target(%dma_start3A_643 : memref<8x128xf32, #tpu.memory_space<vmem>>) target_semaphore(%arg7 : memref<!tpu.dma_semaphore, #tpu.memory_space<semaphore_mem>>)
    %get3A_646 = arith.constant 59 : index
    %get3A_647 = memref.load %arg0[%get3A_646] : memref<64xi32, #tpu.memory_space<smem>>
    %mul3A_648 = arith.constant 128 : i32
    %mul3A_649 = arith.muli %get3A_647, %mul3A_648 : i32
    %dma_start3A_650 = arith.constant 59 : i32
    %dma_start3A_651 = arith.constant 0 : i32
    %dma_start3A_652 = arith.constant 0 : i32
    %dma_start3A_653 = tpu.memref_slice %arg5[%dma_start3A_650, %dma_start3A_651, %dma_start3A_652] : memref<64x8x128xf32, #tpu.memory_space<vmem>> -> memref<1x8x128xf32, #tpu.memory_space<vmem>>
    %dma_start3A_654 = tpu.memref_squeeze %dma_start3A_653 : memref<1x8x128xf32, #tpu.memory_space<vmem>> -> memref<8x128xf32, #tpu.memory_space<vmem>>
    %dma_start3A_655 = arith.constant 56 : i32
    %dma_start3A_656 = tpu.memref_slice %arg2[%dma_start3A_655, %mul3A_649] : memref<64x100000xf32, #tpu.memory_space<hbm>> -> memref<8x128xf32, #tpu.memory_space<hbm>>
    tpu.enqueue_dma source(%dma_start3A_656 : memref<8x128xf32, #tpu.memory_space<hbm>>) target(%dma_start3A_654 : memref<8x128xf32, #tpu.memory_space<vmem>>) target_semaphore(%arg7 : memref<!tpu.dma_semaphore, #tpu.memory_space<semaphore_mem>>)
    %get3A_657 = arith.constant 60 : index
    %get3A_658 = memref.load %arg0[%get3A_657] : memref<64xi32, #tpu.memory_space<smem>>
    %mul3A_659 = arith.constant 128 : i32
    %mul3A_660 = arith.muli %get3A_658, %mul3A_659 : i32
    %dma_start3A_661 = arith.constant 60 : i32
    %dma_start3A_662 = arith.constant 0 : i32
    %dma_start3A_663 = arith.constant 0 : i32
    %dma_start3A_664 = tpu.memref_slice %arg5[%dma_start3A_661, %dma_start3A_662, %dma_start3A_663] : memref<64x8x128xf32, #tpu.memory_space<vmem>> -> memref<1x8x128xf32, #tpu.memory_space<vmem>>
    %dma_start3A_665 = tpu.memref_squeeze %dma_start3A_664 : memref<1x8x128xf32, #tpu.memory_space<vmem>> -> memref<8x128xf32, #tpu.memory_space<vmem>>
    %dma_start3A_666 = arith.constant 56 : i32
    %dma_start3A_667 = tpu.memref_slice %arg2[%dma_start3A_666, %mul3A_660] : memref<64x100000xf32, #tpu.memory_space<hbm>> -> memref<8x128xf32, #tpu.memory_space<hbm>>
    tpu.enqueue_dma source(%dma_start3A_667 : memref<8x128xf32, #tpu.memory_space<hbm>>) target(%dma_start3A_665 : memref<8x128xf32, #tpu.memory_space<vmem>>) target_semaphore(%arg7 : memref<!tpu.dma_semaphore, #tpu.memory_space<semaphore_mem>>)
    %get3A_668 = arith.constant 61 : index
    %get3A_669 = memref.load %arg0[%get3A_668] : memref<64xi32, #tpu.memory_space<smem>>
    %mul3A_670 = arith.constant 128 : i32
    %mul3A_671 = arith.muli %get3A_669, %mul3A_670 : i32
    %dma_start3A_672 = arith.constant 61 : i32
    %dma_start3A_673 = arith.constant 0 : i32
    %dma_start3A_674 = arith.constant 0 : i32
    %dma_start3A_675 = tpu.memref_slice %arg5[%dma_start3A_672, %dma_start3A_673, %dma_start3A_674] : memref<64x8x128xf32, #tpu.memory_space<vmem>> -> memref<1x8x128xf32, #tpu.memory_space<vmem>>
    %dma_start3A_676 = tpu.memref_squeeze %dma_start3A_675 : memref<1x8x128xf32, #tpu.memory_space<vmem>> -> memref<8x128xf32, #tpu.memory_space<vmem>>
    %dma_start3A_677 = arith.constant 56 : i32
    %dma_start3A_678 = tpu.memref_slice %arg2[%dma_start3A_677, %mul3A_671] : memref<64x100000xf32, #tpu.memory_space<hbm>> -> memref<8x128xf32, #tpu.memory_space<hbm>>
    tpu.enqueue_dma source(%dma_start3A_678 : memref<8x128xf32, #tpu.memory_space<hbm>>) target(%dma_start3A_676 : memref<8x128xf32, #tpu.memory_space<vmem>>) target_semaphore(%arg7 : memref<!tpu.dma_semaphore, #tpu.memory_space<semaphore_mem>>)
    %get3A_679 = arith.constant 62 : index
    %get3A_680 = memref.load %arg0[%get3A_679] : memref<64xi32, #tpu.memory_space<smem>>
    %mul3A_681 = arith.constant 128 : i32
    %mul3A_682 = arith.muli %get3A_680, %mul3A_681 : i32
    %dma_start3A_683 = arith.constant 62 : i32
    %dma_start3A_684 = arith.constant 0 : i32
    %dma_start3A_685 = arith.constant 0 : i32
    %dma_start3A_686 = tpu.memref_slice %arg5[%dma_start3A_683, %dma_start3A_684, %dma_start3A_685] : memref<64x8x128xf32, #tpu.memory_space<vmem>> -> memref<1x8x128xf32, #tpu.memory_space<vmem>>
    %dma_start3A_687 = tpu.memref_squeeze %dma_start3A_686 : memref<1x8x128xf32, #tpu.memory_space<vmem>> -> memref<8x128xf32, #tpu.memory_space<vmem>>
    %dma_start3A_688 = arith.constant 56 : i32
    %dma_start3A_689 = tpu.memref_slice %arg2[%dma_start3A_688, %mul3A_682] : memref<64x100000xf32, #tpu.memory_space<hbm>> -> memref<8x128xf32, #tpu.memory_space<hbm>>
    tpu.enqueue_dma source(%dma_start3A_689 : memref<8x128xf32, #tpu.memory_space<hbm>>) target(%dma_start3A_687 : memref<8x128xf32, #tpu.memory_space<vmem>>) target_semaphore(%arg7 : memref<!tpu.dma_semaphore, #tpu.memory_space<semaphore_mem>>)
    %get3A_690 = arith.constant 63 : index
    %get3A_691 = memref.load %arg0[%get3A_690] : memref<64xi32, #tpu.memory_space<smem>>
    %mul3A_692 = arith.constant 128 : i32
    %mul3A_693 = arith.muli %get3A_691, %mul3A_692 : i32
    %dma_start3A_694 = arith.constant 63 : i32
    %dma_start3A_695 = arith.constant 0 : i32
    %dma_start3A_696 = arith.constant 0 : i32
    %dma_start3A_697 = tpu.memref_slice %arg5[%dma_start3A_694, %dma_start3A_695, %dma_start3A_696] : memref<64x8x128xf32, #tpu.memory_space<vmem>> -> memref<1x8x128xf32, #tpu.memory_space<vmem>>
    %dma_start3A_698 = tpu.memref_squeeze %dma_start3A_697 : memref<1x8x128xf32, #tpu.memory_space<vmem>> -> memref<8x128xf32, #tpu.memory_space<vmem>>
    %dma_start3A_699 = arith.constant 56 : i32
    %dma_start3A_700 = tpu.memref_slice %arg2[%dma_start3A_699, %mul3A_693] : memref<64x100000xf32, #tpu.memory_space<hbm>> -> memref<8x128xf32, #tpu.memory_space<hbm>>
    tpu.enqueue_dma source(%dma_start3A_700 : memref<8x128xf32, #tpu.memory_space<hbm>>) target(%dma_start3A_698 : memref<8x128xf32, #tpu.memory_space<vmem>>) target_semaphore(%arg7 : memref<!tpu.dma_semaphore, #tpu.memory_space<semaphore_mem>>)
    %dma_wait3A = arith.constant 0 : i32
    %dma_wait3A_701 = arith.constant 0 : i32
    %dma_wait3A_702 = arith.constant 0 : i32
    %dma_wait3A_703 = tpu.memref_slice %arg5[%dma_wait3A, %dma_wait3A_701, %dma_wait3A_702] : memref<64x8x128xf32, #tpu.memory_space<vmem>> -> memref<1x8x128xf32, #tpu.memory_space<vmem>>
    %dma_wait3A_704 = tpu.memref_squeeze %dma_wait3A_703 : memref<1x8x128xf32, #tpu.memory_space<vmem>> -> memref<8x128xf32, #tpu.memory_space<vmem>>
    %dma_wait3A_705 = arith.constant 0 : i32
    %dma_wait3A_706 = tpu.memref_slice %arg2[%dma_wait3A_705, %mul3A_1] : memref<64x100000xf32, #tpu.memory_space<hbm>> -> memref<8x128xf32, #tpu.memory_space<hbm>>
    tpu.wait_dma2 semaphore(%arg7 : memref<!tpu.dma_semaphore, #tpu.memory_space<semaphore_mem>>) src(%dma_wait3A_706 : memref<8x128xf32, #tpu.memory_space<hbm>>) dst(%dma_wait3A_704 : memref<8x128xf32, #tpu.memory_space<vmem>>)
    %dma_wait3A_707 = arith.constant 1 : i32
    %dma_wait3A_708 = arith.constant 0 : i32
    %dma_wait3A_709 = arith.constant 0 : i32
    %dma_wait3A_710 = tpu.memref_slice %arg5[%dma_wait3A_707, %dma_wait3A_708, %dma_wait3A_709] : memref<64x8x128xf32, #tpu.memory_space<vmem>> -> memref<1x8x128xf32, #tpu.memory_space<vmem>>
    %dma_wait3A_711 = tpu.memref_squeeze %dma_wait3A_710 : memref<1x8x128xf32, #tpu.memory_space<vmem>> -> memref<8x128xf32, #tpu.memory_space<vmem>>
    %dma_wait3A_712 = arith.constant 0 : i32
    %dma_wait3A_713 = tpu.memref_slice %arg2[%dma_wait3A_712, %mul3A_11] : memref<64x100000xf32, #tpu.memory_space<hbm>> -> memref<8x128xf32, #tpu.memory_space<hbm>>
    tpu.wait_dma2 semaphore(%arg7 : memref<!tpu.dma_semaphore, #tpu.memory_space<semaphore_mem>>) src(%dma_wait3A_713 : memref<8x128xf32, #tpu.memory_space<hbm>>) dst(%dma_wait3A_711 : memref<8x128xf32, #tpu.memory_space<vmem>>)
    %dma_wait3A_714 = arith.constant 2 : i32
    %dma_wait3A_715 = arith.constant 0 : i32
    %dma_wait3A_716 = arith.constant 0 : i32
    %dma_wait3A_717 = tpu.memref_slice %arg5[%dma_wait3A_714, %dma_wait3A_715, %dma_wait3A_716] : memref<64x8x128xf32, #tpu.memory_space<vmem>> -> memref<1x8x128xf32, #tpu.memory_space<vmem>>
    %dma_wait3A_718 = tpu.memref_squeeze %dma_wait3A_717 : memref<1x8x128xf32, #tpu.memory_space<vmem>> -> memref<8x128xf32, #tpu.memory_space<vmem>>
    %dma_wait3A_719 = arith.constant 0 : i32
    %dma_wait3A_720 = tpu.memref_slice %arg2[%dma_wait3A_719, %mul3A_22] : memref<64x100000xf32, #tpu.memory_space<hbm>> -> memref<8x128xf32, #tpu.memory_space<hbm>>
    tpu.wait_dma2 semaphore(%arg7 : memref<!tpu.dma_semaphore, #tpu.memory_space<semaphore_mem>>) src(%dma_wait3A_720 : memref<8x128xf32, #tpu.memory_space<hbm>>) dst(%dma_wait3A_718 : memref<8x128xf32, #tpu.memory_space<vmem>>)
    %dma_wait3A_721 = arith.constant 3 : i32
    %dma_wait3A_722 = arith.constant 0 : i32
    %dma_wait3A_723 = arith.constant 0 : i32
    %dma_wait3A_724 = tpu.memref_slice %arg5[%dma_wait3A_721, %dma_wait3A_722, %dma_wait3A_723] : memref<64x8x128xf32, #tpu.memory_space<vmem>> -> memref<1x8x128xf32, #tpu.memory_space<vmem>>
    %dma_wait3A_725 = tpu.memref_squeeze %dma_wait3A_724 : memref<1x8x128xf32, #tpu.memory_space<vmem>> -> memref<8x128xf32, #tpu.memory_space<vmem>>
    %dma_wait3A_726 = arith.constant 0 : i32
    %dma_wait3A_727 = tpu.memref_slice %arg2[%dma_wait3A_726, %mul3A_33] : memref<64x100000xf32, #tpu.memory_space<hbm>> -> memref<8x128xf32, #tpu.memory_space<hbm>>
    tpu.wait_dma2 semaphore(%arg7 : memref<!tpu.dma_semaphore, #tpu.memory_space<semaphore_mem>>) src(%dma_wait3A_727 : memref<8x128xf32, #tpu.memory_space<hbm>>) dst(%dma_wait3A_725 : memref<8x128xf32, #tpu.memory_space<vmem>>)
    %dma_wait3A_728 = arith.constant 4 : i32
    %dma_wait3A_729 = arith.constant 0 : i32
    %dma_wait3A_730 = arith.constant 0 : i32
    %dma_wait3A_731 = tpu.memref_slice %arg5[%dma_wait3A_728, %dma_wait3A_729, %dma_wait3A_730] : memref<64x8x128xf32, #tpu.memory_space<vmem>> -> memref<1x8x128xf32, #tpu.memory_space<vmem>>
    %dma_wait3A_732 = tpu.memref_squeeze %dma_wait3A_731 : memref<1x8x128xf32, #tpu.memory_space<vmem>> -> memref<8x128xf32, #tpu.memory_space<vmem>>
    %dma_wait3A_733 = arith.constant 0 : i32
    %dma_wait3A_734 = tpu.memref_slice %arg2[%dma_wait3A_733, %mul3A_44] : memref<64x100000xf32, #tpu.memory_space<hbm>> -> memref<8x128xf32, #tpu.memory_space<hbm>>
    tpu.wait_dma2 semaphore(%arg7 : memref<!tpu.dma_semaphore, #tpu.memory_space<semaphore_mem>>) src(%dma_wait3A_734 : memref<8x128xf32, #tpu.memory_space<hbm>>) dst(%dma_wait3A_732 : memref<8x128xf32, #tpu.memory_space<vmem>>)
    %dma_wait3A_735 = arith.constant 5 : i32
    %dma_wait3A_736 = arith.constant 0 : i32
    %dma_wait3A_737 = arith.constant 0 : i32
    %dma_wait3A_738 = tpu.memref_slice %arg5[%dma_wait3A_735, %dma_wait3A_736, %dma_wait3A_737] : memref<64x8x128xf32, #tpu.memory_space<vmem>> -> memref<1x8x128xf32, #tpu.memory_space<vmem>>
    %dma_wait3A_739 = tpu.memref_squeeze %dma_wait3A_738 : memref<1x8x128xf32, #tpu.memory_space<vmem>> -> memref<8x128xf32, #tpu.memory_space<vmem>>
    %dma_wait3A_740 = arith.constant 0 : i32
    %dma_wait3A_741 = tpu.memref_slice %arg2[%dma_wait3A_740, %mul3A_55] : memref<64x100000xf32, #tpu.memory_space<hbm>> -> memref<8x128xf32, #tpu.memory_space<hbm>>
    tpu.wait_dma2 semaphore(%arg7 : memref<!tpu.dma_semaphore, #tpu.memory_space<semaphore_mem>>) src(%dma_wait3A_741 : memref<8x128xf32, #tpu.memory_space<hbm>>) dst(%dma_wait3A_739 : memref<8x128xf32, #tpu.memory_space<vmem>>)
    %dma_wait3A_742 = arith.constant 6 : i32
    %dma_wait3A_743 = arith.constant 0 : i32
    %dma_wait3A_744 = arith.constant 0 : i32
    %dma_wait3A_745 = tpu.memref_slice %arg5[%dma_wait3A_742, %dma_wait3A_743, %dma_wait3A_744] : memref<64x8x128xf32, #tpu.memory_space<vmem>> -> memref<1x8x128xf32, #tpu.memory_space<vmem>>
    %dma_wait3A_746 = tpu.memref_squeeze %dma_wait3A_745 : memref<1x8x128xf32, #tpu.memory_space<vmem>> -> memref<8x128xf32, #tpu.memory_space<vmem>>
    %dma_wait3A_747 = arith.constant 0 : i32
    %dma_wait3A_748 = tpu.memref_slice %arg2[%dma_wait3A_747, %mul3A_66] : memref<64x100000xf32, #tpu.memory_space<hbm>> -> memref<8x128xf32, #tpu.memory_space<hbm>>
    tpu.wait_dma2 semaphore(%arg7 : memref<!tpu.dma_semaphore, #tpu.memory_space<semaphore_mem>>) src(%dma_wait3A_748 : memref<8x128xf32, #tpu.memory_space<hbm>>) dst(%dma_wait3A_746 : memref<8x128xf32, #tpu.memory_space<vmem>>)
    %dma_wait3A_749 = arith.constant 7 : i32
    %dma_wait3A_750 = arith.constant 0 : i32
    %dma_wait3A_751 = arith.constant 0 : i32
    %dma_wait3A_752 = tpu.memref_slice %arg5[%dma_wait3A_749, %dma_wait3A_750, %dma_wait3A_751] : memref<64x8x128xf32, #tpu.memory_space<vmem>> -> memref<1x8x128xf32, #tpu.memory_space<vmem>>
    %dma_wait3A_753 = tpu.memref_squeeze %dma_wait3A_752 : memref<1x8x128xf32, #tpu.memory_space<vmem>> -> memref<8x128xf32, #tpu.memory_space<vmem>>
    %dma_wait3A_754 = arith.constant 0 : i32
    %dma_wait3A_755 = tpu.memref_slice %arg2[%dma_wait3A_754, %mul3A_77] : memref<64x100000xf32, #tpu.memory_space<hbm>> -> memref<8x128xf32, #tpu.memory_space<hbm>>
    tpu.wait_dma2 semaphore(%arg7 : memref<!tpu.dma_semaphore, #tpu.memory_space<semaphore_mem>>) src(%dma_wait3A_755 : memref<8x128xf32, #tpu.memory_space<hbm>>) dst(%dma_wait3A_753 : memref<8x128xf32, #tpu.memory_space<vmem>>)
    %dma_wait3A_756 = arith.constant 8 : i32
    %dma_wait3A_757 = arith.constant 0 : i32
    %dma_wait3A_758 = arith.constant 0 : i32
    %dma_wait3A_759 = tpu.memref_slice %arg5[%dma_wait3A_756, %dma_wait3A_757, %dma_wait3A_758] : memref<64x8x128xf32, #tpu.memory_space<vmem>> -> memref<1x8x128xf32, #tpu.memory_space<vmem>>
    %dma_wait3A_760 = tpu.memref_squeeze %dma_wait3A_759 : memref<1x8x128xf32, #tpu.memory_space<vmem>> -> memref<8x128xf32, #tpu.memory_space<vmem>>
    %dma_wait3A_761 = arith.constant 8 : i32
    %dma_wait3A_762 = tpu.memref_slice %arg2[%dma_wait3A_761, %mul3A_88] : memref<64x100000xf32, #tpu.memory_space<hbm>> -> memref<8x128xf32, #tpu.memory_space<hbm>>
    tpu.wait_dma2 semaphore(%arg7 : memref<!tpu.dma_semaphore, #tpu.memory_space<semaphore_mem>>) src(%dma_wait3A_762 : memref<8x128xf32, #tpu.memory_space<hbm>>) dst(%dma_wait3A_760 : memref<8x128xf32, #tpu.memory_space<vmem>>)
    %dma_wait3A_763 = arith.constant 9 : i32
    %dma_wait3A_764 = arith.constant 0 : i32
    %dma_wait3A_765 = arith.constant 0 : i32
    %dma_wait3A_766 = tpu.memref_slice %arg5[%dma_wait3A_763, %dma_wait3A_764, %dma_wait3A_765] : memref<64x8x128xf32, #tpu.memory_space<vmem>> -> memref<1x8x128xf32, #tpu.memory_space<vmem>>
    %dma_wait3A_767 = tpu.memref_squeeze %dma_wait3A_766 : memref<1x8x128xf32, #tpu.memory_space<vmem>> -> memref<8x128xf32, #tpu.memory_space<vmem>>
    %dma_wait3A_768 = arith.constant 8 : i32
    %dma_wait3A_769 = tpu.memref_slice %arg2[%dma_wait3A_768, %mul3A_99] : memref<64x100000xf32, #tpu.memory_space<hbm>> -> memref<8x128xf32, #tpu.memory_space<hbm>>
    tpu.wait_dma2 semaphore(%arg7 : memref<!tpu.dma_semaphore, #tpu.memory_space<semaphore_mem>>) src(%dma_wait3A_769 : memref<8x128xf32, #tpu.memory_space<hbm>>) dst(%dma_wait3A_767 : memref<8x128xf32, #tpu.memory_space<vmem>>)
    %dma_wait3A_770 = arith.constant 10 : i32
    %dma_wait3A_771 = arith.constant 0 : i32
    %dma_wait3A_772 = arith.constant 0 : i32
    %dma_wait3A_773 = tpu.memref_slice %arg5[%dma_wait3A_770, %dma_wait3A_771, %dma_wait3A_772] : memref<64x8x128xf32, #tpu.memory_space<vmem>> -> memref<1x8x128xf32, #tpu.memory_space<vmem>>
    %dma_wait3A_774 = tpu.memref_squeeze %dma_wait3A_773 : memref<1x8x128xf32, #tpu.memory_space<vmem>> -> memref<8x128xf32, #tpu.memory_space<vmem>>
    %dma_wait3A_775 = arith.constant 8 : i32
    %dma_wait3A_776 = tpu.memref_slice %arg2[%dma_wait3A_775, %mul3A_110] : memref<64x100000xf32, #tpu.memory_space<hbm>> -> memref<8x128xf32, #tpu.memory_space<hbm>>
    tpu.wait_dma2 semaphore(%arg7 : memref<!tpu.dma_semaphore, #tpu.memory_space<semaphore_mem>>) src(%dma_wait3A_776 : memref<8x128xf32, #tpu.memory_space<hbm>>) dst(%dma_wait3A_774 : memref<8x128xf32, #tpu.memory_space<vmem>>)
    %dma_wait3A_777 = arith.constant 11 : i32
    %dma_wait3A_778 = arith.constant 0 : i32
    %dma_wait3A_779 = arith.constant 0 : i32
    %dma_wait3A_780 = tpu.memref_slice %arg5[%dma_wait3A_777, %dma_wait3A_778, %dma_wait3A_779] : memref<64x8x128xf32, #tpu.memory_space<vmem>> -> memref<1x8x128xf32, #tpu.memory_space<vmem>>
    %dma_wait3A_781 = tpu.memref_squeeze %dma_wait3A_780 : memref<1x8x128xf32, #tpu.memory_space<vmem>> -> memref<8x128xf32, #tpu.memory_space<vmem>>
    %dma_wait3A_782 = arith.constant 8 : i32
    %dma_wait3A_783 = tpu.memref_slice %arg2[%dma_wait3A_782, %mul3A_121] : memref<64x100000xf32, #tpu.memory_space<hbm>> -> memref<8x128xf32, #tpu.memory_space<hbm>>
    tpu.wait_dma2 semaphore(%arg7 : memref<!tpu.dma_semaphore, #tpu.memory_space<semaphore_mem>>) src(%dma_wait3A_783 : memref<8x128xf32, #tpu.memory_space<hbm>>) dst(%dma_wait3A_781 : memref<8x128xf32, #tpu.memory_space<vmem>>)
    %dma_wait3A_784 = arith.constant 12 : i32
    %dma_wait3A_785 = arith.constant 0 : i32
    %dma_wait3A_786 = arith.constant 0 : i32
    %dma_wait3A_787 = tpu.memref_slice %arg5[%dma_wait3A_784, %dma_wait3A_785, %dma_wait3A_786] : memref<64x8x128xf32, #tpu.memory_space<vmem>> -> memref<1x8x128xf32, #tpu.memory_space<vmem>>
    %dma_wait3A_788 = tpu.memref_squeeze %dma_wait3A_787 : memref<1x8x128xf32, #tpu.memory_space<vmem>> -> memref<8x128xf32, #tpu.memory_space<vmem>>
    %dma_wait3A_789 = arith.constant 8 : i32
    %dma_wait3A_790 = tpu.memref_slice %arg2[%dma_wait3A_789, %mul3A_132] : memref<64x100000xf32, #tpu.memory_space<hbm>> -> memref<8x128xf32, #tpu.memory_space<hbm>>
    tpu.wait_dma2 semaphore(%arg7 : memref<!tpu.dma_semaphore, #tpu.memory_space<semaphore_mem>>) src(%dma_wait3A_790 : memref<8x128xf32, #tpu.memory_space<hbm>>) dst(%dma_wait3A_788 : memref<8x128xf32, #tpu.memory_space<vmem>>)
    %dma_wait3A_791 = arith.constant 13 : i32
    %dma_wait3A_792 = arith.constant 0 : i32
    %dma_wait3A_793 = arith.constant 0 : i32
    %dma_wait3A_794 = tpu.memref_slice %arg5[%dma_wait3A_791, %dma_wait3A_792, %dma_wait3A_793] : memref<64x8x128xf32, #tpu.memory_space<vmem>> -> memref<1x8x128xf32, #tpu.memory_space<vmem>>
    %dma_wait3A_795 = tpu.memref_squeeze %dma_wait3A_794 : memref<1x8x128xf32, #tpu.memory_space<vmem>> -> memref<8x128xf32, #tpu.memory_space<vmem>>
    %dma_wait3A_796 = arith.constant 8 : i32
    %dma_wait3A_797 = tpu.memref_slice %arg2[%dma_wait3A_796, %mul3A_143] : memref<64x100000xf32, #tpu.memory_space<hbm>> -> memref<8x128xf32, #tpu.memory_space<hbm>>
    tpu.wait_dma2 semaphore(%arg7 : memref<!tpu.dma_semaphore, #tpu.memory_space<semaphore_mem>>) src(%dma_wait3A_797 : memref<8x128xf32, #tpu.memory_space<hbm>>) dst(%dma_wait3A_795 : memref<8x128xf32, #tpu.memory_space<vmem>>)
    %dma_wait3A_798 = arith.constant 14 : i32
    %dma_wait3A_799 = arith.constant 0 : i32
    %dma_wait3A_800 = arith.constant 0 : i32
    %dma_wait3A_801 = tpu.memref_slice %arg5[%dma_wait3A_798, %dma_wait3A_799, %dma_wait3A_800] : memref<64x8x128xf32, #tpu.memory_space<vmem>> -> memref<1x8x128xf32, #tpu.memory_space<vmem>>
    %dma_wait3A_802 = tpu.memref_squeeze %dma_wait3A_801 : memref<1x8x128xf32, #tpu.memory_space<vmem>> -> memref<8x128xf32, #tpu.memory_space<vmem>>
    %dma_wait3A_803 = arith.constant 8 : i32
    %dma_wait3A_804 = tpu.memref_slice %arg2[%dma_wait3A_803, %mul3A_154] : memref<64x100000xf32, #tpu.memory_space<hbm>> -> memref<8x128xf32, #tpu.memory_space<hbm>>
    tpu.wait_dma2 semaphore(%arg7 : memref<!tpu.dma_semaphore, #tpu.memory_space<semaphore_mem>>) src(%dma_wait3A_804 : memref<8x128xf32, #tpu.memory_space<hbm>>) dst(%dma_wait3A_802 : memref<8x128xf32, #tpu.memory_space<vmem>>)
    %dma_wait3A_805 = arith.constant 15 : i32
    %dma_wait3A_806 = arith.constant 0 : i32
    %dma_wait3A_807 = arith.constant 0 : i32
    %dma_wait3A_808 = tpu.memref_slice %arg5[%dma_wait3A_805, %dma_wait3A_806, %dma_wait3A_807] : memref<64x8x128xf32, #tpu.memory_space<vmem>> -> memref<1x8x128xf32, #tpu.memory_space<vmem>>
    %dma_wait3A_809 = tpu.memref_squeeze %dma_wait3A_808 : memref<1x8x128xf32, #tpu.memory_space<vmem>> -> memref<8x128xf32, #tpu.memory_space<vmem>>
    %dma_wait3A_810 = arith.constant 8 : i32
    %dma_wait3A_811 = tpu.memref_slice %arg2[%dma_wait3A_810, %mul3A_165] : memref<64x100000xf32, #tpu.memory_space<hbm>> -> memref<8x128xf32, #tpu.memory_space<hbm>>
    tpu.wait_dma2 semaphore(%arg7 : memref<!tpu.dma_semaphore, #tpu.memory_space<semaphore_mem>>) src(%dma_wait3A_811 : memref<8x128xf32, #tpu.memory_space<hbm>>) dst(%dma_wait3A_809 : memref<8x128xf32, #tpu.memory_space<vmem>>)
    %dma_wait3A_812 = arith.constant 16 : i32
    %dma_wait3A_813 = arith.constant 0 : i32
    %dma_wait3A_814 = arith.constant 0 : i32
    %dma_wait3A_815 = tpu.memref_slice %arg5[%dma_wait3A_812, %dma_wait3A_813, %dma_wait3A_814] : memref<64x8x128xf32, #tpu.memory_space<vmem>> -> memref<1x8x128xf32, #tpu.memory_space<vmem>>
    %dma_wait3A_816 = tpu.memref_squeeze %dma_wait3A_815 : memref<1x8x128xf32, #tpu.memory_space<vmem>> -> memref<8x128xf32, #tpu.memory_space<vmem>>
    %dma_wait3A_817 = arith.constant 16 : i32
    %dma_wait3A_818 = tpu.memref_slice %arg2[%dma_wait3A_817, %mul3A_176] : memref<64x100000xf32, #tpu.memory_space<hbm>> -> memref<8x128xf32, #tpu.memory_space<hbm>>
    tpu.wait_dma2 semaphore(%arg7 : memref<!tpu.dma_semaphore, #tpu.memory_space<semaphore_mem>>) src(%dma_wait3A_818 : memref<8x128xf32, #tpu.memory_space<hbm>>) dst(%dma_wait3A_816 : memref<8x128xf32, #tpu.memory_space<vmem>>)
    %dma_wait3A_819 = arith.constant 17 : i32
    %dma_wait3A_820 = arith.constant 0 : i32
    %dma_wait3A_821 = arith.constant 0 : i32
    %dma_wait3A_822 = tpu.memref_slice %arg5[%dma_wait3A_819, %dma_wait3A_820, %dma_wait3A_821] : memref<64x8x128xf32, #tpu.memory_space<vmem>> -> memref<1x8x128xf32, #tpu.memory_space<vmem>>
    %dma_wait3A_823 = tpu.memref_squeeze %dma_wait3A_822 : memref<1x8x128xf32, #tpu.memory_space<vmem>> -> memref<8x128xf32, #tpu.memory_space<vmem>>
    %dma_wait3A_824 = arith.constant 16 : i32
    %dma_wait3A_825 = tpu.memref_slice %arg2[%dma_wait3A_824, %mul3A_187] : memref<64x100000xf32, #tpu.memory_space<hbm>> -> memref<8x128xf32, #tpu.memory_space<hbm>>
    tpu.wait_dma2 semaphore(%arg7 : memref<!tpu.dma_semaphore, #tpu.memory_space<semaphore_mem>>) src(%dma_wait3A_825 : memref<8x128xf32, #tpu.memory_space<hbm>>) dst(%dma_wait3A_823 : memref<8x128xf32, #tpu.memory_space<vmem>>)
    %dma_wait3A_826 = arith.constant 18 : i32
    %dma_wait3A_827 = arith.constant 0 : i32
    %dma_wait3A_828 = arith.constant 0 : i32
    %dma_wait3A_829 = tpu.memref_slice %arg5[%dma_wait3A_826, %dma_wait3A_827, %dma_wait3A_828] : memref<64x8x128xf32, #tpu.memory_space<vmem>> -> memref<1x8x128xf32, #tpu.memory_space<vmem>>
    %dma_wait3A_830 = tpu.memref_squeeze %dma_wait3A_829 : memref<1x8x128xf32, #tpu.memory_space<vmem>> -> memref<8x128xf32, #tpu.memory_space<vmem>>
    %dma_wait3A_831 = arith.constant 16 : i32
    %dma_wait3A_832 = tpu.memref_slice %arg2[%dma_wait3A_831, %mul3A_198] : memref<64x100000xf32, #tpu.memory_space<hbm>> -> memref<8x128xf32, #tpu.memory_space<hbm>>
    tpu.wait_dma2 semaphore(%arg7 : memref<!tpu.dma_semaphore, #tpu.memory_space<semaphore_mem>>) src(%dma_wait3A_832 : memref<8x128xf32, #tpu.memory_space<hbm>>) dst(%dma_wait3A_830 : memref<8x128xf32, #tpu.memory_space<vmem>>)
    %dma_wait3A_833 = arith.constant 19 : i32
    %dma_wait3A_834 = arith.constant 0 : i32
    %dma_wait3A_835 = arith.constant 0 : i32
    %dma_wait3A_836 = tpu.memref_slice %arg5[%dma_wait3A_833, %dma_wait3A_834, %dma_wait3A_835] : memref<64x8x128xf32, #tpu.memory_space<vmem>> -> memref<1x8x128xf32, #tpu.memory_space<vmem>>
    %dma_wait3A_837 = tpu.memref_squeeze %dma_wait3A_836 : memref<1x8x128xf32, #tpu.memory_space<vmem>> -> memref<8x128xf32, #tpu.memory_space<vmem>>
    %dma_wait3A_838 = arith.constant 16 : i32
    %dma_wait3A_839 = tpu.memref_slice %arg2[%dma_wait3A_838, %mul3A_209] : memref<64x100000xf32, #tpu.memory_space<hbm>> -> memref<8x128xf32, #tpu.memory_space<hbm>>
    tpu.wait_dma2 semaphore(%arg7 : memref<!tpu.dma_semaphore, #tpu.memory_space<semaphore_mem>>) src(%dma_wait3A_839 : memref<8x128xf32, #tpu.memory_space<hbm>>) dst(%dma_wait3A_837 : memref<8x128xf32, #tpu.memory_space<vmem>>)
    %dma_wait3A_840 = arith.constant 20 : i32
    %dma_wait3A_841 = arith.constant 0 : i32
    %dma_wait3A_842 = arith.constant 0 : i32
    %dma_wait3A_843 = tpu.memref_slice %arg5[%dma_wait3A_840, %dma_wait3A_841, %dma_wait3A_842] : memref<64x8x128xf32, #tpu.memory_space<vmem>> -> memref<1x8x128xf32, #tpu.memory_space<vmem>>
    %dma_wait3A_844 = tpu.memref_squeeze %dma_wait3A_843 : memref<1x8x128xf32, #tpu.memory_space<vmem>> -> memref<8x128xf32, #tpu.memory_space<vmem>>
    %dma_wait3A_845 = arith.constant 16 : i32
    %dma_wait3A_846 = tpu.memref_slice %arg2[%dma_wait3A_845, %mul3A_220] : memref<64x100000xf32, #tpu.memory_space<hbm>> -> memref<8x128xf32, #tpu.memory_space<hbm>>
    tpu.wait_dma2 semaphore(%arg7 : memref<!tpu.dma_semaphore, #tpu.memory_space<semaphore_mem>>) src(%dma_wait3A_846 : memref<8x128xf32, #tpu.memory_space<hbm>>) dst(%dma_wait3A_844 : memref<8x128xf32, #tpu.memory_space<vmem>>)
    %dma_wait3A_847 = arith.constant 21 : i32
    %dma_wait3A_848 = arith.constant 0 : i32
    %dma_wait3A_849 = arith.constant 0 : i32
    %dma_wait3A_850 = tpu.memref_slice %arg5[%dma_wait3A_847, %dma_wait3A_848, %dma_wait3A_849] : memref<64x8x128xf32, #tpu.memory_space<vmem>> -> memref<1x8x128xf32, #tpu.memory_space<vmem>>
    %dma_wait3A_851 = tpu.memref_squeeze %dma_wait3A_850 : memref<1x8x128xf32, #tpu.memory_space<vmem>> -> memref<8x128xf32, #tpu.memory_space<vmem>>
    %dma_wait3A_852 = arith.constant 16 : i32
    %dma_wait3A_853 = tpu.memref_slice %arg2[%dma_wait3A_852, %mul3A_231] : memref<64x100000xf32, #tpu.memory_space<hbm>> -> memref<8x128xf32, #tpu.memory_space<hbm>>
    tpu.wait_dma2 semaphore(%arg7 : memref<!tpu.dma_semaphore, #tpu.memory_space<semaphore_mem>>) src(%dma_wait3A_853 : memref<8x128xf32, #tpu.memory_space<hbm>>) dst(%dma_wait3A_851 : memref<8x128xf32, #tpu.memory_space<vmem>>)
    %dma_wait3A_854 = arith.constant 22 : i32
    %dma_wait3A_855 = arith.constant 0 : i32
    %dma_wait3A_856 = arith.constant 0 : i32
    %dma_wait3A_857 = tpu.memref_slice %arg5[%dma_wait3A_854, %dma_wait3A_855, %dma_wait3A_856] : memref<64x8x128xf32, #tpu.memory_space<vmem>> -> memref<1x8x128xf32, #tpu.memory_space<vmem>>
    %dma_wait3A_858 = tpu.memref_squeeze %dma_wait3A_857 : memref<1x8x128xf32, #tpu.memory_space<vmem>> -> memref<8x128xf32, #tpu.memory_space<vmem>>
    %dma_wait3A_859 = arith.constant 16 : i32
    %dma_wait3A_860 = tpu.memref_slice %arg2[%dma_wait3A_859, %mul3A_242] : memref<64x100000xf32, #tpu.memory_space<hbm>> -> memref<8x128xf32, #tpu.memory_space<hbm>>
    tpu.wait_dma2 semaphore(%arg7 : memref<!tpu.dma_semaphore, #tpu.memory_space<semaphore_mem>>) src(%dma_wait3A_860 : memref<8x128xf32, #tpu.memory_space<hbm>>) dst(%dma_wait3A_858 : memref<8x128xf32, #tpu.memory_space<vmem>>)
    %dma_wait3A_861 = arith.constant 23 : i32
    %dma_wait3A_862 = arith.constant 0 : i32
    %dma_wait3A_863 = arith.constant 0 : i32
    %dma_wait3A_864 = tpu.memref_slice %arg5[%dma_wait3A_861, %dma_wait3A_862, %dma_wait3A_863] : memref<64x8x128xf32, #tpu.memory_space<vmem>> -> memref<1x8x128xf32, #tpu.memory_space<vmem>>
    %dma_wait3A_865 = tpu.memref_squeeze %dma_wait3A_864 : memref<1x8x128xf32, #tpu.memory_space<vmem>> -> memref<8x128xf32, #tpu.memory_space<vmem>>
    %dma_wait3A_866 = arith.constant 16 : i32
    %dma_wait3A_867 = tpu.memref_slice %arg2[%dma_wait3A_866, %mul3A_253] : memref<64x100000xf32, #tpu.memory_space<hbm>> -> memref<8x128xf32, #tpu.memory_space<hbm>>
    tpu.wait_dma2 semaphore(%arg7 : memref<!tpu.dma_semaphore, #tpu.memory_space<semaphore_mem>>) src(%dma_wait3A_867 : memref<8x128xf32, #tpu.memory_space<hbm>>) dst(%dma_wait3A_865 : memref<8x128xf32, #tpu.memory_space<vmem>>)
    %dma_wait3A_868 = arith.constant 24 : i32
    %dma_wait3A_869 = arith.constant 0 : i32
    %dma_wait3A_870 = arith.constant 0 : i32
    %dma_wait3A_871 = tpu.memref_slice %arg5[%dma_wait3A_868, %dma_wait3A_869, %dma_wait3A_870] : memref<64x8x128xf32, #tpu.memory_space<vmem>> -> memref<1x8x128xf32, #tpu.memory_space<vmem>>
    %dma_wait3A_872 = tpu.memref_squeeze %dma_wait3A_871 : memref<1x8x128xf32, #tpu.memory_space<vmem>> -> memref<8x128xf32, #tpu.memory_space<vmem>>
    %dma_wait3A_873 = arith.constant 24 : i32
    %dma_wait3A_874 = tpu.memref_slice %arg2[%dma_wait3A_873, %mul3A_264] : memref<64x100000xf32, #tpu.memory_space<hbm>> -> memref<8x128xf32, #tpu.memory_space<hbm>>
    tpu.wait_dma2 semaphore(%arg7 : memref<!tpu.dma_semaphore, #tpu.memory_space<semaphore_mem>>) src(%dma_wait3A_874 : memref<8x128xf32, #tpu.memory_space<hbm>>) dst(%dma_wait3A_872 : memref<8x128xf32, #tpu.memory_space<vmem>>)
    %dma_wait3A_875 = arith.constant 25 : i32
    %dma_wait3A_876 = arith.constant 0 : i32
    %dma_wait3A_877 = arith.constant 0 : i32
    %dma_wait3A_878 = tpu.memref_slice %arg5[%dma_wait3A_875, %dma_wait3A_876, %dma_wait3A_877] : memref<64x8x128xf32, #tpu.memory_space<vmem>> -> memref<1x8x128xf32, #tpu.memory_space<vmem>>
    %dma_wait3A_879 = tpu.memref_squeeze %dma_wait3A_878 : memref<1x8x128xf32, #tpu.memory_space<vmem>> -> memref<8x128xf32, #tpu.memory_space<vmem>>
    %dma_wait3A_880 = arith.constant 24 : i32
    %dma_wait3A_881 = tpu.memref_slice %arg2[%dma_wait3A_880, %mul3A_275] : memref<64x100000xf32, #tpu.memory_space<hbm>> -> memref<8x128xf32, #tpu.memory_space<hbm>>
    tpu.wait_dma2 semaphore(%arg7 : memref<!tpu.dma_semaphore, #tpu.memory_space<semaphore_mem>>) src(%dma_wait3A_881 : memref<8x128xf32, #tpu.memory_space<hbm>>) dst(%dma_wait3A_879 : memref<8x128xf32, #tpu.memory_space<vmem>>)
    %dma_wait3A_882 = arith.constant 26 : i32
    %dma_wait3A_883 = arith.constant 0 : i32
    %dma_wait3A_884 = arith.constant 0 : i32
    %dma_wait3A_885 = tpu.memref_slice %arg5[%dma_wait3A_882, %dma_wait3A_883, %dma_wait3A_884] : memref<64x8x128xf32, #tpu.memory_space<vmem>> -> memref<1x8x128xf32, #tpu.memory_space<vmem>>
    %dma_wait3A_886 = tpu.memref_squeeze %dma_wait3A_885 : memref<1x8x128xf32, #tpu.memory_space<vmem>> -> memref<8x128xf32, #tpu.memory_space<vmem>>
    %dma_wait3A_887 = arith.constant 24 : i32
    %dma_wait3A_888 = tpu.memref_slice %arg2[%dma_wait3A_887, %mul3A_286] : memref<64x100000xf32, #tpu.memory_space<hbm>> -> memref<8x128xf32, #tpu.memory_space<hbm>>
    tpu.wait_dma2 semaphore(%arg7 : memref<!tpu.dma_semaphore, #tpu.memory_space<semaphore_mem>>) src(%dma_wait3A_888 : memref<8x128xf32, #tpu.memory_space<hbm>>) dst(%dma_wait3A_886 : memref<8x128xf32, #tpu.memory_space<vmem>>)
    %dma_wait3A_889 = arith.constant 27 : i32
    %dma_wait3A_890 = arith.constant 0 : i32
    %dma_wait3A_891 = arith.constant 0 : i32
    %dma_wait3A_892 = tpu.memref_slice %arg5[%dma_wait3A_889, %dma_wait3A_890, %dma_wait3A_891] : memref<64x8x128xf32, #tpu.memory_space<vmem>> -> memref<1x8x128xf32, #tpu.memory_space<vmem>>
    %dma_wait3A_893 = tpu.memref_squeeze %dma_wait3A_892 : memref<1x8x128xf32, #tpu.memory_space<vmem>> -> memref<8x128xf32, #tpu.memory_space<vmem>>
    %dma_wait3A_894 = arith.constant 24 : i32
    %dma_wait3A_895 = tpu.memref_slice %arg2[%dma_wait3A_894, %mul3A_297] : memref<64x100000xf32, #tpu.memory_space<hbm>> -> memref<8x128xf32, #tpu.memory_space<hbm>>
    tpu.wait_dma2 semaphore(%arg7 : memref<!tpu.dma_semaphore, #tpu.memory_space<semaphore_mem>>) src(%dma_wait3A_895 : memref<8x128xf32, #tpu.memory_space<hbm>>) dst(%dma_wait3A_893 : memref<8x128xf32, #tpu.memory_space<vmem>>)
    %dma_wait3A_896 = arith.constant 28 : i32
    %dma_wait3A_897 = arith.constant 0 : i32
    %dma_wait3A_898 = arith.constant 0 : i32
    %dma_wait3A_899 = tpu.memref_slice %arg5[%dma_wait3A_896, %dma_wait3A_897, %dma_wait3A_898] : memref<64x8x128xf32, #tpu.memory_space<vmem>> -> memref<1x8x128xf32, #tpu.memory_space<vmem>>
    %dma_wait3A_900 = tpu.memref_squeeze %dma_wait3A_899 : memref<1x8x128xf32, #tpu.memory_space<vmem>> -> memref<8x128xf32, #tpu.memory_space<vmem>>
    %dma_wait3A_901 = arith.constant 24 : i32
    %dma_wait3A_902 = tpu.memref_slice %arg2[%dma_wait3A_901, %mul3A_308] : memref<64x100000xf32, #tpu.memory_space<hbm>> -> memref<8x128xf32, #tpu.memory_space<hbm>>
    tpu.wait_dma2 semaphore(%arg7 : memref<!tpu.dma_semaphore, #tpu.memory_space<semaphore_mem>>) src(%dma_wait3A_902 : memref<8x128xf32, #tpu.memory_space<hbm>>) dst(%dma_wait3A_900 : memref<8x128xf32, #tpu.memory_space<vmem>>)
    %dma_wait3A_903 = arith.constant 29 : i32
    %dma_wait3A_904 = arith.constant 0 : i32
    %dma_wait3A_905 = arith.constant 0 : i32
    %dma_wait3A_906 = tpu.memref_slice %arg5[%dma_wait3A_903, %dma_wait3A_904, %dma_wait3A_905] : memref<64x8x128xf32, #tpu.memory_space<vmem>> -> memref<1x8x128xf32, #tpu.memory_space<vmem>>
    %dma_wait3A_907 = tpu.memref_squeeze %dma_wait3A_906 : memref<1x8x128xf32, #tpu.memory_space<vmem>> -> memref<8x128xf32, #tpu.memory_space<vmem>>
    %dma_wait3A_908 = arith.constant 24 : i32
    %dma_wait3A_909 = tpu.memref_slice %arg2[%dma_wait3A_908, %mul3A_319] : memref<64x100000xf32, #tpu.memory_space<hbm>> -> memref<8x128xf32, #tpu.memory_space<hbm>>
    tpu.wait_dma2 semaphore(%arg7 : memref<!tpu.dma_semaphore, #tpu.memory_space<semaphore_mem>>) src(%dma_wait3A_909 : memref<8x128xf32, #tpu.memory_space<hbm>>) dst(%dma_wait3A_907 : memref<8x128xf32, #tpu.memory_space<vmem>>)
    %dma_wait3A_910 = arith.constant 30 : i32
    %dma_wait3A_911 = arith.constant 0 : i32
    %dma_wait3A_912 = arith.constant 0 : i32
    %dma_wait3A_913 = tpu.memref_slice %arg5[%dma_wait3A_910, %dma_wait3A_911, %dma_wait3A_912] : memref<64x8x128xf32, #tpu.memory_space<vmem>> -> memref<1x8x128xf32, #tpu.memory_space<vmem>>
    %dma_wait3A_914 = tpu.memref_squeeze %dma_wait3A_913 : memref<1x8x128xf32, #tpu.memory_space<vmem>> -> memref<8x128xf32, #tpu.memory_space<vmem>>
    %dma_wait3A_915 = arith.constant 24 : i32
    %dma_wait3A_916 = tpu.memref_slice %arg2[%dma_wait3A_915, %mul3A_330] : memref<64x100000xf32, #tpu.memory_space<hbm>> -> memref<8x128xf32, #tpu.memory_space<hbm>>
    tpu.wait_dma2 semaphore(%arg7 : memref<!tpu.dma_semaphore, #tpu.memory_space<semaphore_mem>>) src(%dma_wait3A_916 : memref<8x128xf32, #tpu.memory_space<hbm>>) dst(%dma_wait3A_914 : memref<8x128xf32, #tpu.memory_space<vmem>>)
    %dma_wait3A_917 = arith.constant 31 : i32
    %dma_wait3A_918 = arith.constant 0 : i32
    %dma_wait3A_919 = arith.constant 0 : i32
    %dma_wait3A_920 = tpu.memref_slice %arg5[%dma_wait3A_917, %dma_wait3A_918, %dma_wait3A_919] : memref<64x8x128xf32, #tpu.memory_space<vmem>> -> memref<1x8x128xf32, #tpu.memory_space<vmem>>
    %dma_wait3A_921 = tpu.memref_squeeze %dma_wait3A_920 : memref<1x8x128xf32, #tpu.memory_space<vmem>> -> memref<8x128xf32, #tpu.memory_space<vmem>>
    %dma_wait3A_922 = arith.constant 24 : i32
    %dma_wait3A_923 = tpu.memref_slice %arg2[%dma_wait3A_922, %mul3A_341] : memref<64x100000xf32, #tpu.memory_space<hbm>> -> memref<8x128xf32, #tpu.memory_space<hbm>>
    tpu.wait_dma2 semaphore(%arg7 : memref<!tpu.dma_semaphore, #tpu.memory_space<semaphore_mem>>) src(%dma_wait3A_923 : memref<8x128xf32, #tpu.memory_space<hbm>>) dst(%dma_wait3A_921 : memref<8x128xf32, #tpu.memory_space<vmem>>)
    %dma_wait3A_924 = arith.constant 32 : i32
    %dma_wait3A_925 = arith.constant 0 : i32
    %dma_wait3A_926 = arith.constant 0 : i32
    %dma_wait3A_927 = tpu.memref_slice %arg5[%dma_wait3A_924, %dma_wait3A_925, %dma_wait3A_926] : memref<64x8x128xf32, #tpu.memory_space<vmem>> -> memref<1x8x128xf32, #tpu.memory_space<vmem>>
    %dma_wait3A_928 = tpu.memref_squeeze %dma_wait3A_927 : memref<1x8x128xf32, #tpu.memory_space<vmem>> -> memref<8x128xf32, #tpu.memory_space<vmem>>
    %dma_wait3A_929 = arith.constant 32 : i32
    %dma_wait3A_930 = tpu.memref_slice %arg2[%dma_wait3A_929, %mul3A_352] : memref<64x100000xf32, #tpu.memory_space<hbm>> -> memref<8x128xf32, #tpu.memory_space<hbm>>
    tpu.wait_dma2 semaphore(%arg7 : memref<!tpu.dma_semaphore, #tpu.memory_space<semaphore_mem>>) src(%dma_wait3A_930 : memref<8x128xf32, #tpu.memory_space<hbm>>) dst(%dma_wait3A_928 : memref<8x128xf32, #tpu.memory_space<vmem>>)
    %dma_wait3A_931 = arith.constant 33 : i32
    %dma_wait3A_932 = arith.constant 0 : i32
    %dma_wait3A_933 = arith.constant 0 : i32
    %dma_wait3A_934 = tpu.memref_slice %arg5[%dma_wait3A_931, %dma_wait3A_932, %dma_wait3A_933] : memref<64x8x128xf32, #tpu.memory_space<vmem>> -> memref<1x8x128xf32, #tpu.memory_space<vmem>>
    %dma_wait3A_935 = tpu.memref_squeeze %dma_wait3A_934 : memref<1x8x128xf32, #tpu.memory_space<vmem>> -> memref<8x128xf32, #tpu.memory_space<vmem>>
    %dma_wait3A_936 = arith.constant 32 : i32
    %dma_wait3A_937 = tpu.memref_slice %arg2[%dma_wait3A_936, %mul3A_363] : memref<64x100000xf32, #tpu.memory_space<hbm>> -> memref<8x128xf32, #tpu.memory_space<hbm>>
    tpu.wait_dma2 semaphore(%arg7 : memref<!tpu.dma_semaphore, #tpu.memory_space<semaphore_mem>>) src(%dma_wait3A_937 : memref<8x128xf32, #tpu.memory_space<hbm>>) dst(%dma_wait3A_935 : memref<8x128xf32, #tpu.memory_space<vmem>>)
    %dma_wait3A_938 = arith.constant 34 : i32
    %dma_wait3A_939 = arith.constant 0 : i32
    %dma_wait3A_940 = arith.constant 0 : i32
    %dma_wait3A_941 = tpu.memref_slice %arg5[%dma_wait3A_938, %dma_wait3A_939, %dma_wait3A_940] : memref<64x8x128xf32, #tpu.memory_space<vmem>> -> memref<1x8x128xf32, #tpu.memory_space<vmem>>
    %dma_wait3A_942 = tpu.memref_squeeze %dma_wait3A_941 : memref<1x8x128xf32, #tpu.memory_space<vmem>> -> memref<8x128xf32, #tpu.memory_space<vmem>>
    %dma_wait3A_943 = arith.constant 32 : i32
    %dma_wait3A_944 = tpu.memref_slice %arg2[%dma_wait3A_943, %mul3A_374] : memref<64x100000xf32, #tpu.memory_space<hbm>> -> memref<8x128xf32, #tpu.memory_space<hbm>>
    tpu.wait_dma2 semaphore(%arg7 : memref<!tpu.dma_semaphore, #tpu.memory_space<semaphore_mem>>) src(%dma_wait3A_944 : memref<8x128xf32, #tpu.memory_space<hbm>>) dst(%dma_wait3A_942 : memref<8x128xf32, #tpu.memory_space<vmem>>)
    %dma_wait3A_945 = arith.constant 35 : i32
    %dma_wait3A_946 = arith.constant 0 : i32
    %dma_wait3A_947 = arith.constant 0 : i32
    %dma_wait3A_948 = tpu.memref_slice %arg5[%dma_wait3A_945, %dma_wait3A_946, %dma_wait3A_947] : memref<64x8x128xf32, #tpu.memory_space<vmem>> -> memref<1x8x128xf32, #tpu.memory_space<vmem>>
    %dma_wait3A_949 = tpu.memref_squeeze %dma_wait3A_948 : memref<1x8x128xf32, #tpu.memory_space<vmem>> -> memref<8x128xf32, #tpu.memory_space<vmem>>
    %dma_wait3A_950 = arith.constant 32 : i32
    %dma_wait3A_951 = tpu.memref_slice %arg2[%dma_wait3A_950, %mul3A_385] : memref<64x100000xf32, #tpu.memory_space<hbm>> -> memref<8x128xf32, #tpu.memory_space<hbm>>
    tpu.wait_dma2 semaphore(%arg7 : memref<!tpu.dma_semaphore, #tpu.memory_space<semaphore_mem>>) src(%dma_wait3A_951 : memref<8x128xf32, #tpu.memory_space<hbm>>) dst(%dma_wait3A_949 : memref<8x128xf32, #tpu.memory_space<vmem>>)
    %dma_wait3A_952 = arith.constant 36 : i32
    %dma_wait3A_953 = arith.constant 0 : i32
    %dma_wait3A_954 = arith.constant 0 : i32
    %dma_wait3A_955 = tpu.memref_slice %arg5[%dma_wait3A_952, %dma_wait3A_953, %dma_wait3A_954] : memref<64x8x128xf32, #tpu.memory_space<vmem>> -> memref<1x8x128xf32, #tpu.memory_space<vmem>>
    %dma_wait3A_956 = tpu.memref_squeeze %dma_wait3A_955 : memref<1x8x128xf32, #tpu.memory_space<vmem>> -> memref<8x128xf32, #tpu.memory_space<vmem>>
    %dma_wait3A_957 = arith.constant 32 : i32
    %dma_wait3A_958 = tpu.memref_slice %arg2[%dma_wait3A_957, %mul3A_396] : memref<64x100000xf32, #tpu.memory_space<hbm>> -> memref<8x128xf32, #tpu.memory_space<hbm>>
    tpu.wait_dma2 semaphore(%arg7 : memref<!tpu.dma_semaphore, #tpu.memory_space<semaphore_mem>>) src(%dma_wait3A_958 : memref<8x128xf32, #tpu.memory_space<hbm>>) dst(%dma_wait3A_956 : memref<8x128xf32, #tpu.memory_space<vmem>>)
    %dma_wait3A_959 = arith.constant 37 : i32
    %dma_wait3A_960 = arith.constant 0 : i32
    %dma_wait3A_961 = arith.constant 0 : i32
    %dma_wait3A_962 = tpu.memref_slice %arg5[%dma_wait3A_959, %dma_wait3A_960, %dma_wait3A_961] : memref<64x8x128xf32, #tpu.memory_space<vmem>> -> memref<1x8x128xf32, #tpu.memory_space<vmem>>
    %dma_wait3A_963 = tpu.memref_squeeze %dma_wait3A_962 : memref<1x8x128xf32, #tpu.memory_space<vmem>> -> memref<8x128xf32, #tpu.memory_space<vmem>>
    %dma_wait3A_964 = arith.constant 32 : i32
    %dma_wait3A_965 = tpu.memref_slice %arg2[%dma_wait3A_964, %mul3A_407] : memref<64x100000xf32, #tpu.memory_space<hbm>> -> memref<8x128xf32, #tpu.memory_space<hbm>>
    tpu.wait_dma2 semaphore(%arg7 : memref<!tpu.dma_semaphore, #tpu.memory_space<semaphore_mem>>) src(%dma_wait3A_965 : memref<8x128xf32, #tpu.memory_space<hbm>>) dst(%dma_wait3A_963 : memref<8x128xf32, #tpu.memory_space<vmem>>)
    %dma_wait3A_966 = arith.constant 38 : i32
    %dma_wait3A_967 = arith.constant 0 : i32
    %dma_wait3A_968 = arith.constant 0 : i32
    %dma_wait3A_969 = tpu.memref_slice %arg5[%dma_wait3A_966, %dma_wait3A_967, %dma_wait3A_968] : memref<64x8x128xf32, #tpu.memory_space<vmem>> -> memref<1x8x128xf32, #tpu.memory_space<vmem>>
    %dma_wait3A_970 = tpu.memref_squeeze %dma_wait3A_969 : memref<1x8x128xf32, #tpu.memory_space<vmem>> -> memref<8x128xf32, #tpu.memory_space<vmem>>
    %dma_wait3A_971 = arith.constant 32 : i32
    %dma_wait3A_972 = tpu.memref_slice %arg2[%dma_wait3A_971, %mul3A_418] : memref<64x100000xf32, #tpu.memory_space<hbm>> -> memref<8x128xf32, #tpu.memory_space<hbm>>
    tpu.wait_dma2 semaphore(%arg7 : memref<!tpu.dma_semaphore, #tpu.memory_space<semaphore_mem>>) src(%dma_wait3A_972 : memref<8x128xf32, #tpu.memory_space<hbm>>) dst(%dma_wait3A_970 : memref<8x128xf32, #tpu.memory_space<vmem>>)
    %dma_wait3A_973 = arith.constant 39 : i32
    %dma_wait3A_974 = arith.constant 0 : i32
    %dma_wait3A_975 = arith.constant 0 : i32
    %dma_wait3A_976 = tpu.memref_slice %arg5[%dma_wait3A_973, %dma_wait3A_974, %dma_wait3A_975] : memref<64x8x128xf32, #tpu.memory_space<vmem>> -> memref<1x8x128xf32, #tpu.memory_space<vmem>>
    %dma_wait3A_977 = tpu.memref_squeeze %dma_wait3A_976 : memref<1x8x128xf32, #tpu.memory_space<vmem>> -> memref<8x128xf32, #tpu.memory_space<vmem>>
    %dma_wait3A_978 = arith.constant 32 : i32
    %dma_wait3A_979 = tpu.memref_slice %arg2[%dma_wait3A_978, %mul3A_429] : memref<64x100000xf32, #tpu.memory_space<hbm>> -> memref<8x128xf32, #tpu.memory_space<hbm>>
    tpu.wait_dma2 semaphore(%arg7 : memref<!tpu.dma_semaphore, #tpu.memory_space<semaphore_mem>>) src(%dma_wait3A_979 : memref<8x128xf32, #tpu.memory_space<hbm>>) dst(%dma_wait3A_977 : memref<8x128xf32, #tpu.memory_space<vmem>>)
    %dma_wait3A_980 = arith.constant 40 : i32
    %dma_wait3A_981 = arith.constant 0 : i32
    %dma_wait3A_982 = arith.constant 0 : i32
    %dma_wait3A_983 = tpu.memref_slice %arg5[%dma_wait3A_980, %dma_wait3A_981, %dma_wait3A_982] : memref<64x8x128xf32, #tpu.memory_space<vmem>> -> memref<1x8x128xf32, #tpu.memory_space<vmem>>
    %dma_wait3A_984 = tpu.memref_squeeze %dma_wait3A_983 : memref<1x8x128xf32, #tpu.memory_space<vmem>> -> memref<8x128xf32, #tpu.memory_space<vmem>>
    %dma_wait3A_985 = arith.constant 40 : i32
    %dma_wait3A_986 = tpu.memref_slice %arg2[%dma_wait3A_985, %mul3A_440] : memref<64x100000xf32, #tpu.memory_space<hbm>> -> memref<8x128xf32, #tpu.memory_space<hbm>>
    tpu.wait_dma2 semaphore(%arg7 : memref<!tpu.dma_semaphore, #tpu.memory_space<semaphore_mem>>) src(%dma_wait3A_986 : memref<8x128xf32, #tpu.memory_space<hbm>>) dst(%dma_wait3A_984 : memref<8x128xf32, #tpu.memory_space<vmem>>)
    %dma_wait3A_987 = arith.constant 41 : i32
    %dma_wait3A_988 = arith.constant 0 : i32
    %dma_wait3A_989 = arith.constant 0 : i32
    %dma_wait3A_990 = tpu.memref_slice %arg5[%dma_wait3A_987, %dma_wait3A_988, %dma_wait3A_989] : memref<64x8x128xf32, #tpu.memory_space<vmem>> -> memref<1x8x128xf32, #tpu.memory_space<vmem>>
    %dma_wait3A_991 = tpu.memref_squeeze %dma_wait3A_990 : memref<1x8x128xf32, #tpu.memory_space<vmem>> -> memref<8x128xf32, #tpu.memory_space<vmem>>
    %dma_wait3A_992 = arith.constant 40 : i32
    %dma_wait3A_993 = tpu.memref_slice %arg2[%dma_wait3A_992, %mul3A_451] : memref<64x100000xf32, #tpu.memory_space<hbm>> -> memref<8x128xf32, #tpu.memory_space<hbm>>
    tpu.wait_dma2 semaphore(%arg7 : memref<!tpu.dma_semaphore, #tpu.memory_space<semaphore_mem>>) src(%dma_wait3A_993 : memref<8x128xf32, #tpu.memory_space<hbm>>) dst(%dma_wait3A_991 : memref<8x128xf32, #tpu.memory_space<vmem>>)
    %dma_wait3A_994 = arith.constant 42 : i32
    %dma_wait3A_995 = arith.constant 0 : i32
    %dma_wait3A_996 = arith.constant 0 : i32
    %dma_wait3A_997 = tpu.memref_slice %arg5[%dma_wait3A_994, %dma_wait3A_995, %dma_wait3A_996] : memref<64x8x128xf32, #tpu.memory_space<vmem>> -> memref<1x8x128xf32, #tpu.memory_space<vmem>>
    %dma_wait3A_998 = tpu.memref_squeeze %dma_wait3A_997 : memref<1x8x128xf32, #tpu.memory_space<vmem>> -> memref<8x128xf32, #tpu.memory_space<vmem>>
    %dma_wait3A_999 = arith.constant 40 : i32
    %dma_wait3A_1000 = tpu.memref_slice %arg2[%dma_wait3A_999, %mul3A_462] : memref<64x100000xf32, #tpu.memory_space<hbm>> -> memref<8x128xf32, #tpu.memory_space<hbm>>
    tpu.wait_dma2 semaphore(%arg7 : memref<!tpu.dma_semaphore, #tpu.memory_space<semaphore_mem>>) src(%dma_wait3A_1000 : memref<8x128xf32, #tpu.memory_space<hbm>>) dst(%dma_wait3A_998 : memref<8x128xf32, #tpu.memory_space<vmem>>)
    %dma_wait3A_1001 = arith.constant 43 : i32
    %dma_wait3A_1002 = arith.constant 0 : i32
    %dma_wait3A_1003 = arith.constant 0 : i32
    %dma_wait3A_1004 = tpu.memref_slice %arg5[%dma_wait3A_1001, %dma_wait3A_1002, %dma_wait3A_1003] : memref<64x8x128xf32, #tpu.memory_space<vmem>> -> memref<1x8x128xf32, #tpu.memory_space<vmem>>
    %dma_wait3A_1005 = tpu.memref_squeeze %dma_wait3A_1004 : memref<1x8x128xf32, #tpu.memory_space<vmem>> -> memref<8x128xf32, #tpu.memory_space<vmem>>
    %dma_wait3A_1006 = arith.constant 40 : i32
    %dma_wait3A_1007 = tpu.memref_slice %arg2[%dma_wait3A_1006, %mul3A_473] : memref<64x100000xf32, #tpu.memory_space<hbm>> -> memref<8x128xf32, #tpu.memory_space<hbm>>
    tpu.wait_dma2 semaphore(%arg7 : memref<!tpu.dma_semaphore, #tpu.memory_space<semaphore_mem>>) src(%dma_wait3A_1007 : memref<8x128xf32, #tpu.memory_space<hbm>>) dst(%dma_wait3A_1005 : memref<8x128xf32, #tpu.memory_space<vmem>>)
    %dma_wait3A_1008 = arith.constant 44 : i32
    %dma_wait3A_1009 = arith.constant 0 : i32
    %dma_wait3A_1010 = arith.constant 0 : i32
    %dma_wait3A_1011 = tpu.memref_slice %arg5[%dma_wait3A_1008, %dma_wait3A_1009, %dma_wait3A_1010] : memref<64x8x128xf32, #tpu.memory_space<vmem>> -> memref<1x8x128xf32, #tpu.memory_space<vmem>>
    %dma_wait3A_1012 = tpu.memref_squeeze %dma_wait3A_1011 : memref<1x8x128xf32, #tpu.memory_space<vmem>> -> memref<8x128xf32, #tpu.memory_space<vmem>>
    %dma_wait3A_1013 = arith.constant 40 : i32
    %dma_wait3A_1014 = tpu.memref_slice %arg2[%dma_wait3A_1013, %mul3A_484] : memref<64x100000xf32, #tpu.memory_space<hbm>> -> memref<8x128xf32, #tpu.memory_space<hbm>>
    tpu.wait_dma2 semaphore(%arg7 : memref<!tpu.dma_semaphore, #tpu.memory_space<semaphore_mem>>) src(%dma_wait3A_1014 : memref<8x128xf32, #tpu.memory_space<hbm>>) dst(%dma_wait3A_1012 : memref<8x128xf32, #tpu.memory_space<vmem>>)
    %dma_wait3A_1015 = arith.constant 45 : i32
    %dma_wait3A_1016 = arith.constant 0 : i32
    %dma_wait3A_1017 = arith.constant 0 : i32
    %dma_wait3A_1018 = tpu.memref_slice %arg5[%dma_wait3A_1015, %dma_wait3A_1016, %dma_wait3A_1017] : memref<64x8x128xf32, #tpu.memory_space<vmem>> -> memref<1x8x128xf32, #tpu.memory_space<vmem>>
    %dma_wait3A_1019 = tpu.memref_squeeze %dma_wait3A_1018 : memref<1x8x128xf32, #tpu.memory_space<vmem>> -> memref<8x128xf32, #tpu.memory_space<vmem>>
    %dma_wait3A_1020 = arith.constant 40 : i32
    %dma_wait3A_1021 = tpu.memref_slice %arg2[%dma_wait3A_1020, %mul3A_495] : memref<64x100000xf32, #tpu.memory_space<hbm>> -> memref<8x128xf32, #tpu.memory_space<hbm>>
    tpu.wait_dma2 semaphore(%arg7 : memref<!tpu.dma_semaphore, #tpu.memory_space<semaphore_mem>>) src(%dma_wait3A_1021 : memref<8x128xf32, #tpu.memory_space<hbm>>) dst(%dma_wait3A_1019 : memref<8x128xf32, #tpu.memory_space<vmem>>)
    %dma_wait3A_1022 = arith.constant 46 : i32
    %dma_wait3A_1023 = arith.constant 0 : i32
    %dma_wait3A_1024 = arith.constant 0 : i32
    %dma_wait3A_1025 = tpu.memref_slice %arg5[%dma_wait3A_1022, %dma_wait3A_1023, %dma_wait3A_1024] : memref<64x8x128xf32, #tpu.memory_space<vmem>> -> memref<1x8x128xf32, #tpu.memory_space<vmem>>
    %dma_wait3A_1026 = tpu.memref_squeeze %dma_wait3A_1025 : memref<1x8x128xf32, #tpu.memory_space<vmem>> -> memref<8x128xf32, #tpu.memory_space<vmem>>
    %dma_wait3A_1027 = arith.constant 40 : i32
    %dma_wait3A_1028 = tpu.memref_slice %arg2[%dma_wait3A_1027, %mul3A_506] : memref<64x100000xf32, #tpu.memory_space<hbm>> -> memref<8x128xf32, #tpu.memory_space<hbm>>
    tpu.wait_dma2 semaphore(%arg7 : memref<!tpu.dma_semaphore, #tpu.memory_space<semaphore_mem>>) src(%dma_wait3A_1028 : memref<8x128xf32, #tpu.memory_space<hbm>>) dst(%dma_wait3A_1026 : memref<8x128xf32, #tpu.memory_space<vmem>>)
    %dma_wait3A_1029 = arith.constant 47 : i32
    %dma_wait3A_1030 = arith.constant 0 : i32
    %dma_wait3A_1031 = arith.constant 0 : i32
    %dma_wait3A_1032 = tpu.memref_slice %arg5[%dma_wait3A_1029, %dma_wait3A_1030, %dma_wait3A_1031] : memref<64x8x128xf32, #tpu.memory_space<vmem>> -> memref<1x8x128xf32, #tpu.memory_space<vmem>>
    %dma_wait3A_1033 = tpu.memref_squeeze %dma_wait3A_1032 : memref<1x8x128xf32, #tpu.memory_space<vmem>> -> memref<8x128xf32, #tpu.memory_space<vmem>>
    %dma_wait3A_1034 = arith.constant 40 : i32
    %dma_wait3A_1035 = tpu.memref_slice %arg2[%dma_wait3A_1034, %mul3A_517] : memref<64x100000xf32, #tpu.memory_space<hbm>> -> memref<8x128xf32, #tpu.memory_space<hbm>>
    tpu.wait_dma2 semaphore(%arg7 : memref<!tpu.dma_semaphore, #tpu.memory_space<semaphore_mem>>) src(%dma_wait3A_1035 : memref<8x128xf32, #tpu.memory_space<hbm>>) dst(%dma_wait3A_1033 : memref<8x128xf32, #tpu.memory_space<vmem>>)
    %dma_wait3A_1036 = arith.constant 48 : i32
    %dma_wait3A_1037 = arith.constant 0 : i32
    %dma_wait3A_1038 = arith.constant 0 : i32
    %dma_wait3A_1039 = tpu.memref_slice %arg5[%dma_wait3A_1036, %dma_wait3A_1037, %dma_wait3A_1038] : memref<64x8x128xf32, #tpu.memory_space<vmem>> -> memref<1x8x128xf32, #tpu.memory_space<vmem>>
    %dma_wait3A_1040 = tpu.memref_squeeze %dma_wait3A_1039 : memref<1x8x128xf32, #tpu.memory_space<vmem>> -> memref<8x128xf32, #tpu.memory_space<vmem>>
    %dma_wait3A_1041 = arith.constant 48 : i32
    %dma_wait3A_1042 = tpu.memref_slice %arg2[%dma_wait3A_1041, %mul3A_528] : memref<64x100000xf32, #tpu.memory_space<hbm>> -> memref<8x128xf32, #tpu.memory_space<hbm>>
    tpu.wait_dma2 semaphore(%arg7 : memref<!tpu.dma_semaphore, #tpu.memory_space<semaphore_mem>>) src(%dma_wait3A_1042 : memref<8x128xf32, #tpu.memory_space<hbm>>) dst(%dma_wait3A_1040 : memref<8x128xf32, #tpu.memory_space<vmem>>)
    %dma_wait3A_1043 = arith.constant 49 : i32
    %dma_wait3A_1044 = arith.constant 0 : i32
    %dma_wait3A_1045 = arith.constant 0 : i32
    %dma_wait3A_1046 = tpu.memref_slice %arg5[%dma_wait3A_1043, %dma_wait3A_1044, %dma_wait3A_1045] : memref<64x8x128xf32, #tpu.memory_space<vmem>> -> memref<1x8x128xf32, #tpu.memory_space<vmem>>
    %dma_wait3A_1047 = tpu.memref_squeeze %dma_wait3A_1046 : memref<1x8x128xf32, #tpu.memory_space<vmem>> -> memref<8x128xf32, #tpu.memory_space<vmem>>
    %dma_wait3A_1048 = arith.constant 48 : i32
    %dma_wait3A_1049 = tpu.memref_slice %arg2[%dma_wait3A_1048, %mul3A_539] : memref<64x100000xf32, #tpu.memory_space<hbm>> -> memref<8x128xf32, #tpu.memory_space<hbm>>
    tpu.wait_dma2 semaphore(%arg7 : memref<!tpu.dma_semaphore, #tpu.memory_space<semaphore_mem>>) src(%dma_wait3A_1049 : memref<8x128xf32, #tpu.memory_space<hbm>>) dst(%dma_wait3A_1047 : memref<8x128xf32, #tpu.memory_space<vmem>>)
    %dma_wait3A_1050 = arith.constant 50 : i32
    %dma_wait3A_1051 = arith.constant 0 : i32
    %dma_wait3A_1052 = arith.constant 0 : i32
    %dma_wait3A_1053 = tpu.memref_slice %arg5[%dma_wait3A_1050, %dma_wait3A_1051, %dma_wait3A_1052] : memref<64x8x128xf32, #tpu.memory_space<vmem>> -> memref<1x8x128xf32, #tpu.memory_space<vmem>>
    %dma_wait3A_1054 = tpu.memref_squeeze %dma_wait3A_1053 : memref<1x8x128xf32, #tpu.memory_space<vmem>> -> memref<8x128xf32, #tpu.memory_space<vmem>>
    %dma_wait3A_1055 = arith.constant 48 : i32
    %dma_wait3A_1056 = tpu.memref_slice %arg2[%dma_wait3A_1055, %mul3A_550] : memref<64x100000xf32, #tpu.memory_space<hbm>> -> memref<8x128xf32, #tpu.memory_space<hbm>>
    tpu.wait_dma2 semaphore(%arg7 : memref<!tpu.dma_semaphore, #tpu.memory_space<semaphore_mem>>) src(%dma_wait3A_1056 : memref<8x128xf32, #tpu.memory_space<hbm>>) dst(%dma_wait3A_1054 : memref<8x128xf32, #tpu.memory_space<vmem>>)
    %dma_wait3A_1057 = arith.constant 51 : i32
    %dma_wait3A_1058 = arith.constant 0 : i32
    %dma_wait3A_1059 = arith.constant 0 : i32
    %dma_wait3A_1060 = tpu.memref_slice %arg5[%dma_wait3A_1057, %dma_wait3A_1058, %dma_wait3A_1059] : memref<64x8x128xf32, #tpu.memory_space<vmem>> -> memref<1x8x128xf32, #tpu.memory_space<vmem>>
    %dma_wait3A_1061 = tpu.memref_squeeze %dma_wait3A_1060 : memref<1x8x128xf32, #tpu.memory_space<vmem>> -> memref<8x128xf32, #tpu.memory_space<vmem>>
    %dma_wait3A_1062 = arith.constant 48 : i32
    %dma_wait3A_1063 = tpu.memref_slice %arg2[%dma_wait3A_1062, %mul3A_561] : memref<64x100000xf32, #tpu.memory_space<hbm>> -> memref<8x128xf32, #tpu.memory_space<hbm>>
    tpu.wait_dma2 semaphore(%arg7 : memref<!tpu.dma_semaphore, #tpu.memory_space<semaphore_mem>>) src(%dma_wait3A_1063 : memref<8x128xf32, #tpu.memory_space<hbm>>) dst(%dma_wait3A_1061 : memref<8x128xf32, #tpu.memory_space<vmem>>)
    %dma_wait3A_1064 = arith.constant 52 : i32
    %dma_wait3A_1065 = arith.constant 0 : i32
    %dma_wait3A_1066 = arith.constant 0 : i32
    %dma_wait3A_1067 = tpu.memref_slice %arg5[%dma_wait3A_1064, %dma_wait3A_1065, %dma_wait3A_1066] : memref<64x8x128xf32, #tpu.memory_space<vmem>> -> memref<1x8x128xf32, #tpu.memory_space<vmem>>
    %dma_wait3A_1068 = tpu.memref_squeeze %dma_wait3A_1067 : memref<1x8x128xf32, #tpu.memory_space<vmem>> -> memref<8x128xf32, #tpu.memory_space<vmem>>
    %dma_wait3A_1069 = arith.constant 48 : i32
    %dma_wait3A_1070 = tpu.memref_slice %arg2[%dma_wait3A_1069, %mul3A_572] : memref<64x100000xf32, #tpu.memory_space<hbm>> -> memref<8x128xf32, #tpu.memory_space<hbm>>
    tpu.wait_dma2 semaphore(%arg7 : memref<!tpu.dma_semaphore, #tpu.memory_space<semaphore_mem>>) src(%dma_wait3A_1070 : memref<8x128xf32, #tpu.memory_space<hbm>>) dst(%dma_wait3A_1068 : memref<8x128xf32, #tpu.memory_space<vmem>>)
    %dma_wait3A_1071 = arith.constant 53 : i32
    %dma_wait3A_1072 = arith.constant 0 : i32
    %dma_wait3A_1073 = arith.constant 0 : i32
    %dma_wait3A_1074 = tpu.memref_slice %arg5[%dma_wait3A_1071, %dma_wait3A_1072, %dma_wait3A_1073] : memref<64x8x128xf32, #tpu.memory_space<vmem>> -> memref<1x8x128xf32, #tpu.memory_space<vmem>>
    %dma_wait3A_1075 = tpu.memref_squeeze %dma_wait3A_1074 : memref<1x8x128xf32, #tpu.memory_space<vmem>> -> memref<8x128xf32, #tpu.memory_space<vmem>>
    %dma_wait3A_1076 = arith.constant 48 : i32
    %dma_wait3A_1077 = tpu.memref_slice %arg2[%dma_wait3A_1076, %mul3A_583] : memref<64x100000xf32, #tpu.memory_space<hbm>> -> memref<8x128xf32, #tpu.memory_space<hbm>>
    tpu.wait_dma2 semaphore(%arg7 : memref<!tpu.dma_semaphore, #tpu.memory_space<semaphore_mem>>) src(%dma_wait3A_1077 : memref<8x128xf32, #tpu.memory_space<hbm>>) dst(%dma_wait3A_1075 : memref<8x128xf32, #tpu.memory_space<vmem>>)
    %dma_wait3A_1078 = arith.constant 54 : i32
    %dma_wait3A_1079 = arith.constant 0 : i32
    %dma_wait3A_1080 = arith.constant 0 : i32
    %dma_wait3A_1081 = tpu.memref_slice %arg5[%dma_wait3A_1078, %dma_wait3A_1079, %dma_wait3A_1080] : memref<64x8x128xf32, #tpu.memory_space<vmem>> -> memref<1x8x128xf32, #tpu.memory_space<vmem>>
    %dma_wait3A_1082 = tpu.memref_squeeze %dma_wait3A_1081 : memref<1x8x128xf32, #tpu.memory_space<vmem>> -> memref<8x128xf32, #tpu.memory_space<vmem>>
    %dma_wait3A_1083 = arith.constant 48 : i32
    %dma_wait3A_1084 = tpu.memref_slice %arg2[%dma_wait3A_1083, %mul3A_594] : memref<64x100000xf32, #tpu.memory_space<hbm>> -> memref<8x128xf32, #tpu.memory_space<hbm>>
    tpu.wait_dma2 semaphore(%arg7 : memref<!tpu.dma_semaphore, #tpu.memory_space<semaphore_mem>>) src(%dma_wait3A_1084 : memref<8x128xf32, #tpu.memory_space<hbm>>) dst(%dma_wait3A_1082 : memref<8x128xf32, #tpu.memory_space<vmem>>)
    %dma_wait3A_1085 = arith.constant 55 : i32
    %dma_wait3A_1086 = arith.constant 0 : i32
    %dma_wait3A_1087 = arith.constant 0 : i32
    %dma_wait3A_1088 = tpu.memref_slice %arg5[%dma_wait3A_1085, %dma_wait3A_1086, %dma_wait3A_1087] : memref<64x8x128xf32, #tpu.memory_space<vmem>> -> memref<1x8x128xf32, #tpu.memory_space<vmem>>
    %dma_wait3A_1089 = tpu.memref_squeeze %dma_wait3A_1088 : memref<1x8x128xf32, #tpu.memory_space<vmem>> -> memref<8x128xf32, #tpu.memory_space<vmem>>
    %dma_wait3A_1090 = arith.constant 48 : i32
    %dma_wait3A_1091 = tpu.memref_slice %arg2[%dma_wait3A_1090, %mul3A_605] : memref<64x100000xf32, #tpu.memory_space<hbm>> -> memref<8x128xf32, #tpu.memory_space<hbm>>
    tpu.wait_dma2 semaphore(%arg7 : memref<!tpu.dma_semaphore, #tpu.memory_space<semaphore_mem>>) src(%dma_wait3A_1091 : memref<8x128xf32, #tpu.memory_space<hbm>>) dst(%dma_wait3A_1089 : memref<8x128xf32, #tpu.memory_space<vmem>>)
    %dma_wait3A_1092 = arith.constant 56 : i32
    %dma_wait3A_1093 = arith.constant 0 : i32
    %dma_wait3A_1094 = arith.constant 0 : i32
    %dma_wait3A_1095 = tpu.memref_slice %arg5[%dma_wait3A_1092, %dma_wait3A_1093, %dma_wait3A_1094] : memref<64x8x128xf32, #tpu.memory_space<vmem>> -> memref<1x8x128xf32, #tpu.memory_space<vmem>>
    %dma_wait3A_1096 = tpu.memref_squeeze %dma_wait3A_1095 : memref<1x8x128xf32, #tpu.memory_space<vmem>> -> memref<8x128xf32, #tpu.memory_space<vmem>>
    %dma_wait3A_1097 = arith.constant 56 : i32
    %dma_wait3A_1098 = tpu.memref_slice %arg2[%dma_wait3A_1097, %mul3A_616] : memref<64x100000xf32, #tpu.memory_space<hbm>> -> memref<8x128xf32, #tpu.memory_space<hbm>>
    tpu.wait_dma2 semaphore(%arg7 : memref<!tpu.dma_semaphore, #tpu.memory_space<semaphore_mem>>) src(%dma_wait3A_1098 : memref<8x128xf32, #tpu.memory_space<hbm>>) dst(%dma_wait3A_1096 : memref<8x128xf32, #tpu.memory_space<vmem>>)
    %dma_wait3A_1099 = arith.constant 57 : i32
    %dma_wait3A_1100 = arith.constant 0 : i32
    %dma_wait3A_1101 = arith.constant 0 : i32
    %dma_wait3A_1102 = tpu.memref_slice %arg5[%dma_wait3A_1099, %dma_wait3A_1100, %dma_wait3A_1101] : memref<64x8x128xf32, #tpu.memory_space<vmem>> -> memref<1x8x128xf32, #tpu.memory_space<vmem>>
    %dma_wait3A_1103 = tpu.memref_squeeze %dma_wait3A_1102 : memref<1x8x128xf32, #tpu.memory_space<vmem>> -> memref<8x128xf32, #tpu.memory_space<vmem>>
    %dma_wait3A_1104 = arith.constant 56 : i32
    %dma_wait3A_1105 = tpu.memref_slice %arg2[%dma_wait3A_1104, %mul3A_627] : memref<64x100000xf32, #tpu.memory_space<hbm>> -> memref<8x128xf32, #tpu.memory_space<hbm>>
    tpu.wait_dma2 semaphore(%arg7 : memref<!tpu.dma_semaphore, #tpu.memory_space<semaphore_mem>>) src(%dma_wait3A_1105 : memref<8x128xf32, #tpu.memory_space<hbm>>) dst(%dma_wait3A_1103 : memref<8x128xf32, #tpu.memory_space<vmem>>)
    %dma_wait3A_1106 = arith.constant 58 : i32
    %dma_wait3A_1107 = arith.constant 0 : i32
    %dma_wait3A_1108 = arith.constant 0 : i32
    %dma_wait3A_1109 = tpu.memref_slice %arg5[%dma_wait3A_1106, %dma_wait3A_1107, %dma_wait3A_1108] : memref<64x8x128xf32, #tpu.memory_space<vmem>> -> memref<1x8x128xf32, #tpu.memory_space<vmem>>
    %dma_wait3A_1110 = tpu.memref_squeeze %dma_wait3A_1109 : memref<1x8x128xf32, #tpu.memory_space<vmem>> -> memref<8x128xf32, #tpu.memory_space<vmem>>
    %dma_wait3A_1111 = arith.constant 56 : i32
    %dma_wait3A_1112 = tpu.memref_slice %arg2[%dma_wait3A_1111, %mul3A_638] : memref<64x100000xf32, #tpu.memory_space<hbm>> -> memref<8x128xf32, #tpu.memory_space<hbm>>
    tpu.wait_dma2 semaphore(%arg7 : memref<!tpu.dma_semaphore, #tpu.memory_space<semaphore_mem>>) src(%dma_wait3A_1112 : memref<8x128xf32, #tpu.memory_space<hbm>>) dst(%dma_wait3A_1110 : memref<8x128xf32, #tpu.memory_space<vmem>>)
    %dma_wait3A_1113 = arith.constant 59 : i32
    %dma_wait3A_1114 = arith.constant 0 : i32
    %dma_wait3A_1115 = arith.constant 0 : i32
    %dma_wait3A_1116 = tpu.memref_slice %arg5[%dma_wait3A_1113, %dma_wait3A_1114, %dma_wait3A_1115] : memref<64x8x128xf32, #tpu.memory_space<vmem>> -> memref<1x8x128xf32, #tpu.memory_space<vmem>>
    %dma_wait3A_1117 = tpu.memref_squeeze %dma_wait3A_1116 : memref<1x8x128xf32, #tpu.memory_space<vmem>> -> memref<8x128xf32, #tpu.memory_space<vmem>>
    %dma_wait3A_1118 = arith.constant 56 : i32
    %dma_wait3A_1119 = tpu.memref_slice %arg2[%dma_wait3A_1118, %mul3A_649] : memref<64x100000xf32, #tpu.memory_space<hbm>> -> memref<8x128xf32, #tpu.memory_space<hbm>>
    tpu.wait_dma2 semaphore(%arg7 : memref<!tpu.dma_semaphore, #tpu.memory_space<semaphore_mem>>) src(%dma_wait3A_1119 : memref<8x128xf32, #tpu.memory_space<hbm>>) dst(%dma_wait3A_1117 : memref<8x128xf32, #tpu.memory_space<vmem>>)
    %dma_wait3A_1120 = arith.constant 60 : i32
    %dma_wait3A_1121 = arith.constant 0 : i32
    %dma_wait3A_1122 = arith.constant 0 : i32
    %dma_wait3A_1123 = tpu.memref_slice %arg5[%dma_wait3A_1120, %dma_wait3A_1121, %dma_wait3A_1122] : memref<64x8x128xf32, #tpu.memory_space<vmem>> -> memref<1x8x128xf32, #tpu.memory_space<vmem>>
    %dma_wait3A_1124 = tpu.memref_squeeze %dma_wait3A_1123 : memref<1x8x128xf32, #tpu.memory_space<vmem>> -> memref<8x128xf32, #tpu.memory_space<vmem>>
    %dma_wait3A_1125 = arith.constant 56 : i32
    %dma_wait3A_1126 = tpu.memref_slice %arg2[%dma_wait3A_1125, %mul3A_660] : memref<64x100000xf32, #tpu.memory_space<hbm>> -> memref<8x128xf32, #tpu.memory_space<hbm>>
    tpu.wait_dma2 semaphore(%arg7 : memref<!tpu.dma_semaphore, #tpu.memory_space<semaphore_mem>>) src(%dma_wait3A_1126 : memref<8x128xf32, #tpu.memory_space<hbm>>) dst(%dma_wait3A_1124 : memref<8x128xf32, #tpu.memory_space<vmem>>)
    %dma_wait3A_1127 = arith.constant 61 : i32
    %dma_wait3A_1128 = arith.constant 0 : i32
    %dma_wait3A_1129 = arith.constant 0 : i32
    %dma_wait3A_1130 = tpu.memref_slice %arg5[%dma_wait3A_1127, %dma_wait3A_1128, %dma_wait3A_1129] : memref<64x8x128xf32, #tpu.memory_space<vmem>> -> memref<1x8x128xf32, #tpu.memory_space<vmem>>
    %dma_wait3A_1131 = tpu.memref_squeeze %dma_wait3A_1130 : memref<1x8x128xf32, #tpu.memory_space<vmem>> -> memref<8x128xf32, #tpu.memory_space<vmem>>
    %dma_wait3A_1132 = arith.constant 56 : i32
    %dma_wait3A_1133 = tpu.memref_slice %arg2[%dma_wait3A_1132, %mul3A_671] : memref<64x100000xf32, #tpu.memory_space<hbm>> -> memref<8x128xf32, #tpu.memory_space<hbm>>
    tpu.wait_dma2 semaphore(%arg7 : memref<!tpu.dma_semaphore, #tpu.memory_space<semaphore_mem>>) src(%dma_wait3A_1133 : memref<8x128xf32, #tpu.memory_space<hbm>>) dst(%dma_wait3A_1131 : memref<8x128xf32, #tpu.memory_space<vmem>>)
    %dma_wait3A_1134 = arith.constant 62 : i32
    %dma_wait3A_1135 = arith.constant 0 : i32
    %dma_wait3A_1136 = arith.constant 0 : i32
    %dma_wait3A_1137 = tpu.memref_slice %arg5[%dma_wait3A_1134, %dma_wait3A_1135, %dma_wait3A_1136] : memref<64x8x128xf32, #tpu.memory_space<vmem>> -> memref<1x8x128xf32, #tpu.memory_space<vmem>>
    %dma_wait3A_1138 = tpu.memref_squeeze %dma_wait3A_1137 : memref<1x8x128xf32, #tpu.memory_space<vmem>> -> memref<8x128xf32, #tpu.memory_space<vmem>>
    %dma_wait3A_1139 = arith.constant 56 : i32
    %dma_wait3A_1140 = tpu.memref_slice %arg2[%dma_wait3A_1139, %mul3A_682] : memref<64x100000xf32, #tpu.memory_space<hbm>> -> memref<8x128xf32, #tpu.memory_space<hbm>>
    tpu.wait_dma2 semaphore(%arg7 : memref<!tpu.dma_semaphore, #tpu.memory_space<semaphore_mem>>) src(%dma_wait3A_1140 : memref<8x128xf32, #tpu.memory_space<hbm>>) dst(%dma_wait3A_1138 : memref<8x128xf32, #tpu.memory_space<vmem>>)
    %dma_wait3A_1141 = arith.constant 63 : i32
    %dma_wait3A_1142 = arith.constant 0 : i32
    %dma_wait3A_1143 = arith.constant 0 : i32
    %dma_wait3A_1144 = tpu.memref_slice %arg5[%dma_wait3A_1141, %dma_wait3A_1142, %dma_wait3A_1143] : memref<64x8x128xf32, #tpu.memory_space<vmem>> -> memref<1x8x128xf32, #tpu.memory_space<vmem>>
    %dma_wait3A_1145 = tpu.memref_squeeze %dma_wait3A_1144 : memref<1x8x128xf32, #tpu.memory_space<vmem>> -> memref<8x128xf32, #tpu.memory_space<vmem>>
    %dma_wait3A_1146 = arith.constant 56 : i32
    %dma_wait3A_1147 = tpu.memref_slice %arg2[%dma_wait3A_1146, %mul3A_693] : memref<64x100000xf32, #tpu.memory_space<hbm>> -> memref<8x128xf32, #tpu.memory_space<hbm>>
    tpu.wait_dma2 semaphore(%arg7 : memref<!tpu.dma_semaphore, #tpu.memory_space<semaphore_mem>>) src(%dma_wait3A_1147 : memref<8x128xf32, #tpu.memory_space<hbm>>) dst(%dma_wait3A_1145 : memref<8x128xf32, #tpu.memory_space<vmem>>)
    %iota3A = tpu.iota {dimensions = array<i32: 0>} : vector<64x8x1xi32>
    %iota3A_1148 = tpu.iota {dimensions = array<i32: 1>} : vector<64x8x1xi32>
    %jit3A = arith.constant 8 : i32
    %eq3A = arith.constant 0 : i32
    %eq3A_1149 = arith.cmpi eq, %jit3A, %eq3A : i32
    %jit3A_1150 = arith.constant 1 : i32
    %select_n3A = arith.select %eq3A_1149, %jit3A_1150, %jit3A : i32
    %rem3A = vector.broadcast %select_n3A : i32 to vector<64x8x1xi32>
    %rem3A_1151 = arith.remsi %iota3A, %rem3A : vector<64x8x1xi32>
    %ne3A = arith.constant 0 : i32
    %ne3A_1152 = vector.broadcast %ne3A : i32 to vector<64x8x1xi32>
    %ne3A_1153 = arith.cmpi ne, %rem3A_1151, %ne3A_1152 : vector<64x8x1xi32>
    %lt3A = arith.constant 0 : i32
    %lt3A_1154 = vector.broadcast %lt3A : i32 to vector<64x8x1xi32>
    %lt3A_1155 = arith.cmpi slt, %rem3A_1151, %lt3A_1154 : vector<64x8x1xi32>
    %lt3A_1156 = arith.constant 0 : i32
    %lt3A_1157 = arith.cmpi slt, %select_n3A, %lt3A_1156 : i32
    %ne3A_1158 = vector.broadcast %lt3A_1157 : i1 to vector<64x8x1xi1>
    %ne3A_1159 = vector.broadcast %ne3A_1158 : vector<64x8x1xi1> to vector<64x8x1xi1>
    %ne3A_1160 = arith.xori %lt3A_1155, %ne3A_1159 : vector<64x8x1xi1>
    %and3A = arith.andi %ne3A_1160, %ne3A_1153 : vector<64x8x1xi1>
    %add3A = vector.broadcast %select_n3A : i32 to vector<64x8x1xi32>
    %add3A_1161 = arith.addi %rem3A_1151, %add3A : vector<64x8x1xi32>
    %select_n3A_1162 = arith.select %and3A, %add3A_1161, %rem3A_1151 : vector<64x8x1xi1>, vector<64x8x1xi32>
    %eq3A_1163 = arith.cmpi eq, %select_n3A_1162, %iota3A_1148 : vector<64x8x1xi32>
    %get3A_1164 = arith.constant 0 : index
    %get3A_1165 = arith.constant 0 : index
    %get3A_1166 = arith.constant 0 : index
    %get3A_1167 = vector.load %arg5[%get3A_1164, %get3A_1165, %get3A_1166] : memref<64x8x128xf32, #tpu.memory_space<vmem>>, vector<64x8x128xf32>
    %jit3A_1168 = arith.constant 0.000000e+00 : f32
    %broadcast_in_dim3A = vector.shape_cast %eq3A_1163 : vector<64x8x1xi1> to vector<64x8x1xi1>
    %broadcast_in_dim3A_1169 = vector.broadcast %broadcast_in_dim3A : vector<64x8x1xi1> to vector<64x8x128xi1>
    %broadcast_in_dim3A_1170 = vector.broadcast %jit3A_1168 : f32 to vector<64x8x128xf32>
    %select_n3A_1171 = arith.select %broadcast_in_dim3A_1169, %get3A_1167, %broadcast_in_dim3A_1170 : vector<64x8x128xi1>, vector<64x8x128xf32>
    %reduce_sum3A = arith.constant dense<0.000000e+00> : vector<64x128xf32>
    %reduce_sum3A_1172 = vector.multi_reduction <add>, %select_n3A_1171, %reduce_sum3A [1] : vector<64x8x128xf32> to vector<64x128xf32>
    %get3A_1173 = arith.constant 0 : index
    %get3A_1174 = arith.constant 0 : index
    %get3A_1175 = vector.load %arg1[%get3A_1173, %get3A_1174] : memref<64x128xf32, #tpu.memory_space<vmem>>, vector<64x1xf32>
    %get3A_1176 = arith.constant 0 : index
    %get3A_1177 = arith.constant 1 : index
    %get3A_1178 = vector.load %arg1[%get3A_1176, %get3A_1177] : memref<64x128xf32, #tpu.memory_space<vmem>>, vector<64x1xf32>
    %get3A_1179 = arith.constant 0 : index
    %get3A_1180 = arith.constant 4 : index
    %get3A_1181 = vector.load %arg1[%get3A_1179, %get3A_1180] : memref<64x128xf32, #tpu.memory_space<vmem>>, vector<64x1xf32>
    %get3A_1182 = arith.constant 0 : index
    %get3A_1183 = arith.constant 5 : index
    %get3A_1184 = vector.load %arg1[%get3A_1182, %get3A_1183] : memref<64x128xf32, #tpu.memory_space<vmem>>, vector<64x1xf32>
    %convert_element_type3A = arith.fptosi %get3A_1184 : vector<64x1xf32> to vector<64x1xi32>
    %iota3A_1185 = tpu.iota {dimensions = array<i32: 1>} : vector<64x128xi32>
    %mul3A_1186 = arith.constant 128 : i32
    %mul3A_1187 = vector.broadcast %mul3A_1186 : i32 to vector<64x1xi32>
    %mul3A_1188 = arith.muli %convert_element_type3A, %mul3A_1187 : vector<64x1xi32>
    %add3A_1189 = vector.broadcast %mul3A_1188 : vector<64x1xi32> to vector<64x128xi32>
    %add3A_1190 = arith.addi %add3A_1189, %iota3A_1185 : vector<64x128xi32>
    %lt3A_1191 = arith.constant 100000 : i32
    %lt3A_1192 = vector.broadcast %lt3A_1191 : i32 to vector<64x128xi32>
    %lt3A_1193 = arith.cmpi slt, %add3A_1190, %lt3A_1192 : vector<64x128xi32>
    %mul3A_1194 = arith.constant 2.000000e-02 : f32
    %mul3A_1195 = vector.broadcast %mul3A_1194 : f32 to vector<64x128xf32>
    %mul3A_1196 = arith.mulf %reduce_sum3A_1172, %mul3A_1195 : vector<64x128xf32>
    %exp3A = math.exp %mul3A_1196 : vector<64x128xf32>
    %jit3A_1197 = arith.constant 0.000000e+00 : f32
    %broadcast_in_dim3A_1198 = vector.broadcast %jit3A_1197 : f32 to vector<64x128xf32>
    %select_n3A_1199 = arith.select %lt3A_1193, %exp3A, %broadcast_in_dim3A_1198 : vector<64x128xi1>, vector<64x128xf32>
    %broadcast_in_dim3A_1200 = arith.constant 0.000000e+00 : f32
    %broadcast_in_dim3A_1201 = vector.broadcast %broadcast_in_dim3A_1200 : f32 to vector<64x1xf32>
    %slice3A = vector.extract_strided_slice %select_n3A_1199 {offsets = [0, 0], sizes = [64, 127], strides = [1, 1]} : vector<64x128xf32> to vector<64x127xf32>
    %concatenate3A = tpu.concatenate %broadcast_in_dim3A_1201, %slice3A in 1 : vector<64x1xf32>, vector<64x127xf32> -> vector<64x128xf32>
    %add3A_1202 = arith.addf %select_n3A_1199, %concatenate3A : vector<64x128xf32>
    %broadcast_in_dim3A_1203 = arith.constant 0.000000e+00 : f32
    %broadcast_in_dim3A_1204 = vector.broadcast %broadcast_in_dim3A_1203 : f32 to vector<64x2xf32>
    %slice3A_1205 = vector.extract_strided_slice %add3A_1202 {offsets = [0, 0], sizes = [64, 126], strides = [1, 1]} : vector<64x128xf32> to vector<64x126xf32>
    %concatenate3A_1206 = tpu.concatenate %broadcast_in_dim3A_1204, %slice3A_1205 in 1 : vector<64x2xf32>, vector<64x126xf32> -> vector<64x128xf32>
    %add3A_1207 = arith.addf %add3A_1202, %concatenate3A_1206 : vector<64x128xf32>
    %broadcast_in_dim3A_1208 = arith.constant 0.000000e+00 : f32
    %broadcast_in_dim3A_1209 = vector.broadcast %broadcast_in_dim3A_1208 : f32 to vector<64x4xf32>
    %slice3A_1210 = vector.extract_strided_slice %add3A_1207 {offsets = [0, 0], sizes = [64, 124], strides = [1, 1]} : vector<64x128xf32> to vector<64x124xf32>
    %concatenate3A_1211 = tpu.concatenate %broadcast_in_dim3A_1209, %slice3A_1210 in 1 : vector<64x4xf32>, vector<64x124xf32> -> vector<64x128xf32>
    %add3A_1212 = arith.addf %add3A_1207, %concatenate3A_1211 : vector<64x128xf32>
    %broadcast_in_dim3A_1213 = arith.constant 0.000000e+00 : f32
    %broadcast_in_dim3A_1214 = vector.broadcast %broadcast_in_dim3A_1213 : f32 to vector<64x8xf32>
    %slice3A_1215 = vector.extract_strided_slice %add3A_1212 {offsets = [0, 0], sizes = [64, 120], strides = [1, 1]} : vector<64x128xf32> to vector<64x120xf32>
    %concatenate3A_1216 = tpu.concatenate %broadcast_in_dim3A_1214, %slice3A_1215 in 1 : vector<64x8xf32>, vector<64x120xf32> -> vector<64x128xf32>
    %add3A_1217 = arith.addf %add3A_1212, %concatenate3A_1216 : vector<64x128xf32>
    %broadcast_in_dim3A_1218 = arith.constant 0.000000e+00 : f32
    %broadcast_in_dim3A_1219 = vector.broadcast %broadcast_in_dim3A_1218 : f32 to vector<64x16xf32>
    %slice3A_1220 = vector.extract_strided_slice %add3A_1217 {offsets = [0, 0], sizes = [64, 112], strides = [1, 1]} : vector<64x128xf32> to vector<64x112xf32>
    %concatenate3A_1221 = tpu.concatenate %broadcast_in_dim3A_1219, %slice3A_1220 in 1 : vector<64x16xf32>, vector<64x112xf32> -> vector<64x128xf32>
    %add3A_1222 = arith.addf %add3A_1217, %concatenate3A_1221 : vector<64x128xf32>
    %broadcast_in_dim3A_1223 = arith.constant 0.000000e+00 : f32
    %broadcast_in_dim3A_1224 = vector.broadcast %broadcast_in_dim3A_1223 : f32 to vector<64x32xf32>
    %slice3A_1225 = vector.extract_strided_slice %add3A_1222 {offsets = [0, 0], sizes = [64, 96], strides = [1, 1]} : vector<64x128xf32> to vector<64x96xf32>
    %concatenate3A_1226 = tpu.concatenate %broadcast_in_dim3A_1224, %slice3A_1225 in 1 : vector<64x32xf32>, vector<64x96xf32> -> vector<64x128xf32>
    %add3A_1227 = arith.addf %add3A_1222, %concatenate3A_1226 : vector<64x128xf32>
    %broadcast_in_dim3A_1228 = arith.constant 0.000000e+00 : f32
    %broadcast_in_dim3A_1229 = vector.broadcast %broadcast_in_dim3A_1228 : f32 to vector<64x64xf32>
    %slice3A_1230 = vector.extract_strided_slice %add3A_1227 {offsets = [0, 0], sizes = [64, 64], strides = [1, 1]} : vector<64x128xf32> to vector<64x64xf32>
    %concatenate3A_1231 = tpu.concatenate %broadcast_in_dim3A_1229, %slice3A_1230 in 1 : vector<64x64xf32>, vector<64x64xf32> -> vector<64x128xf32>
    %add3A_1232 = arith.addf %add3A_1227, %concatenate3A_1231 : vector<64x128xf32>
    %ge3A = vector.broadcast %get3A_1175 : vector<64x1xf32> to vector<64x128xf32>
    %ge3A_1233 = arith.cmpf oge, %add3A_1232, %ge3A : vector<64x128xf32>
    %jit3A_1234 = arith.constant 1073741824 : i32
    %broadcast_in_dim3A_1235 = vector.broadcast %jit3A_1234 : i32 to vector<64x128xi32>
    %select_n3A_1236 = arith.select %ge3A_1233, %iota3A_1185, %broadcast_in_dim3A_1235 : vector<64x128xi1>, vector<64x128xi32>
    %reduce_min3A = arith.constant dense<2147483647> : vector<64xi32>
    %reduce_min3A_1237 = vector.multi_reduction <minsi>, %select_n3A_1236, %reduce_min3A [1] : vector<64x128xi32> to vector<64xi32>
    %broadcast_in_dim3A_1238 = vector.shape_cast %reduce_min3A_1237 : vector<64xi32> to vector<64x1xi32>
    %min3A = arith.constant 127 : i32
    %min3A_1239 = vector.broadcast %min3A : i32 to vector<64x1xi32>
    %min3A_1240 = arith.minsi %broadcast_in_dim3A_1238, %min3A_1239 : vector<64x1xi32>
    %gt3A = arith.constant 5.000000e-01 : f32
    %gt3A_1241 = vector.broadcast %gt3A : f32 to vector<64x1xf32>
    %gt3A_1242 = arith.cmpf ogt, %get3A_1181, %gt3A_1241 : vector<64x1xf32>
    %add3A_1243 = arith.addi %mul3A_1188, %min3A_1240 : vector<64x1xi32>
    %jit3A_1244 = arith.constant 0 : i32
    %broadcast_in_dim3A_1245 = vector.broadcast %jit3A_1244 : i32 to vector<64x1xi32>
    %select_n3A_1246 = arith.select %gt3A_1242, %add3A_1243, %broadcast_in_dim3A_1245 : vector<64x1xi1>, vector<64x1xi32>
    %min3A_1247 = arith.constant 99999 : i32
    %min3A_1248 = vector.broadcast %min3A_1247 : i32 to vector<64x1xi32>
    %min3A_1249 = arith.minsi %select_n3A_1246, %min3A_1248 : vector<64x1xi32>
    %iota3A_1250 = tpu.iota {dimensions = array<i32: 0>} : vector<64x64xi32>
    %iota3A_1251 = tpu.iota {dimensions = array<i32: 1>} : vector<64x64xi32>
    %jit3A_1252 = arith.constant 8 : i32
    %div3A = vector.broadcast %jit3A_1252 : i32 to vector<64x64xi32>
    %div3A_1253 = arith.divsi %iota3A_1250, %div3A : vector<64x64xi32>
    %sign3A = arith.constant 0 : i32
    %sign3A_1254 = vector.broadcast %sign3A : i32 to vector<64x64xi32>
    %sign3A_1255 = arith.cmpi sgt, %iota3A_1250, %sign3A_1254 : vector<64x64xi32>
    %sign3A_1256 = arith.extui %sign3A_1255 : vector<64x64xi1> to vector<64x64xi32>
    %sign3A_1257 = arith.constant 0 : i32
    %sign3A_1258 = vector.broadcast %sign3A_1257 : i32 to vector<64x64xi32>
    %sign3A_1259 = arith.cmpi slt, %iota3A_1250, %sign3A_1258 : vector<64x64xi32>
    %sign3A_1260 = arith.extui %sign3A_1259 : vector<64x64xi1> to vector<64x64xi32>
    %sign3A_1261 = arith.subi %sign3A_1256, %sign3A_1260 : vector<64x64xi32>
    %sign3A_1262 = arith.constant 0 : i32
    %sign3A_1263 = arith.cmpi sgt, %jit3A_1252, %sign3A_1262 : i32
    %sign3A_1264 = arith.extui %sign3A_1263 : i1 to i32
    %sign3A_1265 = arith.constant 0 : i32
    %sign3A_1266 = arith.cmpi slt, %jit3A_1252, %sign3A_1265 : i32
    %sign3A_1267 = arith.extui %sign3A_1266 : i1 to i32
    %sign3A_1268 = arith.subi %sign3A_1264, %sign3A_1267 : i32
    %ne3A_1269 = vector.broadcast %sign3A_1268 : i32 to vector<64x64xi32>
    %ne3A_1270 = arith.cmpi ne, %sign3A_1261, %ne3A_1269 : vector<64x64xi32>
    %rem3A_1271 = vector.broadcast %jit3A_1252 : i32 to vector<64x64xi32>
    %rem3A_1272 = arith.remsi %iota3A_1250, %rem3A_1271 : vector<64x64xi32>
    %ne3A_1273 = arith.constant 0 : i32
    %ne3A_1274 = vector.broadcast %ne3A_1273 : i32 to vector<64x64xi32>
    %ne3A_1275 = arith.cmpi ne, %rem3A_1272, %ne3A_1274 : vector<64x64xi32>
    %and3A_1276 = arith.andi %ne3A_1270, %ne3A_1275 : vector<64x64xi1>
    %sub3A = arith.constant 1 : i32
    %sub3A_1277 = vector.broadcast %sub3A : i32 to vector<64x64xi32>
    %sub3A_1278 = arith.subi %div3A_1253, %sub3A_1277 : vector<64x64xi32>
    %select_n3A_1279 = arith.select %and3A_1276, %sub3A_1278, %div3A_1253 : vector<64x64xi1>, vector<64x64xi32>
    %jit3A_1280 = arith.constant 8 : i32
    %div3A_1281 = vector.broadcast %jit3A_1280 : i32 to vector<64x64xi32>
    %div3A_1282 = arith.divsi %iota3A_1251, %div3A_1281 : vector<64x64xi32>
    %sign3A_1283 = arith.constant 0 : i32
    %sign3A_1284 = vector.broadcast %sign3A_1283 : i32 to vector<64x64xi32>
    %sign3A_1285 = arith.cmpi sgt, %iota3A_1251, %sign3A_1284 : vector<64x64xi32>
    %sign3A_1286 = arith.extui %sign3A_1285 : vector<64x64xi1> to vector<64x64xi32>
    %sign3A_1287 = arith.constant 0 : i32
    %sign3A_1288 = vector.broadcast %sign3A_1287 : i32 to vector<64x64xi32>
    %sign3A_1289 = arith.cmpi slt, %iota3A_1251, %sign3A_1288 : vector<64x64xi32>
    %sign3A_1290 = arith.extui %sign3A_1289 : vector<64x64xi1> to vector<64x64xi32>
    %sign3A_1291 = arith.subi %sign3A_1286, %sign3A_1290 : vector<64x64xi32>
    %sign3A_1292 = arith.constant 0 : i32
    %sign3A_1293 = arith.cmpi sgt, %jit3A_1280, %sign3A_1292 : i32
    %sign3A_1294 = arith.extui %sign3A_1293 : i1 to i32
    %sign3A_1295 = arith.constant 0 : i32
    %sign3A_1296 = arith.cmpi slt, %jit3A_1280, %sign3A_1295 : i32
    %sign3A_1297 = arith.extui %sign3A_1296 : i1 to i32
    %sign3A_1298 = arith.subi %sign3A_1294, %sign3A_1297 : i32
    %ne3A_1299 = vector.broadcast %sign3A_1298 : i32 to vector<64x64xi32>
    %ne3A_1300 = arith.cmpi ne, %sign3A_1291, %ne3A_1299 : vector<64x64xi32>
    %rem3A_1301 = vector.broadcast %jit3A_1280 : i32 to vector<64x64xi32>
    %rem3A_1302 = arith.remsi %iota3A_1251, %rem3A_1301 : vector<64x64xi32>
    %ne3A_1303 = arith.constant 0 : i32
    %ne3A_1304 = vector.broadcast %ne3A_1303 : i32 to vector<64x64xi32>
    %ne3A_1305 = arith.cmpi ne, %rem3A_1302, %ne3A_1304 : vector<64x64xi32>
    %and3A_1306 = arith.andi %ne3A_1300, %ne3A_1305 : vector<64x64xi1>
    %sub3A_1307 = arith.constant 1 : i32
    %sub3A_1308 = vector.broadcast %sub3A_1307 : i32 to vector<64x64xi32>
    %sub3A_1309 = arith.subi %div3A_1282, %sub3A_1308 : vector<64x64xi32>
    %select_n3A_1310 = arith.select %and3A_1306, %sub3A_1309, %div3A_1282 : vector<64x64xi1>, vector<64x64xi32>
    %eq3A_1311 = arith.cmpi eq, %select_n3A_1279, %select_n3A_1310 : vector<64x64xi32>
    %convert_element_type3A_1312 = arith.extui %eq3A_1311 : vector<64x64xi1> to vector<64x64xi32>
    %convert_element_type3A_1313 = arith.sitofp %convert_element_type3A_1312 : vector<64x64xi32> to vector<64x64xf32>
    %iota3A_1314 = tpu.iota {dimensions = array<i32: 0>} : vector<64x8xi32>
    %iota3A_1315 = tpu.iota {dimensions = array<i32: 1>} : vector<64x8xi32>
    %jit3A_1316 = arith.constant 8 : i32
    %eq3A_1317 = arith.constant 0 : i32
    %eq3A_1318 = arith.cmpi eq, %jit3A_1316, %eq3A_1317 : i32
    %jit3A_1319 = arith.constant 1 : i32
    %select_n3A_1320 = arith.select %eq3A_1318, %jit3A_1319, %jit3A_1316 : i32
    %rem3A_1321 = vector.broadcast %select_n3A_1320 : i32 to vector<64x8xi32>
    %rem3A_1322 = arith.remsi %iota3A_1314, %rem3A_1321 : vector<64x8xi32>
    %ne3A_1323 = arith.constant 0 : i32
    %ne3A_1324 = vector.broadcast %ne3A_1323 : i32 to vector<64x8xi32>
    %ne3A_1325 = arith.cmpi ne, %rem3A_1322, %ne3A_1324 : vector<64x8xi32>
    %lt3A_1326 = arith.constant 0 : i32
    %lt3A_1327 = vector.broadcast %lt3A_1326 : i32 to vector<64x8xi32>
    %lt3A_1328 = arith.cmpi slt, %rem3A_1322, %lt3A_1327 : vector<64x8xi32>
    %lt3A_1329 = arith.constant 0 : i32
    %lt3A_1330 = arith.cmpi slt, %select_n3A_1320, %lt3A_1329 : i32
    %ne3A_1331 = vector.broadcast %lt3A_1330 : i1 to vector<64x8xi1>
    %ne3A_1332 = vector.broadcast %ne3A_1331 : vector<64x8xi1> to vector<64x8xi1>
    %ne3A_1333 = arith.xori %lt3A_1328, %ne3A_1332 : vector<64x8xi1>
    %and3A_1334 = arith.andi %ne3A_1333, %ne3A_1325 : vector<64x8xi1>
    %add3A_1335 = vector.broadcast %select_n3A_1320 : i32 to vector<64x8xi32>
    %add3A_1336 = arith.addi %rem3A_1322, %add3A_1335 : vector<64x8xi32>
    %select_n3A_1337 = arith.select %and3A_1334, %add3A_1336, %rem3A_1322 : vector<64x8xi1>, vector<64x8xi32>
    %eq3A_1338 = arith.cmpi eq, %select_n3A_1337, %iota3A_1315 : vector<64x8xi32>
    %convert_element_type3A_1339 = arith.extui %eq3A_1338 : vector<64x8xi1> to vector<64x8xi32>
    %convert_element_type3A_1340 = arith.sitofp %convert_element_type3A_1339 : vector<64x8xi32> to vector<64x8xf32>
    %convert_element_type3A_1341 = arith.sitofp %min3A_1249 : vector<64x1xi32> to vector<64x1xf32>
    %mul3A_1342 = vector.broadcast %convert_element_type3A_1341 : vector<64x1xf32> to vector<64x8xf32>
    %mul3A_1343 = arith.mulf %mul3A_1342, %convert_element_type3A_1340 : vector<64x8xf32>
    %mul3A_1344 = vector.broadcast %get3A_1178 : vector<64x1xf32> to vector<64x8xf32>
    %mul3A_1345 = arith.mulf %mul3A_1344, %convert_element_type3A_1340 : vector<64x8xf32>
    %dot_general3A = arith.constant dense<0.000000e+00> : vector<64x8xf32>
    %dot_general3A_1346 = tpu.matmul %convert_element_type3A_1313, %mul3A_1343, %dot_general3A {dimension_numbers = #tpu.dot_dimension_numbers<[1], [0], [0], [1], [0, 0, 1, 1], [], []>, precision = #tpu.contract_precision<fp32>, transpose_lhs_hint = false} : vector<64x64xf32>, vector<64x8xf32>, vector<64x8xf32> -> vector<64x8xf32>
    %dot_general3A_1347 = arith.constant dense<0.000000e+00> : vector<64x8xf32>
    %dot_general3A_1348 = tpu.matmul %convert_element_type3A_1313, %mul3A_1345, %dot_general3A_1347 {dimension_numbers = #tpu.dot_dimension_numbers<[1], [0], [0], [1], [0, 0, 1, 1], [], []>, precision = #tpu.contract_precision<fp32>, transpose_lhs_hint = false} : vector<64x64xf32>, vector<64x8xf32>, vector<64x8xf32> -> vector<64x8xf32>
    %convert_element_type3A_1349 = arith.fptosi %dot_general3A_1346 : vector<64x8xf32> to vector<64x8xi32>
    %add3A_1350 = vector.broadcast %mul3A_1188 : vector<64x1xi32> to vector<64x128xi32>
    %add3A_1351 = arith.addi %add3A_1350, %iota3A_1185 : vector<64x128xi32>
    %slice3A_1352 = vector.extract_strided_slice %convert_element_type3A_1349 {offsets = [0, 0], sizes = [64, 1], strides = [1, 1]} : vector<64x8xi32> to vector<64x1xi32>
    %eq3A_1353 = vector.broadcast %slice3A_1352 : vector<64x1xi32> to vector<64x128xi32>
    %eq3A_1354 = arith.cmpi eq, %add3A_1351, %eq3A_1353 : vector<64x128xi32>
    %slice3A_1355 = vector.extract_strided_slice %dot_general3A_1348 {offsets = [0, 0], sizes = [64, 1], strides = [1, 1]} : vector<64x8xf32> to vector<64x1xf32>
    %jit3A_1356 = arith.constant 0.000000e+00 : f32
    %broadcast_in_dim3A_1357 = vector.shape_cast %slice3A_1355 : vector<64x1xf32> to vector<64x1xf32>
    %broadcast_in_dim3A_1358 = vector.broadcast %broadcast_in_dim3A_1357 : vector<64x1xf32> to vector<64x128xf32>
    %broadcast_in_dim3A_1359 = vector.broadcast %jit3A_1356 : f32 to vector<64x128xf32>
    %select_n3A_1360 = arith.select %eq3A_1354, %broadcast_in_dim3A_1358, %broadcast_in_dim3A_1359 : vector<64x128xi1>, vector<64x128xf32>
    %swap3A = arith.constant 0 : index
    %swap3A_1361 = arith.constant 0 : index
    %swap3A_1362 = arith.constant 0 : index
    %swap3A_1363 = vector.load %arg5[%swap3A, %swap3A_1361, %swap3A_1362] : memref<64x8x128xf32, #tpu.memory_space<vmem>>, vector<64x1x128xf32>
    %swap3A_1364 = vector.shape_cast %swap3A_1363 : vector<64x1x128xf32> to vector<64x128xf32>
    %swap3A_1365 = vector.shape_cast %select_n3A_1360 : vector<64x128xf32> to vector<64x1x128xf32>
    tpu.vector_store %arg5[%swap3A, %swap3A_1361, %swap3A_1362], %swap3A_1365 {strides = array<i32>} : memref<64x8x128xf32, #tpu.memory_space<vmem>>, vector<64x1x128xf32>,
    %slice3A_1366 = vector.extract_strided_slice %convert_element_type3A_1349 {offsets = [0, 1], sizes = [64, 1], strides = [1, 1]} : vector<64x8xi32> to vector<64x1xi32>
    %eq3A_1367 = vector.broadcast %slice3A_1366 : vector<64x1xi32> to vector<64x128xi32>
    %eq3A_1368 = arith.cmpi eq, %add3A_1351, %eq3A_1367 : vector<64x128xi32>
    %slice3A_1369 = vector.extract_strided_slice %dot_general3A_1348 {offsets = [0, 1], sizes = [64, 1], strides = [1, 1]} : vector<64x8xf32> to vector<64x1xf32>
    %jit3A_1370 = arith.constant 0.000000e+00 : f32
    %broadcast_in_dim3A_1371 = vector.shape_cast %slice3A_1369 : vector<64x1xf32> to vector<64x1xf32>
    %broadcast_in_dim3A_1372 = vector.broadcast %broadcast_in_dim3A_1371 : vector<64x1xf32> to vector<64x128xf32>
    %broadcast_in_dim3A_1373 = vector.broadcast %jit3A_1370 : f32 to vector<64x128xf32>
    %select_n3A_1374 = arith.select %eq3A_1368, %broadcast_in_dim3A_1372, %broadcast_in_dim3A_1373 : vector<64x128xi1>, vector<64x128xf32>
    %swap3A_1375 = arith.constant 0 : index
    %swap3A_1376 = arith.constant 1 : index
    %swap3A_1377 = arith.constant 0 : index
    %swap3A_1378 = vector.load %arg5[%swap3A_1375, %swap3A_1376, %swap3A_1377] : memref<64x8x128xf32, #tpu.memory_space<vmem>>, vector<64x1x128xf32>
    %swap3A_1379 = vector.shape_cast %swap3A_1378 : vector<64x1x128xf32> to vector<64x128xf32>
    %swap3A_1380 = vector.shape_cast %select_n3A_1374 : vector<64x128xf32> to vector<64x1x128xf32>
    tpu.vector_store %arg5[%swap3A_1375, %swap3A_1376, %swap3A_1377], %swap3A_1380 {strides = array<i32>} : memref<64x8x128xf32, #tpu.memory_space<vmem>>, vector<64x1x128xf32>,
    %slice3A_1381 = vector.extract_strided_slice %convert_element_type3A_1349 {offsets = [0, 2], sizes = [64, 1], strides = [1, 1]} : vector<64x8xi32> to vector<64x1xi32>
    %eq3A_1382 = vector.broadcast %slice3A_1381 : vector<64x1xi32> to vector<64x128xi32>
    %eq3A_1383 = arith.cmpi eq, %add3A_1351, %eq3A_1382 : vector<64x128xi32>
    %slice3A_1384 = vector.extract_strided_slice %dot_general3A_1348 {offsets = [0, 2], sizes = [64, 1], strides = [1, 1]} : vector<64x8xf32> to vector<64x1xf32>
    %jit3A_1385 = arith.constant 0.000000e+00 : f32
    %broadcast_in_dim3A_1386 = vector.shape_cast %slice3A_1384 : vector<64x1xf32> to vector<64x1xf32>
    %broadcast_in_dim3A_1387 = vector.broadcast %broadcast_in_dim3A_1386 : vector<64x1xf32> to vector<64x128xf32>
    %broadcast_in_dim3A_1388 = vector.broadcast %jit3A_1385 : f32 to vector<64x128xf32>
    %select_n3A_1389 = arith.select %eq3A_1383, %broadcast_in_dim3A_1387, %broadcast_in_dim3A_1388 : vector<64x128xi1>, vector<64x128xf32>
    %swap3A_1390 = arith.constant 0 : index
    %swap3A_1391 = arith.constant 2 : index
    %swap3A_1392 = arith.constant 0 : index
    %swap3A_1393 = vector.load %arg5[%swap3A_1390, %swap3A_1391, %swap3A_1392] : memref<64x8x128xf32, #tpu.memory_space<vmem>>, vector<64x1x128xf32>
    %swap3A_1394 = vector.shape_cast %swap3A_1393 : vector<64x1x128xf32> to vector<64x128xf32>
    %swap3A_1395 = vector.shape_cast %select_n3A_1389 : vector<64x128xf32> to vector<64x1x128xf32>
    tpu.vector_store %arg5[%swap3A_1390, %swap3A_1391, %swap3A_1392], %swap3A_1395 {strides = array<i32>} : memref<64x8x128xf32, #tpu.memory_space<vmem>>, vector<64x1x128xf32>,
    %slice3A_1396 = vector.extract_strided_slice %convert_element_type3A_1349 {offsets = [0, 3], sizes = [64, 1], strides = [1, 1]} : vector<64x8xi32> to vector<64x1xi32>
    %eq3A_1397 = vector.broadcast %slice3A_1396 : vector<64x1xi32> to vector<64x128xi32>
    %eq3A_1398 = arith.cmpi eq, %add3A_1351, %eq3A_1397 : vector<64x128xi32>
    %slice3A_1399 = vector.extract_strided_slice %dot_general3A_1348 {offsets = [0, 3], sizes = [64, 1], strides = [1, 1]} : vector<64x8xf32> to vector<64x1xf32>
    %jit3A_1400 = arith.constant 0.000000e+00 : f32
    %broadcast_in_dim3A_1401 = vector.shape_cast %slice3A_1399 : vector<64x1xf32> to vector<64x1xf32>
    %broadcast_in_dim3A_1402 = vector.broadcast %broadcast_in_dim3A_1401 : vector<64x1xf32> to vector<64x128xf32>
    %broadcast_in_dim3A_1403 = vector.broadcast %jit3A_1400 : f32 to vector<64x128xf32>
    %select_n3A_1404 = arith.select %eq3A_1398, %broadcast_in_dim3A_1402, %broadcast_in_dim3A_1403 : vector<64x128xi1>, vector<64x128xf32>
    %swap3A_1405 = arith.constant 0 : index
    %swap3A_1406 = arith.constant 3 : index
    %swap3A_1407 = arith.constant 0 : index
    %swap3A_1408 = vector.load %arg5[%swap3A_1405, %swap3A_1406, %swap3A_1407] : memref<64x8x128xf32, #tpu.memory_space<vmem>>, vector<64x1x128xf32>
    %swap3A_1409 = vector.shape_cast %swap3A_1408 : vector<64x1x128xf32> to vector<64x128xf32>
    %swap3A_1410 = vector.shape_cast %select_n3A_1404 : vector<64x128xf32> to vector<64x1x128xf32>
    tpu.vector_store %arg5[%swap3A_1405, %swap3A_1406, %swap3A_1407], %swap3A_1410 {strides = array<i32>} : memref<64x8x128xf32, #tpu.memory_space<vmem>>, vector<64x1x128xf32>,
    %slice3A_1411 = vector.extract_strided_slice %convert_element_type3A_1349 {offsets = [0, 4], sizes = [64, 1], strides = [1, 1]} : vector<64x8xi32> to vector<64x1xi32>
    %eq3A_1412 = vector.broadcast %slice3A_1411 : vector<64x1xi32> to vector<64x128xi32>
    %eq3A_1413 = arith.cmpi eq, %add3A_1351, %eq3A_1412 : vector<64x128xi32>
    %slice3A_1414 = vector.extract_strided_slice %dot_general3A_1348 {offsets = [0, 4], sizes = [64, 1], strides = [1, 1]} : vector<64x8xf32> to vector<64x1xf32>
    %jit3A_1415 = arith.constant 0.000000e+00 : f32
    %broadcast_in_dim3A_1416 = vector.shape_cast %slice3A_1414 : vector<64x1xf32> to vector<64x1xf32>
    %broadcast_in_dim3A_1417 = vector.broadcast %broadcast_in_dim3A_1416 : vector<64x1xf32> to vector<64x128xf32>
    %broadcast_in_dim3A_1418 = vector.broadcast %jit3A_1415 : f32 to vector<64x128xf32>
    %select_n3A_1419 = arith.select %eq3A_1413, %broadcast_in_dim3A_1417, %broadcast_in_dim3A_1418 : vector<64x128xi1>, vector<64x128xf32>
    %swap3A_1420 = arith.constant 0 : index
    %swap3A_1421 = arith.constant 4 : index
    %swap3A_1422 = arith.constant 0 : index
    %swap3A_1423 = vector.load %arg5[%swap3A_1420, %swap3A_1421, %swap3A_1422] : memref<64x8x128xf32, #tpu.memory_space<vmem>>, vector<64x1x128xf32>
    %swap3A_1424 = vector.shape_cast %swap3A_1423 : vector<64x1x128xf32> to vector<64x128xf32>
    %swap3A_1425 = vector.shape_cast %select_n3A_1419 : vector<64x128xf32> to vector<64x1x128xf32>
    tpu.vector_store %arg5[%swap3A_1420, %swap3A_1421, %swap3A_1422], %swap3A_1425 {strides = array<i32>} : memref<64x8x128xf32, #tpu.memory_space<vmem>>, vector<64x1x128xf32>,
    %slice3A_1426 = vector.extract_strided_slice %convert_element_type3A_1349 {offsets = [0, 5], sizes = [64, 1], strides = [1, 1]} : vector<64x8xi32> to vector<64x1xi32>
    %eq3A_1427 = vector.broadcast %slice3A_1426 : vector<64x1xi32> to vector<64x128xi32>
    %eq3A_1428 = arith.cmpi eq, %add3A_1351, %eq3A_1427 : vector<64x128xi32>
    %slice3A_1429 = vector.extract_strided_slice %dot_general3A_1348 {offsets = [0, 5], sizes = [64, 1], strides = [1, 1]} : vector<64x8xf32> to vector<64x1xf32>
    %jit3A_1430 = arith.constant 0.000000e+00 : f32
    %broadcast_in_dim3A_1431 = vector.shape_cast %slice3A_1429 : vector<64x1xf32> to vector<64x1xf32>
    %broadcast_in_dim3A_1432 = vector.broadcast %broadcast_in_dim3A_1431 : vector<64x1xf32> to vector<64x128xf32>
    %broadcast_in_dim3A_1433 = vector.broadcast %jit3A_1430 : f32 to vector<64x128xf32>
    %select_n3A_1434 = arith.select %eq3A_1428, %broadcast_in_dim3A_1432, %broadcast_in_dim3A_1433 : vector<64x128xi1>, vector<64x128xf32>
    %swap3A_1435 = arith.constant 0 : index
    %swap3A_1436 = arith.constant 5 : index
    %swap3A_1437 = arith.constant 0 : index
    %swap3A_1438 = vector.load %arg5[%swap3A_1435, %swap3A_1436, %swap3A_1437] : memref<64x8x128xf32, #tpu.memory_space<vmem>>, vector<64x1x128xf32>
    %swap3A_1439 = vector.shape_cast %swap3A_1438 : vector<64x1x128xf32> to vector<64x128xf32>
    %swap3A_1440 = vector.shape_cast %select_n3A_1434 : vector<64x128xf32> to vector<64x1x128xf32>
    tpu.vector_store %arg5[%swap3A_1435, %swap3A_1436, %swap3A_1437], %swap3A_1440 {strides = array<i32>} : memref<64x8x128xf32, #tpu.memory_space<vmem>>, vector<64x1x128xf32>,
    %slice3A_1441 = vector.extract_strided_slice %convert_element_type3A_1349 {offsets = [0, 6], sizes = [64, 1], strides = [1, 1]} : vector<64x8xi32> to vector<64x1xi32>
    %eq3A_1442 = vector.broadcast %slice3A_1441 : vector<64x1xi32> to vector<64x128xi32>
    %eq3A_1443 = arith.cmpi eq, %add3A_1351, %eq3A_1442 : vector<64x128xi32>
    %slice3A_1444 = vector.extract_strided_slice %dot_general3A_1348 {offsets = [0, 6], sizes = [64, 1], strides = [1, 1]} : vector<64x8xf32> to vector<64x1xf32>
    %jit3A_1445 = arith.constant 0.000000e+00 : f32
    %broadcast_in_dim3A_1446 = vector.shape_cast %slice3A_1444 : vector<64x1xf32> to vector<64x1xf32>
    %broadcast_in_dim3A_1447 = vector.broadcast %broadcast_in_dim3A_1446 : vector<64x1xf32> to vector<64x128xf32>
    %broadcast_in_dim3A_1448 = vector.broadcast %jit3A_1445 : f32 to vector<64x128xf32>
    %select_n3A_1449 = arith.select %eq3A_1443, %broadcast_in_dim3A_1447, %broadcast_in_dim3A_1448 : vector<64x128xi1>, vector<64x128xf32>
    %swap3A_1450 = arith.constant 0 : index
    %swap3A_1451 = arith.constant 6 : index
    %swap3A_1452 = arith.constant 0 : index
    %swap3A_1453 = vector.load %arg5[%swap3A_1450, %swap3A_1451, %swap3A_1452] : memref<64x8x128xf32, #tpu.memory_space<vmem>>, vector<64x1x128xf32>
    %swap3A_1454 = vector.shape_cast %swap3A_1453 : vector<64x1x128xf32> to vector<64x128xf32>
    %swap3A_1455 = vector.shape_cast %select_n3A_1449 : vector<64x128xf32> to vector<64x1x128xf32>
    tpu.vector_store %arg5[%swap3A_1450, %swap3A_1451, %swap3A_1452], %swap3A_1455 {strides = array<i32>} : memref<64x8x128xf32, #tpu.memory_space<vmem>>, vector<64x1x128xf32>,
    %slice3A_1456 = vector.extract_strided_slice %convert_element_type3A_1349 {offsets = [0, 7], sizes = [64, 1], strides = [1, 1]} : vector<64x8xi32> to vector<64x1xi32>
    %eq3A_1457 = vector.broadcast %slice3A_1456 : vector<64x1xi32> to vector<64x128xi32>
    %eq3A_1458 = arith.cmpi eq, %add3A_1351, %eq3A_1457 : vector<64x128xi32>
    %slice3A_1459 = vector.extract_strided_slice %dot_general3A_1348 {offsets = [0, 7], sizes = [64, 1], strides = [1, 1]} : vector<64x8xf32> to vector<64x1xf32>
    %jit3A_1460 = arith.constant 0.000000e+00 : f32
    %broadcast_in_dim3A_1461 = vector.shape_cast %slice3A_1459 : vector<64x1xf32> to vector<64x1xf32>
    %broadcast_in_dim3A_1462 = vector.broadcast %broadcast_in_dim3A_1461 : vector<64x1xf32> to vector<64x128xf32>
    %broadcast_in_dim3A_1463 = vector.broadcast %jit3A_1460 : f32 to vector<64x128xf32>
    %select_n3A_1464 = arith.select %eq3A_1458, %broadcast_in_dim3A_1462, %broadcast_in_dim3A_1463 : vector<64x128xi1>, vector<64x128xf32>
    %swap3A_1465 = arith.constant 0 : index
    %swap3A_1466 = arith.constant 7 : index
    %swap3A_1467 = arith.constant 0 : index
    %swap3A_1468 = vector.load %arg5[%swap3A_1465, %swap3A_1466, %swap3A_1467] : memref<64x8x128xf32, #tpu.memory_space<vmem>>, vector<64x1x128xf32>
    %swap3A_1469 = vector.shape_cast %swap3A_1468 : vector<64x1x128xf32> to vector<64x128xf32>
    %swap3A_1470 = vector.shape_cast %select_n3A_1464 : vector<64x128xf32> to vector<64x1x128xf32>
    tpu.vector_store %arg5[%swap3A_1465, %swap3A_1466, %swap3A_1467], %swap3A_1470 {strides = array<i32>} : memref<64x8x128xf32, #tpu.memory_space<vmem>>, vector<64x1x128xf32>,
    %iota3A_1471 = tpu.iota {dimensions = array<i32: 1>} : vector<64x1792xi32>
    %add3A_1472 = arith.constant 98304 : i32
    %add3A_1473 = vector.broadcast %add3A_1472 : i32 to vector<64x1792xi32>
    %add3A_1474 = arith.addi %add3A_1473, %iota3A_1471 : vector<64x1792xi32>
    %eq3A_1475 = vector.broadcast %min3A_1249 : vector<64x1xi32> to vector<64x1792xi32>
    %eq3A_1476 = arith.cmpi eq, %add3A_1474, %eq3A_1475 : vector<64x1792xi32>
    %jit3A_1477 = arith.constant 0.000000e+00 : f32
    %broadcast_in_dim3A_1478 = vector.shape_cast %get3A_1178 : vector<64x1xf32> to vector<64x1xf32>
    %broadcast_in_dim3A_1479 = vector.broadcast %broadcast_in_dim3A_1478 : vector<64x1xf32> to vector<64x1792xf32>
    %broadcast_in_dim3A_1480 = vector.broadcast %jit3A_1477 : f32 to vector<64x1792xf32>
    %select_n3A_1481 = arith.select %eq3A_1476, %broadcast_in_dim3A_1479, %broadcast_in_dim3A_1480 : vector<64x1792xi1>, vector<64x1792xf32>
    %swap3A_1482 = arith.constant 0 : index
    %swap3A_1483 = arith.constant 0 : index
    %swap3A_1484 = vector.load %arg6[%swap3A_1482, %swap3A_1483] : memref<64x1792xf32, #tpu.memory_space<vmem>>, vector<64x1792xf32>
    tpu.vector_store %arg6[%swap3A_1482, %swap3A_1483], %select_n3A_1481 {strides = array<i32>} : memref<64x1792xf32, #tpu.memory_space<vmem>>, vector<64x1792xf32>,
    %get3A_1485 = arith.constant 0 : index
    %get3A_1486 = memref.load %arg0[%get3A_1485] : memref<64xi32, #tpu.memory_space<smem>>
    %mul3A_1487 = arith.constant 0 : i32
    %mul3A_1488 = arith.muli %get3A_1486, %mul3A_1487 : i32
    %add3A_1489 = arith.constant 98304 : i32
    %add3A_1490 = arith.addi %mul3A_1488, %add3A_1489 : i32
    %min3A_1491 = arith.constant 98304 : i32
    %min3A_1492 = arith.minsi %add3A_1490, %min3A_1491 : i32
    %get3A_1493 = arith.constant 0 : index
    %get3A_1494 = memref.load %arg0[%get3A_1493] : memref<64xi32, #tpu.memory_space<smem>>
    %mul3A_1495 = arith.constant 128 : i32
    %mul3A_1496 = arith.muli %get3A_1494, %mul3A_1495 : i32
    %dma_start3A_1497 = arith.constant 0 : i32
    %dma_start3A_1498 = arith.constant 0 : i32
    %dma_start3A_1499 = tpu.memref_slice %arg4[%dma_start3A_1498, %mul3A_1496] : memref<64x100000xf32, #tpu.memory_space<hbm>> -> memref<8x128xf32, #tpu.memory_space<hbm>>
    %dma_start3A_1500 = arith.constant 0 : i32
    %dma_start3A_1501 = arith.constant 0 : i32
    %dma_start3A_1502 = tpu.memref_slice %arg5[%dma_start3A_1497, %dma_start3A_1500, %dma_start3A_1501] : memref<64x8x128xf32, #tpu.memory_space<vmem>> -> memref<1x8x128xf32, #tpu.memory_space<vmem>>
    %dma_start3A_1503 = tpu.memref_squeeze %dma_start3A_1502 : memref<1x8x128xf32, #tpu.memory_space<vmem>> -> memref<8x128xf32, #tpu.memory_space<vmem>>
    tpu.enqueue_dma source(%dma_start3A_1503 : memref<8x128xf32, #tpu.memory_space<vmem>>) target(%dma_start3A_1499 : memref<8x128xf32, #tpu.memory_space<hbm>>) target_semaphore(%arg8 : memref<!tpu.dma_semaphore, #tpu.memory_space<semaphore_mem>>)
    %get3A_1504 = arith.constant 1 : index
    %get3A_1505 = memref.load %arg0[%get3A_1504] : memref<64xi32, #tpu.memory_space<smem>>
    %mul3A_1506 = arith.constant 128 : i32
    %mul3A_1507 = arith.muli %get3A_1505, %mul3A_1506 : i32
    %dma_start3A_1508 = arith.constant 1 : i32
    %dma_start3A_1509 = arith.constant 0 : i32
    %dma_start3A_1510 = tpu.memref_slice %arg4[%dma_start3A_1509, %mul3A_1507] : memref<64x100000xf32, #tpu.memory_space<hbm>> -> memref<8x128xf32, #tpu.memory_space<hbm>>
    %dma_start3A_1511 = arith.constant 0 : i32
    %dma_start3A_1512 = arith.constant 0 : i32
    %dma_start3A_1513 = tpu.memref_slice %arg5[%dma_start3A_1508, %dma_start3A_1511, %dma_start3A_1512] : memref<64x8x128xf32, #tpu.memory_space<vmem>> -> memref<1x8x128xf32, #tpu.memory_space<vmem>>
    %dma_start3A_1514 = tpu.memref_squeeze %dma_start3A_1513 : memref<1x8x128xf32, #tpu.memory_space<vmem>> -> memref<8x128xf32, #tpu.memory_space<vmem>>
    tpu.enqueue_dma source(%dma_start3A_1514 : memref<8x128xf32, #tpu.memory_space<vmem>>) target(%dma_start3A_1510 : memref<8x128xf32, #tpu.memory_space<hbm>>) target_semaphore(%arg8 : memref<!tpu.dma_semaphore, #tpu.memory_space<semaphore_mem>>)
    %get3A_1515 = arith.constant 2 : index
    %get3A_1516 = memref.load %arg0[%get3A_1515] : memref<64xi32, #tpu.memory_space<smem>>
    %mul3A_1517 = arith.constant 128 : i32
    %mul3A_1518 = arith.muli %get3A_1516, %mul3A_1517 : i32
    %dma_start3A_1519 = arith.constant 2 : i32
    %dma_start3A_1520 = arith.constant 0 : i32
    %dma_start3A_1521 = tpu.memref_slice %arg4[%dma_start3A_1520, %mul3A_1518] : memref<64x100000xf32, #tpu.memory_space<hbm>> -> memref<8x128xf32, #tpu.memory_space<hbm>>
    %dma_start3A_1522 = arith.constant 0 : i32
    %dma_start3A_1523 = arith.constant 0 : i32
    %dma_start3A_1524 = tpu.memref_slice %arg5[%dma_start3A_1519, %dma_start3A_1522, %dma_start3A_1523] : memref<64x8x128xf32, #tpu.memory_space<vmem>> -> memref<1x8x128xf32, #tpu.memory_space<vmem>>
    %dma_start3A_1525 = tpu.memref_squeeze %dma_start3A_1524 : memref<1x8x128xf32, #tpu.memory_space<vmem>> -> memref<8x128xf32, #tpu.memory_space<vmem>>
    tpu.enqueue_dma source(%dma_start3A_1525 : memref<8x128xf32, #tpu.memory_space<vmem>>) target(%dma_start3A_1521 : memref<8x128xf32, #tpu.memory_space<hbm>>) target_semaphore(%arg8 : memref<!tpu.dma_semaphore, #tpu.memory_space<semaphore_mem>>)
    %get3A_1526 = arith.constant 3 : index
    %get3A_1527 = memref.load %arg0[%get3A_1526] : memref<64xi32, #tpu.memory_space<smem>>
    %mul3A_1528 = arith.constant 128 : i32
    %mul3A_1529 = arith.muli %get3A_1527, %mul3A_1528 : i32
    %dma_start3A_1530 = arith.constant 3 : i32
    %dma_start3A_1531 = arith.constant 0 : i32
    %dma_start3A_1532 = tpu.memref_slice %arg4[%dma_start3A_1531, %mul3A_1529] : memref<64x100000xf32, #tpu.memory_space<hbm>> -> memref<8x128xf32, #tpu.memory_space<hbm>>
    %dma_start3A_1533 = arith.constant 0 : i32
    %dma_start3A_1534 = arith.constant 0 : i32
    %dma_start3A_1535 = tpu.memref_slice %arg5[%dma_start3A_1530, %dma_start3A_1533, %dma_start3A_1534] : memref<64x8x128xf32, #tpu.memory_space<vmem>> -> memref<1x8x128xf32, #tpu.memory_space<vmem>>
    %dma_start3A_1536 = tpu.memref_squeeze %dma_start3A_1535 : memref<1x8x128xf32, #tpu.memory_space<vmem>> -> memref<8x128xf32, #tpu.memory_space<vmem>>
    tpu.enqueue_dma source(%dma_start3A_1536 : memref<8x128xf32, #tpu.memory_space<vmem>>) target(%dma_start3A_1532 : memref<8x128xf32, #tpu.memory_space<hbm>>) target_semaphore(%arg8 : memref<!tpu.dma_semaphore, #tpu.memory_space<semaphore_mem>>)
    %get3A_1537 = arith.constant 4 : index
    %get3A_1538 = memref.load %arg0[%get3A_1537] : memref<64xi32, #tpu.memory_space<smem>>
    %mul3A_1539 = arith.constant 128 : i32
    %mul3A_1540 = arith.muli %get3A_1538, %mul3A_1539 : i32
    %dma_start3A_1541 = arith.constant 4 : i32
    %dma_start3A_1542 = arith.constant 0 : i32
    %dma_start3A_1543 = tpu.memref_slice %arg4[%dma_start3A_1542, %mul3A_1540] : memref<64x100000xf32, #tpu.memory_space<hbm>> -> memref<8x128xf32, #tpu.memory_space<hbm>>
    %dma_start3A_1544 = arith.constant 0 : i32
    %dma_start3A_1545 = arith.constant 0 : i32
    %dma_start3A_1546 = tpu.memref_slice %arg5[%dma_start3A_1541, %dma_start3A_1544, %dma_start3A_1545] : memref<64x8x128xf32, #tpu.memory_space<vmem>> -> memref<1x8x128xf32, #tpu.memory_space<vmem>>
    %dma_start3A_1547 = tpu.memref_squeeze %dma_start3A_1546 : memref<1x8x128xf32, #tpu.memory_space<vmem>> -> memref<8x128xf32, #tpu.memory_space<vmem>>
    tpu.enqueue_dma source(%dma_start3A_1547 : memref<8x128xf32, #tpu.memory_space<vmem>>) target(%dma_start3A_1543 : memref<8x128xf32, #tpu.memory_space<hbm>>) target_semaphore(%arg8 : memref<!tpu.dma_semaphore, #tpu.memory_space<semaphore_mem>>)
    %get3A_1548 = arith.constant 5 : index
    %get3A_1549 = memref.load %arg0[%get3A_1548] : memref<64xi32, #tpu.memory_space<smem>>
    %mul3A_1550 = arith.constant 128 : i32
    %mul3A_1551 = arith.muli %get3A_1549, %mul3A_1550 : i32
    %dma_start3A_1552 = arith.constant 5 : i32
    %dma_start3A_1553 = arith.constant 0 : i32
    %dma_start3A_1554 = tpu.memref_slice %arg4[%dma_start3A_1553, %mul3A_1551] : memref<64x100000xf32, #tpu.memory_space<hbm>> -> memref<8x128xf32, #tpu.memory_space<hbm>>
    %dma_start3A_1555 = arith.constant 0 : i32
    %dma_start3A_1556 = arith.constant 0 : i32
    %dma_start3A_1557 = tpu.memref_slice %arg5[%dma_start3A_1552, %dma_start3A_1555, %dma_start3A_1556] : memref<64x8x128xf32, #tpu.memory_space<vmem>> -> memref<1x8x128xf32, #tpu.memory_space<vmem>>
    %dma_start3A_1558 = tpu.memref_squeeze %dma_start3A_1557 : memref<1x8x128xf32, #tpu.memory_space<vmem>> -> memref<8x128xf32, #tpu.memory_space<vmem>>
    tpu.enqueue_dma source(%dma_start3A_1558 : memref<8x128xf32, #tpu.memory_space<vmem>>) target(%dma_start3A_1554 : memref<8x128xf32, #tpu.memory_space<hbm>>) target_semaphore(%arg8 : memref<!tpu.dma_semaphore, #tpu.memory_space<semaphore_mem>>)
    %get3A_1559 = arith.constant 6 : index
    %get3A_1560 = memref.load %arg0[%get3A_1559] : memref<64xi32, #tpu.memory_space<smem>>
    %mul3A_1561 = arith.constant 128 : i32
    %mul3A_1562 = arith.muli %get3A_1560, %mul3A_1561 : i32
    %dma_start3A_1563 = arith.constant 6 : i32
    %dma_start3A_1564 = arith.constant 0 : i32
    %dma_start3A_1565 = tpu.memref_slice %arg4[%dma_start3A_1564, %mul3A_1562] : memref<64x100000xf32, #tpu.memory_space<hbm>> -> memref<8x128xf32, #tpu.memory_space<hbm>>
    %dma_start3A_1566 = arith.constant 0 : i32
    %dma_start3A_1567 = arith.constant 0 : i32
    %dma_start3A_1568 = tpu.memref_slice %arg5[%dma_start3A_1563, %dma_start3A_1566, %dma_start3A_1567] : memref<64x8x128xf32, #tpu.memory_space<vmem>> -> memref<1x8x128xf32, #tpu.memory_space<vmem>>
    %dma_start3A_1569 = tpu.memref_squeeze %dma_start3A_1568 : memref<1x8x128xf32, #tpu.memory_space<vmem>> -> memref<8x128xf32, #tpu.memory_space<vmem>>
    tpu.enqueue_dma source(%dma_start3A_1569 : memref<8x128xf32, #tpu.memory_space<vmem>>) target(%dma_start3A_1565 : memref<8x128xf32, #tpu.memory_space<hbm>>) target_semaphore(%arg8 : memref<!tpu.dma_semaphore, #tpu.memory_space<semaphore_mem>>)
    %get3A_1570 = arith.constant 7 : index
    %get3A_1571 = memref.load %arg0[%get3A_1570] : memref<64xi32, #tpu.memory_space<smem>>
    %mul3A_1572 = arith.constant 128 : i32
    %mul3A_1573 = arith.muli %get3A_1571, %mul3A_1572 : i32
    %dma_start3A_1574 = arith.constant 7 : i32
    %dma_start3A_1575 = arith.constant 0 : i32
    %dma_start3A_1576 = tpu.memref_slice %arg4[%dma_start3A_1575, %mul3A_1573] : memref<64x100000xf32, #tpu.memory_space<hbm>> -> memref<8x128xf32, #tpu.memory_space<hbm>>
    %dma_start3A_1577 = arith.constant 0 : i32
    %dma_start3A_1578 = arith.constant 0 : i32
    %dma_start3A_1579 = tpu.memref_slice %arg5[%dma_start3A_1574, %dma_start3A_1577, %dma_start3A_1578] : memref<64x8x128xf32, #tpu.memory_space<vmem>> -> memref<1x8x128xf32, #tpu.memory_space<vmem>>
    %dma_start3A_1580 = tpu.memref_squeeze %dma_start3A_1579 : memref<1x8x128xf32, #tpu.memory_space<vmem>> -> memref<8x128xf32, #tpu.memory_space<vmem>>
    tpu.enqueue_dma source(%dma_start3A_1580 : memref<8x128xf32, #tpu.memory_space<vmem>>) target(%dma_start3A_1576 : memref<8x128xf32, #tpu.memory_space<hbm>>) target_semaphore(%arg8 : memref<!tpu.dma_semaphore, #tpu.memory_space<semaphore_mem>>)
    %get3A_1581 = arith.constant 8 : index
    %get3A_1582 = memref.load %arg0[%get3A_1581] : memref<64xi32, #tpu.memory_space<smem>>
    %mul3A_1583 = arith.constant 128 : i32
    %mul3A_1584 = arith.muli %get3A_1582, %mul3A_1583 : i32
    %dma_start3A_1585 = arith.constant 8 : i32
    %dma_start3A_1586 = arith.constant 8 : i32
    %dma_start3A_1587 = tpu.memref_slice %arg4[%dma_start3A_1586, %mul3A_1584] : memref<64x100000xf32, #tpu.memory_space<hbm>> -> memref<8x128xf32, #tpu.memory_space<hbm>>
    %dma_start3A_1588 = arith.constant 0 : i32
    %dma_start3A_1589 = arith.constant 0 : i32
    %dma_start3A_1590 = tpu.memref_slice %arg5[%dma_start3A_1585, %dma_start3A_1588, %dma_start3A_1589] : memref<64x8x128xf32, #tpu.memory_space<vmem>> -> memref<1x8x128xf32, #tpu.memory_space<vmem>>
    %dma_start3A_1591 = tpu.memref_squeeze %dma_start3A_1590 : memref<1x8x128xf32, #tpu.memory_space<vmem>> -> memref<8x128xf32, #tpu.memory_space<vmem>>
    tpu.enqueue_dma source(%dma_start3A_1591 : memref<8x128xf32, #tpu.memory_space<vmem>>) target(%dma_start3A_1587 : memref<8x128xf32, #tpu.memory_space<hbm>>) target_semaphore(%arg8 : memref<!tpu.dma_semaphore, #tpu.memory_space<semaphore_mem>>)
    %get3A_1592 = arith.constant 9 : index
    %get3A_1593 = memref.load %arg0[%get3A_1592] : memref<64xi32, #tpu.memory_space<smem>>
    %mul3A_1594 = arith.constant 128 : i32
    %mul3A_1595 = arith.muli %get3A_1593, %mul3A_1594 : i32
    %dma_start3A_1596 = arith.constant 9 : i32
    %dma_start3A_1597 = arith.constant 8 : i32
    %dma_start3A_1598 = tpu.memref_slice %arg4[%dma_start3A_1597, %mul3A_1595] : memref<64x100000xf32, #tpu.memory_space<hbm>> -> memref<8x128xf32, #tpu.memory_space<hbm>>
    %dma_start3A_1599 = arith.constant 0 : i32
    %dma_start3A_1600 = arith.constant 0 : i32
    %dma_start3A_1601 = tpu.memref_slice %arg5[%dma_start3A_1596, %dma_start3A_1599, %dma_start3A_1600] : memref<64x8x128xf32, #tpu.memory_space<vmem>> -> memref<1x8x128xf32, #tpu.memory_space<vmem>>
    %dma_start3A_1602 = tpu.memref_squeeze %dma_start3A_1601 : memref<1x8x128xf32, #tpu.memory_space<vmem>> -> memref<8x128xf32, #tpu.memory_space<vmem>>
    tpu.enqueue_dma source(%dma_start3A_1602 : memref<8x128xf32, #tpu.memory_space<vmem>>) target(%dma_start3A_1598 : memref<8x128xf32, #tpu.memory_space<hbm>>) target_semaphore(%arg8 : memref<!tpu.dma_semaphore, #tpu.memory_space<semaphore_mem>>)
    %get3A_1603 = arith.constant 10 : index
    %get3A_1604 = memref.load %arg0[%get3A_1603] : memref<64xi32, #tpu.memory_space<smem>>
    %mul3A_1605 = arith.constant 128 : i32
    %mul3A_1606 = arith.muli %get3A_1604, %mul3A_1605 : i32
    %dma_start3A_1607 = arith.constant 10 : i32
    %dma_start3A_1608 = arith.constant 8 : i32
    %dma_start3A_1609 = tpu.memref_slice %arg4[%dma_start3A_1608, %mul3A_1606] : memref<64x100000xf32, #tpu.memory_space<hbm>> -> memref<8x128xf32, #tpu.memory_space<hbm>>
    %dma_start3A_1610 = arith.constant 0 : i32
    %dma_start3A_1611 = arith.constant 0 : i32
    %dma_start3A_1612 = tpu.memref_slice %arg5[%dma_start3A_1607, %dma_start3A_1610, %dma_start3A_1611] : memref<64x8x128xf32, #tpu.memory_space<vmem>> -> memref<1x8x128xf32, #tpu.memory_space<vmem>>
    %dma_start3A_1613 = tpu.memref_squeeze %dma_start3A_1612 : memref<1x8x128xf32, #tpu.memory_space<vmem>> -> memref<8x128xf32, #tpu.memory_space<vmem>>
    tpu.enqueue_dma source(%dma_start3A_1613 : memref<8x128xf32, #tpu.memory_space<vmem>>) target(%dma_start3A_1609 : memref<8x128xf32, #tpu.memory_space<hbm>>) target_semaphore(%arg8 : memref<!tpu.dma_semaphore, #tpu.memory_space<semaphore_mem>>)
    %get3A_1614 = arith.constant 11 : index
    %get3A_1615 = memref.load %arg0[%get3A_1614] : memref<64xi32, #tpu.memory_space<smem>>
    %mul3A_1616 = arith.constant 128 : i32
    %mul3A_1617 = arith.muli %get3A_1615, %mul3A_1616 : i32
    %dma_start3A_1618 = arith.constant 11 : i32
    %dma_start3A_1619 = arith.constant 8 : i32
    %dma_start3A_1620 = tpu.memref_slice %arg4[%dma_start3A_1619, %mul3A_1617] : memref<64x100000xf32, #tpu.memory_space<hbm>> -> memref<8x128xf32, #tpu.memory_space<hbm>>
    %dma_start3A_1621 = arith.constant 0 : i32
    %dma_start3A_1622 = arith.constant 0 : i32
    %dma_start3A_1623 = tpu.memref_slice %arg5[%dma_start3A_1618, %dma_start3A_1621, %dma_start3A_1622] : memref<64x8x128xf32, #tpu.memory_space<vmem>> -> memref<1x8x128xf32, #tpu.memory_space<vmem>>
    %dma_start3A_1624 = tpu.memref_squeeze %dma_start3A_1623 : memref<1x8x128xf32, #tpu.memory_space<vmem>> -> memref<8x128xf32, #tpu.memory_space<vmem>>
    tpu.enqueue_dma source(%dma_start3A_1624 : memref<8x128xf32, #tpu.memory_space<vmem>>) target(%dma_start3A_1620 : memref<8x128xf32, #tpu.memory_space<hbm>>) target_semaphore(%arg8 : memref<!tpu.dma_semaphore, #tpu.memory_space<semaphore_mem>>)
    %get3A_1625 = arith.constant 12 : index
    %get3A_1626 = memref.load %arg0[%get3A_1625] : memref<64xi32, #tpu.memory_space<smem>>
    %mul3A_1627 = arith.constant 128 : i32
    %mul3A_1628 = arith.muli %get3A_1626, %mul3A_1627 : i32
    %dma_start3A_1629 = arith.constant 12 : i32
    %dma_start3A_1630 = arith.constant 8 : i32
    %dma_start3A_1631 = tpu.memref_slice %arg4[%dma_start3A_1630, %mul3A_1628] : memref<64x100000xf32, #tpu.memory_space<hbm>> -> memref<8x128xf32, #tpu.memory_space<hbm>>
    %dma_start3A_1632 = arith.constant 0 : i32
    %dma_start3A_1633 = arith.constant 0 : i32
    %dma_start3A_1634 = tpu.memref_slice %arg5[%dma_start3A_1629, %dma_start3A_1632, %dma_start3A_1633] : memref<64x8x128xf32, #tpu.memory_space<vmem>> -> memref<1x8x128xf32, #tpu.memory_space<vmem>>
    %dma_start3A_1635 = tpu.memref_squeeze %dma_start3A_1634 : memref<1x8x128xf32, #tpu.memory_space<vmem>> -> memref<8x128xf32, #tpu.memory_space<vmem>>
    tpu.enqueue_dma source(%dma_start3A_1635 : memref<8x128xf32, #tpu.memory_space<vmem>>) target(%dma_start3A_1631 : memref<8x128xf32, #tpu.memory_space<hbm>>) target_semaphore(%arg8 : memref<!tpu.dma_semaphore, #tpu.memory_space<semaphore_mem>>)
    %get3A_1636 = arith.constant 13 : index
    %get3A_1637 = memref.load %arg0[%get3A_1636] : memref<64xi32, #tpu.memory_space<smem>>
    %mul3A_1638 = arith.constant 128 : i32
    %mul3A_1639 = arith.muli %get3A_1637, %mul3A_1638 : i32
    %dma_start3A_1640 = arith.constant 13 : i32
    %dma_start3A_1641 = arith.constant 8 : i32
    %dma_start3A_1642 = tpu.memref_slice %arg4[%dma_start3A_1641, %mul3A_1639] : memref<64x100000xf32, #tpu.memory_space<hbm>> -> memref<8x128xf32, #tpu.memory_space<hbm>>
    %dma_start3A_1643 = arith.constant 0 : i32
    %dma_start3A_1644 = arith.constant 0 : i32
    %dma_start3A_1645 = tpu.memref_slice %arg5[%dma_start3A_1640, %dma_start3A_1643, %dma_start3A_1644] : memref<64x8x128xf32, #tpu.memory_space<vmem>> -> memref<1x8x128xf32, #tpu.memory_space<vmem>>
    %dma_start3A_1646 = tpu.memref_squeeze %dma_start3A_1645 : memref<1x8x128xf32, #tpu.memory_space<vmem>> -> memref<8x128xf32, #tpu.memory_space<vmem>>
    tpu.enqueue_dma source(%dma_start3A_1646 : memref<8x128xf32, #tpu.memory_space<vmem>>) target(%dma_start3A_1642 : memref<8x128xf32, #tpu.memory_space<hbm>>) target_semaphore(%arg8 : memref<!tpu.dma_semaphore, #tpu.memory_space<semaphore_mem>>)
    %get3A_1647 = arith.constant 14 : index
    %get3A_1648 = memref.load %arg0[%get3A_1647] : memref<64xi32, #tpu.memory_space<smem>>
    %mul3A_1649 = arith.constant 128 : i32
    %mul3A_1650 = arith.muli %get3A_1648, %mul3A_1649 : i32
    %dma_start3A_1651 = arith.constant 14 : i32
    %dma_start3A_1652 = arith.constant 8 : i32
    %dma_start3A_1653 = tpu.memref_slice %arg4[%dma_start3A_1652, %mul3A_1650] : memref<64x100000xf32, #tpu.memory_space<hbm>> -> memref<8x128xf32, #tpu.memory_space<hbm>>
    %dma_start3A_1654 = arith.constant 0 : i32
    %dma_start3A_1655 = arith.constant 0 : i32
    %dma_start3A_1656 = tpu.memref_slice %arg5[%dma_start3A_1651, %dma_start3A_1654, %dma_start3A_1655] : memref<64x8x128xf32, #tpu.memory_space<vmem>> -> memref<1x8x128xf32, #tpu.memory_space<vmem>>
    %dma_start3A_1657 = tpu.memref_squeeze %dma_start3A_1656 : memref<1x8x128xf32, #tpu.memory_space<vmem>> -> memref<8x128xf32, #tpu.memory_space<vmem>>
    tpu.enqueue_dma source(%dma_start3A_1657 : memref<8x128xf32, #tpu.memory_space<vmem>>) target(%dma_start3A_1653 : memref<8x128xf32, #tpu.memory_space<hbm>>) target_semaphore(%arg8 : memref<!tpu.dma_semaphore, #tpu.memory_space<semaphore_mem>>)
    %get3A_1658 = arith.constant 15 : index
    %get3A_1659 = memref.load %arg0[%get3A_1658] : memref<64xi32, #tpu.memory_space<smem>>
    %mul3A_1660 = arith.constant 128 : i32
    %mul3A_1661 = arith.muli %get3A_1659, %mul3A_1660 : i32
    %dma_start3A_1662 = arith.constant 15 : i32
    %dma_start3A_1663 = arith.constant 8 : i32
    %dma_start3A_1664 = tpu.memref_slice %arg4[%dma_start3A_1663, %mul3A_1661] : memref<64x100000xf32, #tpu.memory_space<hbm>> -> memref<8x128xf32, #tpu.memory_space<hbm>>
    %dma_start3A_1665 = arith.constant 0 : i32
    %dma_start3A_1666 = arith.constant 0 : i32
    %dma_start3A_1667 = tpu.memref_slice %arg5[%dma_start3A_1662, %dma_start3A_1665, %dma_start3A_1666] : memref<64x8x128xf32, #tpu.memory_space<vmem>> -> memref<1x8x128xf32, #tpu.memory_space<vmem>>
    %dma_start3A_1668 = tpu.memref_squeeze %dma_start3A_1667 : memref<1x8x128xf32, #tpu.memory_space<vmem>> -> memref<8x128xf32, #tpu.memory_space<vmem>>
    tpu.enqueue_dma source(%dma_start3A_1668 : memref<8x128xf32, #tpu.memory_space<vmem>>) target(%dma_start3A_1664 : memref<8x128xf32, #tpu.memory_space<hbm>>) target_semaphore(%arg8 : memref<!tpu.dma_semaphore, #tpu.memory_space<semaphore_mem>>)
    %get3A_1669 = arith.constant 16 : index
    %get3A_1670 = memref.load %arg0[%get3A_1669] : memref<64xi32, #tpu.memory_space<smem>>
    %mul3A_1671 = arith.constant 128 : i32
    %mul3A_1672 = arith.muli %get3A_1670, %mul3A_1671 : i32
    %dma_start3A_1673 = arith.constant 16 : i32
    %dma_start3A_1674 = arith.constant 16 : i32
    %dma_start3A_1675 = tpu.memref_slice %arg4[%dma_start3A_1674, %mul3A_1672] : memref<64x100000xf32, #tpu.memory_space<hbm>> -> memref<8x128xf32, #tpu.memory_space<hbm>>
    %dma_start3A_1676 = arith.constant 0 : i32
    %dma_start3A_1677 = arith.constant 0 : i32
    %dma_start3A_1678 = tpu.memref_slice %arg5[%dma_start3A_1673, %dma_start3A_1676, %dma_start3A_1677] : memref<64x8x128xf32, #tpu.memory_space<vmem>> -> memref<1x8x128xf32, #tpu.memory_space<vmem>>
    %dma_start3A_1679 = tpu.memref_squeeze %dma_start3A_1678 : memref<1x8x128xf32, #tpu.memory_space<vmem>> -> memref<8x128xf32, #tpu.memory_space<vmem>>
    tpu.enqueue_dma source(%dma_start3A_1679 : memref<8x128xf32, #tpu.memory_space<vmem>>) target(%dma_start3A_1675 : memref<8x128xf32, #tpu.memory_space<hbm>>) target_semaphore(%arg8 : memref<!tpu.dma_semaphore, #tpu.memory_space<semaphore_mem>>)
    %get3A_1680 = arith.constant 17 : index
    %get3A_1681 = memref.load %arg0[%get3A_1680] : memref<64xi32, #tpu.memory_space<smem>>
    %mul3A_1682 = arith.constant 128 : i32
    %mul3A_1683 = arith.muli %get3A_1681, %mul3A_1682 : i32
    %dma_start3A_1684 = arith.constant 17 : i32
    %dma_start3A_1685 = arith.constant 16 : i32
    %dma_start3A_1686 = tpu.memref_slice %arg4[%dma_start3A_1685, %mul3A_1683] : memref<64x100000xf32, #tpu.memory_space<hbm>> -> memref<8x128xf32, #tpu.memory_space<hbm>>
    %dma_start3A_1687 = arith.constant 0 : i32
    %dma_start3A_1688 = arith.constant 0 : i32
    %dma_start3A_1689 = tpu.memref_slice %arg5[%dma_start3A_1684, %dma_start3A_1687, %dma_start3A_1688] : memref<64x8x128xf32, #tpu.memory_space<vmem>> -> memref<1x8x128xf32, #tpu.memory_space<vmem>>
    %dma_start3A_1690 = tpu.memref_squeeze %dma_start3A_1689 : memref<1x8x128xf32, #tpu.memory_space<vmem>> -> memref<8x128xf32, #tpu.memory_space<vmem>>
    tpu.enqueue_dma source(%dma_start3A_1690 : memref<8x128xf32, #tpu.memory_space<vmem>>) target(%dma_start3A_1686 : memref<8x128xf32, #tpu.memory_space<hbm>>) target_semaphore(%arg8 : memref<!tpu.dma_semaphore, #tpu.memory_space<semaphore_mem>>)
    %get3A_1691 = arith.constant 18 : index
    %get3A_1692 = memref.load %arg0[%get3A_1691] : memref<64xi32, #tpu.memory_space<smem>>
    %mul3A_1693 = arith.constant 128 : i32
    %mul3A_1694 = arith.muli %get3A_1692, %mul3A_1693 : i32
    %dma_start3A_1695 = arith.constant 18 : i32
    %dma_start3A_1696 = arith.constant 16 : i32
    %dma_start3A_1697 = tpu.memref_slice %arg4[%dma_start3A_1696, %mul3A_1694] : memref<64x100000xf32, #tpu.memory_space<hbm>> -> memref<8x128xf32, #tpu.memory_space<hbm>>
    %dma_start3A_1698 = arith.constant 0 : i32
    %dma_start3A_1699 = arith.constant 0 : i32
    %dma_start3A_1700 = tpu.memref_slice %arg5[%dma_start3A_1695, %dma_start3A_1698, %dma_start3A_1699] : memref<64x8x128xf32, #tpu.memory_space<vmem>> -> memref<1x8x128xf32, #tpu.memory_space<vmem>>
    %dma_start3A_1701 = tpu.memref_squeeze %dma_start3A_1700 : memref<1x8x128xf32, #tpu.memory_space<vmem>> -> memref<8x128xf32, #tpu.memory_space<vmem>>
    tpu.enqueue_dma source(%dma_start3A_1701 : memref<8x128xf32, #tpu.memory_space<vmem>>) target(%dma_start3A_1697 : memref<8x128xf32, #tpu.memory_space<hbm>>) target_semaphore(%arg8 : memref<!tpu.dma_semaphore, #tpu.memory_space<semaphore_mem>>)
    %get3A_1702 = arith.constant 19 : index
    %get3A_1703 = memref.load %arg0[%get3A_1702] : memref<64xi32, #tpu.memory_space<smem>>
    %mul3A_1704 = arith.constant 128 : i32
    %mul3A_1705 = arith.muli %get3A_1703, %mul3A_1704 : i32
    %dma_start3A_1706 = arith.constant 19 : i32
    %dma_start3A_1707 = arith.constant 16 : i32
    %dma_start3A_1708 = tpu.memref_slice %arg4[%dma_start3A_1707, %mul3A_1705] : memref<64x100000xf32, #tpu.memory_space<hbm>> -> memref<8x128xf32, #tpu.memory_space<hbm>>
    %dma_start3A_1709 = arith.constant 0 : i32
    %dma_start3A_1710 = arith.constant 0 : i32
    %dma_start3A_1711 = tpu.memref_slice %arg5[%dma_start3A_1706, %dma_start3A_1709, %dma_start3A_1710] : memref<64x8x128xf32, #tpu.memory_space<vmem>> -> memref<1x8x128xf32, #tpu.memory_space<vmem>>
    %dma_start3A_1712 = tpu.memref_squeeze %dma_start3A_1711 : memref<1x8x128xf32, #tpu.memory_space<vmem>> -> memref<8x128xf32, #tpu.memory_space<vmem>>
    tpu.enqueue_dma source(%dma_start3A_1712 : memref<8x128xf32, #tpu.memory_space<vmem>>) target(%dma_start3A_1708 : memref<8x128xf32, #tpu.memory_space<hbm>>) target_semaphore(%arg8 : memref<!tpu.dma_semaphore, #tpu.memory_space<semaphore_mem>>)
    %get3A_1713 = arith.constant 20 : index
    %get3A_1714 = memref.load %arg0[%get3A_1713] : memref<64xi32, #tpu.memory_space<smem>>
    %mul3A_1715 = arith.constant 128 : i32
    %mul3A_1716 = arith.muli %get3A_1714, %mul3A_1715 : i32
    %dma_start3A_1717 = arith.constant 20 : i32
    %dma_start3A_1718 = arith.constant 16 : i32
    %dma_start3A_1719 = tpu.memref_slice %arg4[%dma_start3A_1718, %mul3A_1716] : memref<64x100000xf32, #tpu.memory_space<hbm>> -> memref<8x128xf32, #tpu.memory_space<hbm>>
    %dma_start3A_1720 = arith.constant 0 : i32
    %dma_start3A_1721 = arith.constant 0 : i32
    %dma_start3A_1722 = tpu.memref_slice %arg5[%dma_start3A_1717, %dma_start3A_1720, %dma_start3A_1721] : memref<64x8x128xf32, #tpu.memory_space<vmem>> -> memref<1x8x128xf32, #tpu.memory_space<vmem>>
    %dma_start3A_1723 = tpu.memref_squeeze %dma_start3A_1722 : memref<1x8x128xf32, #tpu.memory_space<vmem>> -> memref<8x128xf32, #tpu.memory_space<vmem>>
    tpu.enqueue_dma source(%dma_start3A_1723 : memref<8x128xf32, #tpu.memory_space<vmem>>) target(%dma_start3A_1719 : memref<8x128xf32, #tpu.memory_space<hbm>>) target_semaphore(%arg8 : memref<!tpu.dma_semaphore, #tpu.memory_space<semaphore_mem>>)
    %get3A_1724 = arith.constant 21 : index
    %get3A_1725 = memref.load %arg0[%get3A_1724] : memref<64xi32, #tpu.memory_space<smem>>
    %mul3A_1726 = arith.constant 128 : i32
    %mul3A_1727 = arith.muli %get3A_1725, %mul3A_1726 : i32
    %dma_start3A_1728 = arith.constant 21 : i32
    %dma_start3A_1729 = arith.constant 16 : i32
    %dma_start3A_1730 = tpu.memref_slice %arg4[%dma_start3A_1729, %mul3A_1727] : memref<64x100000xf32, #tpu.memory_space<hbm>> -> memref<8x128xf32, #tpu.memory_space<hbm>>
    %dma_start3A_1731 = arith.constant 0 : i32
    %dma_start3A_1732 = arith.constant 0 : i32
    %dma_start3A_1733 = tpu.memref_slice %arg5[%dma_start3A_1728, %dma_start3A_1731, %dma_start3A_1732] : memref<64x8x128xf32, #tpu.memory_space<vmem>> -> memref<1x8x128xf32, #tpu.memory_space<vmem>>
    %dma_start3A_1734 = tpu.memref_squeeze %dma_start3A_1733 : memref<1x8x128xf32, #tpu.memory_space<vmem>> -> memref<8x128xf32, #tpu.memory_space<vmem>>
    tpu.enqueue_dma source(%dma_start3A_1734 : memref<8x128xf32, #tpu.memory_space<vmem>>) target(%dma_start3A_1730 : memref<8x128xf32, #tpu.memory_space<hbm>>) target_semaphore(%arg8 : memref<!tpu.dma_semaphore, #tpu.memory_space<semaphore_mem>>)
    %get3A_1735 = arith.constant 22 : index
    %get3A_1736 = memref.load %arg0[%get3A_1735] : memref<64xi32, #tpu.memory_space<smem>>
    %mul3A_1737 = arith.constant 128 : i32
    %mul3A_1738 = arith.muli %get3A_1736, %mul3A_1737 : i32
    %dma_start3A_1739 = arith.constant 22 : i32
    %dma_start3A_1740 = arith.constant 16 : i32
    %dma_start3A_1741 = tpu.memref_slice %arg4[%dma_start3A_1740, %mul3A_1738] : memref<64x100000xf32, #tpu.memory_space<hbm>> -> memref<8x128xf32, #tpu.memory_space<hbm>>
    %dma_start3A_1742 = arith.constant 0 : i32
    %dma_start3A_1743 = arith.constant 0 : i32
    %dma_start3A_1744 = tpu.memref_slice %arg5[%dma_start3A_1739, %dma_start3A_1742, %dma_start3A_1743] : memref<64x8x128xf32, #tpu.memory_space<vmem>> -> memref<1x8x128xf32, #tpu.memory_space<vmem>>
    %dma_start3A_1745 = tpu.memref_squeeze %dma_start3A_1744 : memref<1x8x128xf32, #tpu.memory_space<vmem>> -> memref<8x128xf32, #tpu.memory_space<vmem>>
    tpu.enqueue_dma source(%dma_start3A_1745 : memref<8x128xf32, #tpu.memory_space<vmem>>) target(%dma_start3A_1741 : memref<8x128xf32, #tpu.memory_space<hbm>>) target_semaphore(%arg8 : memref<!tpu.dma_semaphore, #tpu.memory_space<semaphore_mem>>)
    %get3A_1746 = arith.constant 23 : index
    %get3A_1747 = memref.load %arg0[%get3A_1746] : memref<64xi32, #tpu.memory_space<smem>>
    %mul3A_1748 = arith.constant 128 : i32
    %mul3A_1749 = arith.muli %get3A_1747, %mul3A_1748 : i32
    %dma_start3A_1750 = arith.constant 23 : i32
    %dma_start3A_1751 = arith.constant 16 : i32
    %dma_start3A_1752 = tpu.memref_slice %arg4[%dma_start3A_1751, %mul3A_1749] : memref<64x100000xf32, #tpu.memory_space<hbm>> -> memref<8x128xf32, #tpu.memory_space<hbm>>
    %dma_start3A_1753 = arith.constant 0 : i32
    %dma_start3A_1754 = arith.constant 0 : i32
    %dma_start3A_1755 = tpu.memref_slice %arg5[%dma_start3A_1750, %dma_start3A_1753, %dma_start3A_1754] : memref<64x8x128xf32, #tpu.memory_space<vmem>> -> memref<1x8x128xf32, #tpu.memory_space<vmem>>
    %dma_start3A_1756 = tpu.memref_squeeze %dma_start3A_1755 : memref<1x8x128xf32, #tpu.memory_space<vmem>> -> memref<8x128xf32, #tpu.memory_space<vmem>>
    tpu.enqueue_dma source(%dma_start3A_1756 : memref<8x128xf32, #tpu.memory_space<vmem>>) target(%dma_start3A_1752 : memref<8x128xf32, #tpu.memory_space<hbm>>) target_semaphore(%arg8 : memref<!tpu.dma_semaphore, #tpu.memory_space<semaphore_mem>>)
    %get3A_1757 = arith.constant 24 : index
    %get3A_1758 = memref.load %arg0[%get3A_1757] : memref<64xi32, #tpu.memory_space<smem>>
    %mul3A_1759 = arith.constant 128 : i32
    %mul3A_1760 = arith.muli %get3A_1758, %mul3A_1759 : i32
    %dma_start3A_1761 = arith.constant 24 : i32
    %dma_start3A_1762 = arith.constant 24 : i32
    %dma_start3A_1763 = tpu.memref_slice %arg4[%dma_start3A_1762, %mul3A_1760] : memref<64x100000xf32, #tpu.memory_space<hbm>> -> memref<8x128xf32, #tpu.memory_space<hbm>>
    %dma_start3A_1764 = arith.constant 0 : i32
    %dma_start3A_1765 = arith.constant 0 : i32
    %dma_start3A_1766 = tpu.memref_slice %arg5[%dma_start3A_1761, %dma_start3A_1764, %dma_start3A_1765] : memref<64x8x128xf32, #tpu.memory_space<vmem>> -> memref<1x8x128xf32, #tpu.memory_space<vmem>>
    %dma_start3A_1767 = tpu.memref_squeeze %dma_start3A_1766 : memref<1x8x128xf32, #tpu.memory_space<vmem>> -> memref<8x128xf32, #tpu.memory_space<vmem>>
    tpu.enqueue_dma source(%dma_start3A_1767 : memref<8x128xf32, #tpu.memory_space<vmem>>) target(%dma_start3A_1763 : memref<8x128xf32, #tpu.memory_space<hbm>>) target_semaphore(%arg8 : memref<!tpu.dma_semaphore, #tpu.memory_space<semaphore_mem>>)
    %get3A_1768 = arith.constant 25 : index
    %get3A_1769 = memref.load %arg0[%get3A_1768] : memref<64xi32, #tpu.memory_space<smem>>
    %mul3A_1770 = arith.constant 128 : i32
    %mul3A_1771 = arith.muli %get3A_1769, %mul3A_1770 : i32
    %dma_start3A_1772 = arith.constant 25 : i32
    %dma_start3A_1773 = arith.constant 24 : i32
    %dma_start3A_1774 = tpu.memref_slice %arg4[%dma_start3A_1773, %mul3A_1771] : memref<64x100000xf32, #tpu.memory_space<hbm>> -> memref<8x128xf32, #tpu.memory_space<hbm>>
    %dma_start3A_1775 = arith.constant 0 : i32
    %dma_start3A_1776 = arith.constant 0 : i32
    %dma_start3A_1777 = tpu.memref_slice %arg5[%dma_start3A_1772, %dma_start3A_1775, %dma_start3A_1776] : memref<64x8x128xf32, #tpu.memory_space<vmem>> -> memref<1x8x128xf32, #tpu.memory_space<vmem>>
    %dma_start3A_1778 = tpu.memref_squeeze %dma_start3A_1777 : memref<1x8x128xf32, #tpu.memory_space<vmem>> -> memref<8x128xf32, #tpu.memory_space<vmem>>
    tpu.enqueue_dma source(%dma_start3A_1778 : memref<8x128xf32, #tpu.memory_space<vmem>>) target(%dma_start3A_1774 : memref<8x128xf32, #tpu.memory_space<hbm>>) target_semaphore(%arg8 : memref<!tpu.dma_semaphore, #tpu.memory_space<semaphore_mem>>)
    %get3A_1779 = arith.constant 26 : index
    %get3A_1780 = memref.load %arg0[%get3A_1779] : memref<64xi32, #tpu.memory_space<smem>>
    %mul3A_1781 = arith.constant 128 : i32
    %mul3A_1782 = arith.muli %get3A_1780, %mul3A_1781 : i32
    %dma_start3A_1783 = arith.constant 26 : i32
    %dma_start3A_1784 = arith.constant 24 : i32
    %dma_start3A_1785 = tpu.memref_slice %arg4[%dma_start3A_1784, %mul3A_1782] : memref<64x100000xf32, #tpu.memory_space<hbm>> -> memref<8x128xf32, #tpu.memory_space<hbm>>
    %dma_start3A_1786 = arith.constant 0 : i32
    %dma_start3A_1787 = arith.constant 0 : i32
    %dma_start3A_1788 = tpu.memref_slice %arg5[%dma_start3A_1783, %dma_start3A_1786, %dma_start3A_1787] : memref<64x8x128xf32, #tpu.memory_space<vmem>> -> memref<1x8x128xf32, #tpu.memory_space<vmem>>
    %dma_start3A_1789 = tpu.memref_squeeze %dma_start3A_1788 : memref<1x8x128xf32, #tpu.memory_space<vmem>> -> memref<8x128xf32, #tpu.memory_space<vmem>>
    tpu.enqueue_dma source(%dma_start3A_1789 : memref<8x128xf32, #tpu.memory_space<vmem>>) target(%dma_start3A_1785 : memref<8x128xf32, #tpu.memory_space<hbm>>) target_semaphore(%arg8 : memref<!tpu.dma_semaphore, #tpu.memory_space<semaphore_mem>>)
    %get3A_1790 = arith.constant 27 : index
    %get3A_1791 = memref.load %arg0[%get3A_1790] : memref<64xi32, #tpu.memory_space<smem>>
    %mul3A_1792 = arith.constant 128 : i32
    %mul3A_1793 = arith.muli %get3A_1791, %mul3A_1792 : i32
    %dma_start3A_1794 = arith.constant 27 : i32
    %dma_start3A_1795 = arith.constant 24 : i32
    %dma_start3A_1796 = tpu.memref_slice %arg4[%dma_start3A_1795, %mul3A_1793] : memref<64x100000xf32, #tpu.memory_space<hbm>> -> memref<8x128xf32, #tpu.memory_space<hbm>>
    %dma_start3A_1797 = arith.constant 0 : i32
    %dma_start3A_1798 = arith.constant 0 : i32
    %dma_start3A_1799 = tpu.memref_slice %arg5[%dma_start3A_1794, %dma_start3A_1797, %dma_start3A_1798] : memref<64x8x128xf32, #tpu.memory_space<vmem>> -> memref<1x8x128xf32, #tpu.memory_space<vmem>>
    %dma_start3A_1800 = tpu.memref_squeeze %dma_start3A_1799 : memref<1x8x128xf32, #tpu.memory_space<vmem>> -> memref<8x128xf32, #tpu.memory_space<vmem>>
    tpu.enqueue_dma source(%dma_start3A_1800 : memref<8x128xf32, #tpu.memory_space<vmem>>) target(%dma_start3A_1796 : memref<8x128xf32, #tpu.memory_space<hbm>>) target_semaphore(%arg8 : memref<!tpu.dma_semaphore, #tpu.memory_space<semaphore_mem>>)
    %get3A_1801 = arith.constant 28 : index
    %get3A_1802 = memref.load %arg0[%get3A_1801] : memref<64xi32, #tpu.memory_space<smem>>
    %mul3A_1803 = arith.constant 128 : i32
    %mul3A_1804 = arith.muli %get3A_1802, %mul3A_1803 : i32
    %dma_start3A_1805 = arith.constant 28 : i32
    %dma_start3A_1806 = arith.constant 24 : i32
    %dma_start3A_1807 = tpu.memref_slice %arg4[%dma_start3A_1806, %mul3A_1804] : memref<64x100000xf32, #tpu.memory_space<hbm>> -> memref<8x128xf32, #tpu.memory_space<hbm>>
    %dma_start3A_1808 = arith.constant 0 : i32
    %dma_start3A_1809 = arith.constant 0 : i32
    %dma_start3A_1810 = tpu.memref_slice %arg5[%dma_start3A_1805, %dma_start3A_1808, %dma_start3A_1809] : memref<64x8x128xf32, #tpu.memory_space<vmem>> -> memref<1x8x128xf32, #tpu.memory_space<vmem>>
    %dma_start3A_1811 = tpu.memref_squeeze %dma_start3A_1810 : memref<1x8x128xf32, #tpu.memory_space<vmem>> -> memref<8x128xf32, #tpu.memory_space<vmem>>
    tpu.enqueue_dma source(%dma_start3A_1811 : memref<8x128xf32, #tpu.memory_space<vmem>>) target(%dma_start3A_1807 : memref<8x128xf32, #tpu.memory_space<hbm>>) target_semaphore(%arg8 : memref<!tpu.dma_semaphore, #tpu.memory_space<semaphore_mem>>)
    %get3A_1812 = arith.constant 29 : index
    %get3A_1813 = memref.load %arg0[%get3A_1812] : memref<64xi32, #tpu.memory_space<smem>>
    %mul3A_1814 = arith.constant 128 : i32
    %mul3A_1815 = arith.muli %get3A_1813, %mul3A_1814 : i32
    %dma_start3A_1816 = arith.constant 29 : i32
    %dma_start3A_1817 = arith.constant 24 : i32
    %dma_start3A_1818 = tpu.memref_slice %arg4[%dma_start3A_1817, %mul3A_1815] : memref<64x100000xf32, #tpu.memory_space<hbm>> -> memref<8x128xf32, #tpu.memory_space<hbm>>
    %dma_start3A_1819 = arith.constant 0 : i32
    %dma_start3A_1820 = arith.constant 0 : i32
    %dma_start3A_1821 = tpu.memref_slice %arg5[%dma_start3A_1816, %dma_start3A_1819, %dma_start3A_1820] : memref<64x8x128xf32, #tpu.memory_space<vmem>> -> memref<1x8x128xf32, #tpu.memory_space<vmem>>
    %dma_start3A_1822 = tpu.memref_squeeze %dma_start3A_1821 : memref<1x8x128xf32, #tpu.memory_space<vmem>> -> memref<8x128xf32, #tpu.memory_space<vmem>>
    tpu.enqueue_dma source(%dma_start3A_1822 : memref<8x128xf32, #tpu.memory_space<vmem>>) target(%dma_start3A_1818 : memref<8x128xf32, #tpu.memory_space<hbm>>) target_semaphore(%arg8 : memref<!tpu.dma_semaphore, #tpu.memory_space<semaphore_mem>>)
    %get3A_1823 = arith.constant 30 : index
    %get3A_1824 = memref.load %arg0[%get3A_1823] : memref<64xi32, #tpu.memory_space<smem>>
    %mul3A_1825 = arith.constant 128 : i32
    %mul3A_1826 = arith.muli %get3A_1824, %mul3A_1825 : i32
    %dma_start3A_1827 = arith.constant 30 : i32
    %dma_start3A_1828 = arith.constant 24 : i32
    %dma_start3A_1829 = tpu.memref_slice %arg4[%dma_start3A_1828, %mul3A_1826] : memref<64x100000xf32, #tpu.memory_space<hbm>> -> memref<8x128xf32, #tpu.memory_space<hbm>>
    %dma_start3A_1830 = arith.constant 0 : i32
    %dma_start3A_1831 = arith.constant 0 : i32
    %dma_start3A_1832 = tpu.memref_slice %arg5[%dma_start3A_1827, %dma_start3A_1830, %dma_start3A_1831] : memref<64x8x128xf32, #tpu.memory_space<vmem>> -> memref<1x8x128xf32, #tpu.memory_space<vmem>>
    %dma_start3A_1833 = tpu.memref_squeeze %dma_start3A_1832 : memref<1x8x128xf32, #tpu.memory_space<vmem>> -> memref<8x128xf32, #tpu.memory_space<vmem>>
    tpu.enqueue_dma source(%dma_start3A_1833 : memref<8x128xf32, #tpu.memory_space<vmem>>) target(%dma_start3A_1829 : memref<8x128xf32, #tpu.memory_space<hbm>>) target_semaphore(%arg8 : memref<!tpu.dma_semaphore, #tpu.memory_space<semaphore_mem>>)
    %get3A_1834 = arith.constant 31 : index
    %get3A_1835 = memref.load %arg0[%get3A_1834] : memref<64xi32, #tpu.memory_space<smem>>
    %mul3A_1836 = arith.constant 128 : i32
    %mul3A_1837 = arith.muli %get3A_1835, %mul3A_1836 : i32
    %dma_start3A_1838 = arith.constant 31 : i32
    %dma_start3A_1839 = arith.constant 24 : i32
    %dma_start3A_1840 = tpu.memref_slice %arg4[%dma_start3A_1839, %mul3A_1837] : memref<64x100000xf32, #tpu.memory_space<hbm>> -> memref<8x128xf32, #tpu.memory_space<hbm>>
    %dma_start3A_1841 = arith.constant 0 : i32
    %dma_start3A_1842 = arith.constant 0 : i32
    %dma_start3A_1843 = tpu.memref_slice %arg5[%dma_start3A_1838, %dma_start3A_1841, %dma_start3A_1842] : memref<64x8x128xf32, #tpu.memory_space<vmem>> -> memref<1x8x128xf32, #tpu.memory_space<vmem>>
    %dma_start3A_1844 = tpu.memref_squeeze %dma_start3A_1843 : memref<1x8x128xf32, #tpu.memory_space<vmem>> -> memref<8x128xf32, #tpu.memory_space<vmem>>
    tpu.enqueue_dma source(%dma_start3A_1844 : memref<8x128xf32, #tpu.memory_space<vmem>>) target(%dma_start3A_1840 : memref<8x128xf32, #tpu.memory_space<hbm>>) target_semaphore(%arg8 : memref<!tpu.dma_semaphore, #tpu.memory_space<semaphore_mem>>)
    %get3A_1845 = arith.constant 32 : index
    %get3A_1846 = memref.load %arg0[%get3A_1845] : memref<64xi32, #tpu.memory_space<smem>>
    %mul3A_1847 = arith.constant 128 : i32
    %mul3A_1848 = arith.muli %get3A_1846, %mul3A_1847 : i32
    %dma_start3A_1849 = arith.constant 32 : i32
    %dma_start3A_1850 = arith.constant 32 : i32
    %dma_start3A_1851 = tpu.memref_slice %arg4[%dma_start3A_1850, %mul3A_1848] : memref<64x100000xf32, #tpu.memory_space<hbm>> -> memref<8x128xf32, #tpu.memory_space<hbm>>
    %dma_start3A_1852 = arith.constant 0 : i32
    %dma_start3A_1853 = arith.constant 0 : i32
    %dma_start3A_1854 = tpu.memref_slice %arg5[%dma_start3A_1849, %dma_start3A_1852, %dma_start3A_1853] : memref<64x8x128xf32, #tpu.memory_space<vmem>> -> memref<1x8x128xf32, #tpu.memory_space<vmem>>
    %dma_start3A_1855 = tpu.memref_squeeze %dma_start3A_1854 : memref<1x8x128xf32, #tpu.memory_space<vmem>> -> memref<8x128xf32, #tpu.memory_space<vmem>>
    tpu.enqueue_dma source(%dma_start3A_1855 : memref<8x128xf32, #tpu.memory_space<vmem>>) target(%dma_start3A_1851 : memref<8x128xf32, #tpu.memory_space<hbm>>) target_semaphore(%arg8 : memref<!tpu.dma_semaphore, #tpu.memory_space<semaphore_mem>>)
    %get3A_1856 = arith.constant 33 : index
    %get3A_1857 = memref.load %arg0[%get3A_1856] : memref<64xi32, #tpu.memory_space<smem>>
    %mul3A_1858 = arith.constant 128 : i32
    %mul3A_1859 = arith.muli %get3A_1857, %mul3A_1858 : i32
    %dma_start3A_1860 = arith.constant 33 : i32
    %dma_start3A_1861 = arith.constant 32 : i32
    %dma_start3A_1862 = tpu.memref_slice %arg4[%dma_start3A_1861, %mul3A_1859] : memref<64x100000xf32, #tpu.memory_space<hbm>> -> memref<8x128xf32, #tpu.memory_space<hbm>>
    %dma_start3A_1863 = arith.constant 0 : i32
    %dma_start3A_1864 = arith.constant 0 : i32
    %dma_start3A_1865 = tpu.memref_slice %arg5[%dma_start3A_1860, %dma_start3A_1863, %dma_start3A_1864] : memref<64x8x128xf32, #tpu.memory_space<vmem>> -> memref<1x8x128xf32, #tpu.memory_space<vmem>>
    %dma_start3A_1866 = tpu.memref_squeeze %dma_start3A_1865 : memref<1x8x128xf32, #tpu.memory_space<vmem>> -> memref<8x128xf32, #tpu.memory_space<vmem>>
    tpu.enqueue_dma source(%dma_start3A_1866 : memref<8x128xf32, #tpu.memory_space<vmem>>) target(%dma_start3A_1862 : memref<8x128xf32, #tpu.memory_space<hbm>>) target_semaphore(%arg8 : memref<!tpu.dma_semaphore, #tpu.memory_space<semaphore_mem>>)
    %get3A_1867 = arith.constant 34 : index
    %get3A_1868 = memref.load %arg0[%get3A_1867] : memref<64xi32, #tpu.memory_space<smem>>
    %mul3A_1869 = arith.constant 128 : i32
    %mul3A_1870 = arith.muli %get3A_1868, %mul3A_1869 : i32
    %dma_start3A_1871 = arith.constant 34 : i32
    %dma_start3A_1872 = arith.constant 32 : i32
    %dma_start3A_1873 = tpu.memref_slice %arg4[%dma_start3A_1872, %mul3A_1870] : memref<64x100000xf32, #tpu.memory_space<hbm>> -> memref<8x128xf32, #tpu.memory_space<hbm>>
    %dma_start3A_1874 = arith.constant 0 : i32
    %dma_start3A_1875 = arith.constant 0 : i32
    %dma_start3A_1876 = tpu.memref_slice %arg5[%dma_start3A_1871, %dma_start3A_1874, %dma_start3A_1875] : memref<64x8x128xf32, #tpu.memory_space<vmem>> -> memref<1x8x128xf32, #tpu.memory_space<vmem>>
    %dma_start3A_1877 = tpu.memref_squeeze %dma_start3A_1876 : memref<1x8x128xf32, #tpu.memory_space<vmem>> -> memref<8x128xf32, #tpu.memory_space<vmem>>
    tpu.enqueue_dma source(%dma_start3A_1877 : memref<8x128xf32, #tpu.memory_space<vmem>>) target(%dma_start3A_1873 : memref<8x128xf32, #tpu.memory_space<hbm>>) target_semaphore(%arg8 : memref<!tpu.dma_semaphore, #tpu.memory_space<semaphore_mem>>)
    %get3A_1878 = arith.constant 35 : index
    %get3A_1879 = memref.load %arg0[%get3A_1878] : memref<64xi32, #tpu.memory_space<smem>>
    %mul3A_1880 = arith.constant 128 : i32
    %mul3A_1881 = arith.muli %get3A_1879, %mul3A_1880 : i32
    %dma_start3A_1882 = arith.constant 35 : i32
    %dma_start3A_1883 = arith.constant 32 : i32
    %dma_start3A_1884 = tpu.memref_slice %arg4[%dma_start3A_1883, %mul3A_1881] : memref<64x100000xf32, #tpu.memory_space<hbm>> -> memref<8x128xf32, #tpu.memory_space<hbm>>
    %dma_start3A_1885 = arith.constant 0 : i32
    %dma_start3A_1886 = arith.constant 0 : i32
    %dma_start3A_1887 = tpu.memref_slice %arg5[%dma_start3A_1882, %dma_start3A_1885, %dma_start3A_1886] : memref<64x8x128xf32, #tpu.memory_space<vmem>> -> memref<1x8x128xf32, #tpu.memory_space<vmem>>
    %dma_start3A_1888 = tpu.memref_squeeze %dma_start3A_1887 : memref<1x8x128xf32, #tpu.memory_space<vmem>> -> memref<8x128xf32, #tpu.memory_space<vmem>>
    tpu.enqueue_dma source(%dma_start3A_1888 : memref<8x128xf32, #tpu.memory_space<vmem>>) target(%dma_start3A_1884 : memref<8x128xf32, #tpu.memory_space<hbm>>) target_semaphore(%arg8 : memref<!tpu.dma_semaphore, #tpu.memory_space<semaphore_mem>>)
    %get3A_1889 = arith.constant 36 : index
    %get3A_1890 = memref.load %arg0[%get3A_1889] : memref<64xi32, #tpu.memory_space<smem>>
    %mul3A_1891 = arith.constant 128 : i32
    %mul3A_1892 = arith.muli %get3A_1890, %mul3A_1891 : i32
    %dma_start3A_1893 = arith.constant 36 : i32
    %dma_start3A_1894 = arith.constant 32 : i32
    %dma_start3A_1895 = tpu.memref_slice %arg4[%dma_start3A_1894, %mul3A_1892] : memref<64x100000xf32, #tpu.memory_space<hbm>> -> memref<8x128xf32, #tpu.memory_space<hbm>>
    %dma_start3A_1896 = arith.constant 0 : i32
    %dma_start3A_1897 = arith.constant 0 : i32
    %dma_start3A_1898 = tpu.memref_slice %arg5[%dma_start3A_1893, %dma_start3A_1896, %dma_start3A_1897] : memref<64x8x128xf32, #tpu.memory_space<vmem>> -> memref<1x8x128xf32, #tpu.memory_space<vmem>>
    %dma_start3A_1899 = tpu.memref_squeeze %dma_start3A_1898 : memref<1x8x128xf32, #tpu.memory_space<vmem>> -> memref<8x128xf32, #tpu.memory_space<vmem>>
    tpu.enqueue_dma source(%dma_start3A_1899 : memref<8x128xf32, #tpu.memory_space<vmem>>) target(%dma_start3A_1895 : memref<8x128xf32, #tpu.memory_space<hbm>>) target_semaphore(%arg8 : memref<!tpu.dma_semaphore, #tpu.memory_space<semaphore_mem>>)
    %get3A_1900 = arith.constant 37 : index
    %get3A_1901 = memref.load %arg0[%get3A_1900] : memref<64xi32, #tpu.memory_space<smem>>
    %mul3A_1902 = arith.constant 128 : i32
    %mul3A_1903 = arith.muli %get3A_1901, %mul3A_1902 : i32
    %dma_start3A_1904 = arith.constant 37 : i32
    %dma_start3A_1905 = arith.constant 32 : i32
    %dma_start3A_1906 = tpu.memref_slice %arg4[%dma_start3A_1905, %mul3A_1903] : memref<64x100000xf32, #tpu.memory_space<hbm>> -> memref<8x128xf32, #tpu.memory_space<hbm>>
    %dma_start3A_1907 = arith.constant 0 : i32
    %dma_start3A_1908 = arith.constant 0 : i32
    %dma_start3A_1909 = tpu.memref_slice %arg5[%dma_start3A_1904, %dma_start3A_1907, %dma_start3A_1908] : memref<64x8x128xf32, #tpu.memory_space<vmem>> -> memref<1x8x128xf32, #tpu.memory_space<vmem>>
    %dma_start3A_1910 = tpu.memref_squeeze %dma_start3A_1909 : memref<1x8x128xf32, #tpu.memory_space<vmem>> -> memref<8x128xf32, #tpu.memory_space<vmem>>
    tpu.enqueue_dma source(%dma_start3A_1910 : memref<8x128xf32, #tpu.memory_space<vmem>>) target(%dma_start3A_1906 : memref<8x128xf32, #tpu.memory_space<hbm>>) target_semaphore(%arg8 : memref<!tpu.dma_semaphore, #tpu.memory_space<semaphore_mem>>)
    %get3A_1911 = arith.constant 38 : index
    %get3A_1912 = memref.load %arg0[%get3A_1911] : memref<64xi32, #tpu.memory_space<smem>>
    %mul3A_1913 = arith.constant 128 : i32
    %mul3A_1914 = arith.muli %get3A_1912, %mul3A_1913 : i32
    %dma_start3A_1915 = arith.constant 38 : i32
    %dma_start3A_1916 = arith.constant 32 : i32
    %dma_start3A_1917 = tpu.memref_slice %arg4[%dma_start3A_1916, %mul3A_1914] : memref<64x100000xf32, #tpu.memory_space<hbm>> -> memref<8x128xf32, #tpu.memory_space<hbm>>
    %dma_start3A_1918 = arith.constant 0 : i32
    %dma_start3A_1919 = arith.constant 0 : i32
    %dma_start3A_1920 = tpu.memref_slice %arg5[%dma_start3A_1915, %dma_start3A_1918, %dma_start3A_1919] : memref<64x8x128xf32, #tpu.memory_space<vmem>> -> memref<1x8x128xf32, #tpu.memory_space<vmem>>
    %dma_start3A_1921 = tpu.memref_squeeze %dma_start3A_1920 : memref<1x8x128xf32, #tpu.memory_space<vmem>> -> memref<8x128xf32, #tpu.memory_space<vmem>>
    tpu.enqueue_dma source(%dma_start3A_1921 : memref<8x128xf32, #tpu.memory_space<vmem>>) target(%dma_start3A_1917 : memref<8x128xf32, #tpu.memory_space<hbm>>) target_semaphore(%arg8 : memref<!tpu.dma_semaphore, #tpu.memory_space<semaphore_mem>>)
    %get3A_1922 = arith.constant 39 : index
    %get3A_1923 = memref.load %arg0[%get3A_1922] : memref<64xi32, #tpu.memory_space<smem>>
    %mul3A_1924 = arith.constant 128 : i32
    %mul3A_1925 = arith.muli %get3A_1923, %mul3A_1924 : i32
    %dma_start3A_1926 = arith.constant 39 : i32
    %dma_start3A_1927 = arith.constant 32 : i32
    %dma_start3A_1928 = tpu.memref_slice %arg4[%dma_start3A_1927, %mul3A_1925] : memref<64x100000xf32, #tpu.memory_space<hbm>> -> memref<8x128xf32, #tpu.memory_space<hbm>>
    %dma_start3A_1929 = arith.constant 0 : i32
    %dma_start3A_1930 = arith.constant 0 : i32
    %dma_start3A_1931 = tpu.memref_slice %arg5[%dma_start3A_1926, %dma_start3A_1929, %dma_start3A_1930] : memref<64x8x128xf32, #tpu.memory_space<vmem>> -> memref<1x8x128xf32, #tpu.memory_space<vmem>>
    %dma_start3A_1932 = tpu.memref_squeeze %dma_start3A_1931 : memref<1x8x128xf32, #tpu.memory_space<vmem>> -> memref<8x128xf32, #tpu.memory_space<vmem>>
    tpu.enqueue_dma source(%dma_start3A_1932 : memref<8x128xf32, #tpu.memory_space<vmem>>) target(%dma_start3A_1928 : memref<8x128xf32, #tpu.memory_space<hbm>>) target_semaphore(%arg8 : memref<!tpu.dma_semaphore, #tpu.memory_space<semaphore_mem>>)
    %get3A_1933 = arith.constant 40 : index
    %get3A_1934 = memref.load %arg0[%get3A_1933] : memref<64xi32, #tpu.memory_space<smem>>
    %mul3A_1935 = arith.constant 128 : i32
    %mul3A_1936 = arith.muli %get3A_1934, %mul3A_1935 : i32
    %dma_start3A_1937 = arith.constant 40 : i32
    %dma_start3A_1938 = arith.constant 40 : i32
    %dma_start3A_1939 = tpu.memref_slice %arg4[%dma_start3A_1938, %mul3A_1936] : memref<64x100000xf32, #tpu.memory_space<hbm>> -> memref<8x128xf32, #tpu.memory_space<hbm>>
    %dma_start3A_1940 = arith.constant 0 : i32
    %dma_start3A_1941 = arith.constant 0 : i32
    %dma_start3A_1942 = tpu.memref_slice %arg5[%dma_start3A_1937, %dma_start3A_1940, %dma_start3A_1941] : memref<64x8x128xf32, #tpu.memory_space<vmem>> -> memref<1x8x128xf32, #tpu.memory_space<vmem>>
    %dma_start3A_1943 = tpu.memref_squeeze %dma_start3A_1942 : memref<1x8x128xf32, #tpu.memory_space<vmem>> -> memref<8x128xf32, #tpu.memory_space<vmem>>
    tpu.enqueue_dma source(%dma_start3A_1943 : memref<8x128xf32, #tpu.memory_space<vmem>>) target(%dma_start3A_1939 : memref<8x128xf32, #tpu.memory_space<hbm>>) target_semaphore(%arg8 : memref<!tpu.dma_semaphore, #tpu.memory_space<semaphore_mem>>)
    %get3A_1944 = arith.constant 41 : index
    %get3A_1945 = memref.load %arg0[%get3A_1944] : memref<64xi32, #tpu.memory_space<smem>>
    %mul3A_1946 = arith.constant 128 : i32
    %mul3A_1947 = arith.muli %get3A_1945, %mul3A_1946 : i32
    %dma_start3A_1948 = arith.constant 41 : i32
    %dma_start3A_1949 = arith.constant 40 : i32
    %dma_start3A_1950 = tpu.memref_slice %arg4[%dma_start3A_1949, %mul3A_1947] : memref<64x100000xf32, #tpu.memory_space<hbm>> -> memref<8x128xf32, #tpu.memory_space<hbm>>
    %dma_start3A_1951 = arith.constant 0 : i32
    %dma_start3A_1952 = arith.constant 0 : i32
    %dma_start3A_1953 = tpu.memref_slice %arg5[%dma_start3A_1948, %dma_start3A_1951, %dma_start3A_1952] : memref<64x8x128xf32, #tpu.memory_space<vmem>> -> memref<1x8x128xf32, #tpu.memory_space<vmem>>
    %dma_start3A_1954 = tpu.memref_squeeze %dma_start3A_1953 : memref<1x8x128xf32, #tpu.memory_space<vmem>> -> memref<8x128xf32, #tpu.memory_space<vmem>>
    tpu.enqueue_dma source(%dma_start3A_1954 : memref<8x128xf32, #tpu.memory_space<vmem>>) target(%dma_start3A_1950 : memref<8x128xf32, #tpu.memory_space<hbm>>) target_semaphore(%arg8 : memref<!tpu.dma_semaphore, #tpu.memory_space<semaphore_mem>>)
    %get3A_1955 = arith.constant 42 : index
    %get3A_1956 = memref.load %arg0[%get3A_1955] : memref<64xi32, #tpu.memory_space<smem>>
    %mul3A_1957 = arith.constant 128 : i32
    %mul3A_1958 = arith.muli %get3A_1956, %mul3A_1957 : i32
    %dma_start3A_1959 = arith.constant 42 : i32
    %dma_start3A_1960 = arith.constant 40 : i32
    %dma_start3A_1961 = tpu.memref_slice %arg4[%dma_start3A_1960, %mul3A_1958] : memref<64x100000xf32, #tpu.memory_space<hbm>> -> memref<8x128xf32, #tpu.memory_space<hbm>>
    %dma_start3A_1962 = arith.constant 0 : i32
    %dma_start3A_1963 = arith.constant 0 : i32
    %dma_start3A_1964 = tpu.memref_slice %arg5[%dma_start3A_1959, %dma_start3A_1962, %dma_start3A_1963] : memref<64x8x128xf32, #tpu.memory_space<vmem>> -> memref<1x8x128xf32, #tpu.memory_space<vmem>>
    %dma_start3A_1965 = tpu.memref_squeeze %dma_start3A_1964 : memref<1x8x128xf32, #tpu.memory_space<vmem>> -> memref<8x128xf32, #tpu.memory_space<vmem>>
    tpu.enqueue_dma source(%dma_start3A_1965 : memref<8x128xf32, #tpu.memory_space<vmem>>) target(%dma_start3A_1961 : memref<8x128xf32, #tpu.memory_space<hbm>>) target_semaphore(%arg8 : memref<!tpu.dma_semaphore, #tpu.memory_space<semaphore_mem>>)
    %get3A_1966 = arith.constant 43 : index
    %get3A_1967 = memref.load %arg0[%get3A_1966] : memref<64xi32, #tpu.memory_space<smem>>
    %mul3A_1968 = arith.constant 128 : i32
    %mul3A_1969 = arith.muli %get3A_1967, %mul3A_1968 : i32
    %dma_start3A_1970 = arith.constant 43 : i32
    %dma_start3A_1971 = arith.constant 40 : i32
    %dma_start3A_1972 = tpu.memref_slice %arg4[%dma_start3A_1971, %mul3A_1969] : memref<64x100000xf32, #tpu.memory_space<hbm>> -> memref<8x128xf32, #tpu.memory_space<hbm>>
    %dma_start3A_1973 = arith.constant 0 : i32
    %dma_start3A_1974 = arith.constant 0 : i32
    %dma_start3A_1975 = tpu.memref_slice %arg5[%dma_start3A_1970, %dma_start3A_1973, %dma_start3A_1974] : memref<64x8x128xf32, #tpu.memory_space<vmem>> -> memref<1x8x128xf32, #tpu.memory_space<vmem>>
    %dma_start3A_1976 = tpu.memref_squeeze %dma_start3A_1975 : memref<1x8x128xf32, #tpu.memory_space<vmem>> -> memref<8x128xf32, #tpu.memory_space<vmem>>
    tpu.enqueue_dma source(%dma_start3A_1976 : memref<8x128xf32, #tpu.memory_space<vmem>>) target(%dma_start3A_1972 : memref<8x128xf32, #tpu.memory_space<hbm>>) target_semaphore(%arg8 : memref<!tpu.dma_semaphore, #tpu.memory_space<semaphore_mem>>)
    %get3A_1977 = arith.constant 44 : index
    %get3A_1978 = memref.load %arg0[%get3A_1977] : memref<64xi32, #tpu.memory_space<smem>>
    %mul3A_1979 = arith.constant 128 : i32
    %mul3A_1980 = arith.muli %get3A_1978, %mul3A_1979 : i32
    %dma_start3A_1981 = arith.constant 44 : i32
    %dma_start3A_1982 = arith.constant 40 : i32
    %dma_start3A_1983 = tpu.memref_slice %arg4[%dma_start3A_1982, %mul3A_1980] : memref<64x100000xf32, #tpu.memory_space<hbm>> -> memref<8x128xf32, #tpu.memory_space<hbm>>
    %dma_start3A_1984 = arith.constant 0 : i32
    %dma_start3A_1985 = arith.constant 0 : i32
    %dma_start3A_1986 = tpu.memref_slice %arg5[%dma_start3A_1981, %dma_start3A_1984, %dma_start3A_1985] : memref<64x8x128xf32, #tpu.memory_space<vmem>> -> memref<1x8x128xf32, #tpu.memory_space<vmem>>
    %dma_start3A_1987 = tpu.memref_squeeze %dma_start3A_1986 : memref<1x8x128xf32, #tpu.memory_space<vmem>> -> memref<8x128xf32, #tpu.memory_space<vmem>>
    tpu.enqueue_dma source(%dma_start3A_1987 : memref<8x128xf32, #tpu.memory_space<vmem>>) target(%dma_start3A_1983 : memref<8x128xf32, #tpu.memory_space<hbm>>) target_semaphore(%arg8 : memref<!tpu.dma_semaphore, #tpu.memory_space<semaphore_mem>>)
    %get3A_1988 = arith.constant 45 : index
    %get3A_1989 = memref.load %arg0[%get3A_1988] : memref<64xi32, #tpu.memory_space<smem>>
    %mul3A_1990 = arith.constant 128 : i32
    %mul3A_1991 = arith.muli %get3A_1989, %mul3A_1990 : i32
    %dma_start3A_1992 = arith.constant 45 : i32
    %dma_start3A_1993 = arith.constant 40 : i32
    %dma_start3A_1994 = tpu.memref_slice %arg4[%dma_start3A_1993, %mul3A_1991] : memref<64x100000xf32, #tpu.memory_space<hbm>> -> memref<8x128xf32, #tpu.memory_space<hbm>>
    %dma_start3A_1995 = arith.constant 0 : i32
    %dma_start3A_1996 = arith.constant 0 : i32
    %dma_start3A_1997 = tpu.memref_slice %arg5[%dma_start3A_1992, %dma_start3A_1995, %dma_start3A_1996] : memref<64x8x128xf32, #tpu.memory_space<vmem>> -> memref<1x8x128xf32, #tpu.memory_space<vmem>>
    %dma_start3A_1998 = tpu.memref_squeeze %dma_start3A_1997 : memref<1x8x128xf32, #tpu.memory_space<vmem>> -> memref<8x128xf32, #tpu.memory_space<vmem>>
    tpu.enqueue_dma source(%dma_start3A_1998 : memref<8x128xf32, #tpu.memory_space<vmem>>) target(%dma_start3A_1994 : memref<8x128xf32, #tpu.memory_space<hbm>>) target_semaphore(%arg8 : memref<!tpu.dma_semaphore, #tpu.memory_space<semaphore_mem>>)
    %get3A_1999 = arith.constant 46 : index
    %get3A_2000 = memref.load %arg0[%get3A_1999] : memref<64xi32, #tpu.memory_space<smem>>
    %mul3A_2001 = arith.constant 128 : i32
    %mul3A_2002 = arith.muli %get3A_2000, %mul3A_2001 : i32
    %dma_start3A_2003 = arith.constant 46 : i32
    %dma_start3A_2004 = arith.constant 40 : i32
    %dma_start3A_2005 = tpu.memref_slice %arg4[%dma_start3A_2004, %mul3A_2002] : memref<64x100000xf32, #tpu.memory_space<hbm>> -> memref<8x128xf32, #tpu.memory_space<hbm>>
    %dma_start3A_2006 = arith.constant 0 : i32
    %dma_start3A_2007 = arith.constant 0 : i32
    %dma_start3A_2008 = tpu.memref_slice %arg5[%dma_start3A_2003, %dma_start3A_2006, %dma_start3A_2007] : memref<64x8x128xf32, #tpu.memory_space<vmem>> -> memref<1x8x128xf32, #tpu.memory_space<vmem>>
    %dma_start3A_2009 = tpu.memref_squeeze %dma_start3A_2008 : memref<1x8x128xf32, #tpu.memory_space<vmem>> -> memref<8x128xf32, #tpu.memory_space<vmem>>
    tpu.enqueue_dma source(%dma_start3A_2009 : memref<8x128xf32, #tpu.memory_space<vmem>>) target(%dma_start3A_2005 : memref<8x128xf32, #tpu.memory_space<hbm>>) target_semaphore(%arg8 : memref<!tpu.dma_semaphore, #tpu.memory_space<semaphore_mem>>)
    %get3A_2010 = arith.constant 47 : index
    %get3A_2011 = memref.load %arg0[%get3A_2010] : memref<64xi32, #tpu.memory_space<smem>>
    %mul3A_2012 = arith.constant 128 : i32
    %mul3A_2013 = arith.muli %get3A_2011, %mul3A_2012 : i32
    %dma_start3A_2014 = arith.constant 47 : i32
    %dma_start3A_2015 = arith.constant 40 : i32
    %dma_start3A_2016 = tpu.memref_slice %arg4[%dma_start3A_2015, %mul3A_2013] : memref<64x100000xf32, #tpu.memory_space<hbm>> -> memref<8x128xf32, #tpu.memory_space<hbm>>
    %dma_start3A_2017 = arith.constant 0 : i32
    %dma_start3A_2018 = arith.constant 0 : i32
    %dma_start3A_2019 = tpu.memref_slice %arg5[%dma_start3A_2014, %dma_start3A_2017, %dma_start3A_2018] : memref<64x8x128xf32, #tpu.memory_space<vmem>> -> memref<1x8x128xf32, #tpu.memory_space<vmem>>
    %dma_start3A_2020 = tpu.memref_squeeze %dma_start3A_2019 : memref<1x8x128xf32, #tpu.memory_space<vmem>> -> memref<8x128xf32, #tpu.memory_space<vmem>>
    tpu.enqueue_dma source(%dma_start3A_2020 : memref<8x128xf32, #tpu.memory_space<vmem>>) target(%dma_start3A_2016 : memref<8x128xf32, #tpu.memory_space<hbm>>) target_semaphore(%arg8 : memref<!tpu.dma_semaphore, #tpu.memory_space<semaphore_mem>>)
    %get3A_2021 = arith.constant 48 : index
    %get3A_2022 = memref.load %arg0[%get3A_2021] : memref<64xi32, #tpu.memory_space<smem>>
    %mul3A_2023 = arith.constant 128 : i32
    %mul3A_2024 = arith.muli %get3A_2022, %mul3A_2023 : i32
    %dma_start3A_2025 = arith.constant 48 : i32
    %dma_start3A_2026 = arith.constant 48 : i32
    %dma_start3A_2027 = tpu.memref_slice %arg4[%dma_start3A_2026, %mul3A_2024] : memref<64x100000xf32, #tpu.memory_space<hbm>> -> memref<8x128xf32, #tpu.memory_space<hbm>>
    %dma_start3A_2028 = arith.constant 0 : i32
    %dma_start3A_2029 = arith.constant 0 : i32
    %dma_start3A_2030 = tpu.memref_slice %arg5[%dma_start3A_2025, %dma_start3A_2028, %dma_start3A_2029] : memref<64x8x128xf32, #tpu.memory_space<vmem>> -> memref<1x8x128xf32, #tpu.memory_space<vmem>>
    %dma_start3A_2031 = tpu.memref_squeeze %dma_start3A_2030 : memref<1x8x128xf32, #tpu.memory_space<vmem>> -> memref<8x128xf32, #tpu.memory_space<vmem>>
    tpu.enqueue_dma source(%dma_start3A_2031 : memref<8x128xf32, #tpu.memory_space<vmem>>) target(%dma_start3A_2027 : memref<8x128xf32, #tpu.memory_space<hbm>>) target_semaphore(%arg8 : memref<!tpu.dma_semaphore, #tpu.memory_space<semaphore_mem>>)
    %get3A_2032 = arith.constant 49 : index
    %get3A_2033 = memref.load %arg0[%get3A_2032] : memref<64xi32, #tpu.memory_space<smem>>
    %mul3A_2034 = arith.constant 128 : i32
    %mul3A_2035 = arith.muli %get3A_2033, %mul3A_2034 : i32
    %dma_start3A_2036 = arith.constant 49 : i32
    %dma_start3A_2037 = arith.constant 48 : i32
    %dma_start3A_2038 = tpu.memref_slice %arg4[%dma_start3A_2037, %mul3A_2035] : memref<64x100000xf32, #tpu.memory_space<hbm>> -> memref<8x128xf32, #tpu.memory_space<hbm>>
    %dma_start3A_2039 = arith.constant 0 : i32
    %dma_start3A_2040 = arith.constant 0 : i32
    %dma_start3A_2041 = tpu.memref_slice %arg5[%dma_start3A_2036, %dma_start3A_2039, %dma_start3A_2040] : memref<64x8x128xf32, #tpu.memory_space<vmem>> -> memref<1x8x128xf32, #tpu.memory_space<vmem>>
    %dma_start3A_2042 = tpu.memref_squeeze %dma_start3A_2041 : memref<1x8x128xf32, #tpu.memory_space<vmem>> -> memref<8x128xf32, #tpu.memory_space<vmem>>
    tpu.enqueue_dma source(%dma_start3A_2042 : memref<8x128xf32, #tpu.memory_space<vmem>>) target(%dma_start3A_2038 : memref<8x128xf32, #tpu.memory_space<hbm>>) target_semaphore(%arg8 : memref<!tpu.dma_semaphore, #tpu.memory_space<semaphore_mem>>)
    %get3A_2043 = arith.constant 50 : index
    %get3A_2044 = memref.load %arg0[%get3A_2043] : memref<64xi32, #tpu.memory_space<smem>>
    %mul3A_2045 = arith.constant 128 : i32
    %mul3A_2046 = arith.muli %get3A_2044, %mul3A_2045 : i32
    %dma_start3A_2047 = arith.constant 50 : i32
    %dma_start3A_2048 = arith.constant 48 : i32
    %dma_start3A_2049 = tpu.memref_slice %arg4[%dma_start3A_2048, %mul3A_2046] : memref<64x100000xf32, #tpu.memory_space<hbm>> -> memref<8x128xf32, #tpu.memory_space<hbm>>
    %dma_start3A_2050 = arith.constant 0 : i32
    %dma_start3A_2051 = arith.constant 0 : i32
    %dma_start3A_2052 = tpu.memref_slice %arg5[%dma_start3A_2047, %dma_start3A_2050, %dma_start3A_2051] : memref<64x8x128xf32, #tpu.memory_space<vmem>> -> memref<1x8x128xf32, #tpu.memory_space<vmem>>
    %dma_start3A_2053 = tpu.memref_squeeze %dma_start3A_2052 : memref<1x8x128xf32, #tpu.memory_space<vmem>> -> memref<8x128xf32, #tpu.memory_space<vmem>>
    tpu.enqueue_dma source(%dma_start3A_2053 : memref<8x128xf32, #tpu.memory_space<vmem>>) target(%dma_start3A_2049 : memref<8x128xf32, #tpu.memory_space<hbm>>) target_semaphore(%arg8 : memref<!tpu.dma_semaphore, #tpu.memory_space<semaphore_mem>>)
    %get3A_2054 = arith.constant 51 : index
    %get3A_2055 = memref.load %arg0[%get3A_2054] : memref<64xi32, #tpu.memory_space<smem>>
    %mul3A_2056 = arith.constant 128 : i32
    %mul3A_2057 = arith.muli %get3A_2055, %mul3A_2056 : i32
    %dma_start3A_2058 = arith.constant 51 : i32
    %dma_start3A_2059 = arith.constant 48 : i32
    %dma_start3A_2060 = tpu.memref_slice %arg4[%dma_start3A_2059, %mul3A_2057] : memref<64x100000xf32, #tpu.memory_space<hbm>> -> memref<8x128xf32, #tpu.memory_space<hbm>>
    %dma_start3A_2061 = arith.constant 0 : i32
    %dma_start3A_2062 = arith.constant 0 : i32
    %dma_start3A_2063 = tpu.memref_slice %arg5[%dma_start3A_2058, %dma_start3A_2061, %dma_start3A_2062] : memref<64x8x128xf32, #tpu.memory_space<vmem>> -> memref<1x8x128xf32, #tpu.memory_space<vmem>>
    %dma_start3A_2064 = tpu.memref_squeeze %dma_start3A_2063 : memref<1x8x128xf32, #tpu.memory_space<vmem>> -> memref<8x128xf32, #tpu.memory_space<vmem>>
    tpu.enqueue_dma source(%dma_start3A_2064 : memref<8x128xf32, #tpu.memory_space<vmem>>) target(%dma_start3A_2060 : memref<8x128xf32, #tpu.memory_space<hbm>>) target_semaphore(%arg8 : memref<!tpu.dma_semaphore, #tpu.memory_space<semaphore_mem>>)
    %get3A_2065 = arith.constant 52 : index
    %get3A_2066 = memref.load %arg0[%get3A_2065] : memref<64xi32, #tpu.memory_space<smem>>
    %mul3A_2067 = arith.constant 128 : i32
    %mul3A_2068 = arith.muli %get3A_2066, %mul3A_2067 : i32
    %dma_start3A_2069 = arith.constant 52 : i32
    %dma_start3A_2070 = arith.constant 48 : i32
    %dma_start3A_2071 = tpu.memref_slice %arg4[%dma_start3A_2070, %mul3A_2068] : memref<64x100000xf32, #tpu.memory_space<hbm>> -> memref<8x128xf32, #tpu.memory_space<hbm>>
    %dma_start3A_2072 = arith.constant 0 : i32
    %dma_start3A_2073 = arith.constant 0 : i32
    %dma_start3A_2074 = tpu.memref_slice %arg5[%dma_start3A_2069, %dma_start3A_2072, %dma_start3A_2073] : memref<64x8x128xf32, #tpu.memory_space<vmem>> -> memref<1x8x128xf32, #tpu.memory_space<vmem>>
    %dma_start3A_2075 = tpu.memref_squeeze %dma_start3A_2074 : memref<1x8x128xf32, #tpu.memory_space<vmem>> -> memref<8x128xf32, #tpu.memory_space<vmem>>
    tpu.enqueue_dma source(%dma_start3A_2075 : memref<8x128xf32, #tpu.memory_space<vmem>>) target(%dma_start3A_2071 : memref<8x128xf32, #tpu.memory_space<hbm>>) target_semaphore(%arg8 : memref<!tpu.dma_semaphore, #tpu.memory_space<semaphore_mem>>)
    %get3A_2076 = arith.constant 53 : index
    %get3A_2077 = memref.load %arg0[%get3A_2076] : memref<64xi32, #tpu.memory_space<smem>>
    %mul3A_2078 = arith.constant 128 : i32
    %mul3A_2079 = arith.muli %get3A_2077, %mul3A_2078 : i32
    %dma_start3A_2080 = arith.constant 53 : i32
    %dma_start3A_2081 = arith.constant 48 : i32
    %dma_start3A_2082 = tpu.memref_slice %arg4[%dma_start3A_2081, %mul3A_2079] : memref<64x100000xf32, #tpu.memory_space<hbm>> -> memref<8x128xf32, #tpu.memory_space<hbm>>
    %dma_start3A_2083 = arith.constant 0 : i32
    %dma_start3A_2084 = arith.constant 0 : i32
    %dma_start3A_2085 = tpu.memref_slice %arg5[%dma_start3A_2080, %dma_start3A_2083, %dma_start3A_2084] : memref<64x8x128xf32, #tpu.memory_space<vmem>> -> memref<1x8x128xf32, #tpu.memory_space<vmem>>
    %dma_start3A_2086 = tpu.memref_squeeze %dma_start3A_2085 : memref<1x8x128xf32, #tpu.memory_space<vmem>> -> memref<8x128xf32, #tpu.memory_space<vmem>>
    tpu.enqueue_dma source(%dma_start3A_2086 : memref<8x128xf32, #tpu.memory_space<vmem>>) target(%dma_start3A_2082 : memref<8x128xf32, #tpu.memory_space<hbm>>) target_semaphore(%arg8 : memref<!tpu.dma_semaphore, #tpu.memory_space<semaphore_mem>>)
    %get3A_2087 = arith.constant 54 : index
    %get3A_2088 = memref.load %arg0[%get3A_2087] : memref<64xi32, #tpu.memory_space<smem>>
    %mul3A_2089 = arith.constant 128 : i32
    %mul3A_2090 = arith.muli %get3A_2088, %mul3A_2089 : i32
    %dma_start3A_2091 = arith.constant 54 : i32
    %dma_start3A_2092 = arith.constant 48 : i32
    %dma_start3A_2093 = tpu.memref_slice %arg4[%dma_start3A_2092, %mul3A_2090] : memref<64x100000xf32, #tpu.memory_space<hbm>> -> memref<8x128xf32, #tpu.memory_space<hbm>>
    %dma_start3A_2094 = arith.constant 0 : i32
    %dma_start3A_2095 = arith.constant 0 : i32
    %dma_start3A_2096 = tpu.memref_slice %arg5[%dma_start3A_2091, %dma_start3A_2094, %dma_start3A_2095] : memref<64x8x128xf32, #tpu.memory_space<vmem>> -> memref<1x8x128xf32, #tpu.memory_space<vmem>>
    %dma_start3A_2097 = tpu.memref_squeeze %dma_start3A_2096 : memref<1x8x128xf32, #tpu.memory_space<vmem>> -> memref<8x128xf32, #tpu.memory_space<vmem>>
    tpu.enqueue_dma source(%dma_start3A_2097 : memref<8x128xf32, #tpu.memory_space<vmem>>) target(%dma_start3A_2093 : memref<8x128xf32, #tpu.memory_space<hbm>>) target_semaphore(%arg8 : memref<!tpu.dma_semaphore, #tpu.memory_space<semaphore_mem>>)
    %get3A_2098 = arith.constant 55 : index
    %get3A_2099 = memref.load %arg0[%get3A_2098] : memref<64xi32, #tpu.memory_space<smem>>
    %mul3A_2100 = arith.constant 128 : i32
    %mul3A_2101 = arith.muli %get3A_2099, %mul3A_2100 : i32
    %dma_start3A_2102 = arith.constant 55 : i32
    %dma_start3A_2103 = arith.constant 48 : i32
    %dma_start3A_2104 = tpu.memref_slice %arg4[%dma_start3A_2103, %mul3A_2101] : memref<64x100000xf32, #tpu.memory_space<hbm>> -> memref<8x128xf32, #tpu.memory_space<hbm>>
    %dma_start3A_2105 = arith.constant 0 : i32
    %dma_start3A_2106 = arith.constant 0 : i32
    %dma_start3A_2107 = tpu.memref_slice %arg5[%dma_start3A_2102, %dma_start3A_2105, %dma_start3A_2106] : memref<64x8x128xf32, #tpu.memory_space<vmem>> -> memref<1x8x128xf32, #tpu.memory_space<vmem>>
    %dma_start3A_2108 = tpu.memref_squeeze %dma_start3A_2107 : memref<1x8x128xf32, #tpu.memory_space<vmem>> -> memref<8x128xf32, #tpu.memory_space<vmem>>
    tpu.enqueue_dma source(%dma_start3A_2108 : memref<8x128xf32, #tpu.memory_space<vmem>>) target(%dma_start3A_2104 : memref<8x128xf32, #tpu.memory_space<hbm>>) target_semaphore(%arg8 : memref<!tpu.dma_semaphore, #tpu.memory_space<semaphore_mem>>)
    %get3A_2109 = arith.constant 56 : index
    %get3A_2110 = memref.load %arg0[%get3A_2109] : memref<64xi32, #tpu.memory_space<smem>>
    %mul3A_2111 = arith.constant 128 : i32
    %mul3A_2112 = arith.muli %get3A_2110, %mul3A_2111 : i32
    %dma_start3A_2113 = arith.constant 56 : i32
    %dma_start3A_2114 = arith.constant 56 : i32
    %dma_start3A_2115 = tpu.memref_slice %arg4[%dma_start3A_2114, %mul3A_2112] : memref<64x100000xf32, #tpu.memory_space<hbm>> -> memref<8x128xf32, #tpu.memory_space<hbm>>
    %dma_start3A_2116 = arith.constant 0 : i32
    %dma_start3A_2117 = arith.constant 0 : i32
    %dma_start3A_2118 = tpu.memref_slice %arg5[%dma_start3A_2113, %dma_start3A_2116, %dma_start3A_2117] : memref<64x8x128xf32, #tpu.memory_space<vmem>> -> memref<1x8x128xf32, #tpu.memory_space<vmem>>
    %dma_start3A_2119 = tpu.memref_squeeze %dma_start3A_2118 : memref<1x8x128xf32, #tpu.memory_space<vmem>> -> memref<8x128xf32, #tpu.memory_space<vmem>>
    tpu.enqueue_dma source(%dma_start3A_2119 : memref<8x128xf32, #tpu.memory_space<vmem>>) target(%dma_start3A_2115 : memref<8x128xf32, #tpu.memory_space<hbm>>) target_semaphore(%arg8 : memref<!tpu.dma_semaphore, #tpu.memory_space<semaphore_mem>>)
    %get3A_2120 = arith.constant 57 : index
    %get3A_2121 = memref.load %arg0[%get3A_2120] : memref<64xi32, #tpu.memory_space<smem>>
    %mul3A_2122 = arith.constant 128 : i32
    %mul3A_2123 = arith.muli %get3A_2121, %mul3A_2122 : i32
    %dma_start3A_2124 = arith.constant 57 : i32
    %dma_start3A_2125 = arith.constant 56 : i32
    %dma_start3A_2126 = tpu.memref_slice %arg4[%dma_start3A_2125, %mul3A_2123] : memref<64x100000xf32, #tpu.memory_space<hbm>> -> memref<8x128xf32, #tpu.memory_space<hbm>>
    %dma_start3A_2127 = arith.constant 0 : i32
    %dma_start3A_2128 = arith.constant 0 : i32
    %dma_start3A_2129 = tpu.memref_slice %arg5[%dma_start3A_2124, %dma_start3A_2127, %dma_start3A_2128] : memref<64x8x128xf32, #tpu.memory_space<vmem>> -> memref<1x8x128xf32, #tpu.memory_space<vmem>>
    %dma_start3A_2130 = tpu.memref_squeeze %dma_start3A_2129 : memref<1x8x128xf32, #tpu.memory_space<vmem>> -> memref<8x128xf32, #tpu.memory_space<vmem>>
    tpu.enqueue_dma source(%dma_start3A_2130 : memref<8x128xf32, #tpu.memory_space<vmem>>) target(%dma_start3A_2126 : memref<8x128xf32, #tpu.memory_space<hbm>>) target_semaphore(%arg8 : memref<!tpu.dma_semaphore, #tpu.memory_space<semaphore_mem>>)
    %get3A_2131 = arith.constant 58 : index
    %get3A_2132 = memref.load %arg0[%get3A_2131] : memref<64xi32, #tpu.memory_space<smem>>
    %mul3A_2133 = arith.constant 128 : i32
    %mul3A_2134 = arith.muli %get3A_2132, %mul3A_2133 : i32
    %dma_start3A_2135 = arith.constant 58 : i32
    %dma_start3A_2136 = arith.constant 56 : i32
    %dma_start3A_2137 = tpu.memref_slice %arg4[%dma_start3A_2136, %mul3A_2134] : memref<64x100000xf32, #tpu.memory_space<hbm>> -> memref<8x128xf32, #tpu.memory_space<hbm>>
    %dma_start3A_2138 = arith.constant 0 : i32
    %dma_start3A_2139 = arith.constant 0 : i32
    %dma_start3A_2140 = tpu.memref_slice %arg5[%dma_start3A_2135, %dma_start3A_2138, %dma_start3A_2139] : memref<64x8x128xf32, #tpu.memory_space<vmem>> -> memref<1x8x128xf32, #tpu.memory_space<vmem>>
    %dma_start3A_2141 = tpu.memref_squeeze %dma_start3A_2140 : memref<1x8x128xf32, #tpu.memory_space<vmem>> -> memref<8x128xf32, #tpu.memory_space<vmem>>
    tpu.enqueue_dma source(%dma_start3A_2141 : memref<8x128xf32, #tpu.memory_space<vmem>>) target(%dma_start3A_2137 : memref<8x128xf32, #tpu.memory_space<hbm>>) target_semaphore(%arg8 : memref<!tpu.dma_semaphore, #tpu.memory_space<semaphore_mem>>)
    %get3A_2142 = arith.constant 59 : index
    %get3A_2143 = memref.load %arg0[%get3A_2142] : memref<64xi32, #tpu.memory_space<smem>>
    %mul3A_2144 = arith.constant 128 : i32
    %mul3A_2145 = arith.muli %get3A_2143, %mul3A_2144 : i32
    %dma_start3A_2146 = arith.constant 59 : i32
    %dma_start3A_2147 = arith.constant 56 : i32
    %dma_start3A_2148 = tpu.memref_slice %arg4[%dma_start3A_2147, %mul3A_2145] : memref<64x100000xf32, #tpu.memory_space<hbm>> -> memref<8x128xf32, #tpu.memory_space<hbm>>
    %dma_start3A_2149 = arith.constant 0 : i32
    %dma_start3A_2150 = arith.constant 0 : i32
    %dma_start3A_2151 = tpu.memref_slice %arg5[%dma_start3A_2146, %dma_start3A_2149, %dma_start3A_2150] : memref<64x8x128xf32, #tpu.memory_space<vmem>> -> memref<1x8x128xf32, #tpu.memory_space<vmem>>
    %dma_start3A_2152 = tpu.memref_squeeze %dma_start3A_2151 : memref<1x8x128xf32, #tpu.memory_space<vmem>> -> memref<8x128xf32, #tpu.memory_space<vmem>>
    tpu.enqueue_dma source(%dma_start3A_2152 : memref<8x128xf32, #tpu.memory_space<vmem>>) target(%dma_start3A_2148 : memref<8x128xf32, #tpu.memory_space<hbm>>) target_semaphore(%arg8 : memref<!tpu.dma_semaphore, #tpu.memory_space<semaphore_mem>>)
    %get3A_2153 = arith.constant 60 : index
    %get3A_2154 = memref.load %arg0[%get3A_2153] : memref<64xi32, #tpu.memory_space<smem>>
    %mul3A_2155 = arith.constant 128 : i32
    %mul3A_2156 = arith.muli %get3A_2154, %mul3A_2155 : i32
    %dma_start3A_2157 = arith.constant 60 : i32
    %dma_start3A_2158 = arith.constant 56 : i32
    %dma_start3A_2159 = tpu.memref_slice %arg4[%dma_start3A_2158, %mul3A_2156] : memref<64x100000xf32, #tpu.memory_space<hbm>> -> memref<8x128xf32, #tpu.memory_space<hbm>>
    %dma_start3A_2160 = arith.constant 0 : i32
    %dma_start3A_2161 = arith.constant 0 : i32
    %dma_start3A_2162 = tpu.memref_slice %arg5[%dma_start3A_2157, %dma_start3A_2160, %dma_start3A_2161] : memref<64x8x128xf32, #tpu.memory_space<vmem>> -> memref<1x8x128xf32, #tpu.memory_space<vmem>>
    %dma_start3A_2163 = tpu.memref_squeeze %dma_start3A_2162 : memref<1x8x128xf32, #tpu.memory_space<vmem>> -> memref<8x128xf32, #tpu.memory_space<vmem>>
    tpu.enqueue_dma source(%dma_start3A_2163 : memref<8x128xf32, #tpu.memory_space<vmem>>) target(%dma_start3A_2159 : memref<8x128xf32, #tpu.memory_space<hbm>>) target_semaphore(%arg8 : memref<!tpu.dma_semaphore, #tpu.memory_space<semaphore_mem>>)
    %get3A_2164 = arith.constant 61 : index
    %get3A_2165 = memref.load %arg0[%get3A_2164] : memref<64xi32, #tpu.memory_space<smem>>
    %mul3A_2166 = arith.constant 128 : i32
    %mul3A_2167 = arith.muli %get3A_2165, %mul3A_2166 : i32
    %dma_start3A_2168 = arith.constant 61 : i32
    %dma_start3A_2169 = arith.constant 56 : i32
    %dma_start3A_2170 = tpu.memref_slice %arg4[%dma_start3A_2169, %mul3A_2167] : memref<64x100000xf32, #tpu.memory_space<hbm>> -> memref<8x128xf32, #tpu.memory_space<hbm>>
    %dma_start3A_2171 = arith.constant 0 : i32
    %dma_start3A_2172 = arith.constant 0 : i32
    %dma_start3A_2173 = tpu.memref_slice %arg5[%dma_start3A_2168, %dma_start3A_2171, %dma_start3A_2172] : memref<64x8x128xf32, #tpu.memory_space<vmem>> -> memref<1x8x128xf32, #tpu.memory_space<vmem>>
    %dma_start3A_2174 = tpu.memref_squeeze %dma_start3A_2173 : memref<1x8x128xf32, #tpu.memory_space<vmem>> -> memref<8x128xf32, #tpu.memory_space<vmem>>
    tpu.enqueue_dma source(%dma_start3A_2174 : memref<8x128xf32, #tpu.memory_space<vmem>>) target(%dma_start3A_2170 : memref<8x128xf32, #tpu.memory_space<hbm>>) target_semaphore(%arg8 : memref<!tpu.dma_semaphore, #tpu.memory_space<semaphore_mem>>)
    %get3A_2175 = arith.constant 62 : index
    %get3A_2176 = memref.load %arg0[%get3A_2175] : memref<64xi32, #tpu.memory_space<smem>>
    %mul3A_2177 = arith.constant 128 : i32
    %mul3A_2178 = arith.muli %get3A_2176, %mul3A_2177 : i32
    %dma_start3A_2179 = arith.constant 62 : i32
    %dma_start3A_2180 = arith.constant 56 : i32
    %dma_start3A_2181 = tpu.memref_slice %arg4[%dma_start3A_2180, %mul3A_2178] : memref<64x100000xf32, #tpu.memory_space<hbm>> -> memref<8x128xf32, #tpu.memory_space<hbm>>
    %dma_start3A_2182 = arith.constant 0 : i32
    %dma_start3A_2183 = arith.constant 0 : i32
    %dma_start3A_2184 = tpu.memref_slice %arg5[%dma_start3A_2179, %dma_start3A_2182, %dma_start3A_2183] : memref<64x8x128xf32, #tpu.memory_space<vmem>> -> memref<1x8x128xf32, #tpu.memory_space<vmem>>
    %dma_start3A_2185 = tpu.memref_squeeze %dma_start3A_2184 : memref<1x8x128xf32, #tpu.memory_space<vmem>> -> memref<8x128xf32, #tpu.memory_space<vmem>>
    tpu.enqueue_dma source(%dma_start3A_2185 : memref<8x128xf32, #tpu.memory_space<vmem>>) target(%dma_start3A_2181 : memref<8x128xf32, #tpu.memory_space<hbm>>) target_semaphore(%arg8 : memref<!tpu.dma_semaphore, #tpu.memory_space<semaphore_mem>>)
    %get3A_2186 = arith.constant 63 : index
    %get3A_2187 = memref.load %arg0[%get3A_2186] : memref<64xi32, #tpu.memory_space<smem>>
    %mul3A_2188 = arith.constant 128 : i32
    %mul3A_2189 = arith.muli %get3A_2187, %mul3A_2188 : i32
    %dma_start3A_2190 = arith.constant 63 : i32
    %dma_start3A_2191 = arith.constant 56 : i32
    %dma_start3A_2192 = tpu.memref_slice %arg4[%dma_start3A_2191, %mul3A_2189] : memref<64x100000xf32, #tpu.memory_space<hbm>> -> memref<8x128xf32, #tpu.memory_space<hbm>>
    %dma_start3A_2193 = arith.constant 0 : i32
    %dma_start3A_2194 = arith.constant 0 : i32
    %dma_start3A_2195 = tpu.memref_slice %arg5[%dma_start3A_2190, %dma_start3A_2193, %dma_start3A_2194] : memref<64x8x128xf32, #tpu.memory_space<vmem>> -> memref<1x8x128xf32, #tpu.memory_space<vmem>>
    %dma_start3A_2196 = tpu.memref_squeeze %dma_start3A_2195 : memref<1x8x128xf32, #tpu.memory_space<vmem>> -> memref<8x128xf32, #tpu.memory_space<vmem>>
    tpu.enqueue_dma source(%dma_start3A_2196 : memref<8x128xf32, #tpu.memory_space<vmem>>) target(%dma_start3A_2192 : memref<8x128xf32, #tpu.memory_space<hbm>>) target_semaphore(%arg8 : memref<!tpu.dma_semaphore, #tpu.memory_space<semaphore_mem>>)
    %dma_start3A_2197 = arith.constant 0 : i32
    %dma_start3A_2198 = tpu.memref_slice %arg4[%dma_start3A_2197, %min3A_1492] : memref<64x100000xf32, #tpu.memory_space<hbm>> -> memref<8x1792xf32, #tpu.memory_space<hbm>>
    %dma_start3A_2199 = arith.constant 0 : i32
    %dma_start3A_2200 = arith.constant 0 : i32
    %dma_start3A_2201 = tpu.memref_slice %arg6[%dma_start3A_2199, %dma_start3A_2200] : memref<64x1792xf32, #tpu.memory_space<vmem>> -> memref<8x1792xf32, #tpu.memory_space<vmem>>
    tpu.enqueue_dma source(%dma_start3A_2201 : memref<8x1792xf32, #tpu.memory_space<vmem>>) target(%dma_start3A_2198 : memref<8x1792xf32, #tpu.memory_space<hbm>>) target_semaphore(%arg8 : memref<!tpu.dma_semaphore, #tpu.memory_space<semaphore_mem>>)
    %dma_start3A_2202 = arith.constant 8 : i32
    %dma_start3A_2203 = tpu.memref_slice %arg4[%dma_start3A_2202, %min3A_1492] : memref<64x100000xf32, #tpu.memory_space<hbm>> -> memref<8x1792xf32, #tpu.memory_space<hbm>>
    %dma_start3A_2204 = arith.constant 8 : i32
    %dma_start3A_2205 = arith.constant 0 : i32
    %dma_start3A_2206 = tpu.memref_slice %arg6[%dma_start3A_2204, %dma_start3A_2205] : memref<64x1792xf32, #tpu.memory_space<vmem>> -> memref<8x1792xf32, #tpu.memory_space<vmem>>
    tpu.enqueue_dma source(%dma_start3A_2206 : memref<8x1792xf32, #tpu.memory_space<vmem>>) target(%dma_start3A_2203 : memref<8x1792xf32, #tpu.memory_space<hbm>>) target_semaphore(%arg8 : memref<!tpu.dma_semaphore, #tpu.memory_space<semaphore_mem>>)
    %dma_start3A_2207 = arith.constant 16 : i32
    %dma_start3A_2208 = tpu.memref_slice %arg4[%dma_start3A_2207, %min3A_1492] : memref<64x100000xf32, #tpu.memory_space<hbm>> -> memref<8x1792xf32, #tpu.memory_space<hbm>>
    %dma_start3A_2209 = arith.constant 16 : i32
    %dma_start3A_2210 = arith.constant 0 : i32
    %dma_start3A_2211 = tpu.memref_slice %arg6[%dma_start3A_2209, %dma_start3A_2210] : memref<64x1792xf32, #tpu.memory_space<vmem>> -> memref<8x1792xf32, #tpu.memory_space<vmem>>
    tpu.enqueue_dma source(%dma_start3A_2211 : memref<8x1792xf32, #tpu.memory_space<vmem>>) target(%dma_start3A_2208 : memref<8x1792xf32, #tpu.memory_space<hbm>>) target_semaphore(%arg8 : memref<!tpu.dma_semaphore, #tpu.memory_space<semaphore_mem>>)
    %dma_start3A_2212 = arith.constant 24 : i32
    %dma_start3A_2213 = tpu.memref_slice %arg4[%dma_start3A_2212, %min3A_1492] : memref<64x100000xf32, #tpu.memory_space<hbm>> -> memref<8x1792xf32, #tpu.memory_space<hbm>>
    %dma_start3A_2214 = arith.constant 24 : i32
    %dma_start3A_2215 = arith.constant 0 : i32
    %dma_start3A_2216 = tpu.memref_slice %arg6[%dma_start3A_2214, %dma_start3A_2215] : memref<64x1792xf32, #tpu.memory_space<vmem>> -> memref<8x1792xf32, #tpu.memory_space<vmem>>
    tpu.enqueue_dma source(%dma_start3A_2216 : memref<8x1792xf32, #tpu.memory_space<vmem>>) target(%dma_start3A_2213 : memref<8x1792xf32, #tpu.memory_space<hbm>>) target_semaphore(%arg8 : memref<!tpu.dma_semaphore, #tpu.memory_space<semaphore_mem>>)
    %dma_start3A_2217 = arith.constant 32 : i32
    %dma_start3A_2218 = tpu.memref_slice %arg4[%dma_start3A_2217, %min3A_1492] : memref<64x100000xf32, #tpu.memory_space<hbm>> -> memref<8x1792xf32, #tpu.memory_space<hbm>>
    %dma_start3A_2219 = arith.constant 32 : i32
    %dma_start3A_2220 = arith.constant 0 : i32
    %dma_start3A_2221 = tpu.memref_slice %arg6[%dma_start3A_2219, %dma_start3A_2220] : memref<64x1792xf32, #tpu.memory_space<vmem>> -> memref<8x1792xf32, #tpu.memory_space<vmem>>
    tpu.enqueue_dma source(%dma_start3A_2221 : memref<8x1792xf32, #tpu.memory_space<vmem>>) target(%dma_start3A_2218 : memref<8x1792xf32, #tpu.memory_space<hbm>>) target_semaphore(%arg8 : memref<!tpu.dma_semaphore, #tpu.memory_space<semaphore_mem>>)
    %dma_start3A_2222 = arith.constant 40 : i32
    %dma_start3A_2223 = tpu.memref_slice %arg4[%dma_start3A_2222, %min3A_1492] : memref<64x100000xf32, #tpu.memory_space<hbm>> -> memref<8x1792xf32, #tpu.memory_space<hbm>>
    %dma_start3A_2224 = arith.constant 40 : i32
    %dma_start3A_2225 = arith.constant 0 : i32
    %dma_start3A_2226 = tpu.memref_slice %arg6[%dma_start3A_2224, %dma_start3A_2225] : memref<64x1792xf32, #tpu.memory_space<vmem>> -> memref<8x1792xf32, #tpu.memory_space<vmem>>
    tpu.enqueue_dma source(%dma_start3A_2226 : memref<8x1792xf32, #tpu.memory_space<vmem>>) target(%dma_start3A_2223 : memref<8x1792xf32, #tpu.memory_space<hbm>>) target_semaphore(%arg8 : memref<!tpu.dma_semaphore, #tpu.memory_space<semaphore_mem>>)
    %dma_start3A_2227 = arith.constant 48 : i32
    %dma_start3A_2228 = tpu.memref_slice %arg4[%dma_start3A_2227, %min3A_1492] : memref<64x100000xf32, #tpu.memory_space<hbm>> -> memref<8x1792xf32, #tpu.memory_space<hbm>>
    %dma_start3A_2229 = arith.constant 48 : i32
    %dma_start3A_2230 = arith.constant 0 : i32
    %dma_start3A_2231 = tpu.memref_slice %arg6[%dma_start3A_2229, %dma_start3A_2230] : memref<64x1792xf32, #tpu.memory_space<vmem>> -> memref<8x1792xf32, #tpu.memory_space<vmem>>
    tpu.enqueue_dma source(%dma_start3A_2231 : memref<8x1792xf32, #tpu.memory_space<vmem>>) target(%dma_start3A_2228 : memref<8x1792xf32, #tpu.memory_space<hbm>>) target_semaphore(%arg8 : memref<!tpu.dma_semaphore, #tpu.memory_space<semaphore_mem>>)
    %dma_start3A_2232 = arith.constant 56 : i32
    %dma_start3A_2233 = tpu.memref_slice %arg4[%dma_start3A_2232, %min3A_1492] : memref<64x100000xf32, #tpu.memory_space<hbm>> -> memref<8x1792xf32, #tpu.memory_space<hbm>>
    %dma_start3A_2234 = arith.constant 56 : i32
    %dma_start3A_2235 = arith.constant 0 : i32
    %dma_start3A_2236 = tpu.memref_slice %arg6[%dma_start3A_2234, %dma_start3A_2235] : memref<64x1792xf32, #tpu.memory_space<vmem>> -> memref<8x1792xf32, #tpu.memory_space<vmem>>
    tpu.enqueue_dma source(%dma_start3A_2236 : memref<8x1792xf32, #tpu.memory_space<vmem>>) target(%dma_start3A_2233 : memref<8x1792xf32, #tpu.memory_space<hbm>>) target_semaphore(%arg8 : memref<!tpu.dma_semaphore, #tpu.memory_space<semaphore_mem>>)
    %dma_wait3A_2237 = arith.constant 0 : i32
    %dma_wait3A_2238 = arith.constant 0 : i32
    %dma_wait3A_2239 = tpu.memref_slice %arg4[%dma_wait3A_2238, %mul3A_1496] : memref<64x100000xf32, #tpu.memory_space<hbm>> -> memref<8x128xf32, #tpu.memory_space<hbm>>
    %dma_wait3A_2240 = arith.constant 0 : i32
    %dma_wait3A_2241 = arith.constant 0 : i32
    %dma_wait3A_2242 = tpu.memref_slice %arg5[%dma_wait3A_2237, %dma_wait3A_2240, %dma_wait3A_2241] : memref<64x8x128xf32, #tpu.memory_space<vmem>> -> memref<1x8x128xf32, #tpu.memory_space<vmem>>
    %dma_wait3A_2243 = tpu.memref_squeeze %dma_wait3A_2242 : memref<1x8x128xf32, #tpu.memory_space<vmem>> -> memref<8x128xf32, #tpu.memory_space<vmem>>
    tpu.wait_dma2 semaphore(%arg8 : memref<!tpu.dma_semaphore, #tpu.memory_space<semaphore_mem>>) src(%dma_wait3A_2243 : memref<8x128xf32, #tpu.memory_space<vmem>>) dst(%dma_wait3A_2239 : memref<8x128xf32, #tpu.memory_space<hbm>>)
    %dma_wait3A_2244 = arith.constant 1 : i32
    %dma_wait3A_2245 = arith.constant 0 : i32
    %dma_wait3A_2246 = tpu.memref_slice %arg4[%dma_wait3A_2245, %mul3A_1507] : memref<64x100000xf32, #tpu.memory_space<hbm>> -> memref<8x128xf32, #tpu.memory_space<hbm>>
    %dma_wait3A_2247 = arith.constant 0 : i32
    %dma_wait3A_2248 = arith.constant 0 : i32
    %dma_wait3A_2249 = tpu.memref_slice %arg5[%dma_wait3A_2244, %dma_wait3A_2247, %dma_wait3A_2248] : memref<64x8x128xf32, #tpu.memory_space<vmem>> -> memref<1x8x128xf32, #tpu.memory_space<vmem>>
    %dma_wait3A_2250 = tpu.memref_squeeze %dma_wait3A_2249 : memref<1x8x128xf32, #tpu.memory_space<vmem>> -> memref<8x128xf32, #tpu.memory_space<vmem>>
    tpu.wait_dma2 semaphore(%arg8 : memref<!tpu.dma_semaphore, #tpu.memory_space<semaphore_mem>>) src(%dma_wait3A_2250 : memref<8x128xf32, #tpu.memory_space<vmem>>) dst(%dma_wait3A_2246 : memref<8x128xf32, #tpu.memory_space<hbm>>)
    %dma_wait3A_2251 = arith.constant 2 : i32
    %dma_wait3A_2252 = arith.constant 0 : i32
    %dma_wait3A_2253 = tpu.memref_slice %arg4[%dma_wait3A_2252, %mul3A_1518] : memref<64x100000xf32, #tpu.memory_space<hbm>> -> memref<8x128xf32, #tpu.memory_space<hbm>>
    %dma_wait3A_2254 = arith.constant 0 : i32
    %dma_wait3A_2255 = arith.constant 0 : i32
    %dma_wait3A_2256 = tpu.memref_slice %arg5[%dma_wait3A_2251, %dma_wait3A_2254, %dma_wait3A_2255] : memref<64x8x128xf32, #tpu.memory_space<vmem>> -> memref<1x8x128xf32, #tpu.memory_space<vmem>>
    %dma_wait3A_2257 = tpu.memref_squeeze %dma_wait3A_2256 : memref<1x8x128xf32, #tpu.memory_space<vmem>> -> memref<8x128xf32, #tpu.memory_space<vmem>>
    tpu.wait_dma2 semaphore(%arg8 : memref<!tpu.dma_semaphore, #tpu.memory_space<semaphore_mem>>) src(%dma_wait3A_2257 : memref<8x128xf32, #tpu.memory_space<vmem>>) dst(%dma_wait3A_2253 : memref<8x128xf32, #tpu.memory_space<hbm>>)
    %dma_wait3A_2258 = arith.constant 3 : i32
    %dma_wait3A_2259 = arith.constant 0 : i32
    %dma_wait3A_2260 = tpu.memref_slice %arg4[%dma_wait3A_2259, %mul3A_1529] : memref<64x100000xf32, #tpu.memory_space<hbm>> -> memref<8x128xf32, #tpu.memory_space<hbm>>
    %dma_wait3A_2261 = arith.constant 0 : i32
    %dma_wait3A_2262 = arith.constant 0 : i32
    %dma_wait3A_2263 = tpu.memref_slice %arg5[%dma_wait3A_2258, %dma_wait3A_2261, %dma_wait3A_2262] : memref<64x8x128xf32, #tpu.memory_space<vmem>> -> memref<1x8x128xf32, #tpu.memory_space<vmem>>
    %dma_wait3A_2264 = tpu.memref_squeeze %dma_wait3A_2263 : memref<1x8x128xf32, #tpu.memory_space<vmem>> -> memref<8x128xf32, #tpu.memory_space<vmem>>
    tpu.wait_dma2 semaphore(%arg8 : memref<!tpu.dma_semaphore, #tpu.memory_space<semaphore_mem>>) src(%dma_wait3A_2264 : memref<8x128xf32, #tpu.memory_space<vmem>>) dst(%dma_wait3A_2260 : memref<8x128xf32, #tpu.memory_space<hbm>>)
    %dma_wait3A_2265 = arith.constant 4 : i32
    %dma_wait3A_2266 = arith.constant 0 : i32
    %dma_wait3A_2267 = tpu.memref_slice %arg4[%dma_wait3A_2266, %mul3A_1540] : memref<64x100000xf32, #tpu.memory_space<hbm>> -> memref<8x128xf32, #tpu.memory_space<hbm>>
    %dma_wait3A_2268 = arith.constant 0 : i32
    %dma_wait3A_2269 = arith.constant 0 : i32
    %dma_wait3A_2270 = tpu.memref_slice %arg5[%dma_wait3A_2265, %dma_wait3A_2268, %dma_wait3A_2269] : memref<64x8x128xf32, #tpu.memory_space<vmem>> -> memref<1x8x128xf32, #tpu.memory_space<vmem>>
    %dma_wait3A_2271 = tpu.memref_squeeze %dma_wait3A_2270 : memref<1x8x128xf32, #tpu.memory_space<vmem>> -> memref<8x128xf32, #tpu.memory_space<vmem>>
    tpu.wait_dma2 semaphore(%arg8 : memref<!tpu.dma_semaphore, #tpu.memory_space<semaphore_mem>>) src(%dma_wait3A_2271 : memref<8x128xf32, #tpu.memory_space<vmem>>) dst(%dma_wait3A_2267 : memref<8x128xf32, #tpu.memory_space<hbm>>)
    %dma_wait3A_2272 = arith.constant 5 : i32
    %dma_wait3A_2273 = arith.constant 0 : i32
    %dma_wait3A_2274 = tpu.memref_slice %arg4[%dma_wait3A_2273, %mul3A_1551] : memref<64x100000xf32, #tpu.memory_space<hbm>> -> memref<8x128xf32, #tpu.memory_space<hbm>>
    %dma_wait3A_2275 = arith.constant 0 : i32
    %dma_wait3A_2276 = arith.constant 0 : i32
    %dma_wait3A_2277 = tpu.memref_slice %arg5[%dma_wait3A_2272, %dma_wait3A_2275, %dma_wait3A_2276] : memref<64x8x128xf32, #tpu.memory_space<vmem>> -> memref<1x8x128xf32, #tpu.memory_space<vmem>>
    %dma_wait3A_2278 = tpu.memref_squeeze %dma_wait3A_2277 : memref<1x8x128xf32, #tpu.memory_space<vmem>> -> memref<8x128xf32, #tpu.memory_space<vmem>>
    tpu.wait_dma2 semaphore(%arg8 : memref<!tpu.dma_semaphore, #tpu.memory_space<semaphore_mem>>) src(%dma_wait3A_2278 : memref<8x128xf32, #tpu.memory_space<vmem>>) dst(%dma_wait3A_2274 : memref<8x128xf32, #tpu.memory_space<hbm>>)
    %dma_wait3A_2279 = arith.constant 6 : i32
    %dma_wait3A_2280 = arith.constant 0 : i32
    %dma_wait3A_2281 = tpu.memref_slice %arg4[%dma_wait3A_2280, %mul3A_1562] : memref<64x100000xf32, #tpu.memory_space<hbm>> -> memref<8x128xf32, #tpu.memory_space<hbm>>
    %dma_wait3A_2282 = arith.constant 0 : i32
    %dma_wait3A_2283 = arith.constant 0 : i32
    %dma_wait3A_2284 = tpu.memref_slice %arg5[%dma_wait3A_2279, %dma_wait3A_2282, %dma_wait3A_2283] : memref<64x8x128xf32, #tpu.memory_space<vmem>> -> memref<1x8x128xf32, #tpu.memory_space<vmem>>
    %dma_wait3A_2285 = tpu.memref_squeeze %dma_wait3A_2284 : memref<1x8x128xf32, #tpu.memory_space<vmem>> -> memref<8x128xf32, #tpu.memory_space<vmem>>
    tpu.wait_dma2 semaphore(%arg8 : memref<!tpu.dma_semaphore, #tpu.memory_space<semaphore_mem>>) src(%dma_wait3A_2285 : memref<8x128xf32, #tpu.memory_space<vmem>>) dst(%dma_wait3A_2281 : memref<8x128xf32, #tpu.memory_space<hbm>>)
    %dma_wait3A_2286 = arith.constant 7 : i32
    %dma_wait3A_2287 = arith.constant 0 : i32
    %dma_wait3A_2288 = tpu.memref_slice %arg4[%dma_wait3A_2287, %mul3A_1573] : memref<64x100000xf32, #tpu.memory_space<hbm>> -> memref<8x128xf32, #tpu.memory_space<hbm>>
    %dma_wait3A_2289 = arith.constant 0 : i32
    %dma_wait3A_2290 = arith.constant 0 : i32
    %dma_wait3A_2291 = tpu.memref_slice %arg5[%dma_wait3A_2286, %dma_wait3A_2289, %dma_wait3A_2290] : memref<64x8x128xf32, #tpu.memory_space<vmem>> -> memref<1x8x128xf32, #tpu.memory_space<vmem>>
    %dma_wait3A_2292 = tpu.memref_squeeze %dma_wait3A_2291 : memref<1x8x128xf32, #tpu.memory_space<vmem>> -> memref<8x128xf32, #tpu.memory_space<vmem>>
    tpu.wait_dma2 semaphore(%arg8 : memref<!tpu.dma_semaphore, #tpu.memory_space<semaphore_mem>>) src(%dma_wait3A_2292 : memref<8x128xf32, #tpu.memory_space<vmem>>) dst(%dma_wait3A_2288 : memref<8x128xf32, #tpu.memory_space<hbm>>)
    %dma_wait3A_2293 = arith.constant 8 : i32
    %dma_wait3A_2294 = arith.constant 8 : i32
    %dma_wait3A_2295 = tpu.memref_slice %arg4[%dma_wait3A_2294, %mul3A_1584] : memref<64x100000xf32, #tpu.memory_space<hbm>> -> memref<8x128xf32, #tpu.memory_space<hbm>>
    %dma_wait3A_2296 = arith.constant 0 : i32
    %dma_wait3A_2297 = arith.constant 0 : i32
    %dma_wait3A_2298 = tpu.memref_slice %arg5[%dma_wait3A_2293, %dma_wait3A_2296, %dma_wait3A_2297] : memref<64x8x128xf32, #tpu.memory_space<vmem>> -> memref<1x8x128xf32, #tpu.memory_space<vmem>>
    %dma_wait3A_2299 = tpu.memref_squeeze %dma_wait3A_2298 : memref<1x8x128xf32, #tpu.memory_space<vmem>> -> memref<8x128xf32, #tpu.memory_space<vmem>>
    tpu.wait_dma2 semaphore(%arg8 : memref<!tpu.dma_semaphore, #tpu.memory_space<semaphore_mem>>) src(%dma_wait3A_2299 : memref<8x128xf32, #tpu.memory_space<vmem>>) dst(%dma_wait3A_2295 : memref<8x128xf32, #tpu.memory_space<hbm>>)
    %dma_wait3A_2300 = arith.constant 9 : i32
    %dma_wait3A_2301 = arith.constant 8 : i32
    %dma_wait3A_2302 = tpu.memref_slice %arg4[%dma_wait3A_2301, %mul3A_1595] : memref<64x100000xf32, #tpu.memory_space<hbm>> -> memref<8x128xf32, #tpu.memory_space<hbm>>
    %dma_wait3A_2303 = arith.constant 0 : i32
    %dma_wait3A_2304 = arith.constant 0 : i32
    %dma_wait3A_2305 = tpu.memref_slice %arg5[%dma_wait3A_2300, %dma_wait3A_2303, %dma_wait3A_2304] : memref<64x8x128xf32, #tpu.memory_space<vmem>> -> memref<1x8x128xf32, #tpu.memory_space<vmem>>
    %dma_wait3A_2306 = tpu.memref_squeeze %dma_wait3A_2305 : memref<1x8x128xf32, #tpu.memory_space<vmem>> -> memref<8x128xf32, #tpu.memory_space<vmem>>
    tpu.wait_dma2 semaphore(%arg8 : memref<!tpu.dma_semaphore, #tpu.memory_space<semaphore_mem>>) src(%dma_wait3A_2306 : memref<8x128xf32, #tpu.memory_space<vmem>>) dst(%dma_wait3A_2302 : memref<8x128xf32, #tpu.memory_space<hbm>>)
    %dma_wait3A_2307 = arith.constant 10 : i32
    %dma_wait3A_2308 = arith.constant 8 : i32
    %dma_wait3A_2309 = tpu.memref_slice %arg4[%dma_wait3A_2308, %mul3A_1606] : memref<64x100000xf32, #tpu.memory_space<hbm>> -> memref<8x128xf32, #tpu.memory_space<hbm>>
    %dma_wait3A_2310 = arith.constant 0 : i32
    %dma_wait3A_2311 = arith.constant 0 : i32
    %dma_wait3A_2312 = tpu.memref_slice %arg5[%dma_wait3A_2307, %dma_wait3A_2310, %dma_wait3A_2311] : memref<64x8x128xf32, #tpu.memory_space<vmem>> -> memref<1x8x128xf32, #tpu.memory_space<vmem>>
    %dma_wait3A_2313 = tpu.memref_squeeze %dma_wait3A_2312 : memref<1x8x128xf32, #tpu.memory_space<vmem>> -> memref<8x128xf32, #tpu.memory_space<vmem>>
    tpu.wait_dma2 semaphore(%arg8 : memref<!tpu.dma_semaphore, #tpu.memory_space<semaphore_mem>>) src(%dma_wait3A_2313 : memref<8x128xf32, #tpu.memory_space<vmem>>) dst(%dma_wait3A_2309 : memref<8x128xf32, #tpu.memory_space<hbm>>)
    %dma_wait3A_2314 = arith.constant 11 : i32
    %dma_wait3A_2315 = arith.constant 8 : i32
    %dma_wait3A_2316 = tpu.memref_slice %arg4[%dma_wait3A_2315, %mul3A_1617] : memref<64x100000xf32, #tpu.memory_space<hbm>> -> memref<8x128xf32, #tpu.memory_space<hbm>>
    %dma_wait3A_2317 = arith.constant 0 : i32
    %dma_wait3A_2318 = arith.constant 0 : i32
    %dma_wait3A_2319 = tpu.memref_slice %arg5[%dma_wait3A_2314, %dma_wait3A_2317, %dma_wait3A_2318] : memref<64x8x128xf32, #tpu.memory_space<vmem>> -> memref<1x8x128xf32, #tpu.memory_space<vmem>>
    %dma_wait3A_2320 = tpu.memref_squeeze %dma_wait3A_2319 : memref<1x8x128xf32, #tpu.memory_space<vmem>> -> memref<8x128xf32, #tpu.memory_space<vmem>>
    tpu.wait_dma2 semaphore(%arg8 : memref<!tpu.dma_semaphore, #tpu.memory_space<semaphore_mem>>) src(%dma_wait3A_2320 : memref<8x128xf32, #tpu.memory_space<vmem>>) dst(%dma_wait3A_2316 : memref<8x128xf32, #tpu.memory_space<hbm>>)
    %dma_wait3A_2321 = arith.constant 12 : i32
    %dma_wait3A_2322 = arith.constant 8 : i32
    %dma_wait3A_2323 = tpu.memref_slice %arg4[%dma_wait3A_2322, %mul3A_1628] : memref<64x100000xf32, #tpu.memory_space<hbm>> -> memref<8x128xf32, #tpu.memory_space<hbm>>
    %dma_wait3A_2324 = arith.constant 0 : i32
    %dma_wait3A_2325 = arith.constant 0 : i32
    %dma_wait3A_2326 = tpu.memref_slice %arg5[%dma_wait3A_2321, %dma_wait3A_2324, %dma_wait3A_2325] : memref<64x8x128xf32, #tpu.memory_space<vmem>> -> memref<1x8x128xf32, #tpu.memory_space<vmem>>
    %dma_wait3A_2327 = tpu.memref_squeeze %dma_wait3A_2326 : memref<1x8x128xf32, #tpu.memory_space<vmem>> -> memref<8x128xf32, #tpu.memory_space<vmem>>
    tpu.wait_dma2 semaphore(%arg8 : memref<!tpu.dma_semaphore, #tpu.memory_space<semaphore_mem>>) src(%dma_wait3A_2327 : memref<8x128xf32, #tpu.memory_space<vmem>>) dst(%dma_wait3A_2323 : memref<8x128xf32, #tpu.memory_space<hbm>>)
    %dma_wait3A_2328 = arith.constant 13 : i32
    %dma_wait3A_2329 = arith.constant 8 : i32
    %dma_wait3A_2330 = tpu.memref_slice %arg4[%dma_wait3A_2329, %mul3A_1639] : memref<64x100000xf32, #tpu.memory_space<hbm>> -> memref<8x128xf32, #tpu.memory_space<hbm>>
    %dma_wait3A_2331 = arith.constant 0 : i32
    %dma_wait3A_2332 = arith.constant 0 : i32
    %dma_wait3A_2333 = tpu.memref_slice %arg5[%dma_wait3A_2328, %dma_wait3A_2331, %dma_wait3A_2332] : memref<64x8x128xf32, #tpu.memory_space<vmem>> -> memref<1x8x128xf32, #tpu.memory_space<vmem>>
    %dma_wait3A_2334 = tpu.memref_squeeze %dma_wait3A_2333 : memref<1x8x128xf32, #tpu.memory_space<vmem>> -> memref<8x128xf32, #tpu.memory_space<vmem>>
    tpu.wait_dma2 semaphore(%arg8 : memref<!tpu.dma_semaphore, #tpu.memory_space<semaphore_mem>>) src(%dma_wait3A_2334 : memref<8x128xf32, #tpu.memory_space<vmem>>) dst(%dma_wait3A_2330 : memref<8x128xf32, #tpu.memory_space<hbm>>)
    %dma_wait3A_2335 = arith.constant 14 : i32
    %dma_wait3A_2336 = arith.constant 8 : i32
    %dma_wait3A_2337 = tpu.memref_slice %arg4[%dma_wait3A_2336, %mul3A_1650] : memref<64x100000xf32, #tpu.memory_space<hbm>> -> memref<8x128xf32, #tpu.memory_space<hbm>>
    %dma_wait3A_2338 = arith.constant 0 : i32
    %dma_wait3A_2339 = arith.constant 0 : i32
    %dma_wait3A_2340 = tpu.memref_slice %arg5[%dma_wait3A_2335, %dma_wait3A_2338, %dma_wait3A_2339] : memref<64x8x128xf32, #tpu.memory_space<vmem>> -> memref<1x8x128xf32, #tpu.memory_space<vmem>>
    %dma_wait3A_2341 = tpu.memref_squeeze %dma_wait3A_2340 : memref<1x8x128xf32, #tpu.memory_space<vmem>> -> memref<8x128xf32, #tpu.memory_space<vmem>>
    tpu.wait_dma2 semaphore(%arg8 : memref<!tpu.dma_semaphore, #tpu.memory_space<semaphore_mem>>) src(%dma_wait3A_2341 : memref<8x128xf32, #tpu.memory_space<vmem>>) dst(%dma_wait3A_2337 : memref<8x128xf32, #tpu.memory_space<hbm>>)
    %dma_wait3A_2342 = arith.constant 15 : i32
    %dma_wait3A_2343 = arith.constant 8 : i32
    %dma_wait3A_2344 = tpu.memref_slice %arg4[%dma_wait3A_2343, %mul3A_1661] : memref<64x100000xf32, #tpu.memory_space<hbm>> -> memref<8x128xf32, #tpu.memory_space<hbm>>
    %dma_wait3A_2345 = arith.constant 0 : i32
    %dma_wait3A_2346 = arith.constant 0 : i32
    %dma_wait3A_2347 = tpu.memref_slice %arg5[%dma_wait3A_2342, %dma_wait3A_2345, %dma_wait3A_2346] : memref<64x8x128xf32, #tpu.memory_space<vmem>> -> memref<1x8x128xf32, #tpu.memory_space<vmem>>
    %dma_wait3A_2348 = tpu.memref_squeeze %dma_wait3A_2347 : memref<1x8x128xf32, #tpu.memory_space<vmem>> -> memref<8x128xf32, #tpu.memory_space<vmem>>
    tpu.wait_dma2 semaphore(%arg8 : memref<!tpu.dma_semaphore, #tpu.memory_space<semaphore_mem>>) src(%dma_wait3A_2348 : memref<8x128xf32, #tpu.memory_space<vmem>>) dst(%dma_wait3A_2344 : memref<8x128xf32, #tpu.memory_space<hbm>>)
    %dma_wait3A_2349 = arith.constant 16 : i32
    %dma_wait3A_2350 = arith.constant 16 : i32
    %dma_wait3A_2351 = tpu.memref_slice %arg4[%dma_wait3A_2350, %mul3A_1672] : memref<64x100000xf32, #tpu.memory_space<hbm>> -> memref<8x128xf32, #tpu.memory_space<hbm>>
    %dma_wait3A_2352 = arith.constant 0 : i32
    %dma_wait3A_2353 = arith.constant 0 : i32
    %dma_wait3A_2354 = tpu.memref_slice %arg5[%dma_wait3A_2349, %dma_wait3A_2352, %dma_wait3A_2353] : memref<64x8x128xf32, #tpu.memory_space<vmem>> -> memref<1x8x128xf32, #tpu.memory_space<vmem>>
    %dma_wait3A_2355 = tpu.memref_squeeze %dma_wait3A_2354 : memref<1x8x128xf32, #tpu.memory_space<vmem>> -> memref<8x128xf32, #tpu.memory_space<vmem>>
    tpu.wait_dma2 semaphore(%arg8 : memref<!tpu.dma_semaphore, #tpu.memory_space<semaphore_mem>>) src(%dma_wait3A_2355 : memref<8x128xf32, #tpu.memory_space<vmem>>) dst(%dma_wait3A_2351 : memref<8x128xf32, #tpu.memory_space<hbm>>)
    %dma_wait3A_2356 = arith.constant 17 : i32
    %dma_wait3A_2357 = arith.constant 16 : i32
    %dma_wait3A_2358 = tpu.memref_slice %arg4[%dma_wait3A_2357, %mul3A_1683] : memref<64x100000xf32, #tpu.memory_space<hbm>> -> memref<8x128xf32, #tpu.memory_space<hbm>>
    %dma_wait3A_2359 = arith.constant 0 : i32
    %dma_wait3A_2360 = arith.constant 0 : i32
    %dma_wait3A_2361 = tpu.memref_slice %arg5[%dma_wait3A_2356, %dma_wait3A_2359, %dma_wait3A_2360] : memref<64x8x128xf32, #tpu.memory_space<vmem>> -> memref<1x8x128xf32, #tpu.memory_space<vmem>>
    %dma_wait3A_2362 = tpu.memref_squeeze %dma_wait3A_2361 : memref<1x8x128xf32, #tpu.memory_space<vmem>> -> memref<8x128xf32, #tpu.memory_space<vmem>>
    tpu.wait_dma2 semaphore(%arg8 : memref<!tpu.dma_semaphore, #tpu.memory_space<semaphore_mem>>) src(%dma_wait3A_2362 : memref<8x128xf32, #tpu.memory_space<vmem>>) dst(%dma_wait3A_2358 : memref<8x128xf32, #tpu.memory_space<hbm>>)
    %dma_wait3A_2363 = arith.constant 18 : i32
    %dma_wait3A_2364 = arith.constant 16 : i32
    %dma_wait3A_2365 = tpu.memref_slice %arg4[%dma_wait3A_2364, %mul3A_1694] : memref<64x100000xf32, #tpu.memory_space<hbm>> -> memref<8x128xf32, #tpu.memory_space<hbm>>
    %dma_wait3A_2366 = arith.constant 0 : i32
    %dma_wait3A_2367 = arith.constant 0 : i32
    %dma_wait3A_2368 = tpu.memref_slice %arg5[%dma_wait3A_2363, %dma_wait3A_2366, %dma_wait3A_2367] : memref<64x8x128xf32, #tpu.memory_space<vmem>> -> memref<1x8x128xf32, #tpu.memory_space<vmem>>
    %dma_wait3A_2369 = tpu.memref_squeeze %dma_wait3A_2368 : memref<1x8x128xf32, #tpu.memory_space<vmem>> -> memref<8x128xf32, #tpu.memory_space<vmem>>
    tpu.wait_dma2 semaphore(%arg8 : memref<!tpu.dma_semaphore, #tpu.memory_space<semaphore_mem>>) src(%dma_wait3A_2369 : memref<8x128xf32, #tpu.memory_space<vmem>>) dst(%dma_wait3A_2365 : memref<8x128xf32, #tpu.memory_space<hbm>>)
    %dma_wait3A_2370 = arith.constant 19 : i32
    %dma_wait3A_2371 = arith.constant 16 : i32
    %dma_wait3A_2372 = tpu.memref_slice %arg4[%dma_wait3A_2371, %mul3A_1705] : memref<64x100000xf32, #tpu.memory_space<hbm>> -> memref<8x128xf32, #tpu.memory_space<hbm>>
    %dma_wait3A_2373 = arith.constant 0 : i32
    %dma_wait3A_2374 = arith.constant 0 : i32
    %dma_wait3A_2375 = tpu.memref_slice %arg5[%dma_wait3A_2370, %dma_wait3A_2373, %dma_wait3A_2374] : memref<64x8x128xf32, #tpu.memory_space<vmem>> -> memref<1x8x128xf32, #tpu.memory_space<vmem>>
    %dma_wait3A_2376 = tpu.memref_squeeze %dma_wait3A_2375 : memref<1x8x128xf32, #tpu.memory_space<vmem>> -> memref<8x128xf32, #tpu.memory_space<vmem>>
    tpu.wait_dma2 semaphore(%arg8 : memref<!tpu.dma_semaphore, #tpu.memory_space<semaphore_mem>>) src(%dma_wait3A_2376 : memref<8x128xf32, #tpu.memory_space<vmem>>) dst(%dma_wait3A_2372 : memref<8x128xf32, #tpu.memory_space<hbm>>)
    %dma_wait3A_2377 = arith.constant 20 : i32
    %dma_wait3A_2378 = arith.constant 16 : i32
    %dma_wait3A_2379 = tpu.memref_slice %arg4[%dma_wait3A_2378, %mul3A_1716] : memref<64x100000xf32, #tpu.memory_space<hbm>> -> memref<8x128xf32, #tpu.memory_space<hbm>>
    %dma_wait3A_2380 = arith.constant 0 : i32
    %dma_wait3A_2381 = arith.constant 0 : i32
    %dma_wait3A_2382 = tpu.memref_slice %arg5[%dma_wait3A_2377, %dma_wait3A_2380, %dma_wait3A_2381] : memref<64x8x128xf32, #tpu.memory_space<vmem>> -> memref<1x8x128xf32, #tpu.memory_space<vmem>>
    %dma_wait3A_2383 = tpu.memref_squeeze %dma_wait3A_2382 : memref<1x8x128xf32, #tpu.memory_space<vmem>> -> memref<8x128xf32, #tpu.memory_space<vmem>>
    tpu.wait_dma2 semaphore(%arg8 : memref<!tpu.dma_semaphore, #tpu.memory_space<semaphore_mem>>) src(%dma_wait3A_2383 : memref<8x128xf32, #tpu.memory_space<vmem>>) dst(%dma_wait3A_2379 : memref<8x128xf32, #tpu.memory_space<hbm>>)
    %dma_wait3A_2384 = arith.constant 21 : i32
    %dma_wait3A_2385 = arith.constant 16 : i32
    %dma_wait3A_2386 = tpu.memref_slice %arg4[%dma_wait3A_2385, %mul3A_1727] : memref<64x100000xf32, #tpu.memory_space<hbm>> -> memref<8x128xf32, #tpu.memory_space<hbm>>
    %dma_wait3A_2387 = arith.constant 0 : i32
    %dma_wait3A_2388 = arith.constant 0 : i32
    %dma_wait3A_2389 = tpu.memref_slice %arg5[%dma_wait3A_2384, %dma_wait3A_2387, %dma_wait3A_2388] : memref<64x8x128xf32, #tpu.memory_space<vmem>> -> memref<1x8x128xf32, #tpu.memory_space<vmem>>
    %dma_wait3A_2390 = tpu.memref_squeeze %dma_wait3A_2389 : memref<1x8x128xf32, #tpu.memory_space<vmem>> -> memref<8x128xf32, #tpu.memory_space<vmem>>
    tpu.wait_dma2 semaphore(%arg8 : memref<!tpu.dma_semaphore, #tpu.memory_space<semaphore_mem>>) src(%dma_wait3A_2390 : memref<8x128xf32, #tpu.memory_space<vmem>>) dst(%dma_wait3A_2386 : memref<8x128xf32, #tpu.memory_space<hbm>>)
    %dma_wait3A_2391 = arith.constant 22 : i32
    %dma_wait3A_2392 = arith.constant 16 : i32
    %dma_wait3A_2393 = tpu.memref_slice %arg4[%dma_wait3A_2392, %mul3A_1738] : memref<64x100000xf32, #tpu.memory_space<hbm>> -> memref<8x128xf32, #tpu.memory_space<hbm>>
    %dma_wait3A_2394 = arith.constant 0 : i32
    %dma_wait3A_2395 = arith.constant 0 : i32
    %dma_wait3A_2396 = tpu.memref_slice %arg5[%dma_wait3A_2391, %dma_wait3A_2394, %dma_wait3A_2395] : memref<64x8x128xf32, #tpu.memory_space<vmem>> -> memref<1x8x128xf32, #tpu.memory_space<vmem>>
    %dma_wait3A_2397 = tpu.memref_squeeze %dma_wait3A_2396 : memref<1x8x128xf32, #tpu.memory_space<vmem>> -> memref<8x128xf32, #tpu.memory_space<vmem>>
    tpu.wait_dma2 semaphore(%arg8 : memref<!tpu.dma_semaphore, #tpu.memory_space<semaphore_mem>>) src(%dma_wait3A_2397 : memref<8x128xf32, #tpu.memory_space<vmem>>) dst(%dma_wait3A_2393 : memref<8x128xf32, #tpu.memory_space<hbm>>)
    %dma_wait3A_2398 = arith.constant 23 : i32
    %dma_wait3A_2399 = arith.constant 16 : i32
    %dma_wait3A_2400 = tpu.memref_slice %arg4[%dma_wait3A_2399, %mul3A_1749] : memref<64x100000xf32, #tpu.memory_space<hbm>> -> memref<8x128xf32, #tpu.memory_space<hbm>>
    %dma_wait3A_2401 = arith.constant 0 : i32
    %dma_wait3A_2402 = arith.constant 0 : i32
    %dma_wait3A_2403 = tpu.memref_slice %arg5[%dma_wait3A_2398, %dma_wait3A_2401, %dma_wait3A_2402] : memref<64x8x128xf32, #tpu.memory_space<vmem>> -> memref<1x8x128xf32, #tpu.memory_space<vmem>>
    %dma_wait3A_2404 = tpu.memref_squeeze %dma_wait3A_2403 : memref<1x8x128xf32, #tpu.memory_space<vmem>> -> memref<8x128xf32, #tpu.memory_space<vmem>>
    tpu.wait_dma2 semaphore(%arg8 : memref<!tpu.dma_semaphore, #tpu.memory_space<semaphore_mem>>) src(%dma_wait3A_2404 : memref<8x128xf32, #tpu.memory_space<vmem>>) dst(%dma_wait3A_2400 : memref<8x128xf32, #tpu.memory_space<hbm>>)
    %dma_wait3A_2405 = arith.constant 24 : i32
    %dma_wait3A_2406 = arith.constant 24 : i32
    %dma_wait3A_2407 = tpu.memref_slice %arg4[%dma_wait3A_2406, %mul3A_1760] : memref<64x100000xf32, #tpu.memory_space<hbm>> -> memref<8x128xf32, #tpu.memory_space<hbm>>
    %dma_wait3A_2408 = arith.constant 0 : i32
    %dma_wait3A_2409 = arith.constant 0 : i32
    %dma_wait3A_2410 = tpu.memref_slice %arg5[%dma_wait3A_2405, %dma_wait3A_2408, %dma_wait3A_2409] : memref<64x8x128xf32, #tpu.memory_space<vmem>> -> memref<1x8x128xf32, #tpu.memory_space<vmem>>
    %dma_wait3A_2411 = tpu.memref_squeeze %dma_wait3A_2410 : memref<1x8x128xf32, #tpu.memory_space<vmem>> -> memref<8x128xf32, #tpu.memory_space<vmem>>
    tpu.wait_dma2 semaphore(%arg8 : memref<!tpu.dma_semaphore, #tpu.memory_space<semaphore_mem>>) src(%dma_wait3A_2411 : memref<8x128xf32, #tpu.memory_space<vmem>>) dst(%dma_wait3A_2407 : memref<8x128xf32, #tpu.memory_space<hbm>>)
    %dma_wait3A_2412 = arith.constant 25 : i32
    %dma_wait3A_2413 = arith.constant 24 : i32
    %dma_wait3A_2414 = tpu.memref_slice %arg4[%dma_wait3A_2413, %mul3A_1771] : memref<64x100000xf32, #tpu.memory_space<hbm>> -> memref<8x128xf32, #tpu.memory_space<hbm>>
    %dma_wait3A_2415 = arith.constant 0 : i32
    %dma_wait3A_2416 = arith.constant 0 : i32
    %dma_wait3A_2417 = tpu.memref_slice %arg5[%dma_wait3A_2412, %dma_wait3A_2415, %dma_wait3A_2416] : memref<64x8x128xf32, #tpu.memory_space<vmem>> -> memref<1x8x128xf32, #tpu.memory_space<vmem>>
    %dma_wait3A_2418 = tpu.memref_squeeze %dma_wait3A_2417 : memref<1x8x128xf32, #tpu.memory_space<vmem>> -> memref<8x128xf32, #tpu.memory_space<vmem>>
    tpu.wait_dma2 semaphore(%arg8 : memref<!tpu.dma_semaphore, #tpu.memory_space<semaphore_mem>>) src(%dma_wait3A_2418 : memref<8x128xf32, #tpu.memory_space<vmem>>) dst(%dma_wait3A_2414 : memref<8x128xf32, #tpu.memory_space<hbm>>)
    %dma_wait3A_2419 = arith.constant 26 : i32
    %dma_wait3A_2420 = arith.constant 24 : i32
    %dma_wait3A_2421 = tpu.memref_slice %arg4[%dma_wait3A_2420, %mul3A_1782] : memref<64x100000xf32, #tpu.memory_space<hbm>> -> memref<8x128xf32, #tpu.memory_space<hbm>>
    %dma_wait3A_2422 = arith.constant 0 : i32
    %dma_wait3A_2423 = arith.constant 0 : i32
    %dma_wait3A_2424 = tpu.memref_slice %arg5[%dma_wait3A_2419, %dma_wait3A_2422, %dma_wait3A_2423] : memref<64x8x128xf32, #tpu.memory_space<vmem>> -> memref<1x8x128xf32, #tpu.memory_space<vmem>>
    %dma_wait3A_2425 = tpu.memref_squeeze %dma_wait3A_2424 : memref<1x8x128xf32, #tpu.memory_space<vmem>> -> memref<8x128xf32, #tpu.memory_space<vmem>>
    tpu.wait_dma2 semaphore(%arg8 : memref<!tpu.dma_semaphore, #tpu.memory_space<semaphore_mem>>) src(%dma_wait3A_2425 : memref<8x128xf32, #tpu.memory_space<vmem>>) dst(%dma_wait3A_2421 : memref<8x128xf32, #tpu.memory_space<hbm>>)
    %dma_wait3A_2426 = arith.constant 27 : i32
    %dma_wait3A_2427 = arith.constant 24 : i32
    %dma_wait3A_2428 = tpu.memref_slice %arg4[%dma_wait3A_2427, %mul3A_1793] : memref<64x100000xf32, #tpu.memory_space<hbm>> -> memref<8x128xf32, #tpu.memory_space<hbm>>
    %dma_wait3A_2429 = arith.constant 0 : i32
    %dma_wait3A_2430 = arith.constant 0 : i32
    %dma_wait3A_2431 = tpu.memref_slice %arg5[%dma_wait3A_2426, %dma_wait3A_2429, %dma_wait3A_2430] : memref<64x8x128xf32, #tpu.memory_space<vmem>> -> memref<1x8x128xf32, #tpu.memory_space<vmem>>
    %dma_wait3A_2432 = tpu.memref_squeeze %dma_wait3A_2431 : memref<1x8x128xf32, #tpu.memory_space<vmem>> -> memref<8x128xf32, #tpu.memory_space<vmem>>
    tpu.wait_dma2 semaphore(%arg8 : memref<!tpu.dma_semaphore, #tpu.memory_space<semaphore_mem>>) src(%dma_wait3A_2432 : memref<8x128xf32, #tpu.memory_space<vmem>>) dst(%dma_wait3A_2428 : memref<8x128xf32, #tpu.memory_space<hbm>>)
    %dma_wait3A_2433 = arith.constant 28 : i32
    %dma_wait3A_2434 = arith.constant 24 : i32
    %dma_wait3A_2435 = tpu.memref_slice %arg4[%dma_wait3A_2434, %mul3A_1804] : memref<64x100000xf32, #tpu.memory_space<hbm>> -> memref<8x128xf32, #tpu.memory_space<hbm>>
    %dma_wait3A_2436 = arith.constant 0 : i32
    %dma_wait3A_2437 = arith.constant 0 : i32
    %dma_wait3A_2438 = tpu.memref_slice %arg5[%dma_wait3A_2433, %dma_wait3A_2436, %dma_wait3A_2437] : memref<64x8x128xf32, #tpu.memory_space<vmem>> -> memref<1x8x128xf32, #tpu.memory_space<vmem>>
    %dma_wait3A_2439 = tpu.memref_squeeze %dma_wait3A_2438 : memref<1x8x128xf32, #tpu.memory_space<vmem>> -> memref<8x128xf32, #tpu.memory_space<vmem>>
    tpu.wait_dma2 semaphore(%arg8 : memref<!tpu.dma_semaphore, #tpu.memory_space<semaphore_mem>>) src(%dma_wait3A_2439 : memref<8x128xf32, #tpu.memory_space<vmem>>) dst(%dma_wait3A_2435 : memref<8x128xf32, #tpu.memory_space<hbm>>)
    %dma_wait3A_2440 = arith.constant 29 : i32
    %dma_wait3A_2441 = arith.constant 24 : i32
    %dma_wait3A_2442 = tpu.memref_slice %arg4[%dma_wait3A_2441, %mul3A_1815] : memref<64x100000xf32, #tpu.memory_space<hbm>> -> memref<8x128xf32, #tpu.memory_space<hbm>>
    %dma_wait3A_2443 = arith.constant 0 : i32
    %dma_wait3A_2444 = arith.constant 0 : i32
    %dma_wait3A_2445 = tpu.memref_slice %arg5[%dma_wait3A_2440, %dma_wait3A_2443, %dma_wait3A_2444] : memref<64x8x128xf32, #tpu.memory_space<vmem>> -> memref<1x8x128xf32, #tpu.memory_space<vmem>>
    %dma_wait3A_2446 = tpu.memref_squeeze %dma_wait3A_2445 : memref<1x8x128xf32, #tpu.memory_space<vmem>> -> memref<8x128xf32, #tpu.memory_space<vmem>>
    tpu.wait_dma2 semaphore(%arg8 : memref<!tpu.dma_semaphore, #tpu.memory_space<semaphore_mem>>) src(%dma_wait3A_2446 : memref<8x128xf32, #tpu.memory_space<vmem>>) dst(%dma_wait3A_2442 : memref<8x128xf32, #tpu.memory_space<hbm>>)
    %dma_wait3A_2447 = arith.constant 30 : i32
    %dma_wait3A_2448 = arith.constant 24 : i32
    %dma_wait3A_2449 = tpu.memref_slice %arg4[%dma_wait3A_2448, %mul3A_1826] : memref<64x100000xf32, #tpu.memory_space<hbm>> -> memref<8x128xf32, #tpu.memory_space<hbm>>
    %dma_wait3A_2450 = arith.constant 0 : i32
    %dma_wait3A_2451 = arith.constant 0 : i32
    %dma_wait3A_2452 = tpu.memref_slice %arg5[%dma_wait3A_2447, %dma_wait3A_2450, %dma_wait3A_2451] : memref<64x8x128xf32, #tpu.memory_space<vmem>> -> memref<1x8x128xf32, #tpu.memory_space<vmem>>
    %dma_wait3A_2453 = tpu.memref_squeeze %dma_wait3A_2452 : memref<1x8x128xf32, #tpu.memory_space<vmem>> -> memref<8x128xf32, #tpu.memory_space<vmem>>
    tpu.wait_dma2 semaphore(%arg8 : memref<!tpu.dma_semaphore, #tpu.memory_space<semaphore_mem>>) src(%dma_wait3A_2453 : memref<8x128xf32, #tpu.memory_space<vmem>>) dst(%dma_wait3A_2449 : memref<8x128xf32, #tpu.memory_space<hbm>>)
    %dma_wait3A_2454 = arith.constant 31 : i32
    %dma_wait3A_2455 = arith.constant 24 : i32
    %dma_wait3A_2456 = tpu.memref_slice %arg4[%dma_wait3A_2455, %mul3A_1837] : memref<64x100000xf32, #tpu.memory_space<hbm>> -> memref<8x128xf32, #tpu.memory_space<hbm>>
    %dma_wait3A_2457 = arith.constant 0 : i32
    %dma_wait3A_2458 = arith.constant 0 : i32
    %dma_wait3A_2459 = tpu.memref_slice %arg5[%dma_wait3A_2454, %dma_wait3A_2457, %dma_wait3A_2458] : memref<64x8x128xf32, #tpu.memory_space<vmem>> -> memref<1x8x128xf32, #tpu.memory_space<vmem>>
    %dma_wait3A_2460 = tpu.memref_squeeze %dma_wait3A_2459 : memref<1x8x128xf32, #tpu.memory_space<vmem>> -> memref<8x128xf32, #tpu.memory_space<vmem>>
    tpu.wait_dma2 semaphore(%arg8 : memref<!tpu.dma_semaphore, #tpu.memory_space<semaphore_mem>>) src(%dma_wait3A_2460 : memref<8x128xf32, #tpu.memory_space<vmem>>) dst(%dma_wait3A_2456 : memref<8x128xf32, #tpu.memory_space<hbm>>)
    %dma_wait3A_2461 = arith.constant 32 : i32
    %dma_wait3A_2462 = arith.constant 32 : i32
    %dma_wait3A_2463 = tpu.memref_slice %arg4[%dma_wait3A_2462, %mul3A_1848] : memref<64x100000xf32, #tpu.memory_space<hbm>> -> memref<8x128xf32, #tpu.memory_space<hbm>>
    %dma_wait3A_2464 = arith.constant 0 : i32
    %dma_wait3A_2465 = arith.constant 0 : i32
    %dma_wait3A_2466 = tpu.memref_slice %arg5[%dma_wait3A_2461, %dma_wait3A_2464, %dma_wait3A_2465] : memref<64x8x128xf32, #tpu.memory_space<vmem>> -> memref<1x8x128xf32, #tpu.memory_space<vmem>>
    %dma_wait3A_2467 = tpu.memref_squeeze %dma_wait3A_2466 : memref<1x8x128xf32, #tpu.memory_space<vmem>> -> memref<8x128xf32, #tpu.memory_space<vmem>>
    tpu.wait_dma2 semaphore(%arg8 : memref<!tpu.dma_semaphore, #tpu.memory_space<semaphore_mem>>) src(%dma_wait3A_2467 : memref<8x128xf32, #tpu.memory_space<vmem>>) dst(%dma_wait3A_2463 : memref<8x128xf32, #tpu.memory_space<hbm>>)
    %dma_wait3A_2468 = arith.constant 33 : i32
    %dma_wait3A_2469 = arith.constant 32 : i32
    %dma_wait3A_2470 = tpu.memref_slice %arg4[%dma_wait3A_2469, %mul3A_1859] : memref<64x100000xf32, #tpu.memory_space<hbm>> -> memref<8x128xf32, #tpu.memory_space<hbm>>
    %dma_wait3A_2471 = arith.constant 0 : i32
    %dma_wait3A_2472 = arith.constant 0 : i32
    %dma_wait3A_2473 = tpu.memref_slice %arg5[%dma_wait3A_2468, %dma_wait3A_2471, %dma_wait3A_2472] : memref<64x8x128xf32, #tpu.memory_space<vmem>> -> memref<1x8x128xf32, #tpu.memory_space<vmem>>
    %dma_wait3A_2474 = tpu.memref_squeeze %dma_wait3A_2473 : memref<1x8x128xf32, #tpu.memory_space<vmem>> -> memref<8x128xf32, #tpu.memory_space<vmem>>
    tpu.wait_dma2 semaphore(%arg8 : memref<!tpu.dma_semaphore, #tpu.memory_space<semaphore_mem>>) src(%dma_wait3A_2474 : memref<8x128xf32, #tpu.memory_space<vmem>>) dst(%dma_wait3A_2470 : memref<8x128xf32, #tpu.memory_space<hbm>>)
    %dma_wait3A_2475 = arith.constant 34 : i32
    %dma_wait3A_2476 = arith.constant 32 : i32
    %dma_wait3A_2477 = tpu.memref_slice %arg4[%dma_wait3A_2476, %mul3A_1870] : memref<64x100000xf32, #tpu.memory_space<hbm>> -> memref<8x128xf32, #tpu.memory_space<hbm>>
    %dma_wait3A_2478 = arith.constant 0 : i32
    %dma_wait3A_2479 = arith.constant 0 : i32
    %dma_wait3A_2480 = tpu.memref_slice %arg5[%dma_wait3A_2475, %dma_wait3A_2478, %dma_wait3A_2479] : memref<64x8x128xf32, #tpu.memory_space<vmem>> -> memref<1x8x128xf32, #tpu.memory_space<vmem>>
    %dma_wait3A_2481 = tpu.memref_squeeze %dma_wait3A_2480 : memref<1x8x128xf32, #tpu.memory_space<vmem>> -> memref<8x128xf32, #tpu.memory_space<vmem>>
    tpu.wait_dma2 semaphore(%arg8 : memref<!tpu.dma_semaphore, #tpu.memory_space<semaphore_mem>>) src(%dma_wait3A_2481 : memref<8x128xf32, #tpu.memory_space<vmem>>) dst(%dma_wait3A_2477 : memref<8x128xf32, #tpu.memory_space<hbm>>)
    %dma_wait3A_2482 = arith.constant 35 : i32
    %dma_wait3A_2483 = arith.constant 32 : i32
    %dma_wait3A_2484 = tpu.memref_slice %arg4[%dma_wait3A_2483, %mul3A_1881] : memref<64x100000xf32, #tpu.memory_space<hbm>> -> memref<8x128xf32, #tpu.memory_space<hbm>>
    %dma_wait3A_2485 = arith.constant 0 : i32
    %dma_wait3A_2486 = arith.constant 0 : i32
    %dma_wait3A_2487 = tpu.memref_slice %arg5[%dma_wait3A_2482, %dma_wait3A_2485, %dma_wait3A_2486] : memref<64x8x128xf32, #tpu.memory_space<vmem>> -> memref<1x8x128xf32, #tpu.memory_space<vmem>>
    %dma_wait3A_2488 = tpu.memref_squeeze %dma_wait3A_2487 : memref<1x8x128xf32, #tpu.memory_space<vmem>> -> memref<8x128xf32, #tpu.memory_space<vmem>>
    tpu.wait_dma2 semaphore(%arg8 : memref<!tpu.dma_semaphore, #tpu.memory_space<semaphore_mem>>) src(%dma_wait3A_2488 : memref<8x128xf32, #tpu.memory_space<vmem>>) dst(%dma_wait3A_2484 : memref<8x128xf32, #tpu.memory_space<hbm>>)
    %dma_wait3A_2489 = arith.constant 36 : i32
    %dma_wait3A_2490 = arith.constant 32 : i32
    %dma_wait3A_2491 = tpu.memref_slice %arg4[%dma_wait3A_2490, %mul3A_1892] : memref<64x100000xf32, #tpu.memory_space<hbm>> -> memref<8x128xf32, #tpu.memory_space<hbm>>
    %dma_wait3A_2492 = arith.constant 0 : i32
    %dma_wait3A_2493 = arith.constant 0 : i32
    %dma_wait3A_2494 = tpu.memref_slice %arg5[%dma_wait3A_2489, %dma_wait3A_2492, %dma_wait3A_2493] : memref<64x8x128xf32, #tpu.memory_space<vmem>> -> memref<1x8x128xf32, #tpu.memory_space<vmem>>
    %dma_wait3A_2495 = tpu.memref_squeeze %dma_wait3A_2494 : memref<1x8x128xf32, #tpu.memory_space<vmem>> -> memref<8x128xf32, #tpu.memory_space<vmem>>
    tpu.wait_dma2 semaphore(%arg8 : memref<!tpu.dma_semaphore, #tpu.memory_space<semaphore_mem>>) src(%dma_wait3A_2495 : memref<8x128xf32, #tpu.memory_space<vmem>>) dst(%dma_wait3A_2491 : memref<8x128xf32, #tpu.memory_space<hbm>>)
    %dma_wait3A_2496 = arith.constant 37 : i32
    %dma_wait3A_2497 = arith.constant 32 : i32
    %dma_wait3A_2498 = tpu.memref_slice %arg4[%dma_wait3A_2497, %mul3A_1903] : memref<64x100000xf32, #tpu.memory_space<hbm>> -> memref<8x128xf32, #tpu.memory_space<hbm>>
    %dma_wait3A_2499 = arith.constant 0 : i32
    %dma_wait3A_2500 = arith.constant 0 : i32
    %dma_wait3A_2501 = tpu.memref_slice %arg5[%dma_wait3A_2496, %dma_wait3A_2499, %dma_wait3A_2500] : memref<64x8x128xf32, #tpu.memory_space<vmem>> -> memref<1x8x128xf32, #tpu.memory_space<vmem>>
    %dma_wait3A_2502 = tpu.memref_squeeze %dma_wait3A_2501 : memref<1x8x128xf32, #tpu.memory_space<vmem>> -> memref<8x128xf32, #tpu.memory_space<vmem>>
    tpu.wait_dma2 semaphore(%arg8 : memref<!tpu.dma_semaphore, #tpu.memory_space<semaphore_mem>>) src(%dma_wait3A_2502 : memref<8x128xf32, #tpu.memory_space<vmem>>) dst(%dma_wait3A_2498 : memref<8x128xf32, #tpu.memory_space<hbm>>)
    %dma_wait3A_2503 = arith.constant 38 : i32
    %dma_wait3A_2504 = arith.constant 32 : i32
    %dma_wait3A_2505 = tpu.memref_slice %arg4[%dma_wait3A_2504, %mul3A_1914] : memref<64x100000xf32, #tpu.memory_space<hbm>> -> memref<8x128xf32, #tpu.memory_space<hbm>>
    %dma_wait3A_2506 = arith.constant 0 : i32
    %dma_wait3A_2507 = arith.constant 0 : i32
    %dma_wait3A_2508 = tpu.memref_slice %arg5[%dma_wait3A_2503, %dma_wait3A_2506, %dma_wait3A_2507] : memref<64x8x128xf32, #tpu.memory_space<vmem>> -> memref<1x8x128xf32, #tpu.memory_space<vmem>>
    %dma_wait3A_2509 = tpu.memref_squeeze %dma_wait3A_2508 : memref<1x8x128xf32, #tpu.memory_space<vmem>> -> memref<8x128xf32, #tpu.memory_space<vmem>>
    tpu.wait_dma2 semaphore(%arg8 : memref<!tpu.dma_semaphore, #tpu.memory_space<semaphore_mem>>) src(%dma_wait3A_2509 : memref<8x128xf32, #tpu.memory_space<vmem>>) dst(%dma_wait3A_2505 : memref<8x128xf32, #tpu.memory_space<hbm>>)
    %dma_wait3A_2510 = arith.constant 39 : i32
    %dma_wait3A_2511 = arith.constant 32 : i32
    %dma_wait3A_2512 = tpu.memref_slice %arg4[%dma_wait3A_2511, %mul3A_1925] : memref<64x100000xf32, #tpu.memory_space<hbm>> -> memref<8x128xf32, #tpu.memory_space<hbm>>
    %dma_wait3A_2513 = arith.constant 0 : i32
    %dma_wait3A_2514 = arith.constant 0 : i32
    %dma_wait3A_2515 = tpu.memref_slice %arg5[%dma_wait3A_2510, %dma_wait3A_2513, %dma_wait3A_2514] : memref<64x8x128xf32, #tpu.memory_space<vmem>> -> memref<1x8x128xf32, #tpu.memory_space<vmem>>
    %dma_wait3A_2516 = tpu.memref_squeeze %dma_wait3A_2515 : memref<1x8x128xf32, #tpu.memory_space<vmem>> -> memref<8x128xf32, #tpu.memory_space<vmem>>
    tpu.wait_dma2 semaphore(%arg8 : memref<!tpu.dma_semaphore, #tpu.memory_space<semaphore_mem>>) src(%dma_wait3A_2516 : memref<8x128xf32, #tpu.memory_space<vmem>>) dst(%dma_wait3A_2512 : memref<8x128xf32, #tpu.memory_space<hbm>>)
    %dma_wait3A_2517 = arith.constant 40 : i32
    %dma_wait3A_2518 = arith.constant 40 : i32
    %dma_wait3A_2519 = tpu.memref_slice %arg4[%dma_wait3A_2518, %mul3A_1936] : memref<64x100000xf32, #tpu.memory_space<hbm>> -> memref<8x128xf32, #tpu.memory_space<hbm>>
    %dma_wait3A_2520 = arith.constant 0 : i32
    %dma_wait3A_2521 = arith.constant 0 : i32
    %dma_wait3A_2522 = tpu.memref_slice %arg5[%dma_wait3A_2517, %dma_wait3A_2520, %dma_wait3A_2521] : memref<64x8x128xf32, #tpu.memory_space<vmem>> -> memref<1x8x128xf32, #tpu.memory_space<vmem>>
    %dma_wait3A_2523 = tpu.memref_squeeze %dma_wait3A_2522 : memref<1x8x128xf32, #tpu.memory_space<vmem>> -> memref<8x128xf32, #tpu.memory_space<vmem>>
    tpu.wait_dma2 semaphore(%arg8 : memref<!tpu.dma_semaphore, #tpu.memory_space<semaphore_mem>>) src(%dma_wait3A_2523 : memref<8x128xf32, #tpu.memory_space<vmem>>) dst(%dma_wait3A_2519 : memref<8x128xf32, #tpu.memory_space<hbm>>)
    %dma_wait3A_2524 = arith.constant 41 : i32
    %dma_wait3A_2525 = arith.constant 40 : i32
    %dma_wait3A_2526 = tpu.memref_slice %arg4[%dma_wait3A_2525, %mul3A_1947] : memref<64x100000xf32, #tpu.memory_space<hbm>> -> memref<8x128xf32, #tpu.memory_space<hbm>>
    %dma_wait3A_2527 = arith.constant 0 : i32
    %dma_wait3A_2528 = arith.constant 0 : i32
    %dma_wait3A_2529 = tpu.memref_slice %arg5[%dma_wait3A_2524, %dma_wait3A_2527, %dma_wait3A_2528] : memref<64x8x128xf32, #tpu.memory_space<vmem>> -> memref<1x8x128xf32, #tpu.memory_space<vmem>>
    %dma_wait3A_2530 = tpu.memref_squeeze %dma_wait3A_2529 : memref<1x8x128xf32, #tpu.memory_space<vmem>> -> memref<8x128xf32, #tpu.memory_space<vmem>>
    tpu.wait_dma2 semaphore(%arg8 : memref<!tpu.dma_semaphore, #tpu.memory_space<semaphore_mem>>) src(%dma_wait3A_2530 : memref<8x128xf32, #tpu.memory_space<vmem>>) dst(%dma_wait3A_2526 : memref<8x128xf32, #tpu.memory_space<hbm>>)
    %dma_wait3A_2531 = arith.constant 42 : i32
    %dma_wait3A_2532 = arith.constant 40 : i32
    %dma_wait3A_2533 = tpu.memref_slice %arg4[%dma_wait3A_2532, %mul3A_1958] : memref<64x100000xf32, #tpu.memory_space<hbm>> -> memref<8x128xf32, #tpu.memory_space<hbm>>
    %dma_wait3A_2534 = arith.constant 0 : i32
    %dma_wait3A_2535 = arith.constant 0 : i32
    %dma_wait3A_2536 = tpu.memref_slice %arg5[%dma_wait3A_2531, %dma_wait3A_2534, %dma_wait3A_2535] : memref<64x8x128xf32, #tpu.memory_space<vmem>> -> memref<1x8x128xf32, #tpu.memory_space<vmem>>
    %dma_wait3A_2537 = tpu.memref_squeeze %dma_wait3A_2536 : memref<1x8x128xf32, #tpu.memory_space<vmem>> -> memref<8x128xf32, #tpu.memory_space<vmem>>
    tpu.wait_dma2 semaphore(%arg8 : memref<!tpu.dma_semaphore, #tpu.memory_space<semaphore_mem>>) src(%dma_wait3A_2537 : memref<8x128xf32, #tpu.memory_space<vmem>>) dst(%dma_wait3A_2533 : memref<8x128xf32, #tpu.memory_space<hbm>>)
    %dma_wait3A_2538 = arith.constant 43 : i32
    %dma_wait3A_2539 = arith.constant 40 : i32
    %dma_wait3A_2540 = tpu.memref_slice %arg4[%dma_wait3A_2539, %mul3A_1969] : memref<64x100000xf32, #tpu.memory_space<hbm>> -> memref<8x128xf32, #tpu.memory_space<hbm>>
    %dma_wait3A_2541 = arith.constant 0 : i32
    %dma_wait3A_2542 = arith.constant 0 : i32
    %dma_wait3A_2543 = tpu.memref_slice %arg5[%dma_wait3A_2538, %dma_wait3A_2541, %dma_wait3A_2542] : memref<64x8x128xf32, #tpu.memory_space<vmem>> -> memref<1x8x128xf32, #tpu.memory_space<vmem>>
    %dma_wait3A_2544 = tpu.memref_squeeze %dma_wait3A_2543 : memref<1x8x128xf32, #tpu.memory_space<vmem>> -> memref<8x128xf32, #tpu.memory_space<vmem>>
    tpu.wait_dma2 semaphore(%arg8 : memref<!tpu.dma_semaphore, #tpu.memory_space<semaphore_mem>>) src(%dma_wait3A_2544 : memref<8x128xf32, #tpu.memory_space<vmem>>) dst(%dma_wait3A_2540 : memref<8x128xf32, #tpu.memory_space<hbm>>)
    %dma_wait3A_2545 = arith.constant 44 : i32
    %dma_wait3A_2546 = arith.constant 40 : i32
    %dma_wait3A_2547 = tpu.memref_slice %arg4[%dma_wait3A_2546, %mul3A_1980] : memref<64x100000xf32, #tpu.memory_space<hbm>> -> memref<8x128xf32, #tpu.memory_space<hbm>>
    %dma_wait3A_2548 = arith.constant 0 : i32
    %dma_wait3A_2549 = arith.constant 0 : i32
    %dma_wait3A_2550 = tpu.memref_slice %arg5[%dma_wait3A_2545, %dma_wait3A_2548, %dma_wait3A_2549] : memref<64x8x128xf32, #tpu.memory_space<vmem>> -> memref<1x8x128xf32, #tpu.memory_space<vmem>>
    %dma_wait3A_2551 = tpu.memref_squeeze %dma_wait3A_2550 : memref<1x8x128xf32, #tpu.memory_space<vmem>> -> memref<8x128xf32, #tpu.memory_space<vmem>>
    tpu.wait_dma2 semaphore(%arg8 : memref<!tpu.dma_semaphore, #tpu.memory_space<semaphore_mem>>) src(%dma_wait3A_2551 : memref<8x128xf32, #tpu.memory_space<vmem>>) dst(%dma_wait3A_2547 : memref<8x128xf32, #tpu.memory_space<hbm>>)
    %dma_wait3A_2552 = arith.constant 45 : i32
    %dma_wait3A_2553 = arith.constant 40 : i32
    %dma_wait3A_2554 = tpu.memref_slice %arg4[%dma_wait3A_2553, %mul3A_1991] : memref<64x100000xf32, #tpu.memory_space<hbm>> -> memref<8x128xf32, #tpu.memory_space<hbm>>
    %dma_wait3A_2555 = arith.constant 0 : i32
    %dma_wait3A_2556 = arith.constant 0 : i32
    %dma_wait3A_2557 = tpu.memref_slice %arg5[%dma_wait3A_2552, %dma_wait3A_2555, %dma_wait3A_2556] : memref<64x8x128xf32, #tpu.memory_space<vmem>> -> memref<1x8x128xf32, #tpu.memory_space<vmem>>
    %dma_wait3A_2558 = tpu.memref_squeeze %dma_wait3A_2557 : memref<1x8x128xf32, #tpu.memory_space<vmem>> -> memref<8x128xf32, #tpu.memory_space<vmem>>
    tpu.wait_dma2 semaphore(%arg8 : memref<!tpu.dma_semaphore, #tpu.memory_space<semaphore_mem>>) src(%dma_wait3A_2558 : memref<8x128xf32, #tpu.memory_space<vmem>>) dst(%dma_wait3A_2554 : memref<8x128xf32, #tpu.memory_space<hbm>>)
    %dma_wait3A_2559 = arith.constant 46 : i32
    %dma_wait3A_2560 = arith.constant 40 : i32
    %dma_wait3A_2561 = tpu.memref_slice %arg4[%dma_wait3A_2560, %mul3A_2002] : memref<64x100000xf32, #tpu.memory_space<hbm>> -> memref<8x128xf32, #tpu.memory_space<hbm>>
    %dma_wait3A_2562 = arith.constant 0 : i32
    %dma_wait3A_2563 = arith.constant 0 : i32
    %dma_wait3A_2564 = tpu.memref_slice %arg5[%dma_wait3A_2559, %dma_wait3A_2562, %dma_wait3A_2563] : memref<64x8x128xf32, #tpu.memory_space<vmem>> -> memref<1x8x128xf32, #tpu.memory_space<vmem>>
    %dma_wait3A_2565 = tpu.memref_squeeze %dma_wait3A_2564 : memref<1x8x128xf32, #tpu.memory_space<vmem>> -> memref<8x128xf32, #tpu.memory_space<vmem>>
    tpu.wait_dma2 semaphore(%arg8 : memref<!tpu.dma_semaphore, #tpu.memory_space<semaphore_mem>>) src(%dma_wait3A_2565 : memref<8x128xf32, #tpu.memory_space<vmem>>) dst(%dma_wait3A_2561 : memref<8x128xf32, #tpu.memory_space<hbm>>)
    %dma_wait3A_2566 = arith.constant 47 : i32
    %dma_wait3A_2567 = arith.constant 40 : i32
    %dma_wait3A_2568 = tpu.memref_slice %arg4[%dma_wait3A_2567, %mul3A_2013] : memref<64x100000xf32, #tpu.memory_space<hbm>> -> memref<8x128xf32, #tpu.memory_space<hbm>>
    %dma_wait3A_2569 = arith.constant 0 : i32
    %dma_wait3A_2570 = arith.constant 0 : i32
    %dma_wait3A_2571 = tpu.memref_slice %arg5[%dma_wait3A_2566, %dma_wait3A_2569, %dma_wait3A_2570] : memref<64x8x128xf32, #tpu.memory_space<vmem>> -> memref<1x8x128xf32, #tpu.memory_space<vmem>>
    %dma_wait3A_2572 = tpu.memref_squeeze %dma_wait3A_2571 : memref<1x8x128xf32, #tpu.memory_space<vmem>> -> memref<8x128xf32, #tpu.memory_space<vmem>>
    tpu.wait_dma2 semaphore(%arg8 : memref<!tpu.dma_semaphore, #tpu.memory_space<semaphore_mem>>) src(%dma_wait3A_2572 : memref<8x128xf32, #tpu.memory_space<vmem>>) dst(%dma_wait3A_2568 : memref<8x128xf32, #tpu.memory_space<hbm>>)
    %dma_wait3A_2573 = arith.constant 48 : i32
    %dma_wait3A_2574 = arith.constant 48 : i32
    %dma_wait3A_2575 = tpu.memref_slice %arg4[%dma_wait3A_2574, %mul3A_2024] : memref<64x100000xf32, #tpu.memory_space<hbm>> -> memref<8x128xf32, #tpu.memory_space<hbm>>
    %dma_wait3A_2576 = arith.constant 0 : i32
    %dma_wait3A_2577 = arith.constant 0 : i32
    %dma_wait3A_2578 = tpu.memref_slice %arg5[%dma_wait3A_2573, %dma_wait3A_2576, %dma_wait3A_2577] : memref<64x8x128xf32, #tpu.memory_space<vmem>> -> memref<1x8x128xf32, #tpu.memory_space<vmem>>
    %dma_wait3A_2579 = tpu.memref_squeeze %dma_wait3A_2578 : memref<1x8x128xf32, #tpu.memory_space<vmem>> -> memref<8x128xf32, #tpu.memory_space<vmem>>
    tpu.wait_dma2 semaphore(%arg8 : memref<!tpu.dma_semaphore, #tpu.memory_space<semaphore_mem>>) src(%dma_wait3A_2579 : memref<8x128xf32, #tpu.memory_space<vmem>>) dst(%dma_wait3A_2575 : memref<8x128xf32, #tpu.memory_space<hbm>>)
    %dma_wait3A_2580 = arith.constant 49 : i32
    %dma_wait3A_2581 = arith.constant 48 : i32
    %dma_wait3A_2582 = tpu.memref_slice %arg4[%dma_wait3A_2581, %mul3A_2035] : memref<64x100000xf32, #tpu.memory_space<hbm>> -> memref<8x128xf32, #tpu.memory_space<hbm>>
    %dma_wait3A_2583 = arith.constant 0 : i32
    %dma_wait3A_2584 = arith.constant 0 : i32
    %dma_wait3A_2585 = tpu.memref_slice %arg5[%dma_wait3A_2580, %dma_wait3A_2583, %dma_wait3A_2584] : memref<64x8x128xf32, #tpu.memory_space<vmem>> -> memref<1x8x128xf32, #tpu.memory_space<vmem>>
    %dma_wait3A_2586 = tpu.memref_squeeze %dma_wait3A_2585 : memref<1x8x128xf32, #tpu.memory_space<vmem>> -> memref<8x128xf32, #tpu.memory_space<vmem>>
    tpu.wait_dma2 semaphore(%arg8 : memref<!tpu.dma_semaphore, #tpu.memory_space<semaphore_mem>>) src(%dma_wait3A_2586 : memref<8x128xf32, #tpu.memory_space<vmem>>) dst(%dma_wait3A_2582 : memref<8x128xf32, #tpu.memory_space<hbm>>)
    %dma_wait3A_2587 = arith.constant 50 : i32
    %dma_wait3A_2588 = arith.constant 48 : i32
    %dma_wait3A_2589 = tpu.memref_slice %arg4[%dma_wait3A_2588, %mul3A_2046] : memref<64x100000xf32, #tpu.memory_space<hbm>> -> memref<8x128xf32, #tpu.memory_space<hbm>>
    %dma_wait3A_2590 = arith.constant 0 : i32
    %dma_wait3A_2591 = arith.constant 0 : i32
    %dma_wait3A_2592 = tpu.memref_slice %arg5[%dma_wait3A_2587, %dma_wait3A_2590, %dma_wait3A_2591] : memref<64x8x128xf32, #tpu.memory_space<vmem>> -> memref<1x8x128xf32, #tpu.memory_space<vmem>>
    %dma_wait3A_2593 = tpu.memref_squeeze %dma_wait3A_2592 : memref<1x8x128xf32, #tpu.memory_space<vmem>> -> memref<8x128xf32, #tpu.memory_space<vmem>>
    tpu.wait_dma2 semaphore(%arg8 : memref<!tpu.dma_semaphore, #tpu.memory_space<semaphore_mem>>) src(%dma_wait3A_2593 : memref<8x128xf32, #tpu.memory_space<vmem>>) dst(%dma_wait3A_2589 : memref<8x128xf32, #tpu.memory_space<hbm>>)
    %dma_wait3A_2594 = arith.constant 51 : i32
    %dma_wait3A_2595 = arith.constant 48 : i32
    %dma_wait3A_2596 = tpu.memref_slice %arg4[%dma_wait3A_2595, %mul3A_2057] : memref<64x100000xf32, #tpu.memory_space<hbm>> -> memref<8x128xf32, #tpu.memory_space<hbm>>
    %dma_wait3A_2597 = arith.constant 0 : i32
    %dma_wait3A_2598 = arith.constant 0 : i32
    %dma_wait3A_2599 = tpu.memref_slice %arg5[%dma_wait3A_2594, %dma_wait3A_2597, %dma_wait3A_2598] : memref<64x8x128xf32, #tpu.memory_space<vmem>> -> memref<1x8x128xf32, #tpu.memory_space<vmem>>
    %dma_wait3A_2600 = tpu.memref_squeeze %dma_wait3A_2599 : memref<1x8x128xf32, #tpu.memory_space<vmem>> -> memref<8x128xf32, #tpu.memory_space<vmem>>
    tpu.wait_dma2 semaphore(%arg8 : memref<!tpu.dma_semaphore, #tpu.memory_space<semaphore_mem>>) src(%dma_wait3A_2600 : memref<8x128xf32, #tpu.memory_space<vmem>>) dst(%dma_wait3A_2596 : memref<8x128xf32, #tpu.memory_space<hbm>>)
    %dma_wait3A_2601 = arith.constant 52 : i32
    %dma_wait3A_2602 = arith.constant 48 : i32
    %dma_wait3A_2603 = tpu.memref_slice %arg4[%dma_wait3A_2602, %mul3A_2068] : memref<64x100000xf32, #tpu.memory_space<hbm>> -> memref<8x128xf32, #tpu.memory_space<hbm>>
    %dma_wait3A_2604 = arith.constant 0 : i32
    %dma_wait3A_2605 = arith.constant 0 : i32
    %dma_wait3A_2606 = tpu.memref_slice %arg5[%dma_wait3A_2601, %dma_wait3A_2604, %dma_wait3A_2605] : memref<64x8x128xf32, #tpu.memory_space<vmem>> -> memref<1x8x128xf32, #tpu.memory_space<vmem>>
    %dma_wait3A_2607 = tpu.memref_squeeze %dma_wait3A_2606 : memref<1x8x128xf32, #tpu.memory_space<vmem>> -> memref<8x128xf32, #tpu.memory_space<vmem>>
    tpu.wait_dma2 semaphore(%arg8 : memref<!tpu.dma_semaphore, #tpu.memory_space<semaphore_mem>>) src(%dma_wait3A_2607 : memref<8x128xf32, #tpu.memory_space<vmem>>) dst(%dma_wait3A_2603 : memref<8x128xf32, #tpu.memory_space<hbm>>)
    %dma_wait3A_2608 = arith.constant 53 : i32
    %dma_wait3A_2609 = arith.constant 48 : i32
    %dma_wait3A_2610 = tpu.memref_slice %arg4[%dma_wait3A_2609, %mul3A_2079] : memref<64x100000xf32, #tpu.memory_space<hbm>> -> memref<8x128xf32, #tpu.memory_space<hbm>>
    %dma_wait3A_2611 = arith.constant 0 : i32
    %dma_wait3A_2612 = arith.constant 0 : i32
    %dma_wait3A_2613 = tpu.memref_slice %arg5[%dma_wait3A_2608, %dma_wait3A_2611, %dma_wait3A_2612] : memref<64x8x128xf32, #tpu.memory_space<vmem>> -> memref<1x8x128xf32, #tpu.memory_space<vmem>>
    %dma_wait3A_2614 = tpu.memref_squeeze %dma_wait3A_2613 : memref<1x8x128xf32, #tpu.memory_space<vmem>> -> memref<8x128xf32, #tpu.memory_space<vmem>>
    tpu.wait_dma2 semaphore(%arg8 : memref<!tpu.dma_semaphore, #tpu.memory_space<semaphore_mem>>) src(%dma_wait3A_2614 : memref<8x128xf32, #tpu.memory_space<vmem>>) dst(%dma_wait3A_2610 : memref<8x128xf32, #tpu.memory_space<hbm>>)
    %dma_wait3A_2615 = arith.constant 54 : i32
    %dma_wait3A_2616 = arith.constant 48 : i32
    %dma_wait3A_2617 = tpu.memref_slice %arg4[%dma_wait3A_2616, %mul3A_2090] : memref<64x100000xf32, #tpu.memory_space<hbm>> -> memref<8x128xf32, #tpu.memory_space<hbm>>
    %dma_wait3A_2618 = arith.constant 0 : i32
    %dma_wait3A_2619 = arith.constant 0 : i32
    %dma_wait3A_2620 = tpu.memref_slice %arg5[%dma_wait3A_2615, %dma_wait3A_2618, %dma_wait3A_2619] : memref<64x8x128xf32, #tpu.memory_space<vmem>> -> memref<1x8x128xf32, #tpu.memory_space<vmem>>
    %dma_wait3A_2621 = tpu.memref_squeeze %dma_wait3A_2620 : memref<1x8x128xf32, #tpu.memory_space<vmem>> -> memref<8x128xf32, #tpu.memory_space<vmem>>
    tpu.wait_dma2 semaphore(%arg8 : memref<!tpu.dma_semaphore, #tpu.memory_space<semaphore_mem>>) src(%dma_wait3A_2621 : memref<8x128xf32, #tpu.memory_space<vmem>>) dst(%dma_wait3A_2617 : memref<8x128xf32, #tpu.memory_space<hbm>>)
    %dma_wait3A_2622 = arith.constant 55 : i32
    %dma_wait3A_2623 = arith.constant 48 : i32
    %dma_wait3A_2624 = tpu.memref_slice %arg4[%dma_wait3A_2623, %mul3A_2101] : memref<64x100000xf32, #tpu.memory_space<hbm>> -> memref<8x128xf32, #tpu.memory_space<hbm>>
    %dma_wait3A_2625 = arith.constant 0 : i32
    %dma_wait3A_2626 = arith.constant 0 : i32
    %dma_wait3A_2627 = tpu.memref_slice %arg5[%dma_wait3A_2622, %dma_wait3A_2625, %dma_wait3A_2626] : memref<64x8x128xf32, #tpu.memory_space<vmem>> -> memref<1x8x128xf32, #tpu.memory_space<vmem>>
    %dma_wait3A_2628 = tpu.memref_squeeze %dma_wait3A_2627 : memref<1x8x128xf32, #tpu.memory_space<vmem>> -> memref<8x128xf32, #tpu.memory_space<vmem>>
    tpu.wait_dma2 semaphore(%arg8 : memref<!tpu.dma_semaphore, #tpu.memory_space<semaphore_mem>>) src(%dma_wait3A_2628 : memref<8x128xf32, #tpu.memory_space<vmem>>) dst(%dma_wait3A_2624 : memref<8x128xf32, #tpu.memory_space<hbm>>)
    %dma_wait3A_2629 = arith.constant 56 : i32
    %dma_wait3A_2630 = arith.constant 56 : i32
    %dma_wait3A_2631 = tpu.memref_slice %arg4[%dma_wait3A_2630, %mul3A_2112] : memref<64x100000xf32, #tpu.memory_space<hbm>> -> memref<8x128xf32, #tpu.memory_space<hbm>>
    %dma_wait3A_2632 = arith.constant 0 : i32
    %dma_wait3A_2633 = arith.constant 0 : i32
    %dma_wait3A_2634 = tpu.memref_slice %arg5[%dma_wait3A_2629, %dma_wait3A_2632, %dma_wait3A_2633] : memref<64x8x128xf32, #tpu.memory_space<vmem>> -> memref<1x8x128xf32, #tpu.memory_space<vmem>>
    %dma_wait3A_2635 = tpu.memref_squeeze %dma_wait3A_2634 : memref<1x8x128xf32, #tpu.memory_space<vmem>> -> memref<8x128xf32, #tpu.memory_space<vmem>>
    tpu.wait_dma2 semaphore(%arg8 : memref<!tpu.dma_semaphore, #tpu.memory_space<semaphore_mem>>) src(%dma_wait3A_2635 : memref<8x128xf32, #tpu.memory_space<vmem>>) dst(%dma_wait3A_2631 : memref<8x128xf32, #tpu.memory_space<hbm>>)
    %dma_wait3A_2636 = arith.constant 57 : i32
    %dma_wait3A_2637 = arith.constant 56 : i32
    %dma_wait3A_2638 = tpu.memref_slice %arg4[%dma_wait3A_2637, %mul3A_2123] : memref<64x100000xf32, #tpu.memory_space<hbm>> -> memref<8x128xf32, #tpu.memory_space<hbm>>
    %dma_wait3A_2639 = arith.constant 0 : i32
    %dma_wait3A_2640 = arith.constant 0 : i32
    %dma_wait3A_2641 = tpu.memref_slice %arg5[%dma_wait3A_2636, %dma_wait3A_2639, %dma_wait3A_2640] : memref<64x8x128xf32, #tpu.memory_space<vmem>> -> memref<1x8x128xf32, #tpu.memory_space<vmem>>
    %dma_wait3A_2642 = tpu.memref_squeeze %dma_wait3A_2641 : memref<1x8x128xf32, #tpu.memory_space<vmem>> -> memref<8x128xf32, #tpu.memory_space<vmem>>
    tpu.wait_dma2 semaphore(%arg8 : memref<!tpu.dma_semaphore, #tpu.memory_space<semaphore_mem>>) src(%dma_wait3A_2642 : memref<8x128xf32, #tpu.memory_space<vmem>>) dst(%dma_wait3A_2638 : memref<8x128xf32, #tpu.memory_space<hbm>>)
    %dma_wait3A_2643 = arith.constant 58 : i32
    %dma_wait3A_2644 = arith.constant 56 : i32
    %dma_wait3A_2645 = tpu.memref_slice %arg4[%dma_wait3A_2644, %mul3A_2134] : memref<64x100000xf32, #tpu.memory_space<hbm>> -> memref<8x128xf32, #tpu.memory_space<hbm>>
    %dma_wait3A_2646 = arith.constant 0 : i32
    %dma_wait3A_2647 = arith.constant 0 : i32
    %dma_wait3A_2648 = tpu.memref_slice %arg5[%dma_wait3A_2643, %dma_wait3A_2646, %dma_wait3A_2647] : memref<64x8x128xf32, #tpu.memory_space<vmem>> -> memref<1x8x128xf32, #tpu.memory_space<vmem>>
    %dma_wait3A_2649 = tpu.memref_squeeze %dma_wait3A_2648 : memref<1x8x128xf32, #tpu.memory_space<vmem>> -> memref<8x128xf32, #tpu.memory_space<vmem>>
    tpu.wait_dma2 semaphore(%arg8 : memref<!tpu.dma_semaphore, #tpu.memory_space<semaphore_mem>>) src(%dma_wait3A_2649 : memref<8x128xf32, #tpu.memory_space<vmem>>) dst(%dma_wait3A_2645 : memref<8x128xf32, #tpu.memory_space<hbm>>)
    %dma_wait3A_2650 = arith.constant 59 : i32
    %dma_wait3A_2651 = arith.constant 56 : i32
    %dma_wait3A_2652 = tpu.memref_slice %arg4[%dma_wait3A_2651, %mul3A_2145] : memref<64x100000xf32, #tpu.memory_space<hbm>> -> memref<8x128xf32, #tpu.memory_space<hbm>>
    %dma_wait3A_2653 = arith.constant 0 : i32
    %dma_wait3A_2654 = arith.constant 0 : i32
    %dma_wait3A_2655 = tpu.memref_slice %arg5[%dma_wait3A_2650, %dma_wait3A_2653, %dma_wait3A_2654] : memref<64x8x128xf32, #tpu.memory_space<vmem>> -> memref<1x8x128xf32, #tpu.memory_space<vmem>>
    %dma_wait3A_2656 = tpu.memref_squeeze %dma_wait3A_2655 : memref<1x8x128xf32, #tpu.memory_space<vmem>> -> memref<8x128xf32, #tpu.memory_space<vmem>>
    tpu.wait_dma2 semaphore(%arg8 : memref<!tpu.dma_semaphore, #tpu.memory_space<semaphore_mem>>) src(%dma_wait3A_2656 : memref<8x128xf32, #tpu.memory_space<vmem>>) dst(%dma_wait3A_2652 : memref<8x128xf32, #tpu.memory_space<hbm>>)
    %dma_wait3A_2657 = arith.constant 60 : i32
    %dma_wait3A_2658 = arith.constant 56 : i32
    %dma_wait3A_2659 = tpu.memref_slice %arg4[%dma_wait3A_2658, %mul3A_2156] : memref<64x100000xf32, #tpu.memory_space<hbm>> -> memref<8x128xf32, #tpu.memory_space<hbm>>
    %dma_wait3A_2660 = arith.constant 0 : i32
    %dma_wait3A_2661 = arith.constant 0 : i32
    %dma_wait3A_2662 = tpu.memref_slice %arg5[%dma_wait3A_2657, %dma_wait3A_2660, %dma_wait3A_2661] : memref<64x8x128xf32, #tpu.memory_space<vmem>> -> memref<1x8x128xf32, #tpu.memory_space<vmem>>
    %dma_wait3A_2663 = tpu.memref_squeeze %dma_wait3A_2662 : memref<1x8x128xf32, #tpu.memory_space<vmem>> -> memref<8x128xf32, #tpu.memory_space<vmem>>
    tpu.wait_dma2 semaphore(%arg8 : memref<!tpu.dma_semaphore, #tpu.memory_space<semaphore_mem>>) src(%dma_wait3A_2663 : memref<8x128xf32, #tpu.memory_space<vmem>>) dst(%dma_wait3A_2659 : memref<8x128xf32, #tpu.memory_space<hbm>>)
    %dma_wait3A_2664 = arith.constant 61 : i32
    %dma_wait3A_2665 = arith.constant 56 : i32
    %dma_wait3A_2666 = tpu.memref_slice %arg4[%dma_wait3A_2665, %mul3A_2167] : memref<64x100000xf32, #tpu.memory_space<hbm>> -> memref<8x128xf32, #tpu.memory_space<hbm>>
    %dma_wait3A_2667 = arith.constant 0 : i32
    %dma_wait3A_2668 = arith.constant 0 : i32
    %dma_wait3A_2669 = tpu.memref_slice %arg5[%dma_wait3A_2664, %dma_wait3A_2667, %dma_wait3A_2668] : memref<64x8x128xf32, #tpu.memory_space<vmem>> -> memref<1x8x128xf32, #tpu.memory_space<vmem>>
    %dma_wait3A_2670 = tpu.memref_squeeze %dma_wait3A_2669 : memref<1x8x128xf32, #tpu.memory_space<vmem>> -> memref<8x128xf32, #tpu.memory_space<vmem>>
    tpu.wait_dma2 semaphore(%arg8 : memref<!tpu.dma_semaphore, #tpu.memory_space<semaphore_mem>>) src(%dma_wait3A_2670 : memref<8x128xf32, #tpu.memory_space<vmem>>) dst(%dma_wait3A_2666 : memref<8x128xf32, #tpu.memory_space<hbm>>)
    %dma_wait3A_2671 = arith.constant 62 : i32
    %dma_wait3A_2672 = arith.constant 56 : i32
    %dma_wait3A_2673 = tpu.memref_slice %arg4[%dma_wait3A_2672, %mul3A_2178] : memref<64x100000xf32, #tpu.memory_space<hbm>> -> memref<8x128xf32, #tpu.memory_space<hbm>>
    %dma_wait3A_2674 = arith.constant 0 : i32
    %dma_wait3A_2675 = arith.constant 0 : i32
    %dma_wait3A_2676 = tpu.memref_slice %arg5[%dma_wait3A_2671, %dma_wait3A_2674, %dma_wait3A_2675] : memref<64x8x128xf32, #tpu.memory_space<vmem>> -> memref<1x8x128xf32, #tpu.memory_space<vmem>>
    %dma_wait3A_2677 = tpu.memref_squeeze %dma_wait3A_2676 : memref<1x8x128xf32, #tpu.memory_space<vmem>> -> memref<8x128xf32, #tpu.memory_space<vmem>>
    tpu.wait_dma2 semaphore(%arg8 : memref<!tpu.dma_semaphore, #tpu.memory_space<semaphore_mem>>) src(%dma_wait3A_2677 : memref<8x128xf32, #tpu.memory_space<vmem>>) dst(%dma_wait3A_2673 : memref<8x128xf32, #tpu.memory_space<hbm>>)
    %dma_wait3A_2678 = arith.constant 63 : i32
    %dma_wait3A_2679 = arith.constant 56 : i32
    %dma_wait3A_2680 = tpu.memref_slice %arg4[%dma_wait3A_2679, %mul3A_2189] : memref<64x100000xf32, #tpu.memory_space<hbm>> -> memref<8x128xf32, #tpu.memory_space<hbm>>
    %dma_wait3A_2681 = arith.constant 0 : i32
    %dma_wait3A_2682 = arith.constant 0 : i32
    %dma_wait3A_2683 = tpu.memref_slice %arg5[%dma_wait3A_2678, %dma_wait3A_2681, %dma_wait3A_2682] : memref<64x8x128xf32, #tpu.memory_space<vmem>> -> memref<1x8x128xf32, #tpu.memory_space<vmem>>
    %dma_wait3A_2684 = tpu.memref_squeeze %dma_wait3A_2683 : memref<1x8x128xf32, #tpu.memory_space<vmem>> -> memref<8x128xf32, #tpu.memory_space<vmem>>
    tpu.wait_dma2 semaphore(%arg8 : memref<!tpu.dma_semaphore, #tpu.memory_space<semaphore_mem>>) src(%dma_wait3A_2684 : memref<8x128xf32, #tpu.memory_space<vmem>>) dst(%dma_wait3A_2680 : memref<8x128xf32, #tpu.memory_space<hbm>>)
    %dma_wait3A_2685 = arith.constant 0 : i32
    %dma_wait3A_2686 = tpu.memref_slice %arg4[%dma_wait3A_2685, %min3A_1492] : memref<64x100000xf32, #tpu.memory_space<hbm>> -> memref<8x1792xf32, #tpu.memory_space<hbm>>
    %dma_wait3A_2687 = arith.constant 0 : i32
    %dma_wait3A_2688 = arith.constant 0 : i32
    %dma_wait3A_2689 = tpu.memref_slice %arg6[%dma_wait3A_2687, %dma_wait3A_2688] : memref<64x1792xf32, #tpu.memory_space<vmem>> -> memref<8x1792xf32, #tpu.memory_space<vmem>>
    tpu.wait_dma2 semaphore(%arg8 : memref<!tpu.dma_semaphore, #tpu.memory_space<semaphore_mem>>) src(%dma_wait3A_2689 : memref<8x1792xf32, #tpu.memory_space<vmem>>) dst(%dma_wait3A_2686 : memref<8x1792xf32, #tpu.memory_space<hbm>>)
    %dma_wait3A_2690 = arith.constant 8 : i32
    %dma_wait3A_2691 = tpu.memref_slice %arg4[%dma_wait3A_2690, %min3A_1492] : memref<64x100000xf32, #tpu.memory_space<hbm>> -> memref<8x1792xf32, #tpu.memory_space<hbm>>
    %dma_wait3A_2692 = arith.constant 8 : i32
    %dma_wait3A_2693 = arith.constant 0 : i32
    %dma_wait3A_2694 = tpu.memref_slice %arg6[%dma_wait3A_2692, %dma_wait3A_2693] : memref<64x1792xf32, #tpu.memory_space<vmem>> -> memref<8x1792xf32, #tpu.memory_space<vmem>>
    tpu.wait_dma2 semaphore(%arg8 : memref<!tpu.dma_semaphore, #tpu.memory_space<semaphore_mem>>) src(%dma_wait3A_2694 : memref<8x1792xf32, #tpu.memory_space<vmem>>) dst(%dma_wait3A_2691 : memref<8x1792xf32, #tpu.memory_space<hbm>>)
    %dma_wait3A_2695 = arith.constant 16 : i32
    %dma_wait3A_2696 = tpu.memref_slice %arg4[%dma_wait3A_2695, %min3A_1492] : memref<64x100000xf32, #tpu.memory_space<hbm>> -> memref<8x1792xf32, #tpu.memory_space<hbm>>
    %dma_wait3A_2697 = arith.constant 16 : i32
    %dma_wait3A_2698 = arith.constant 0 : i32
    %dma_wait3A_2699 = tpu.memref_slice %arg6[%dma_wait3A_2697, %dma_wait3A_2698] : memref<64x1792xf32, #tpu.memory_space<vmem>> -> memref<8x1792xf32, #tpu.memory_space<vmem>>
    tpu.wait_dma2 semaphore(%arg8 : memref<!tpu.dma_semaphore, #tpu.memory_space<semaphore_mem>>) src(%dma_wait3A_2699 : memref<8x1792xf32, #tpu.memory_space<vmem>>) dst(%dma_wait3A_2696 : memref<8x1792xf32, #tpu.memory_space<hbm>>)
    %dma_wait3A_2700 = arith.constant 24 : i32
    %dma_wait3A_2701 = tpu.memref_slice %arg4[%dma_wait3A_2700, %min3A_1492] : memref<64x100000xf32, #tpu.memory_space<hbm>> -> memref<8x1792xf32, #tpu.memory_space<hbm>>
    %dma_wait3A_2702 = arith.constant 24 : i32
    %dma_wait3A_2703 = arith.constant 0 : i32
    %dma_wait3A_2704 = tpu.memref_slice %arg6[%dma_wait3A_2702, %dma_wait3A_2703] : memref<64x1792xf32, #tpu.memory_space<vmem>> -> memref<8x1792xf32, #tpu.memory_space<vmem>>
    tpu.wait_dma2 semaphore(%arg8 : memref<!tpu.dma_semaphore, #tpu.memory_space<semaphore_mem>>) src(%dma_wait3A_2704 : memref<8x1792xf32, #tpu.memory_space<vmem>>) dst(%dma_wait3A_2701 : memref<8x1792xf32, #tpu.memory_space<hbm>>)
    %dma_wait3A_2705 = arith.constant 32 : i32
    %dma_wait3A_2706 = tpu.memref_slice %arg4[%dma_wait3A_2705, %min3A_1492] : memref<64x100000xf32, #tpu.memory_space<hbm>> -> memref<8x1792xf32, #tpu.memory_space<hbm>>
    %dma_wait3A_2707 = arith.constant 32 : i32
    %dma_wait3A_2708 = arith.constant 0 : i32
    %dma_wait3A_2709 = tpu.memref_slice %arg6[%dma_wait3A_2707, %dma_wait3A_2708] : memref<64x1792xf32, #tpu.memory_space<vmem>> -> memref<8x1792xf32, #tpu.memory_space<vmem>>
    tpu.wait_dma2 semaphore(%arg8 : memref<!tpu.dma_semaphore, #tpu.memory_space<semaphore_mem>>) src(%dma_wait3A_2709 : memref<8x1792xf32, #tpu.memory_space<vmem>>) dst(%dma_wait3A_2706 : memref<8x1792xf32, #tpu.memory_space<hbm>>)
    %dma_wait3A_2710 = arith.constant 40 : i32
    %dma_wait3A_2711 = tpu.memref_slice %arg4[%dma_wait3A_2710, %min3A_1492] : memref<64x100000xf32, #tpu.memory_space<hbm>> -> memref<8x1792xf32, #tpu.memory_space<hbm>>
    %dma_wait3A_2712 = arith.constant 40 : i32
    %dma_wait3A_2713 = arith.constant 0 : i32
    %dma_wait3A_2714 = tpu.memref_slice %arg6[%dma_wait3A_2712, %dma_wait3A_2713] : memref<64x1792xf32, #tpu.memory_space<vmem>> -> memref<8x1792xf32, #tpu.memory_space<vmem>>
    tpu.wait_dma2 semaphore(%arg8 : memref<!tpu.dma_semaphore, #tpu.memory_space<semaphore_mem>>) src(%dma_wait3A_2714 : memref<8x1792xf32, #tpu.memory_space<vmem>>) dst(%dma_wait3A_2711 : memref<8x1792xf32, #tpu.memory_space<hbm>>)
    %dma_wait3A_2715 = arith.constant 48 : i32
    %dma_wait3A_2716 = tpu.memref_slice %arg4[%dma_wait3A_2715, %min3A_1492] : memref<64x100000xf32, #tpu.memory_space<hbm>> -> memref<8x1792xf32, #tpu.memory_space<hbm>>
    %dma_wait3A_2717 = arith.constant 48 : i32
    %dma_wait3A_2718 = arith.constant 0 : i32
    %dma_wait3A_2719 = tpu.memref_slice %arg6[%dma_wait3A_2717, %dma_wait3A_2718] : memref<64x1792xf32, #tpu.memory_space<vmem>> -> memref<8x1792xf32, #tpu.memory_space<vmem>>
    tpu.wait_dma2 semaphore(%arg8 : memref<!tpu.dma_semaphore, #tpu.memory_space<semaphore_mem>>) src(%dma_wait3A_2719 : memref<8x1792xf32, #tpu.memory_space<vmem>>) dst(%dma_wait3A_2716 : memref<8x1792xf32, #tpu.memory_space<hbm>>)
    %dma_wait3A_2720 = arith.constant 56 : i32
    %dma_wait3A_2721 = tpu.memref_slice %arg4[%dma_wait3A_2720, %min3A_1492] : memref<64x100000xf32, #tpu.memory_space<hbm>> -> memref<8x1792xf32, #tpu.memory_space<hbm>>
    %dma_wait3A_2722 = arith.constant 56 : i32
    %dma_wait3A_2723 = arith.constant 0 : i32
    %dma_wait3A_2724 = tpu.memref_slice %arg6[%dma_wait3A_2722, %dma_wait3A_2723] : memref<64x1792xf32, #tpu.memory_space<vmem>> -> memref<8x1792xf32, #tpu.memory_space<vmem>>
    tpu.wait_dma2 semaphore(%arg8 : memref<!tpu.dma_semaphore, #tpu.memory_space<semaphore_mem>>) src(%dma_wait3A_2724 : memref<8x1792xf32, #tpu.memory_space<vmem>>) dst(%dma_wait3A_2721 : memref<8x1792xf32, #tpu.memory_space<hbm>>)
    return
  }
}

</mosaic_0001>

<sc_bundles>
// kernel: kernel.7.cloned.1.call-start
scs
__scs_entry_jumppad:
0x0: {  	(pc) =	sbr.rel $0x88, $3  }
0x1: {  	(tag) =	ssettag $0x0;
	lr =	simm.s32 $0x1  }
0x2: {  	[smem:$0x3FA0] =	sst lr;
	_ =	strace $0xD0000000  }
0x3: {  	_ = 	snop  }
0x4: {  	_ = 	snop  }
0x5: {  	_ = 	snop  }
0x6: {  	_ = 	snop  }
0x7: {  	_ = 	snop  }
__scs_overlays_trampoline_lowered:
0x8: {  	[smem:$0x3FAF] =	sst s0  }
0x9: {  	[smem:$0x3FB0] =	sst s1  }
0xa: {  	[smem:$0x3FB1] =	sst s2  }
0xb: {  	[smem:$0x3FB2] =	sst s3  }
0xc: {  	[smem:$0x3FB3] =	sst s4  }
0xd: {  	[smem:$0x3FB4] =	sst s5  }
0xe: {  	[smem:$0x3FB5] =	sst s6  }
0xf: {  	[smem:$0x3FB6] =	sst s7  }
0x10: {  	[smem:$0x3FB7] =	sst s8  }
0x11: {  	[smem:$0x3FB8] =	sst s9;
	s0 =	simm.s32 @!p0 $0x0  }
0x12: {  	s1 =	sld [smem:$0x3F9E];
	s0 =	simm.s32 @p0 $0x1  }
0x13: {  	[smem:$0x3FB9] =	sst s0;
	s0 =	simm.s32 @!p1 $0x0  }
0x14: {  	s2 =	sld [smem:$0x3F9D];
	s0 =	simm.s32 @p1 $0x1  }
0x15: {  	[smem:$0x3FBA] =	sst s0;
	s0 =	simm.s32 @!p2 $0x0  }
0x16: {  	s3 =	sld [smem:$0x3FDB];
	s0 =	simm.s32 @p2 $0x1  }
0x17: {  	s4 =	simm.s32 $0x1BF5;
	[smem:$0x3FBC] =	sst s0  }
0x18: {  	s0 =	sld [smem:$0x3F9F];
	_ =	swait.ge [sflag:s4], $0x0  }
0x19: {  	s7 =	sld [smem:$0x3FA0]  }
0x1a: {  	s8 =	sadd.s32 $0xFFFFE003, lr  }
0x1b: {  	s9 =	sadd.s32 $0xFFFFFEF7, lr;
	s5 =	simm.s32 $0xFFFFFFFF;
	p2 =	slt.u32 s8, $0xFFFFF086  }
0x1c: {  	p1 =	slt.u32 s9, $0xF7A;
	s5 =	simm.s32 @!p2 $0x0  }
0x1d: {  	s5 =	simm.s32 @p1 $0x1;
	p0 =	seq.s32 s7, s2  }
0x1e: {  	s7 =	smul.u32 @!p0 $0xF7A, s2;
	p2 =	seq.s32 @!p0 s5, $0x0  }
0x1f: {  	s9 =	smul.u32 $0xF7A, s1;
	s8 =	simm.s32 @!p0 $0x1BF5;
	p2 =	por !p2, p0  }
0x20: {  	[sflag:s8] =	ssyncset.s32 @!p0 $0xFFFFF086;
	s6 =	sadd.s32 @!p0 s3, s7;
	s7 =	simm.s32 @!p0 $0x108  }
0x21: {  	s3 =	sadd.s32 s3, s9;
	s6 =	sadd.s32 @!p0 $0x88, s6;
	s7 =	simm.s32 @p2 $0x1082  }
0x22: {  	[simem:s7], [sflag:s8] =	dma.local @!p0 [hbm:s6], $0xF7A  }
0x23: {  	s9 =	sor.u32 $0xD0000000, s2;
	s6 =	simm.s32 $0x108;
	_ =	swait.ge @!p0 [sflag:s8], $0x0  }
0x24: {  	s3 =	sadd.s32 $0x88, s3;
	s6 =	simm.s32 @!p1 $0x1082;
	[sflag:s4] =	ssyncset.s32 $0xFFFFF086  }
0x25: {  	[simem:s6], [sflag:s4] =	dma.local [hbm:s3], $0xF7A  }
0x26: {  	[smem:$0x3FA0] =	sst s1;
	(tag) =	ssettag s2;
	_ =	strace s9  }
0x27: {  	s1 =	sld [smem:$0x3FB0]  }
0x28: {  	s2 =	sld [smem:$0x3FB1]  }
0x29: {  	s4 =	sld [smem:$0x3FB3]  }
0x2a: {  	p0 =	seq.s32 s5, $0x0;
	s5 =	sld [smem:$0x3FB4]  }
0x2b: {  	s6 =	sld [smem:$0x3FB5]  }
0x2c: {  	s7 =	sld [smem:$0x3FB6]  }
0x2d: {  	s3 =	simm.s32 $0x108;
	s8 =	sld [smem:$0x3FB7]  }
0x2e: {  	s3 =	simm.s32 @!p0 $0x1082;
	s9 =	sld [smem:$0x3FB8]  }
0x2f: {  	lr =	sadd.s32 s0, s3;
	s0 =	sld [smem:$0x3FAF]  }
0x30: {  	s3 =	sld [smem:$0x3FB2]  }
0x31: {  	[smem:$0x3FBB] =	sst s10  }
0x32: {  	s10 =	sld [smem:$0x3FB9];
	_ =	sdelay $0x3  }
0x33: {  	p0 =	seq.s32 s10, $0x1;
	s10 =	sld [smem:$0x3FBB];
	_ =	sdelay $0x3  }
0x34: {  	[smem:$0x3FBB] =	sst s10  }
0x35: {  	s10 =	sld [smem:$0x3FBA];
	_ =	sdelay $0x3  }
0x36: {  	p1 =	seq.s32 s10, $0x1;
	s10 =	sld [smem:$0x3FBB];
	_ =	sdelay $0x3  }
0x37: {  	[smem:$0x3FBB] =	sst s10  }
0x38: {  	s10 =	sld [smem:$0x3FBC]  }
0x39: {  	_ = 	snop;
	(pc) =	sbr.ind lr, $3  }
0x3a: {  	_ = 	snop  }
0x3b: {  	_ = 	snop  }
0x3c: {  	p2 =	seq.s32 s10, $0x1;
	s10 =	sld [smem:$0x3FBB]  }
0x3d: {  	_ =	shalt  }
0x3e: {  	_ =	shalt  }
0x3f: {  	_ =	shalt  }
0x40: {  	_ =	shalt  }
0x41: {  	_ =	shalt  }
0x42: {  	_ =	shalt  }
0x43: {  	_ =	shalt  }
0x44: {  	_ =	shalt  }
0x45: {  	_ =	shalt  }
0x46: {  	_ =	shalt  }
0x47: {  	_ =	shalt  }
0x48: {  	_ =	shalt  }
0x49: {  	_ =	shalt  }
0x4a: {  	_ =	shalt  }
0x4b: {  	_ =	shalt  }
0x4c: {  	_ =	shalt  }
0x4d: {  	_ =	shalt  }
0x4e: {  	_ =	shalt  }
0x4f: {  	_ =	shalt  }
0x50: {  	_ =	shalt  }
0x51: {  	_ =	shalt  }
0x52: {  	_ =	shalt  }
0x53: {  	_ =	shalt  }
0x54: {  	_ =	shalt  }
0x55: {  	_ =	shalt  }
0x56: {  	_ =	shalt  }
0x57: {  	_ =	shalt  }
0x58: {  	_ =	shalt  }
0x59: {  	_ =	shalt  }
0x5a: {  	_ =	shalt  }
0x5b: {  	_ =	shalt  }
0x5c: {  	_ =	shalt  }
0x5d: {  	_ =	shalt  }
0x5e: {  	_ =	shalt  }
0x5f: {  	_ =	shalt  }
0x60: {  	_ =	shalt  }
0x61: {  	_ =	shalt  }
0x62: {  	_ =	shalt  }
0x63: {  	_ =	shalt  }
0x64: {  	_ =	shalt  }
0x65: {  	_ =	shalt  }
0x66: {  	_ =	shalt  }
0x67: {  	_ =	shalt  }
0x68: {  	_ =	shalt  }
0x69: {  	_ =	shalt  }
0x6a: {  	_ =	shalt  }
0x6b: {  	_ =	shalt  }
0x6c: {  	_ =	shalt  }
0x6d: {  	_ =	shalt  }
0x6e: {  	_ =	shalt  }
0x6f: {  	_ =	shalt  }
0x70: {  	_ =	shalt  }
0x71: {  	_ =	shalt  }
0x72: {  	_ =	shalt  }
0x73: {  	_ =	shalt  }
0x74: {  	_ =	shalt  }
0x75: {  	_ =	shalt  }
0x76: {  	_ =	shalt  }
0x77: {  	_ =	shalt  }
0x78: {  	_ =	shalt  }
0x79: {  	_ =	shalt  }
0x7a: {  	_ =	shalt  }
0x7b: {  	_ =	shalt  }
0x7c: {  	_ =	shalt  }
0x7d: {  	_ =	shalt  }
0x7e: {  	_ =	shalt  }
0x7f: {  	_ =	shalt  }
0x80: {  	_ =	shalt  }
0x81: {  	_ =	shalt  }
0x82: {  	_ =	shalt  }
0x83: {  	_ =	shalt  }
0x84: {  	_ =	shalt  }
0x85: {  	_ =	shalt  }
0x86: {  	_ =	shalt  }
0x87: {  	_ =	shalt  }
.Lfunc_end0:
.L_simem_size_0:
called_computation_lowered:
.L_overlay_start_0:
0x88: {  	s2 =	sld [smem:$0x3FD9]  }
0x89: {  	s3 =	sld [smem:$0x3FFE];
	_ =	sdelay $0x1  }
0x8a: {  	s1 =	srdreg.scid  }
0x8b: {  	s0 =	sand.u32 $0x1, s1  }
0x8c: {  	s15 =	sshll.u32 s0, $0xA;
	s2 =	sadd.s32 s3, s2  }
0x8d: {  	s2 =	sadd.s32 s2, s15  }
0x8e: {  	[smem:$0x3FC7] =	sst s2  }
0x8f: {  	_ = 	snop  }
0x90: {  	s2 =	sld [smem:$0x3FD0];
	_ =	sdelay $0x2  }
0x91: {  	s16 =	simm.s32 $0xA;
	s4 =	simm.s32 $0x10  }
0x92: {  	[smem:s4], [sflag:s16] =	dma.local [hbm:s2], $0x1  }
0x93: {  	_ =	swait.eq [sflag:s16], $0x1  }
0x94: {  	[sflag:s16] =	ssyncset.done $0x0  }
0x95: {  	[sflag:s16] =	ssyncadd.s32 $0xFFFFFFFF  }
0x96: {  	s17 =	sld [smem:$0x10];
	(tm) =	ssettm $0x1  }
0x97: {  	s18 =	sld [smem:$0x3FFB];
	_ =	sdelay $0x3  }
0x98: {  	_ =	strace s18  }
0x99: {  	s3 =	sld [smem:$0x3FFC];
	_ =	sdelay $0x3  }
0x9a: {  	_ =	strace s3  }
0x9b: {  	s3 =	sld [smem:$0x3FFD];
	_ =	sdelay $0x3  }
0x9c: {  	_ =	strace s3  }
0x9d: {  	_ =	strace $0x8FFFFFFF  }
0x9e: {  	s19 =	sld [smem:$0x3FDB];
	_ =	sdelay $0x1  }
0x9f: {  	s20 =	simm.s32 $_scs_section_size  }
0xa0: {  	s5 =	simm.s32 $_size__tile_overlayer_lowered;
	s6 =	simm.s32 $_tile_overlayer_lowered  }
0xa1: {  	s23 =	simm.s32 $0x1BFF;
	s22 =	sshll.u32 s6, $0x1;
	s3 =	sadd.s32 s20, s19  }
0xa2: {  	s7 =	simm.s32 $0x0;
	s21 =	sshll.u32 s5, $0x1;
	s5 =	sadd.s32 s22, s3  }
0xa3: {  	[timem:s7], [sflag:s23] =	dma.local [hbm:s5], s21  }
0xa4: {  	_ =	swait.ge [sflag:s23], s21  }
0xa5: {  	s4 =	ssub.s32 $0x0, s21;
	[sflag:s23] =	ssyncset.done $0x0  }
0xa6: {  	[sflag:s23] =	ssyncadd.s32 s4;
	_ =	sdelay $0x1  }
0xa7: {  	s24 =	simm.s32 $0x1B8B  }
0xa8: {  	_ =	swait.ge [sflag:s24], $0x1  }
0xa9: {  	[sflag:s24] =	ssyncset.done $0x0  }
0xaa: {  	s25 =	simm.s32 $0x1B8E;
	[sflag:s24] =	ssyncadd.s32 $0xFFFFFFFF  }
0xab: {  	s26 =	simm.s32 $execute0_lowered;
	[smem:$0x3FD2] =	sst s25  }
0xac: {  	s4 =	sshll.u32 s26, $0x1;
	_ =	strace $0x80000046;
	[dreg:$0x1] =	wrdreg $0xFFFFFFFF  }
0xad: {  	s28 =	simm.s32 $_size_execute0_lowered;
	s3 =	sadd.s32 s3, s4;
	[dreg:$0x0] =	wrdreg $0x0  }
0xae: {  	s4 =	sshll.u32 s28, $0x1;
	[dreg:$0x2] =	wrdreg s3  }
0xaf: {  	[dreg:$0x3] =	wrdreg s4  }
0xb0: {  	[dreg:$0x4] =	wrdreg $0xC0  }
0xb1: {  	_ =	task [dreg:s7], $0x5FFFF  }
0xb2: {  	[dreg:$0x1] =	wrdreg $0xFFFFFFFF  }
0xb3: {  	[dreg:$0x0] =	wrdreg $0x60  }
0xb4: {  	[dreg:$0x2] =	wrdreg s17  }
0xb5: {  	[dreg:$0x3] =	wrdreg $0x9  }
0xb6: {  	_ =	task.clear_ibuf [dreg:s7], $0x4FFFF;
	_ =	strace $0x90000046  }
0xb7: {  	s29 =	simm.s32 $0x9;
	_ =	strace $0x80000048  }
0xb8: {  	_ =	swait.ge [sflag:s29], $0x1  }
0xb9: {  	[sflag:s29] =	ssyncadd.s32 $0xFFFFFFFF  }
0xba: {  	_ =	strace $0x90000048  }
0xbb: {  	_ =	sfence  }
0xbc: {  	s30 =	sld [smem:$0x0];
	_ =	sdelay $0x2  }
0xbd: {  	s31 =	sshll.u32 s1, $0xD;
	s1 =	sshrl.u32 s1, $0x2  }
0xbe: {  	s3 =	sand.u32 $0x4000, s31;
	s1 =	sadd.s32 s1, s30  }
0xbf: {  	s0 =	sor.u32 s3, s0;
	s1 =	sshll.u32 s1, $0x11  }
0xc0: {  	s0 =	sor.u32 s1, s0  }
0xc1: {  	s0 =	sadd.s32 $0x8F2B, s0  }
0xc2: {  	[sflag:s0] =	ssyncadd.remote.s32 $0x1  }
0xc3: {  	_ =	sfence.sel $0xFFFF  }
0xc4: {  	[dreg:$0x0] =	wrdreg $0xFFFFFFFF;
	(pc) =	sbr.abs _section_cstart, $3  }
0xc5: {  	[dreg:$0x1] =	wrdreg $0xFFFFFFFF  }
0xc6: {  	_ =	task.clear_ibuf [dreg:s7], $0x2FFFF;
	_ =	strace $0x9FFFFFFF  }
0xc7: {  	(tm) =	ssettm $0x7FFFFFFF  }
tec
execute0_lowered:
.L_overlay_start_1:
0x0: {  	(tag) =	ssettag $0x1  }
0x1: {  	s1 =	srdreg.scid;
	s0 =	stileid.u32  }
0x2: {  	s3 =	sand.u32 $0x1, s1;
	s30 =	sshll.u32 s0, $0x1  }
0x3: {  	s1 =	sor.u32 s3, s30  }
0x4: {  	s5 =	rddreg [dreg:$0x0];
	s3 =	ssub.s32 $0x2, s3;
	s2 =	smul.u32 $0xC, s1  }
0x5: {  	s4 =	sshrl.u32 s0, $0x1;
	s1 =	smul.u32 $0x4008, s1;
	s9 =	sshrl.u32 s3, $0x1  }
0x6: {  	s7 =	smul.u32 $0xC3800, s4;
	s10 =	ssub.s32 s3, s9;
	s31 =	sor.u32 $0x1, s2  }
0x7: {  	s6 =	sshrl.u32 s1, $0x10;
	s11 =	sor.u32 $0x2, s2;
	s8 =	smul.u32 $0x556, s31  }
0x8: {  	s14 =	sor.u32 $0x3, s2;
	s16 =	sadd.s32 $0x1558, s1;
	s6 =	smul.u32 $0x30, s6  }
0x9: {  	s24 =	sadd.s32 $0x2004, s1;
	s13 =	smul.u32 $0x556, s11;
	s17 =	sshrl.u32 s16, $0x10  }
0xa: {  	s29 =	sadd.s32 $0x255A, s1;
	s10 =	smax.u32 s10, $0x1;
	s19 =	smul.u32 $0x30, s17  }
0xb: {  	s16 =	sadd.s32 $0x2AB0, s1;
	s9 =	smul.u32 $0xC3800, s17;
	s12 =	sshrl.u32 s8, $0x10  }
0xc: {  	s17 =	sadd.s32 $0x3006, s1;
	s6 =	ssub.s32 s2, s6;
	s3 =	smul.u32 $0x30, s12  }
0xd: {  	s8 =	sshrl.u32 s13, $0x10;
	s13 =	sadd.s32 $0x1AAE, s1;
	s12 =	smul.u32 $0x556, s14  }
0xe: {  	s1 =	sadd.s32 $0x355C, s1;
	s8 =	smul.u32 $0x30, s8;
	s21 =	sshrl.u32 s13, $0x10  }
0xf: {  	s6 =	sand.u32 $0xFFFC, s6;
	s22 =	ssub.s32 s2, s19;
	s23 =	smul.u32 $0x30, s21  }
0x10: {  	s13 =	sshrl.u32 s24, $0x10;
	s6 =	sshll.u32 s6, $0xE;
	s25 =	smul.u32 $0xC3800, s21  }
0x11: {  	s4 =	ssub.s32 s31, s3;
	s3 =	sadd.s32 s7, s6;
	s15 =	sshrl.u32 s12, $0x10  }
0x12: {  	s8 =	ssub.s32 s11, s8;
	s31 =	sshrl.u32 s16, $0x10;
	s4 =	sand.u32 $0xFFFD, s4  }
0x13: {  	s6 =	smul.u32 $0x30, s15;
	s8 =	sand.u32 $0xFFFE, s8;
	s12 =	ssub.s32 s2, s23  }
0x14: {  	s16 =	smul.u32 $0x30, s31;
	s3 =	sshrl.u32 s3, $0x3;
	s4 =	sshll.u32 s4, $0xE  }
0x15: {  	s8 =	sshll.u32 s8, $0xE;
	s12 =	sadd.s32 $0x5, s12;
	s3 =	sadd.s32 s5, s3  }
0x16: {  	s4 =	sadd.s32 s7, s4;
	s6 =	ssub.s32 s14, s6;
	s14 =	smul.u32 $0x30, s13  }
0x17: {  	s26 =	sand.u32 $0xFFFD, s12;
	s13 =	smul.u32 $0xC3800, s13;
	s18 =	sand.u32 $0xFFFF, s6  }
0x18: {  	s6 =	sadd.s32 s7, s8;
	s8 =	sadd.s32 $0x4, s22;
	s11 =	sshll.u32 s26, $0xE  }
0x19: {  	s4 =	sshrl.u32 s4, $0x3;
	s20 =	sshll.u32 s18, $0xE;
	s8 =	sand.u32 $0xFFFC, s8  }
0x1a: {  	s28 =	ssub.s32 s2, s14;
	s14 =	sshrl.u32 s29, $0x10;
	s4 =	sadd.s32 s5, s4  }
0x1b: {  	s6 =	sshrl.u32 s6, $0x3;
	s7 =	sadd.s32 s7, s20;
	s15 =	smul.u32 $0x30, s14  }
0x1c: {  	s8 =	sshll.u32 s8, $0xE;
	s12 =	sadd.s32 $0x6, s28;
	s14 =	smul.u32 $0xC3800, s14  }
0x1d: {  	s20 =	sadd.s32 $0xB, s2;
	s6 =	sadd.s32 s5, s6;
	s8 =	sadd.s32 s8, s9  }
0x1e: {  	s12 =	sand.u32 $0xFFFE, s12;
	s9 =	sadd.s32 s11, s25;
	s7 =	sshrl.u32 s7, $0x3  }
0x1f: {  	s30 =	sshll.u32 s12, $0xE;
	s15 =	ssub.s32 s2, s15;
	s12 =	smul.u32 $0xC3800, s31  }
0x20: {  	s7 =	sadd.s32 s5, s7;
	s8 =	sshrl.u32 s8, $0x3;
	s9 =	sshrl.u32 s9, $0x3  }
0x21: {  	s11 =	sadd.s32 s30, s13;
	s13 =	sadd.s32 $0x7, s15;
	s15 =	ssub.s32 s2, s16  }
0x22: {  	s16 =	sshrl.u32 s17, $0x10;
	s8 =	sadd.s32 s5, s8;
	s9 =	sadd.s32 s5, s9  }
0x23: {  	s13 =	sand.u32 $0xFFFF, s13;
	s15 =	sadd.s32 $0x8, s15;
	s17 =	smul.u32 $0x30, s16  }
0x24: {  	s16 =	smul.u32 $0xC3800, s16;
	s11 =	sshrl.u32 s11, $0x3;
	s13 =	sshll.u32 s13, $0xE  }
0x25: {  	s18 =	sand.u32 $0xFFFC, s15;
	s11 =	sadd.s32 s5, s11;
	s13 =	sadd.s32 s13, s14  }
0x26: {  	s14 =	sshll.u32 s18, $0xE;
	s19 =	ssub.s32 s2, s17;
	s18 =	smul.u32 $0x556, s20  }
0x27: {  	s15 =	sadd.s32 $0x9, s19;
	s19 =	sshrl.u32 s1, $0x10;
	s14 =	sadd.s32 s14, s12  }
0x28: {  	s1 =	rddreg [dreg:$0x1];
	s24 =	sshrl.u32 s13, $0x3;
	s22 =	smul.u32 $0x30, s19  }
0x29: {  	s15 =	sand.u32 $0xFFFD, s15;
	s18 =	sshrl.u32 s18, $0x10;
	s19 =	smul.u32 $0xC3800, s19  }
0x2a: {  	s12 =	sadd.s32 s5, s24;
	s21 =	sshll.u32 s15, $0xE;
	s23 =	smul.u32 $0x30, s18  }
0x2b: {  	s14 =	sshrl.u32 s14, $0x3;
	s26 =	smul.u32 $0xC3800, s18;
	s16 =	sadd.s32 s21, s16  }
0x2c: {  	s15 =	ssub.s32 s2, s22;
	s2 =	simm.s32 $0x0;
	s17 =	ssub.s32 s20, s23  }
0x2d: {  	[smem:$0x7FF] =	sst s2;
	s25 =	sadd.s32 $0xA, s15;
	s16 =	sshrl.u32 s16, $0x3  }
0x2e: {  	_ =	strace $0x80000047;
	s13 =	sand.u32 $0xFFFE, s25;
	s17 =	sand.u32 $0xFFFF, s17  }
0x2f: {  	s28 =	sshll.u32 s13, $0xE;
	s17 =	sshll.u32 s17, $0xE;
	s13 =	sadd.s32 s5, s14  }
0x30: {  	s14 =	sadd.s32 s5, s16;
	s29 =	sadd.s32 s28, s19;
	s15 =	sadd.s32 s17, s26  }
0x31: {  	s16 =	simm.s32 $0x1;
	s30 =	sshrl.u32 s29, $0x3;
	s31 =	sshrl.u32 s15, $0x3  }
0x32: {  	v0 =	vimm.f32 $0.0e+00;
	s17 =	simm.s32 $0x0;
	s15 =	sadd.s32 s5, s30;
	s5 =	sadd.s32 s5, s31  }
.LBB2_1:
0x33: {  	s18 =	sand.u32 $0x70, s2;
	s19 =	sand.u32 $0x3C00, s2  }
0x34: {  	s18 =	sor.u32 s18, s19  }
0x35: {  	[tilespmem:s18+$0x80] =	vst v0  }
0x36: {  	[tilespmem:s18+$0x100] =	vst v0  }
0x37: {  	s22 =	sand.u32 $0x7, s2;
	[tilespmem:s18+$0x180] =	vst v0  }
0x38: {  	s20 =	simm.s32 $0x10;
	s21 =	simm.s32 $0x0;
	s19 =	simm.s32 $0x0;
	[tilespmem:s18+$0x200] =	vst v0  }
.LBB2_2:
0x39: {  	p0 =	sne.s32 s20, $0x7F0;
	s22 =	sshll.u32 s22, $0x4;
	[tilespmem:s18+$0x280] =	vst v0  }
0x3a: {  	s22 =	sadd.s32 s22, s19;
	[tilespmem:s18+$0x300] =	vst v0;
	s19 =	sadd.s32 $0x80, s19  }
0x3b: {  	s23 =	sand.u32 $0x70, s20;
	s24 =	sand.u32 $0x3C00, s19;
	[tilespmem:s18+$0x0] =	vst v0;
	s22 =	sor.u32 $0x380, s22  }
.Ltmp0:
0x3c: {  	s18 =	sor.u32 s23, s24;
	[tilespmem:s22+$0x0] =	vst v0;
	(pc) =	sbr.rel @p0 .LBB2_2-.Ltmp0, $4  }
0x3d: {  	[tilespmem:s18+$0x80] =	vst v0  }
0x3e: {  	[tilespmem:s18+$0x100] =	vst v0  }
0x3f: {  	s21 =	sadd.s32 $0x1, s21;
	[tilespmem:s18+$0x180] =	vst v0  }
0x40: {  	s20 =	sadd.s32 $0x10, s20;
	s22 =	sand.u32 $0x7, s21;
	[tilespmem:s18+$0x200] =	vst v0  }
0x41: {  	s20 =	sshll.u32 s22, $0x4;
	[tilespmem:s18+$0x280] =	vst v0  }
0x42: {  	[tilespmem:s18+$0x300] =	vst v0;
	s19 =	sadd.s32 s20, s19  }
0x43: {  	[tilespmem:s18+$0x0] =	vst v0;
	s31 =	sor.u32 $0x380, s19  }
0x44: {  	[tilespmem:s31+$0x0] =	vst v0  }
0x45: {  	[hbm4b:s3+s2] =	stream.linear.scatter [tilespmem:s2], [sflag:$0x1], $0x4000, $0x38;
	[tilespmem:$0x4000] =	vst v63  }
0x46: {  	_ = 	snop  }
0x47: {  	[hbm4b:s4+s2] =	stream.linear.scatter [tilespmem:s2], [sflag:$0x1], $0x4000, $0x38;
	[tilespmem:$0x4000] =	vst v63  }
0x48: {  	_ = 	snop  }
0x49: {  	[hbm4b:s6+s2] =	stream.linear.scatter [tilespmem:s2], [sflag:$0x1], $0x4000, $0x38;
	[tilespmem:$0x4000] =	vst v63  }
0x4a: {  	_ = 	snop  }
0x4b: {  	[hbm4b:s7+s2] =	stream.linear.scatter [tilespmem:s2], [sflag:$0x1], $0x4000, $0x38;
	[tilespmem:$0x4000] =	vst v63  }
0x4c: {  	_ = 	snop  }
0x4d: {  	[hbm4b:s8+s2] =	stream.linear.scatter [tilespmem:s2], [sflag:$0x1], $0x4000, $0x38;
	[tilespmem:$0x4000] =	vst v63  }
0x4e: {  	_ = 	snop  }
0x4f: {  	[hbm4b:s9+s2] =	stream.linear.scatter [tilespmem:s2], [sflag:$0x1], $0x4000, $0x38;
	[tilespmem:$0x4000] =	vst v63  }
0x50: {  	_ = 	snop  }
0x51: {  	[hbm4b:s11+s2] =	stream.linear.scatter [tilespmem:s2], [sflag:$0x1], $0x4000, $0x38;
	[tilespmem:$0x4000] =	vst v63  }
0x52: {  	_ = 	snop  }
0x53: {  	[hbm4b:s12+s2] =	stream.linear.scatter [tilespmem:s2], [sflag:$0x1], $0x4000, $0x38;
	[tilespmem:$0x4000] =	vst v63  }
0x54: {  	_ = 	snop  }
0x55: {  	[hbm4b:s13+s2] =	stream.linear.scatter [tilespmem:s2], [sflag:$0x1], $0x4000, $0x38;
	[tilespmem:$0x4000] =	vst v63  }
0x56: {  	_ = 	snop  }
0x57: {  	[hbm4b:s14+s2] =	stream.linear.scatter [tilespmem:s2], [sflag:$0x1], $0x4000, $0x38;
	[tilespmem:$0x4000] =	vst v63  }
0x58: {  	_ = 	snop  }
0x59: {  	[hbm4b:s15+s2] =	stream.linear.scatter [tilespmem:s2], [sflag:$0x1], $0x4000, $0x38;
	[tilespmem:$0x4000] =	vst v63  }
0x5a: {  	_ = 	snop  }
0x5b: {  	[hbm4b:s5+s2] =	stream.linear.scatter [tilespmem:s2], [sflag:$0x1], $0x4000, $0x38;
	[tilespmem:$0x4000] =	vst v63  }
0x5c: {  	_ =	swait.ge [sflag:s16], $0x4000  }
0x5d: {  	[sflag:s16] =	ssyncset.done $0x0  }
0x5e: {  	[sflag:s16] =	ssyncadd.s32 $0xFFFFC000  }
0x5f: {  	_ =	swait.ge [sflag:s16], $0x4000  }
0x60: {  	[sflag:s16] =	ssyncset.done $0x0  }
0x61: {  	[sflag:s16] =	ssyncadd.s32 $0xFFFFC000  }
0x62: {  	_ =	swait.ge [sflag:s16], $0x4000  }
0x63: {  	[sflag:s16] =	ssyncset.done $0x0  }
0x64: {  	[sflag:s16] =	ssyncadd.s32 $0xFFFFC000  }
0x65: {  	_ =	swait.ge [sflag:s16], $0x4000  }
0x66: {  	[sflag:s16] =	ssyncset.done $0x0  }
0x67: {  	[sflag:s16] =	ssyncadd.s32 $0xFFFFC000  }
0x68: {  	_ =	swait.ge [sflag:s16], $0x4000  }
0x69: {  	[sflag:s16] =	ssyncset.done $0x0  }
0x6a: {  	[sflag:s16] =	ssyncadd.s32 $0xFFFFC000  }
0x6b: {  	_ =	swait.ge [sflag:s16], $0x4000  }
0x6c: {  	[sflag:s16] =	ssyncset.done $0x0  }
0x6d: {  	[sflag:s16] =	ssyncadd.s32 $0xFFFFC000  }
0x6e: {  	_ =	swait.ge [sflag:s16], $0x4000  }
0x6f: {  	[sflag:s16] =	ssyncset.done $0x0  }
0x70: {  	[sflag:s16] =	ssyncadd.s32 $0xFFFFC000  }
0x71: {  	_ =	swait.ge [sflag:s16], $0x4000  }
0x72: {  	[sflag:s16] =	ssyncset.done $0x0  }
0x73: {  	[sflag:s16] =	ssyncadd.s32 $0xFFFFC000  }
0x74: {  	_ =	swait.ge [sflag:s16], $0x4000  }
0x75: {  	[sflag:s16] =	ssyncset.done $0x0  }
0x76: {  	[sflag:s16] =	ssyncadd.s32 $0xFFFFC000  }
0x77: {  	_ =	swait.ge [sflag:s16], $0x4000  }
0x78: {  	[sflag:s16] =	ssyncset.done $0x0  }
0x79: {  	s17 =	sadd.s32 $0x1, s17;
	[sflag:s16] =	ssyncadd.s32 $0xFFFFC000  }
0x7a: {  	p0 =	sne.s32 s17, s10;
	_ =	swait.ge [sflag:s16], $0x4000  }
.Ltmp1:
0x7b: {  	[sflag:s16] =	ssyncset.done $0x0;
	(pc) =	sbr.rel @p0 .LBB2_1-.Ltmp1, $4  }
0x7c: {  	[sflag:s16] =	ssyncadd.s32 $0xFFFFC000  }
0x7d: {  	_ =	swait.ge [sflag:s16], $0x4000  }
0x7e: {  	[sflag:s16] =	ssyncset.done $0x0  }
0x7f: {  	[sflag:s16] =	ssyncadd.s32 $0xFFFFC000  }
0x80: {  	_ =	sfence.sel $0x180000  }
0x81: {  	[bflag:$0x0] =	sbarrier.arrive $0xFFFF  }
0x82: {  	p0 =	sne.s32 s0, $0x0;
	_ =	strace $0x90000047  }
0x83: {  	s0 =	sadd.s32 @!p0 $0x100000, s1;
	[bflag:$0x2] =	sbarrier.arrive $0xFFFF  }
0x84: {  	[sflag:s0] =	ssyncadd.tile.s32 @!p0 $0x1;
	_ =	shalt  }
.Lfunc_end2:
_tile_overlayer_lowered:
.L_overlay_start_2:
0x85: {  	(tag) =	ssettag $0x2  }
0x86: {  	s0 =	rddreg [dreg:$0x0];
	s2 =	stileid.u32  }
0x87: {  	s1 =	rddreg [dreg:$0x1];
	p0 =	sne.s32 s2, $0x0  }
0x88: {  	s3 =	rddreg [dreg:$0x2];
	[bflag:$0x3] =	sbarrier.arrive $0xFFFF;
	s2 =	simm.s32 @!p0 $0x1C02  }
0x89: {  	[timem:s3], [sflag:s2] =	dma.local @!p0 [hbm:s0], s1  }
0x8a: {  	s0 =	simm.s32 @!p0 $0x2  }
0x8b: {  	_ =	swait.ge @!p0 [sflag:s0], s1  }
0x8c: {  	s1 =	ssub.s32 @!p0 $0x0, s1;
	[sflag:s0] =	ssyncset.done @!p0 $0x0  }
0x8d: {  	[sflag:s0] =	ssyncadd.s32 @!p0 s1  }
0x8e: {  	[bflag:$0x3] =	sbarrier.arrive $0xFFFF  }
0x8f: {  	_ =	shalt  }

</sc_bundles>
